<compile_context>
chip_gen: v7x
topology: tpu7x:2x2x1
jax: 0.10.2.dev20260603
libtpu: 0.0.44.dev20260713+nightly
codegen_flags: <defaults>
</compile_context>

<pallas_src>
import functools

import jax
import jax.numpy as jnp
import numpy as np
from jax import lax
from jax.experimental import pallas as pl
from jax.experimental.pallas import tpu as pltpu
from jax.experimental.pallas import tpu_sc as plsc

VIEWS = 128
NDET = 512
C = 8
K7 = 7
VU = VIEWS * NDET
N = 64 * 64 * VIEWS
HID = K7 * C * 2
OUTC = K7 * C
COLS = 64


VB = 8
ROWS = VB * NDET


def _gelu_exact(x):
    return 0.5 * x * (1.0 + lax.erf(x * np.float32(1.0 / np.sqrt(2.0))))


def _conv_body(xt_ref, w1_ref, b1_ref, w2_ref, b2_ref, out_ref):
    x2 = xt_ref[...].reshape(ROWS, C)
    i = lax.broadcasted_iota(jnp.int32, (ROWS, 1), 0)
    first = (i % NDET) == 0
    last = (i % NDET) == (NDET - 1)

    def shifts(v):
        z = jnp.zeros((1, v.shape[1]), jnp.float32)
        vm = jnp.where(first, 0.0, jnp.concatenate([z, v[:-1]], axis=0))
        vp = jnp.where(last, 0.0, jnp.concatenate([v[1:], z], axis=0))
        return vm, vp

    xm, xp = shifts(x2)
    f32 = jnp.float32
    bf = jnp.bfloat16
    xcat = jnp.concatenate([xm, x2, xp], axis=1)
    h = jnp.dot(xcat.astype(bf), w1_ref[...].reshape(3 * C, HID).astype(bf),
                preferred_element_type=f32) + b1_ref[...]
    h = _gelu_exact(h)
    hm, hp = shifts(h)
    hcat = jnp.concatenate([hm, h, hp], axis=1)
    y = jnp.dot(hcat.astype(bf),
                w2_ref[...].reshape(3 * HID, COLS).astype(bf),
                preferred_element_type=f32) + b2_ref[...]
    out_ref[...] = y


def _pack_body(lo_ref, nxt_ref, out_ref):
    lo = lo_ref[...]
    hi = jnp.concatenate([lo[1:], nxt_ref[...].reshape(1, COLS)], axis=0)
    lob = lax.bitcast_convert_type(lo, jnp.uint32)
    hib = lax.bitcast_convert_type(hi, jnp.uint32)

    def rb(b):
        return (b + jnp.uint32(0x7FFF) + ((b >> 16) & jnp.uint32(1))) >> 16

    word = (rb(hib) << 16) | rb(lob)
    out_ref[...] = lax.bitcast_convert_type(word, jnp.int32)


def _make_pair_table(table, *, interpret=False):
    nxt = jnp.concatenate([table[ROWS::ROWS], table[-1:]], axis=0)
    nxt = nxt.reshape(VIEWS // VB, 1, COLS)
    return pl.pallas_call(
        _pack_body,
        grid=(VIEWS // VB,),
        in_specs=[
            pl.BlockSpec((ROWS, COLS), lambda i: (i, 0)),
            pl.BlockSpec((1, 1, COLS), lambda i: (i, 0, 0)),
        ],
        out_specs=pl.BlockSpec((ROWS, COLS), lambda i: (i, 0)),
        out_shape=jax.ShapeDtypeStruct((VU, COLS), jnp.int32),
        interpret=interpret,
    )(table, nxt)


def _make_table(xt, w1t, b1, w2p, b2p, *, interpret=False):
    return pl.pallas_call(
        _conv_body,
        grid=(VIEWS // VB,),
        in_specs=[
            pl.BlockSpec((VB, NDET, C), lambda i: (i, 0, 0)),
            pl.BlockSpec((3, C, HID), lambda i: (0, 0, 0)),
            pl.BlockSpec((1, HID), lambda i: (0, 0)),
            pl.BlockSpec((3, HID, COLS), lambda i: (0, 0, 0)),
            pl.BlockSpec((1, COLS), lambda i: (0, 0)),
        ],
        out_specs=pl.BlockSpec((ROWS, COLS), lambda i: (i, 0)),
        out_shape=jax.ShapeDtypeStruct((VU, COLS), jnp.float32),
        interpret=interpret,
    )(xt, w1t, b1, w2p, b2p)



WR = 8
WCOL = 4096


def _wq_body(idx_ref, low_ref, wq_ref):
    idx = idx_ref[...]
    f = jnp.floor(idx)
    w = idx - f
    low_ref[...] = f.astype(jnp.int32)
    u = w - 1.0
    cw, sw = jnp.cos(w), jnp.sin(w)
    cu, su = jnp.cos(u), jnp.sin(u)

    def harmonics(cc, ss):
        c2 = 2.0 * cc * cc - 1.0
        s2 = 2.0 * ss * cc
        c3 = c2 * cc - s2 * ss
        s3 = s2 * cc + c2 * ss
        return c2, s2, c3, s3

    c2w, s2w, c3w, s3w = harmonics(cw, sw)
    c2u, s2u, c3u, s3u = harmonics(cu, su)
    wl = 1.0 - w
    wh = w
    lo_rows = [wl, wl * cw, wl * sw, wl * c2w, wl * s2w, wl * c3w, wl * s3w]
    hi_rows = [wh, wh * cu, wh * su, wh * c2u, wh * s2u, wh * c3u, wh * s3u]

    def rb(b):
        return (b + jnp.uint32(0x7FFF) + ((b >> 16) & jnp.uint32(1))) >> 16

    words = [
        lax.bitcast_convert_type(
            (rb(lax.bitcast_convert_type(h_, jnp.uint32)) << 16)
            | rb(lax.bitcast_convert_type(l_, jnp.uint32)), jnp.int32)
        for l_, h_ in zip(lo_rows, hi_rows)]
    wq_ref[...] = jnp.stack(words, axis=0)


def _make_wq(idx2, *, interpret=False):
    nrow = N // WCOL
    return pl.pallas_call(
        _wq_body,
        grid=(nrow // WR,),
        in_specs=[pl.BlockSpec((WR, WCOL), lambda i: (i, 0))],
        out_specs=[
            pl.BlockSpec((WR, WCOL), lambda i: (i, 0)),
            pl.BlockSpec((K7, WR, WCOL), lambda i: (0, i, 0)),
        ],
        out_shape=[
            jax.ShapeDtypeStruct((nrow, WCOL), jnp.int32),
            jax.ShapeDtypeStruct((K7, nrow, WCOL), jnp.int32),
        ],
        interpret=interpret,
    )(idx2)



NW = 32
NT = N // NW
CH = 512
NCHUNK = NT // CH
NG = CH // 16
NB = CH // 128


def _sc_body(table, lowidx, wq, out_hbm,
             idxlo_v, rows_v0, rows_v1, wq_v0, wq_v1, out_v0, out_v1,
             gsem0, gsem1, osem0, osem1):
    wid = lax.axis_index("s") * 2 + lax.axis_index("c")
    tbase = wid * NT
    trows = NT // 128
    pltpu.sync_copy(lowidx.at[pl.ds(wid * trows, trows)], idxlo_v)

    slots = ((rows_v0, wq_v0, out_v0, gsem0, osem0),
             (rows_v1, wq_v1, out_v1, gsem1, osem1))

    def in_copies(ci, slot):
        rows_v, wq_v, _, gsem, _ = slots[slot]
        base = tbase + ci * CH
        cps = [pltpu.make_async_copy(wq.at[:, pl.ds(base, CH)], wq_v, gsem)]
        for j in range(NB):
            cps.append(pltpu.make_async_copy(
                table.at[idxlo_v.at[ci * NB + j]],
                rows_v.at[pl.ds(j * 128, 128)], gsem))
        return cps

    def fire_in(ci, slot):
        for cp in in_copies(ci, slot):
            cp.start()

    def wait_in(ci, slot):
        for cp in in_copies(ci, slot):
            cp.wait()

    def out_copy(ci, slot):
        _, _, out_v, _, osem = slots[slot]
        base = tbase + ci * CH
        return pltpu.make_async_copy(
            out_v, out_hbm.at[:, pl.ds(base, CH)], osem)

    def chunk_compute(ci, slot):
        rows_v, wq_v, out_v, _, _ = slots[slot]

        @plsc.parallel_loop(0, NG)
        def group(g):
            g16 = pl.multiple_of(g * 16, 16)
            iota = lax.iota(jnp.int32, 16)
            riv = iota + g16
            wpairs = [plsc.unpack(
                plsc.bitcast(wq_v[m, pl.ds(g16, 16)], jnp.bfloat16),
                format=plsc.PackFormat.INTERLEAVED) for m in range(K7)]
            wls = [p[0] for p in wpairs]
            whs = [p[1] for p in wpairs]
            for d in range(C):
                av = (iota + d) & 7
                av8 = av * 8
                acc = None
                for m in range(K7):
                    pw = plsc.load_gather(rows_v, [riv, av8 + m])
                    bf = plsc.bitcast(pw, jnp.bfloat16)
                    vlo, vhi = plsc.unpack(bf,
                                           format=plsc.PackFormat.INTERLEAVED)
                    t = vlo * wls[m] + vhi * whs[m]
                    acc = t if acc is None else acc + t
                plsc.store_scatter(out_v, [av, riv], acc)

    fire_in(0, 0)

    def pair(ci2, carry):
        for b in (0, 1):
            ci = ci2 * 2 + b
            wait_in(ci, b)
            fire_in(jnp.minimum(ci + 1, NCHUNK - 1), 1 - b)

            @pl.when(ci2 >= 1)
            def _drain_out():
                out_copy(ci, b).wait()

            chunk_compute(ci, b)
            out_copy(ci, b).start()
        return carry

    lax.fori_loop(0, NCHUNK // 2, pair, 0)
    wait_in(NCHUNK - 1, 0)
    out_copy(NCHUNK - 2, 0).wait()
    out_copy(NCHUNK - 1, 1).wait()


def _sc_interp(table, lowidx2, wq4):
    mesh = plsc.VectorSubcoreMesh(core_axis_name="c", subcore_axis_name="s")
    f = functools.partial(
        pl.kernel, mesh=mesh,
        compiler_params=pltpu.CompilerParams(needs_layout_passes=False,
                                             use_tc_tiling_on_sc=False),
        out_type=jax.ShapeDtypeStruct((C, N), jnp.float32),
        scratch_types=[
            pltpu.VMEM((NT // 128, 128), jnp.int32),
            pltpu.VMEM((CH, COLS), jnp.int32),
            pltpu.VMEM((CH, COLS), jnp.int32),
            pltpu.VMEM((K7, CH), jnp.int32),
            pltpu.VMEM((K7, CH), jnp.int32),
            pltpu.VMEM((C, CH), jnp.float32),
            pltpu.VMEM((C, CH), jnp.float32),
            pltpu.SemaphoreType.DMA,
            pltpu.SemaphoreType.DMA,
            pltpu.SemaphoreType.DMA,
            pltpu.SemaphoreType.DMA,
        ],
    )(_sc_body)
    return f(table, lowidx2, wq4)



def kernel(x, W1, b1, W2, b2, indices):
    xt = jnp.transpose(x[0], (1, 2, 0))
    w1t = jnp.transpose(W1, (2, 1, 0))
    o = np.arange(OUTC)
    cols = (o // K7) * 8 + (o % K7)
    w2t = jnp.transpose(W2, (2, 1, 0))
    w2p = jnp.zeros((3, HID, COLS), jnp.float32).at[:, :, cols].set(w2t)
    b2p = jnp.zeros((COLS,), jnp.float32).at[cols].set(b2)

    table = _make_table(xt, w1t, b1[None, :], w2p, b2p[None, :])
    tablep = _make_pair_table(table)
    low, wq = _make_wq(indices.reshape(N // WCOL, WCOL))
    out = _sc_interp(tablep, low.reshape(N // 128, 128), wq.reshape(K7, N))
    return out.reshape(1, C, N // VIEWS, VIEWS)

# --- scband reference (transcript-rebuilt; emitter-appended) ---
"""Pipeline reference for scband-back-proj-net-43198781063637 (READ-ONLY COPY).

The authoritative reference and input builder live on the scoring server;
editing this copy changes nothing except your own understanding.
"""

import jax, jax.numpy as jnp
import numpy as np

VIEWS = 128
NDET = 512
C = 8
K7 = 7
VU = VIEWS * NDET
N_IDX = 64 * 64 * VIEWS
EXTENT = 1


def conv1d(x, w, b):
    out = jax.lax.conv_general_dilated(
        x, w, window_strides=(1,), padding=((1, 1),),
        dimension_numbers=('NCH', 'OIH', 'NCH'))
    return out + b[None, :, None]


def setup_inputs(seed: int = 0) -> dict:
    key = jax.random.key(seed)
    ks = jax.random.split(key, 6)
    x = jax.random.normal(ks[0], (1, C, VIEWS, NDET), dtype=jnp.float32)
    indices = jax.random.uniform(ks[1], (N_IDX,), dtype=jnp.float32) * float(VU - 1)
    hidden = K7 * C * 2  # 112
    outc = K7 * C        # 56
    fan = (C * 3 + hidden * 3)
    W1 = jax.random.normal(ks[2], (hidden, C, 3), dtype=jnp.float32) * np.sqrt(2.0 / fan)
    b1 = jnp.full((hidden,), 0.01, dtype=jnp.float32)
    W2 = jnp.full((outc, hidden, 3), 0.01, dtype=jnp.float32).at[0].set(0.1)
    b2 = jnp.full((outc,), 0.01, dtype=jnp.float32)
    return {"x": x, "W1": W1, "b1": b1, "W2": W2, "b2": b2, "indices": indices}


def reference(x, W1, b1, W2, b2, indices):
    B = x.shape[0]
    # Mlp projection on (B*views, C, nDetecU)
    xr = jnp.transpose(x, (0, 2, 1, 3)).reshape(-1, C, NDET)
    h = jax.nn.gelu(conv1d(xr, W1, b1), approximate=False)
    y = conv1d(h, W2, b2)  # [B*views, 7*C, nDetecU]
    y = y.reshape(B, VIEWS, K7 * C, NDET).transpose(0, 2, 1, 3)
    y = y.reshape(B, C, K7, VU)
    idx_low = jnp.floor(indices).astype(jnp.int32)
    idx_high_f = jnp.ceil(indices)
    idx_high_f = jnp.where(idx_high_f == float(VU), float(VU - 1), idx_high_f)
    idx_high = idx_high_f.astype(jnp.int32)
    w = indices - jnp.floor(indices)  # frac
    rf_low = jnp.take(y, idx_low, axis=-1)    # [B, C, 7, N]
    rf_high = jnp.take(y, idx_high, axis=-1)  # [B, C, 7, N]
    kl = jnp.stack([jnp.ones_like(w), jnp.cos(w), jnp.sin(w),
                    jnp.cos(2 * w), jnp.sin(2 * w), jnp.cos(3 * w), jnp.sin(3 * w)])
    wm = w - 1.0
    kh = jnp.stack([jnp.ones_like(wm), jnp.cos(wm), jnp.sin(wm),
                    jnp.cos(2 * w - 2.0), jnp.sin(2 * w - 2.0), jnp.cos(3 * w - 3.0), jnp.sin(3 * w - 3.0)])
    out_low = jnp.einsum('bacn,cn->ban', rf_low, kl)
    out_high = jnp.einsum('bacn,cn->ban', rf_high, kh)
    out_tmp = out_low * (1.0 - w) + out_high * w
    output = out_tmp.reshape(B, C, -1, VIEWS * EXTENT)
    return output

if __name__ == "__main__":
    import jax
    _d = setup_inputs()
    print(jax.jit(kernel)(*tuple(_d.values())))

</pallas_src>

<mosaic_0001>
#map = affine_map<(d0, d1) -> (0, 0)>
module attributes {stable_mosaic.version = 14 : i64} {
  func.func @_sc_body(%arg0: i32, %arg1: i32, %arg2: memref<65536x64xi32, #tpu.memory_space<hbm>>, %arg3: memref<4096x128xi32, #tpu.memory_space<hbm>>, %arg4: memref<7x524288xi32, #tpu.memory_space<hbm>>, %arg5: memref<8x524288xf32, #tpu.memory_space<hbm>>, %arg6: memref<128x128xi32, #tpu.memory_space<vmem>>, %arg7: memref<512x64xi32, #tpu.memory_space<vmem>>, %arg8: memref<512x64xi32, #tpu.memory_space<vmem>>, %arg9: memref<7x512xi32, #tpu.memory_space<vmem>>, %arg10: memref<7x512xi32, #tpu.memory_space<vmem>>, %arg11: memref<8x512xf32, #tpu.memory_space<vmem>>, %arg12: memref<8x512xf32, #tpu.memory_space<vmem>>, %arg13: memref<!tpu.dma_semaphore, #tpu.memory_space<semaphore_mem>>, %arg14: memref<!tpu.dma_semaphore, #tpu.memory_space<semaphore_mem>>, %arg15: memref<!tpu.dma_semaphore, #tpu.memory_space<semaphore_mem>>, %arg16: memref<!tpu.dma_semaphore, #tpu.memory_space<semaphore_mem>>) attributes {dimension_semantics = [#tpu.dimension_semantics<core_parallel>, #tpu.dimension_semantics<subcore_parallel>], iteration_bounds = array<i64: 2, 16>, scalar_prefetch = 0 : i64, scratch_operands = 11 : i64, tpu.core_type = #tpu.core_type<sc_vector_subcore>, window_params = [{transform_indices = #map}, {transform_indices = #map}, {transform_indices = #map}, {transform_indices = #map}]} {
    %mul3A = arith.constant 2 : i32
    %mul3A_0 = arith.muli %arg1, %mul3A : i32
    %add3A = arith.addi %mul3A_0, %arg0 : i32
    %mul3A_1 = arith.constant 16384 : i32
    %mul3A_2 = arith.muli %add3A, %mul3A_1 : i32
    %mul3A_3 = arith.constant 128 : i32
    %mul3A_4 = arith.muli %add3A, %mul3A_3 : i32
    "tpu.region"() ({
      %run_scoped3A = tpu.sem_alloc : memref<!tpu.dma_semaphore, #tpu.memory_space<semaphore_mem>>
      %dma_start3A_112 = arith.constant 0 : i32
      %dma_start3A_113 = tpu.memref_slice %arg3[%mul3A_4, %dma_start3A_112] : memref<4096x128xi32, #tpu.memory_space<hbm>> -> memref<128x128xi32, #tpu.memory_space<hbm>>
      %dma_start3A_114 = arith.constant 0 : i32
      %dma_start3A_115 = tpu.memref_slice %arg3[%mul3A_4, %dma_start3A_114] : memref<4096x128xi32, #tpu.memory_space<hbm>> -> memref<128x128xi32, #tpu.memory_space<hbm>>
      tpu.enqueue_dma source(%dma_start3A_115 : memref<128x128xi32, #tpu.memory_space<hbm>>) target(%arg6 : memref<128x128xi32, #tpu.memory_space<vmem>>) target_semaphore(%run_scoped3A : memref<!tpu.dma_semaphore, #tpu.memory_space<semaphore_mem>>)
      %dma_wait3A_116 = arith.constant 0 : i32
      %dma_wait3A_117 = tpu.memref_slice %arg3[%mul3A_4, %dma_wait3A_116] : memref<4096x128xi32, #tpu.memory_space<hbm>> -> memref<128x128xi32, #tpu.memory_space<hbm>>
      %dma_wait3A_118 = arith.constant 0 : i32
      %dma_wait3A_119 = tpu.memref_slice %arg3[%mul3A_4, %dma_wait3A_118] : memref<4096x128xi32, #tpu.memory_space<hbm>> -> memref<128x128xi32, #tpu.memory_space<hbm>>
      tpu.wait_dma2 semaphore(%run_scoped3A : memref<!tpu.dma_semaphore, #tpu.memory_space<semaphore_mem>>) src(%dma_wait3A_119 : memref<128x128xi32, #tpu.memory_space<hbm>>) dst(%arg6 : memref<128x128xi32, #tpu.memory_space<vmem>>)
      tpu.yield
    }) : () -> ()
    %add3A_5 = arith.constant 0 : i32
    %add3A_6 = arith.addi %mul3A_2, %add3A_5 : i32
    %dma_start3A = arith.constant 0 : i32
    %dma_start3A_7 = tpu.memref_slice %arg4[%dma_start3A, %add3A_6] : memref<7x524288xi32, #tpu.memory_space<hbm>> -> memref<7x512xi32, #tpu.memory_space<hbm>>
    %dma_start3A_8 = arith.constant 0 : i32
    %dma_start3A_9 = tpu.memref_slice %arg4[%dma_start3A_8, %add3A_6] : memref<7x524288xi32, #tpu.memory_space<hbm>> -> memref<7x512xi32, #tpu.memory_space<hbm>>
    tpu.enqueue_dma source(%dma_start3A_9 : memref<7x512xi32, #tpu.memory_space<hbm>>) target(%arg9 : memref<7x512xi32, #tpu.memory_space<vmem>>) target_semaphore(%arg13 : memref<!tpu.dma_semaphore, #tpu.memory_space<semaphore_mem>>)
    %dma_start3A_10 = arith.constant 0 : i32
    %dma_start3A_11 = arith.constant 0 : i32
    %dma_start3A_12 = arith.constant 0 : i32
    %dma_start3A_13 = tpu.memref_slice %arg7[%dma_start3A_11, %dma_start3A_12] : memref<512x64xi32, #tpu.memory_space<vmem>> -> memref<128x64xi32, #tpu.memory_space<vmem>>
    %dma_start3A_14 = arith.constant 0 : i32
    %dma_start3A_15 = tpu.memref_slice %arg6[%dma_start3A_10, %dma_start3A_14] : memref<128x128xi32, #tpu.memory_space<vmem>> -> memref<1x128xi32, #tpu.memory_space<vmem>>
    %dma_start3A_16 = tpu.memref_squeeze %dma_start3A_15 : memref<1x128xi32, #tpu.memory_space<vmem>> -> memref<128xi32, #tpu.memory_space<vmem>>
    %dma_start3A_17 = arith.constant 0 : i32
    %dma_start3A_18 = arith.constant 0 : i32
    %dma_start3A_19 = tpu.memref_slice %arg2[%dma_start3A_17, %dma_start3A_18] : memref<65536x64xi32, #tpu.memory_space<hbm>> -> memref<65536x64xi32, #tpu.memory_space<hbm>>
    tpu.enqueue_indirect_dma source(%dma_start3A_19 : memref<65536x64xi32, #tpu.memory_space<hbm>>) target(%dma_start3A_13 : memref<128x64xi32, #tpu.memory_space<vmem>>) offsets(%dma_start3A_16 : memref<128xi32, #tpu.memory_space<vmem>>) semaphore(%arg13 : memref<!tpu.dma_semaphore, #tpu.memory_space<semaphore_mem>>)
    %dma_start3A_20 = arith.constant 1 : i32
    %dma_start3A_21 = arith.constant 128 : i32
    %dma_start3A_22 = arith.constant 0 : i32
    %dma_start3A_23 = tpu.memref_slice %arg7[%dma_start3A_21, %dma_start3A_22] : memref<512x64xi32, #tpu.memory_space<vmem>> -> memref<128x64xi32, #tpu.memory_space<vmem>>
    %dma_start3A_24 = arith.constant 0 : i32
    %dma_start3A_25 = tpu.memref_slice %arg6[%dma_start3A_20, %dma_start3A_24] : memref<128x128xi32, #tpu.memory_space<vmem>> -> memref<1x128xi32, #tpu.memory_space<vmem>>
    %dma_start3A_26 = tpu.memref_squeeze %dma_start3A_25 : memref<1x128xi32, #tpu.memory_space<vmem>> -> memref<128xi32, #tpu.memory_space<vmem>>
    %dma_start3A_27 = arith.constant 0 : i32
    %dma_start3A_28 = arith.constant 0 : i32
    %dma_start3A_29 = tpu.memref_slice %arg2[%dma_start3A_27, %dma_start3A_28] : memref<65536x64xi32, #tpu.memory_space<hbm>> -> memref<65536x64xi32, #tpu.memory_space<hbm>>
    tpu.enqueue_indirect_dma source(%dma_start3A_29 : memref<65536x64xi32, #tpu.memory_space<hbm>>) target(%dma_start3A_23 : memref<128x64xi32, #tpu.memory_space<vmem>>) offsets(%dma_start3A_26 : memref<128xi32, #tpu.memory_space<vmem>>) semaphore(%arg13 : memref<!tpu.dma_semaphore, #tpu.memory_space<semaphore_mem>>)
    %dma_start3A_30 = arith.constant 2 : i32
    %dma_start3A_31 = arith.constant 256 : i32
    %dma_start3A_32 = arith.constant 0 : i32
    %dma_start3A_33 = tpu.memref_slice %arg7[%dma_start3A_31, %dma_start3A_32] : memref<512x64xi32, #tpu.memory_space<vmem>> -> memref<128x64xi32, #tpu.memory_space<vmem>>
    %dma_start3A_34 = arith.constant 0 : i32
    %dma_start3A_35 = tpu.memref_slice %arg6[%dma_start3A_30, %dma_start3A_34] : memref<128x128xi32, #tpu.memory_space<vmem>> -> memref<1x128xi32, #tpu.memory_space<vmem>>
    %dma_start3A_36 = tpu.memref_squeeze %dma_start3A_35 : memref<1x128xi32, #tpu.memory_space<vmem>> -> memref<128xi32, #tpu.memory_space<vmem>>
    %dma_start3A_37 = arith.constant 0 : i32
    %dma_start3A_38 = arith.constant 0 : i32
    %dma_start3A_39 = tpu.memref_slice %arg2[%dma_start3A_37, %dma_start3A_38] : memref<65536x64xi32, #tpu.memory_space<hbm>> -> memref<65536x64xi32, #tpu.memory_space<hbm>>
    tpu.enqueue_indirect_dma source(%dma_start3A_39 : memref<65536x64xi32, #tpu.memory_space<hbm>>) target(%dma_start3A_33 : memref<128x64xi32, #tpu.memory_space<vmem>>) offsets(%dma_start3A_36 : memref<128xi32, #tpu.memory_space<vmem>>) semaphore(%arg13 : memref<!tpu.dma_semaphore, #tpu.memory_space<semaphore_mem>>)
    %dma_start3A_40 = arith.constant 3 : i32
    %dma_start3A_41 = arith.constant 384 : i32
    %dma_start3A_42 = arith.constant 0 : i32
    %dma_start3A_43 = tpu.memref_slice %arg7[%dma_start3A_41, %dma_start3A_42] : memref<512x64xi32, #tpu.memory_space<vmem>> -> memref<128x64xi32, #tpu.memory_space<vmem>>
    %dma_start3A_44 = arith.constant 0 : i32
    %dma_start3A_45 = tpu.memref_slice %arg6[%dma_start3A_40, %dma_start3A_44] : memref<128x128xi32, #tpu.memory_space<vmem>> -> memref<1x128xi32, #tpu.memory_space<vmem>>
    %dma_start3A_46 = tpu.memref_squeeze %dma_start3A_45 : memref<1x128xi32, #tpu.memory_space<vmem>> -> memref<128xi32, #tpu.memory_space<vmem>>
    %dma_start3A_47 = arith.constant 0 : i32
    %dma_start3A_48 = arith.constant 0 : i32
    %dma_start3A_49 = tpu.memref_slice %arg2[%dma_start3A_47, %dma_start3A_48] : memref<65536x64xi32, #tpu.memory_space<hbm>> -> memref<65536x64xi32, #tpu.memory_space<hbm>>
    tpu.enqueue_indirect_dma source(%dma_start3A_49 : memref<65536x64xi32, #tpu.memory_space<hbm>>) target(%dma_start3A_43 : memref<128x64xi32, #tpu.memory_space<vmem>>) offsets(%dma_start3A_46 : memref<128xi32, #tpu.memory_space<vmem>>) semaphore(%arg13 : memref<!tpu.dma_semaphore, #tpu.memory_space<semaphore_mem>>)
    %scan3A = arith.constant 0 : i32
    %scan3A_50 = arith.constant 0 : i32
    %scan3A_51 = arith.constant 16 : i32
    %scan3A_52 = arith.addi %scan3A_50, %scan3A_51 : i32
    %scan3A_53 = arith.constant 1 : i32
    scf.for %scan3A_112 = %scan3A_50 to %scan3A_52 step %scan3A_53  : i32 {
      %mul3A_113 = arith.constant 2 : i32
      %mul3A_114 = arith.muli %scan3A_112, %mul3A_113 : i32
      %add3A_115 = arith.constant 0 : i32
      %add3A_116 = arith.addi %mul3A_114, %add3A_115 : i32
      %mul3A_117 = arith.constant 512 : i32
      %mul3A_118 = arith.muli %add3A_116, %mul3A_117 : i32
      %add3A_119 = arith.addi %mul3A_2, %mul3A_118 : i32
      %mul3A_120 = arith.constant 4 : i32
      %mul3A_121 = arith.muli %add3A_116, %mul3A_120 : i32
      %add3A_122 = arith.constant 0 : i32
      %add3A_123 = arith.addi %mul3A_121, %add3A_122 : i32
      %mul3A_124 = arith.constant 4 : i32
      %mul3A_125 = arith.muli %add3A_116, %mul3A_124 : i32
      %add3A_126 = arith.constant 1 : i32
      %add3A_127 = arith.addi %mul3A_125, %add3A_126 : i32
      %mul3A_128 = arith.constant 4 : i32
      %mul3A_129 = arith.muli %add3A_116, %mul3A_128 : i32
      %add3A_130 = arith.constant 2 : i32
      %add3A_131 = arith.addi %mul3A_129, %add3A_130 : i32
      %mul3A_132 = arith.constant 4 : i32
      %mul3A_133 = arith.muli %add3A_116, %mul3A_132 : i32
      %add3A_134 = arith.constant 3 : i32
      %add3A_135 = arith.addi %mul3A_133, %add3A_134 : i32
      %dma_wait3A_136 = arith.constant 0 : i32
      %dma_wait3A_137 = tpu.memref_slice %arg4[%dma_wait3A_136, %add3A_119] : memref<7x524288xi32, #tpu.memory_space<hbm>> -> memref<7x512xi32, #tpu.memory_space<hbm>>
      %dma_wait3A_138 = arith.constant 0 : i32
      %dma_wait3A_139 = tpu.memref_slice %arg4[%dma_wait3A_138, %add3A_119] : memref<7x524288xi32, #tpu.memory_space<hbm>> -> memref<7x512xi32, #tpu.memory_space<hbm>>
      tpu.wait_dma2 semaphore(%arg13 : memref<!tpu.dma_semaphore, #tpu.memory_space<semaphore_mem>>) src(%dma_wait3A_139 : memref<7x512xi32, #tpu.memory_space<hbm>>) dst(%arg9 : memref<7x512xi32, #tpu.memory_space<vmem>>)
      %dma_wait3A_140 = arith.constant 0 : i32
      %dma_wait3A_141 = arith.constant 0 : i32
      %dma_wait3A_142 = tpu.memref_slice %arg7[%dma_wait3A_140, %dma_wait3A_141] : memref<512x64xi32, #tpu.memory_space<vmem>> -> memref<128x64xi32, #tpu.memory_space<vmem>>
      %dma_wait3A_143 = arith.constant 0 : i32
      %dma_wait3A_144 = tpu.memref_slice %arg6[%add3A_123, %dma_wait3A_143] : memref<128x128xi32, #tpu.memory_space<vmem>> -> memref<1x128xi32, #tpu.memory_space<vmem>>
      %dma_wait3A_145 = tpu.memref_squeeze %dma_wait3A_144 : memref<1x128xi32, #tpu.memory_space<vmem>> -> memref<128xi32, #tpu.memory_space<vmem>>
      %dma_wait3A_146 = arith.constant 0 : i32
      %dma_wait3A_147 = arith.constant 0 : i32
      %dma_wait3A_148 = tpu.memref_slice %arg2[%dma_wait3A_146, %dma_wait3A_147] : memref<65536x64xi32, #tpu.memory_space<hbm>> -> memref<65536x64xi32, #tpu.memory_space<hbm>>
      tpu.wait_indirect_dma semaphore(%arg13 : memref<!tpu.dma_semaphore, #tpu.memory_space<semaphore_mem>>) src(%dma_wait3A_148 : memref<65536x64xi32, #tpu.memory_space<hbm>>) dst(%dma_wait3A_142 : memref<128x64xi32, #tpu.memory_space<vmem>>)
      %dma_wait3A_149 = arith.constant 128 : i32
      %dma_wait3A_150 = arith.constant 0 : i32
      %dma_wait3A_151 = tpu.memref_slice %arg7[%dma_wait3A_149, %dma_wait3A_150] : memref<512x64xi32, #tpu.memory_space<vmem>> -> memref<128x64xi32, #tpu.memory_space<vmem>>
      %dma_wait3A_152 = arith.constant 0 : i32
      %dma_wait3A_153 = tpu.memref_slice %arg6[%add3A_127, %dma_wait3A_152] : memref<128x128xi32, #tpu.memory_space<vmem>> -> memref<1x128xi32, #tpu.memory_space<vmem>>
      %dma_wait3A_154 = tpu.memref_squeeze %dma_wait3A_153 : memref<1x128xi32, #tpu.memory_space<vmem>> -> memref<128xi32, #tpu.memory_space<vmem>>
      %dma_wait3A_155 = arith.constant 0 : i32
      %dma_wait3A_156 = arith.constant 0 : i32
      %dma_wait3A_157 = tpu.memref_slice %arg2[%dma_wait3A_155, %dma_wait3A_156] : memref<65536x64xi32, #tpu.memory_space<hbm>> -> memref<65536x64xi32, #tpu.memory_space<hbm>>
      tpu.wait_indirect_dma semaphore(%arg13 : memref<!tpu.dma_semaphore, #tpu.memory_space<semaphore_mem>>) src(%dma_wait3A_157 : memref<65536x64xi32, #tpu.memory_space<hbm>>) dst(%dma_wait3A_151 : memref<128x64xi32, #tpu.memory_space<vmem>>)
      %dma_wait3A_158 = arith.constant 256 : i32
      %dma_wait3A_159 = arith.constant 0 : i32
      %dma_wait3A_160 = tpu.memref_slice %arg7[%dma_wait3A_158, %dma_wait3A_159] : memref<512x64xi32, #tpu.memory_space<vmem>> -> memref<128x64xi32, #tpu.memory_space<vmem>>
      %dma_wait3A_161 = arith.constant 0 : i32
      %dma_wait3A_162 = tpu.memref_slice %arg6[%add3A_131, %dma_wait3A_161] : memref<128x128xi32, #tpu.memory_space<vmem>> -> memref<1x128xi32, #tpu.memory_space<vmem>>
      %dma_wait3A_163 = tpu.memref_squeeze %dma_wait3A_162 : memref<1x128xi32, #tpu.memory_space<vmem>> -> memref<128xi32, #tpu.memory_space<vmem>>
      %dma_wait3A_164 = arith.constant 0 : i32
      %dma_wait3A_165 = arith.constant 0 : i32
      %dma_wait3A_166 = tpu.memref_slice %arg2[%dma_wait3A_164, %dma_wait3A_165] : memref<65536x64xi32, #tpu.memory_space<hbm>> -> memref<65536x64xi32, #tpu.memory_space<hbm>>
      tpu.wait_indirect_dma semaphore(%arg13 : memref<!tpu.dma_semaphore, #tpu.memory_space<semaphore_mem>>) src(%dma_wait3A_166 : memref<65536x64xi32, #tpu.memory_space<hbm>>) dst(%dma_wait3A_160 : memref<128x64xi32, #tpu.memory_space<vmem>>)
      %dma_wait3A_167 = arith.constant 384 : i32
      %dma_wait3A_168 = arith.constant 0 : i32
      %dma_wait3A_169 = tpu.memref_slice %arg7[%dma_wait3A_167, %dma_wait3A_168] : memref<512x64xi32, #tpu.memory_space<vmem>> -> memref<128x64xi32, #tpu.memory_space<vmem>>
      %dma_wait3A_170 = arith.constant 0 : i32
      %dma_wait3A_171 = tpu.memref_slice %arg6[%add3A_135, %dma_wait3A_170] : memref<128x128xi32, #tpu.memory_space<vmem>> -> memref<1x128xi32, #tpu.memory_space<vmem>>
      %dma_wait3A_172 = tpu.memref_squeeze %dma_wait3A_171 : memref<1x128xi32, #tpu.memory_space<vmem>> -> memref<128xi32, #tpu.memory_space<vmem>>
      %dma_wait3A_173 = arith.constant 0 : i32
      %dma_wait3A_174 = arith.constant 0 : i32
      %dma_wait3A_175 = tpu.memref_slice %arg2[%dma_wait3A_173, %dma_wait3A_174] : memref<65536x64xi32, #tpu.memory_space<hbm>> -> memref<65536x64xi32, #tpu.memory_space<hbm>>
      tpu.wait_indirect_dma semaphore(%arg13 : memref<!tpu.dma_semaphore, #tpu.memory_space<semaphore_mem>>) src(%dma_wait3A_175 : memref<65536x64xi32, #tpu.memory_space<hbm>>) dst(%dma_wait3A_169 : memref<128x64xi32, #tpu.memory_space<vmem>>)
      %add3A_176 = arith.constant 1 : i32
      %add3A_177 = arith.addi %add3A_116, %add3A_176 : i32
      %min3A = arith.constant 31 : i32
      %min3A_178 = arith.minsi %add3A_177, %min3A : i32
      %mul3A_179 = arith.constant 512 : i32
      %mul3A_180 = arith.muli %min3A_178, %mul3A_179 : i32
      %add3A_181 = arith.addi %mul3A_2, %mul3A_180 : i32
      %mul3A_182 = arith.constant 4 : i32
      %mul3A_183 = arith.muli %min3A_178, %mul3A_182 : i32
      %add3A_184 = arith.constant 0 : i32
      %add3A_185 = arith.addi %mul3A_183, %add3A_184 : i32
      %mul3A_186 = arith.constant 4 : i32
      %mul3A_187 = arith.muli %min3A_178, %mul3A_186 : i32
      %add3A_188 = arith.constant 1 : i32
      %add3A_189 = arith.addi %mul3A_187, %add3A_188 : i32
      %mul3A_190 = arith.constant 4 : i32
      %mul3A_191 = arith.muli %min3A_178, %mul3A_190 : i32
      %add3A_192 = arith.constant 2 : i32
      %add3A_193 = arith.addi %mul3A_191, %add3A_192 : i32
      %mul3A_194 = arith.constant 4 : i32
      %mul3A_195 = arith.muli %min3A_178, %mul3A_194 : i32
      %add3A_196 = arith.constant 3 : i32
      %add3A_197 = arith.addi %mul3A_195, %add3A_196 : i32
      %dma_start3A_198 = arith.constant 0 : i32
      %dma_start3A_199 = tpu.memref_slice %arg4[%dma_start3A_198, %add3A_181] : memref<7x524288xi32, #tpu.memory_space<hbm>> -> memref<7x512xi32, #tpu.memory_space<hbm>>
      %dma_start3A_200 = arith.constant 0 : i32
      %dma_start3A_201 = tpu.memref_slice %arg4[%dma_start3A_200, %add3A_181] : memref<7x524288xi32, #tpu.memory_space<hbm>> -> memref<7x512xi32, #tpu.memory_space<hbm>>
      tpu.enqueue_dma source(%dma_start3A_201 : memref<7x512xi32, #tpu.memory_space<hbm>>) target(%arg10 : memref<7x512xi32, #tpu.memory_space<vmem>>) target_semaphore(%arg14 : memref<!tpu.dma_semaphore, #tpu.memory_space<semaphore_mem>>)
      %dma_start3A_202 = arith.constant 0 : i32
      %dma_start3A_203 = arith.constant 0 : i32
      %dma_start3A_204 = tpu.memref_slice %arg8[%dma_start3A_202, %dma_start3A_203] : memref<512x64xi32, #tpu.memory_space<vmem>> -> memref<128x64xi32, #tpu.memory_space<vmem>>
      %dma_start3A_205 = arith.constant 0 : i32
      %dma_start3A_206 = tpu.memref_slice %arg6[%add3A_185, %dma_start3A_205] : memref<128x128xi32, #tpu.memory_space<vmem>> -> memref<1x128xi32, #tpu.memory_space<vmem>>
      %dma_start3A_207 = tpu.memref_squeeze %dma_start3A_206 : memref<1x128xi32, #tpu.memory_space<vmem>> -> memref<128xi32, #tpu.memory_space<vmem>>
      %dma_start3A_208 = arith.constant 0 : i32
      %dma_start3A_209 = arith.constant 0 : i32
      %dma_start3A_210 = tpu.memref_slice %arg2[%dma_start3A_208, %dma_start3A_209] : memref<65536x64xi32, #tpu.memory_space<hbm>> -> memref<65536x64xi32, #tpu.memory_space<hbm>>
      tpu.enqueue_indirect_dma source(%dma_start3A_210 : memref<65536x64xi32, #tpu.memory_space<hbm>>) target(%dma_start3A_204 : memref<128x64xi32, #tpu.memory_space<vmem>>) offsets(%dma_start3A_207 : memref<128xi32, #tpu.memory_space<vmem>>) semaphore(%arg14 : memref<!tpu.dma_semaphore, #tpu.memory_space<semaphore_mem>>)
      %dma_start3A_211 = arith.constant 128 : i32
      %dma_start3A_212 = arith.constant 0 : i32
      %dma_start3A_213 = tpu.memref_slice %arg8[%dma_start3A_211, %dma_start3A_212] : memref<512x64xi32, #tpu.memory_space<vmem>> -> memref<128x64xi32, #tpu.memory_space<vmem>>
      %dma_start3A_214 = arith.constant 0 : i32
      %dma_start3A_215 = tpu.memref_slice %arg6[%add3A_189, %dma_start3A_214] : memref<128x128xi32, #tpu.memory_space<vmem>> -> memref<1x128xi32, #tpu.memory_space<vmem>>
      %dma_start3A_216 = tpu.memref_squeeze %dma_start3A_215 : memref<1x128xi32, #tpu.memory_space<vmem>> -> memref<128xi32, #tpu.memory_space<vmem>>
      %dma_start3A_217 = arith.constant 0 : i32
      %dma_start3A_218 = arith.constant 0 : i32
      %dma_start3A_219 = tpu.memref_slice %arg2[%dma_start3A_217, %dma_start3A_218] : memref<65536x64xi32, #tpu.memory_space<hbm>> -> memref<65536x64xi32, #tpu.memory_space<hbm>>
      tpu.enqueue_indirect_dma source(%dma_start3A_219 : memref<65536x64xi32, #tpu.memory_space<hbm>>) target(%dma_start3A_213 : memref<128x64xi32, #tpu.memory_space<vmem>>) offsets(%dma_start3A_216 : memref<128xi32, #tpu.memory_space<vmem>>) semaphore(%arg14 : memref<!tpu.dma_semaphore, #tpu.memory_space<semaphore_mem>>)
      %dma_start3A_220 = arith.constant 256 : i32
      %dma_start3A_221 = arith.constant 0 : i32
      %dma_start3A_222 = tpu.memref_slice %arg8[%dma_start3A_220, %dma_start3A_221] : memref<512x64xi32, #tpu.memory_space<vmem>> -> memref<128x64xi32, #tpu.memory_space<vmem>>
      %dma_start3A_223 = arith.constant 0 : i32
      %dma_start3A_224 = tpu.memref_slice %arg6[%add3A_193, %dma_start3A_223] : memref<128x128xi32, #tpu.memory_space<vmem>> -> memref<1x128xi32, #tpu.memory_space<vmem>>
      %dma_start3A_225 = tpu.memref_squeeze %dma_start3A_224 : memref<1x128xi32, #tpu.memory_space<vmem>> -> memref<128xi32, #tpu.memory_space<vmem>>
      %dma_start3A_226 = arith.constant 0 : i32
      %dma_start3A_227 = arith.constant 0 : i32
      %dma_start3A_228 = tpu.memref_slice %arg2[%dma_start3A_226, %dma_start3A_227] : memref<65536x64xi32, #tpu.memory_space<hbm>> -> memref<65536x64xi32, #tpu.memory_space<hbm>>
      tpu.enqueue_indirect_dma source(%dma_start3A_228 : memref<65536x64xi32, #tpu.memory_space<hbm>>) target(%dma_start3A_222 : memref<128x64xi32, #tpu.memory_space<vmem>>) offsets(%dma_start3A_225 : memref<128xi32, #tpu.memory_space<vmem>>) semaphore(%arg14 : memref<!tpu.dma_semaphore, #tpu.memory_space<semaphore_mem>>)
      %dma_start3A_229 = arith.constant 384 : i32
      %dma_start3A_230 = arith.constant 0 : i32
      %dma_start3A_231 = tpu.memref_slice %arg8[%dma_start3A_229, %dma_start3A_230] : memref<512x64xi32, #tpu.memory_space<vmem>> -> memref<128x64xi32, #tpu.memory_space<vmem>>
      %dma_start3A_232 = arith.constant 0 : i32
      %dma_start3A_233 = tpu.memref_slice %arg6[%add3A_197, %dma_start3A_232] : memref<128x128xi32, #tpu.memory_space<vmem>> -> memref<1x128xi32, #tpu.memory_space<vmem>>
      %dma_start3A_234 = tpu.memref_squeeze %dma_start3A_233 : memref<1x128xi32, #tpu.memory_space<vmem>> -> memref<128xi32, #tpu.memory_space<vmem>>
      %dma_start3A_235 = arith.constant 0 : i32
      %dma_start3A_236 = arith.constant 0 : i32
      %dma_start3A_237 = tpu.memref_slice %arg2[%dma_start3A_235, %dma_start3A_236] : memref<65536x64xi32, #tpu.memory_space<hbm>> -> memref<65536x64xi32, #tpu.memory_space<hbm>>
      tpu.enqueue_indirect_dma source(%dma_start3A_237 : memref<65536x64xi32, #tpu.memory_space<hbm>>) target(%dma_start3A_231 : memref<128x64xi32, #tpu.memory_space<vmem>>) offsets(%dma_start3A_234 : memref<128xi32, #tpu.memory_space<vmem>>) semaphore(%arg14 : memref<!tpu.dma_semaphore, #tpu.memory_space<semaphore_mem>>)
      %ge3A = arith.constant 1 : i32
      %ge3A_238 = arith.cmpi sge, %scan3A_112, %ge3A : i32
      %convert_element_type3A = arith.extui %ge3A_238 : i1 to i32
      %cond3A = arith.constant 0 : i32
      %cond3A_239 = arith.cmpi ne, %convert_element_type3A, %cond3A : i32
      scf.if %cond3A_239 {
        %mul3A_390 = arith.constant 512 : i32
        %mul3A_391 = arith.muli %add3A_116, %mul3A_390 : i32
        %add3A_392 = arith.addi %mul3A_2, %mul3A_391 : i32
        %dma_wait3A_393 = arith.constant 0 : i32
        %dma_wait3A_394 = tpu.memref_slice %arg5[%dma_wait3A_393, %add3A_392] : memref<8x524288xf32, #tpu.memory_space<hbm>> -> memref<8x512xf32, #tpu.memory_space<hbm>>
        %dma_wait3A_395 = arith.constant 0 : i32
        %dma_wait3A_396 = tpu.memref_slice %arg5[%dma_wait3A_395, %add3A_392] : memref<8x524288xf32, #tpu.memory_space<hbm>> -> memref<8x512xf32, #tpu.memory_space<hbm>>
        tpu.wait_dma2 semaphore(%arg15 : memref<!tpu.dma_semaphore, #tpu.memory_space<semaphore_mem>>) src(%arg11 : memref<8x512xf32, #tpu.memory_space<vmem>>) dst(%dma_wait3A_396 : memref<8x512xf32, #tpu.memory_space<hbm>>)
      } else {
      }
      %parallel_loop3A = arith.constant 0 : i32
      %parallel_loop3A_240 = arith.constant 32 : i32
      %parallel_loop3A_241 = arith.constant 1 : i32
      scf.for %parallel_loop3A_390 = %parallel_loop3A to %parallel_loop3A_240 step %parallel_loop3A_241  : i32 {
        %parallel_loop3A_391 = arith.constant 16 : i32
        %parallel_loop3A_392 = arith.muli %parallel_loop3A_390, %parallel_loop3A_391 : i32
        %parallel_loop3A_393 = tpu.assume_multiple %parallel_loop3A_392, 16 : i32
        %parallel_loop3A_394 = tpu.iota {dimensions = array<i32: 0>} : vector<16xi32>
        %parallel_loop3A_395 = vector.broadcast %parallel_loop3A_393 : i32 to vector<16xi32>
        %parallel_loop3A_396 = arith.addi %parallel_loop3A_394, %parallel_loop3A_395 : vector<16xi32>
        %parallel_loop3A_397 = arith.constant 0 : i32
        %parallel_loop3A_398 = arith.index_cast %parallel_loop3A_397 : i32 to index
        %parallel_loop3A_399 = arith.index_cast %parallel_loop3A_393 : i32 to index
        %parallel_loop3A_400 = tpu.vector_load %arg9[%parallel_loop3A_398, %parallel_loop3A_399] {strides = array<i32>} : memref<7x512xi32, #tpu.memory_space<vmem>>, vector<16xi32>,
        %parallel_loop3A_401 = vector.bitcast %parallel_loop3A_400 : vector<16xi32> to vector<32xbf16>
        %parallel_loop3A_402 = tpu.unpack_subelements %parallel_loop3A_401, 0 {pack_format = #tpu.pack_format<interleaved>} : vector<32xbf16> -> vector<16xf32>
        %parallel_loop3A_403 = tpu.unpack_subelements %parallel_loop3A_401, 1 {pack_format = #tpu.pack_format<interleaved>} : vector<32xbf16> -> vector<16xf32>
        %parallel_loop3A_404 = arith.constant 1 : i32
        %parallel_loop3A_405 = arith.index_cast %parallel_loop3A_404 : i32 to index
        %parallel_loop3A_406 = arith.index_cast %parallel_loop3A_393 : i32 to index
        %parallel_loop3A_407 = tpu.vector_load %arg9[%parallel_loop3A_405, %parallel_loop3A_406] {strides = array<i32>} : memref<7x512xi32, #tpu.memory_space<vmem>>, vector<16xi32>,
        %parallel_loop3A_408 = vector.bitcast %parallel_loop3A_407 : vector<16xi32> to vector<32xbf16>
        %parallel_loop3A_409 = tpu.unpack_subelements %parallel_loop3A_408, 0 {pack_format = #tpu.pack_format<interleaved>} : vector<32xbf16> -> vector<16xf32>
        %parallel_loop3A_410 = tpu.unpack_subelements %parallel_loop3A_408, 1 {pack_format = #tpu.pack_format<interleaved>} : vector<32xbf16> -> vector<16xf32>
        %parallel_loop3A_411 = arith.constant 2 : i32
        %parallel_loop3A_412 = arith.index_cast %parallel_loop3A_411 : i32 to index
        %parallel_loop3A_413 = arith.index_cast %parallel_loop3A_393 : i32 to index
        %parallel_loop3A_414 = tpu.vector_load %arg9[%parallel_loop3A_412, %parallel_loop3A_413] {strides = array<i32>} : memref<7x512xi32, #tpu.memory_space<vmem>>, vector<16xi32>,
        %parallel_loop3A_415 = vector.bitcast %parallel_loop3A_414 : vector<16xi32> to vector<32xbf16>
        %parallel_loop3A_416 = tpu.unpack_subelements %parallel_loop3A_415, 0 {pack_format = #tpu.pack_format<interleaved>} : vector<32xbf16> -> vector<16xf32>
        %parallel_loop3A_417 = tpu.unpack_subelements %parallel_loop3A_415, 1 {pack_format = #tpu.pack_format<interleaved>} : vector<32xbf16> -> vector<16xf32>
        %parallel_loop3A_418 = arith.constant 3 : i32
        %parallel_loop3A_419 = arith.index_cast %parallel_loop3A_418 : i32 to index
        %parallel_loop3A_420 = arith.index_cast %parallel_loop3A_393 : i32 to index
        %parallel_loop3A_421 = tpu.vector_load %arg9[%parallel_loop3A_419, %parallel_loop3A_420] {strides = array<i32>} : memref<7x512xi32, #tpu.memory_space<vmem>>, vector<16xi32>,
        %parallel_loop3A_422 = vector.bitcast %parallel_loop3A_421 : vector<16xi32> to vector<32xbf16>
        %parallel_loop3A_423 = tpu.unpack_subelements %parallel_loop3A_422, 0 {pack_format = #tpu.pack_format<interleaved>} : vector<32xbf16> -> vector<16xf32>
        %parallel_loop3A_424 = tpu.unpack_subelements %parallel_loop3A_422, 1 {pack_format = #tpu.pack_format<interleaved>} : vector<32xbf16> -> vector<16xf32>
        %parallel_loop3A_425 = arith.constant 4 : i32
        %parallel_loop3A_426 = arith.index_cast %parallel_loop3A_425 : i32 to index
        %parallel_loop3A_427 = arith.index_cast %parallel_loop3A_393 : i32 to index
        %parallel_loop3A_428 = tpu.vector_load %arg9[%parallel_loop3A_426, %parallel_loop3A_427] {strides = array<i32>} : memref<7x512xi32, #tpu.memory_space<vmem>>, vector<16xi32>,
        %parallel_loop3A_429 = vector.bitcast %parallel_loop3A_428 : vector<16xi32> to vector<32xbf16>
        %parallel_loop3A_430 = tpu.unpack_subelements %parallel_loop3A_429, 0 {pack_format = #tpu.pack_format<interleaved>} : vector<32xbf16> -> vector<16xf32>
        %parallel_loop3A_431 = tpu.unpack_subelements %parallel_loop3A_429, 1 {pack_format = #tpu.pack_format<interleaved>} : vector<32xbf16> -> vector<16xf32>
        %parallel_loop3A_432 = arith.constant 5 : i32
        %parallel_loop3A_433 = arith.index_cast %parallel_loop3A_432 : i32 to index
        %parallel_loop3A_434 = arith.index_cast %parallel_loop3A_393 : i32 to index
        %parallel_loop3A_435 = tpu.vector_load %arg9[%parallel_loop3A_433, %parallel_loop3A_434] {strides = array<i32>} : memref<7x512xi32, #tpu.memory_space<vmem>>, vector<16xi32>,
        %parallel_loop3A_436 = vector.bitcast %parallel_loop3A_435 : vector<16xi32> to vector<32xbf16>
        %parallel_loop3A_437 = tpu.unpack_subelements %parallel_loop3A_436, 0 {pack_format = #tpu.pack_format<interleaved>} : vector<32xbf16> -> vector<16xf32>
        %parallel_loop3A_438 = tpu.unpack_subelements %parallel_loop3A_436, 1 {pack_format = #tpu.pack_format<interleaved>} : vector<32xbf16> -> vector<16xf32>
        %parallel_loop3A_439 = arith.constant 6 : i32
        %parallel_loop3A_440 = arith.index_cast %parallel_loop3A_439 : i32 to index
        %parallel_loop3A_441 = arith.index_cast %parallel_loop3A_393 : i32 to index
        %parallel_loop3A_442 = tpu.vector_load %arg9[%parallel_loop3A_440, %parallel_loop3A_441] {strides = array<i32>} : memref<7x512xi32, #tpu.memory_space<vmem>>, vector<16xi32>,
        %parallel_loop3A_443 = vector.bitcast %parallel_loop3A_442 : vector<16xi32> to vector<32xbf16>
        %parallel_loop3A_444 = tpu.unpack_subelements %parallel_loop3A_443, 0 {pack_format = #tpu.pack_format<interleaved>} : vector<32xbf16> -> vector<16xf32>
        %parallel_loop3A_445 = tpu.unpack_subelements %parallel_loop3A_443, 1 {pack_format = #tpu.pack_format<interleaved>} : vector<32xbf16> -> vector<16xf32>
        %parallel_loop3A_446 = arith.constant 0 : i32
        %parallel_loop3A_447 = vector.broadcast %parallel_loop3A_446 : i32 to vector<16xi32>
        %parallel_loop3A_448 = arith.addi %parallel_loop3A_394, %parallel_loop3A_447 : vector<16xi32>
        %parallel_loop3A_449 = arith.constant 7 : i32
        %parallel_loop3A_450 = vector.broadcast %parallel_loop3A_449 : i32 to vector<16xi32>
        %parallel_loop3A_451 = arith.andi %parallel_loop3A_448, %parallel_loop3A_450 : vector<16xi32>
        %parallel_loop3A_452 = arith.constant 8 : i32
        %parallel_loop3A_453 = vector.broadcast %parallel_loop3A_452 : i32 to vector<16xi32>
        %parallel_loop3A_454 = arith.muli %parallel_loop3A_451, %parallel_loop3A_453 : vector<16xi32>
        %parallel_loop3A_455 = arith.constant 0 : i32
        %parallel_loop3A_456 = vector.broadcast %parallel_loop3A_455 : i32 to vector<16xi32>
        %parallel_loop3A_457 = arith.addi %parallel_loop3A_454, %parallel_loop3A_456 : vector<16xi32>
        %parallel_loop3A_458 = tpu.vector_load_idx %arg7[%parallel_loop3A_396, %parallel_loop3A_457] : memref<512x64xi32, #tpu.memory_space<vmem>>[vector<16xi32>, vector<16xi32>], vector<16xi32>,
        %parallel_loop3A_459 = vector.bitcast %parallel_loop3A_458 : vector<16xi32> to vector<32xbf16>
        %parallel_loop3A_460 = tpu.unpack_subelements %parallel_loop3A_459, 0 {pack_format = #tpu.pack_format<interleaved>} : vector<32xbf16> -> vector<16xf32>
        %parallel_loop3A_461 = tpu.unpack_subelements %parallel_loop3A_459, 1 {pack_format = #tpu.pack_format<interleaved>} : vector<32xbf16> -> vector<16xf32>
        %parallel_loop3A_462 = arith.mulf %parallel_loop3A_460, %parallel_loop3A_402 : vector<16xf32>
        %parallel_loop3A_463 = arith.mulf %parallel_loop3A_461, %parallel_loop3A_403 : vector<16xf32>
        %parallel_loop3A_464 = arith.addf %parallel_loop3A_462, %parallel_loop3A_463 : vector<16xf32>
        %parallel_loop3A_465 = arith.constant 1 : i32
        %parallel_loop3A_466 = vector.broadcast %parallel_loop3A_465 : i32 to vector<16xi32>
        %parallel_loop3A_467 = arith.addi %parallel_loop3A_454, %parallel_loop3A_466 : vector<16xi32>
        %parallel_loop3A_468 = tpu.vector_load_idx %arg7[%parallel_loop3A_396, %parallel_loop3A_467] : memref<512x64xi32, #tpu.memory_space<vmem>>[vector<16xi32>, vector<16xi32>], vector<16xi32>,
        %parallel_loop3A_469 = vector.bitcast %parallel_loop3A_468 : vector<16xi32> to vector<32xbf16>
        %parallel_loop3A_470 = tpu.unpack_subelements %parallel_loop3A_469, 0 {pack_format = #tpu.pack_format<interleaved>} : vector<32xbf16> -> vector<16xf32>
        %parallel_loop3A_471 = tpu.unpack_subelements %parallel_loop3A_469, 1 {pack_format = #tpu.pack_format<interleaved>} : vector<32xbf16> -> vector<16xf32>
        %parallel_loop3A_472 = arith.mulf %parallel_loop3A_470, %parallel_loop3A_409 : vector<16xf32>
        %parallel_loop3A_473 = arith.mulf %parallel_loop3A_471, %parallel_loop3A_410 : vector<16xf32>
        %parallel_loop3A_474 = arith.addf %parallel_loop3A_472, %parallel_loop3A_473 : vector<16xf32>
        %parallel_loop3A_475 = arith.addf %parallel_loop3A_464, %parallel_loop3A_474 : vector<16xf32>
        %parallel_loop3A_476 = arith.constant 2 : i32
        %parallel_loop3A_477 = vector.broadcast %parallel_loop3A_476 : i32 to vector<16xi32>
        %parallel_loop3A_478 = arith.addi %parallel_loop3A_454, %parallel_loop3A_477 : vector<16xi32>
        %parallel_loop3A_479 = tpu.vector_load_idx %arg7[%parallel_loop3A_396, %parallel_loop3A_478] : memref<512x64xi32, #tpu.memory_space<vmem>>[vector<16xi32>, vector<16xi32>], vector<16xi32>,
        %parallel_loop3A_480 = vector.bitcast %parallel_loop3A_479 : vector<16xi32> to vector<32xbf16>
        %parallel_loop3A_481 = tpu.unpack_subelements %parallel_loop3A_480, 0 {pack_format = #tpu.pack_format<interleaved>} : vector<32xbf16> -> vector<16xf32>
        %parallel_loop3A_482 = tpu.unpack_subelements %parallel_loop3A_480, 1 {pack_format = #tpu.pack_format<interleaved>} : vector<32xbf16> -> vector<16xf32>
        %parallel_loop3A_483 = arith.mulf %parallel_loop3A_481, %parallel_loop3A_416 : vector<16xf32>
        %parallel_loop3A_484 = arith.mulf %parallel_loop3A_482, %parallel_loop3A_417 : vector<16xf32>
        %parallel_loop3A_485 = arith.addf %parallel_loop3A_483, %parallel_loop3A_484 : vector<16xf32>
        %parallel_loop3A_486 = arith.addf %parallel_loop3A_475, %parallel_loop3A_485 : vector<16xf32>
        %parallel_loop3A_487 = arith.constant 3 : i32
        %parallel_loop3A_488 = vector.broadcast %parallel_loop3A_487 : i32 to vector<16xi32>
        %parallel_loop3A_489 = arith.addi %parallel_loop3A_454, %parallel_loop3A_488 : vector<16xi32>
        %parallel_loop3A_490 = tpu.vector_load_idx %arg7[%parallel_loop3A_396, %parallel_loop3A_489] : memref<512x64xi32, #tpu.memory_space<vmem>>[vector<16xi32>, vector<16xi32>], vector<16xi32>,
        %parallel_loop3A_491 = vector.bitcast %parallel_loop3A_490 : vector<16xi32> to vector<32xbf16>
        %parallel_loop3A_492 = tpu.unpack_subelements %parallel_loop3A_491, 0 {pack_format = #tpu.pack_format<interleaved>} : vector<32xbf16> -> vector<16xf32>
        %parallel_loop3A_493 = tpu.unpack_subelements %parallel_loop3A_491, 1 {pack_format = #tpu.pack_format<interleaved>} : vector<32xbf16> -> vector<16xf32>
        %parallel_loop3A_494 = arith.mulf %parallel_loop3A_492, %parallel_loop3A_423 : vector<16xf32>
        %parallel_loop3A_495 = arith.mulf %parallel_loop3A_493, %parallel_loop3A_424 : vector<16xf32>
        %parallel_loop3A_496 = arith.addf %parallel_loop3A_494, %parallel_loop3A_495 : vector<16xf32>
        %parallel_loop3A_497 = arith.addf %parallel_loop3A_486, %parallel_loop3A_496 : vector<16xf32>
        %parallel_loop3A_498 = arith.constant 4 : i32
        %parallel_loop3A_499 = vector.broadcast %parallel_loop3A_498 : i32 to vector<16xi32>
        %parallel_loop3A_500 = arith.addi %parallel_loop3A_454, %parallel_loop3A_499 : vector<16xi32>
        %parallel_loop3A_501 = tpu.vector_load_idx %arg7[%parallel_loop3A_396, %parallel_loop3A_500] : memref<512x64xi32, #tpu.memory_space<vmem>>[vector<16xi32>, vector<16xi32>], vector<16xi32>,
        %parallel_loop3A_502 = vector.bitcast %parallel_loop3A_501 : vector<16xi32> to vector<32xbf16>
        %parallel_loop3A_503 = tpu.unpack_subelements %parallel_loop3A_502, 0 {pack_format = #tpu.pack_format<interleaved>} : vector<32xbf16> -> vector<16xf32>
        %parallel_loop3A_504 = tpu.unpack_subelements %parallel_loop3A_502, 1 {pack_format = #tpu.pack_format<interleaved>} : vector<32xbf16> -> vector<16xf32>
        %parallel_loop3A_505 = arith.mulf %parallel_loop3A_503, %parallel_loop3A_430 : vector<16xf32>
        %parallel_loop3A_506 = arith.mulf %parallel_loop3A_504, %parallel_loop3A_431 : vector<16xf32>
        %parallel_loop3A_507 = arith.addf %parallel_loop3A_505, %parallel_loop3A_506 : vector<16xf32>
        %parallel_loop3A_508 = arith.addf %parallel_loop3A_497, %parallel_loop3A_507 : vector<16xf32>
        %parallel_loop3A_509 = arith.constant 5 : i32
        %parallel_loop3A_510 = vector.broadcast %parallel_loop3A_509 : i32 to vector<16xi32>
        %parallel_loop3A_511 = arith.addi %parallel_loop3A_454, %parallel_loop3A_510 : vector<16xi32>
        %parallel_loop3A_512 = tpu.vector_load_idx %arg7[%parallel_loop3A_396, %parallel_loop3A_511] : memref<512x64xi32, #tpu.memory_space<vmem>>[vector<16xi32>, vector<16xi32>], vector<16xi32>,
        %parallel_loop3A_513 = vector.bitcast %parallel_loop3A_512 : vector<16xi32> to vector<32xbf16>
        %parallel_loop3A_514 = tpu.unpack_subelements %parallel_loop3A_513, 0 {pack_format = #tpu.pack_format<interleaved>} : vector<32xbf16> -> vector<16xf32>
        %parallel_loop3A_515 = tpu.unpack_subelements %parallel_loop3A_513, 1 {pack_format = #tpu.pack_format<interleaved>} : vector<32xbf16> -> vector<16xf32>
        %parallel_loop3A_516 = arith.mulf %parallel_loop3A_514, %parallel_loop3A_437 : vector<16xf32>
        %parallel_loop3A_517 = arith.mulf %parallel_loop3A_515, %parallel_loop3A_438 : vector<16xf32>
        %parallel_loop3A_518 = arith.addf %parallel_loop3A_516, %parallel_loop3A_517 : vector<16xf32>
        %parallel_loop3A_519 = arith.addf %parallel_loop3A_508, %parallel_loop3A_518 : vector<16xf32>
        %parallel_loop3A_520 = arith.constant 6 : i32
        %parallel_loop3A_521 = vector.broadcast %parallel_loop3A_520 : i32 to vector<16xi32>
        %parallel_loop3A_522 = arith.addi %parallel_loop3A_454, %parallel_loop3A_521 : vector<16xi32>
        %parallel_loop3A_523 = tpu.vector_load_idx %arg7[%parallel_loop3A_396, %parallel_loop3A_522] : memref<512x64xi32, #tpu.memory_space<vmem>>[vector<16xi32>, vector<16xi32>], vector<16xi32>,
        %parallel_loop3A_524 = vector.bitcast %parallel_loop3A_523 : vector<16xi32> to vector<32xbf16>
        %parallel_loop3A_525 = tpu.unpack_subelements %parallel_loop3A_524, 0 {pack_format = #tpu.pack_format<interleaved>} : vector<32xbf16> -> vector<16xf32>
        %parallel_loop3A_526 = tpu.unpack_subelements %parallel_loop3A_524, 1 {pack_format = #tpu.pack_format<interleaved>} : vector<32xbf16> -> vector<16xf32>
        %parallel_loop3A_527 = arith.mulf %parallel_loop3A_525, %parallel_loop3A_444 : vector<16xf32>
        %parallel_loop3A_528 = arith.mulf %parallel_loop3A_526, %parallel_loop3A_445 : vector<16xf32>
        %parallel_loop3A_529 = arith.addf %parallel_loop3A_527, %parallel_loop3A_528 : vector<16xf32>
        %parallel_loop3A_530 = arith.addf %parallel_loop3A_519, %parallel_loop3A_529 : vector<16xf32>
        tpu.vector_store_idx %arg11[%parallel_loop3A_451, %parallel_loop3A_396], %parallel_loop3A_530 : memref<8x512xf32, #tpu.memory_space<vmem>>[vector<16xi32>, vector<16xi32>], vector<16xf32>,
        %parallel_loop3A_531 = arith.constant 1 : i32
        %parallel_loop3A_532 = vector.broadcast %parallel_loop3A_531 : i32 to vector<16xi32>
        %parallel_loop3A_533 = arith.addi %parallel_loop3A_394, %parallel_loop3A_532 : vector<16xi32>
        %parallel_loop3A_534 = arith.constant 7 : i32
        %parallel_loop3A_535 = vector.broadcast %parallel_loop3A_534 : i32 to vector<16xi32>
        %parallel_loop3A_536 = arith.andi %parallel_loop3A_533, %parallel_loop3A_535 : vector<16xi32>
        %parallel_loop3A_537 = arith.constant 8 : i32
        %parallel_loop3A_538 = vector.broadcast %parallel_loop3A_537 : i32 to vector<16xi32>
        %parallel_loop3A_539 = arith.muli %parallel_loop3A_536, %parallel_loop3A_538 : vector<16xi32>
        %parallel_loop3A_540 = arith.constant 0 : i32
        %parallel_loop3A_541 = vector.broadcast %parallel_loop3A_540 : i32 to vector<16xi32>
        %parallel_loop3A_542 = arith.addi %parallel_loop3A_539, %parallel_loop3A_541 : vector<16xi32>
        %parallel_loop3A_543 = tpu.vector_load_idx %arg7[%parallel_loop3A_396, %parallel_loop3A_542] : memref<512x64xi32, #tpu.memory_space<vmem>>[vector<16xi32>, vector<16xi32>], vector<16xi32>,
        %parallel_loop3A_544 = vector.bitcast %parallel_loop3A_543 : vector<16xi32> to vector<32xbf16>
        %parallel_loop3A_545 = tpu.unpack_subelements %parallel_loop3A_544, 0 {pack_format = #tpu.pack_format<interleaved>} : vector<32xbf16> -> vector<16xf32>
        %parallel_loop3A_546 = tpu.unpack_subelements %parallel_loop3A_544, 1 {pack_format = #tpu.pack_format<interleaved>} : vector<32xbf16> -> vector<16xf32>
        %parallel_loop3A_547 = arith.mulf %parallel_loop3A_545, %parallel_loop3A_402 : vector<16xf32>
        %parallel_loop3A_548 = arith.mulf %parallel_loop3A_546, %parallel_loop3A_403 : vector<16xf32>
        %parallel_loop3A_549 = arith.addf %parallel_loop3A_547, %parallel_loop3A_548 : vector<16xf32>
        %parallel_loop3A_550 = arith.constant 1 : i32
        %parallel_loop3A_551 = vector.broadcast %parallel_loop3A_550 : i32 to vector<16xi32>
        %parallel_loop3A_552 = arith.addi %parallel_loop3A_539, %parallel_loop3A_551 : vector<16xi32>
        %parallel_loop3A_553 = tpu.vector_load_idx %arg7[%parallel_loop3A_396, %parallel_loop3A_552] : memref<512x64xi32, #tpu.memory_space<vmem>>[vector<16xi32>, vector<16xi32>], vector<16xi32>,
        %parallel_loop3A_554 = vector.bitcast %parallel_loop3A_553 : vector<16xi32> to vector<32xbf16>
        %parallel_loop3A_555 = tpu.unpack_subelements %parallel_loop3A_554, 0 {pack_format = #tpu.pack_format<interleaved>} : vector<32xbf16> -> vector<16xf32>
        %parallel_loop3A_556 = tpu.unpack_subelements %parallel_loop3A_554, 1 {pack_format = #tpu.pack_format<interleaved>} : vector<32xbf16> -> vector<16xf32>
        %parallel_loop3A_557 = arith.mulf %parallel_loop3A_555, %parallel_loop3A_409 : vector<16xf32>
        %parallel_loop3A_558 = arith.mulf %parallel_loop3A_556, %parallel_loop3A_410 : vector<16xf32>
        %parallel_loop3A_559 = arith.addf %parallel_loop3A_557, %parallel_loop3A_558 : vector<16xf32>
        %parallel_loop3A_560 = arith.addf %parallel_loop3A_549, %parallel_loop3A_559 : vector<16xf32>
        %parallel_loop3A_561 = arith.constant 2 : i32
        %parallel_loop3A_562 = vector.broadcast %parallel_loop3A_561 : i32 to vector<16xi32>
        %parallel_loop3A_563 = arith.addi %parallel_loop3A_539, %parallel_loop3A_562 : vector<16xi32>
        %parallel_loop3A_564 = tpu.vector_load_idx %arg7[%parallel_loop3A_396, %parallel_loop3A_563] : memref<512x64xi32, #tpu.memory_space<vmem>>[vector<16xi32>, vector<16xi32>], vector<16xi32>,
        %parallel_loop3A_565 = vector.bitcast %parallel_loop3A_564 : vector<16xi32> to vector<32xbf16>
        %parallel_loop3A_566 = tpu.unpack_subelements %parallel_loop3A_565, 0 {pack_format = #tpu.pack_format<interleaved>} : vector<32xbf16> -> vector<16xf32>
        %parallel_loop3A_567 = tpu.unpack_subelements %parallel_loop3A_565, 1 {pack_format = #tpu.pack_format<interleaved>} : vector<32xbf16> -> vector<16xf32>
        %parallel_loop3A_568 = arith.mulf %parallel_loop3A_566, %parallel_loop3A_416 : vector<16xf32>
        %parallel_loop3A_569 = arith.mulf %parallel_loop3A_567, %parallel_loop3A_417 : vector<16xf32>
        %parallel_loop3A_570 = arith.addf %parallel_loop3A_568, %parallel_loop3A_569 : vector<16xf32>
        %parallel_loop3A_571 = arith.addf %parallel_loop3A_560, %parallel_loop3A_570 : vector<16xf32>
        %parallel_loop3A_572 = arith.constant 3 : i32
        %parallel_loop3A_573 = vector.broadcast %parallel_loop3A_572 : i32 to vector<16xi32>
        %parallel_loop3A_574 = arith.addi %parallel_loop3A_539, %parallel_loop3A_573 : vector<16xi32>
        %parallel_loop3A_575 = tpu.vector_load_idx %arg7[%parallel_loop3A_396, %parallel_loop3A_574] : memref<512x64xi32, #tpu.memory_space<vmem>>[vector<16xi32>, vector<16xi32>], vector<16xi32>,
        %parallel_loop3A_576 = vector.bitcast %parallel_loop3A_575 : vector<16xi32> to vector<32xbf16>
        %parallel_loop3A_577 = tpu.unpack_subelements %parallel_loop3A_576, 0 {pack_format = #tpu.pack_format<interleaved>} : vector<32xbf16> -> vector<16xf32>
        %parallel_loop3A_578 = tpu.unpack_subelements %parallel_loop3A_576, 1 {pack_format = #tpu.pack_format<interleaved>} : vector<32xbf16> -> vector<16xf32>
        %parallel_loop3A_579 = arith.mulf %parallel_loop3A_577, %parallel_loop3A_423 : vector<16xf32>
        %parallel_loop3A_580 = arith.mulf %parallel_loop3A_578, %parallel_loop3A_424 : vector<16xf32>
        %parallel_loop3A_581 = arith.addf %parallel_loop3A_579, %parallel_loop3A_580 : vector<16xf32>
        %parallel_loop3A_582 = arith.addf %parallel_loop3A_571, %parallel_loop3A_581 : vector<16xf32>
        %parallel_loop3A_583 = arith.constant 4 : i32
        %parallel_loop3A_584 = vector.broadcast %parallel_loop3A_583 : i32 to vector<16xi32>
        %parallel_loop3A_585 = arith.addi %parallel_loop3A_539, %parallel_loop3A_584 : vector<16xi32>
        %parallel_loop3A_586 = tpu.vector_load_idx %arg7[%parallel_loop3A_396, %parallel_loop3A_585] : memref<512x64xi32, #tpu.memory_space<vmem>>[vector<16xi32>, vector<16xi32>], vector<16xi32>,
        %parallel_loop3A_587 = vector.bitcast %parallel_loop3A_586 : vector<16xi32> to vector<32xbf16>
        %parallel_loop3A_588 = tpu.unpack_subelements %parallel_loop3A_587, 0 {pack_format = #tpu.pack_format<interleaved>} : vector<32xbf16> -> vector<16xf32>
        %parallel_loop3A_589 = tpu.unpack_subelements %parallel_loop3A_587, 1 {pack_format = #tpu.pack_format<interleaved>} : vector<32xbf16> -> vector<16xf32>
        %parallel_loop3A_590 = arith.mulf %parallel_loop3A_588, %parallel_loop3A_430 : vector<16xf32>
        %parallel_loop3A_591 = arith.mulf %parallel_loop3A_589, %parallel_loop3A_431 : vector<16xf32>
        %parallel_loop3A_592 = arith.addf %parallel_loop3A_590, %parallel_loop3A_591 : vector<16xf32>
        %parallel_loop3A_593 = arith.addf %parallel_loop3A_582, %parallel_loop3A_592 : vector<16xf32>
        %parallel_loop3A_594 = arith.constant 5 : i32
        %parallel_loop3A_595 = vector.broadcast %parallel_loop3A_594 : i32 to vector<16xi32>
        %parallel_loop3A_596 = arith.addi %parallel_loop3A_539, %parallel_loop3A_595 : vector<16xi32>
        %parallel_loop3A_597 = tpu.vector_load_idx %arg7[%parallel_loop3A_396, %parallel_loop3A_596] : memref<512x64xi32, #tpu.memory_space<vmem>>[vector<16xi32>, vector<16xi32>], vector<16xi32>,
        %parallel_loop3A_598 = vector.bitcast %parallel_loop3A_597 : vector<16xi32> to vector<32xbf16>
        %parallel_loop3A_599 = tpu.unpack_subelements %parallel_loop3A_598, 0 {pack_format = #tpu.pack_format<interleaved>} : vector<32xbf16> -> vector<16xf32>
        %parallel_loop3A_600 = tpu.unpack_subelements %parallel_loop3A_598, 1 {pack_format = #tpu.pack_format<interleaved>} : vector<32xbf16> -> vector<16xf32>
        %parallel_loop3A_601 = arith.mulf %parallel_loop3A_599, %parallel_loop3A_437 : vector<16xf32>
        %parallel_loop3A_602 = arith.mulf %parallel_loop3A_600, %parallel_loop3A_438 : vector<16xf32>
        %parallel_loop3A_603 = arith.addf %parallel_loop3A_601, %parallel_loop3A_602 : vector<16xf32>
        %parallel_loop3A_604 = arith.addf %parallel_loop3A_593, %parallel_loop3A_603 : vector<16xf32>
        %parallel_loop3A_605 = arith.constant 6 : i32
        %parallel_loop3A_606 = vector.broadcast %parallel_loop3A_605 : i32 to vector<16xi32>
        %parallel_loop3A_607 = arith.addi %parallel_loop3A_539, %parallel_loop3A_606 : vector<16xi32>
        %parallel_loop3A_608 = tpu.vector_load_idx %arg7[%parallel_loop3A_396, %parallel_loop3A_607] : memref<512x64xi32, #tpu.memory_space<vmem>>[vector<16xi32>, vector<16xi32>], vector<16xi32>,
        %parallel_loop3A_609 = vector.bitcast %parallel_loop3A_608 : vector<16xi32> to vector<32xbf16>
        %parallel_loop3A_610 = tpu.unpack_subelements %parallel_loop3A_609, 0 {pack_format = #tpu.pack_format<interleaved>} : vector<32xbf16> -> vector<16xf32>
        %parallel_loop3A_611 = tpu.unpack_subelements %parallel_loop3A_609, 1 {pack_format = #tpu.pack_format<interleaved>} : vector<32xbf16> -> vector<16xf32>
        %parallel_loop3A_612 = arith.mulf %parallel_loop3A_610, %parallel_loop3A_444 : vector<16xf32>
        %parallel_loop3A_613 = arith.mulf %parallel_loop3A_611, %parallel_loop3A_445 : vector<16xf32>
        %parallel_loop3A_614 = arith.addf %parallel_loop3A_612, %parallel_loop3A_613 : vector<16xf32>
        %parallel_loop3A_615 = arith.addf %parallel_loop3A_604, %parallel_loop3A_614 : vector<16xf32>
        tpu.vector_store_idx %arg11[%parallel_loop3A_536, %parallel_loop3A_396], %parallel_loop3A_615 : memref<8x512xf32, #tpu.memory_space<vmem>>[vector<16xi32>, vector<16xi32>], vector<16xf32>,
        %parallel_loop3A_616 = arith.constant 2 : i32
        %parallel_loop3A_617 = vector.broadcast %parallel_loop3A_616 : i32 to vector<16xi32>
        %parallel_loop3A_618 = arith.addi %parallel_loop3A_394, %parallel_loop3A_617 : vector<16xi32>
        %parallel_loop3A_619 = arith.constant 7 : i32
        %parallel_loop3A_620 = vector.broadcast %parallel_loop3A_619 : i32 to vector<16xi32>
        %parallel_loop3A_621 = arith.andi %parallel_loop3A_618, %parallel_loop3A_620 : vector<16xi32>
        %parallel_loop3A_622 = arith.constant 8 : i32
        %parallel_loop3A_623 = vector.broadcast %parallel_loop3A_622 : i32 to vector<16xi32>
        %parallel_loop3A_624 = arith.muli %parallel_loop3A_621, %parallel_loop3A_623 : vector<16xi32>
        %parallel_loop3A_625 = arith.constant 0 : i32
        %parallel_loop3A_626 = vector.broadcast %parallel_loop3A_625 : i32 to vector<16xi32>
        %parallel_loop3A_627 = arith.addi %parallel_loop3A_624, %parallel_loop3A_626 : vector<16xi32>
        %parallel_loop3A_628 = tpu.vector_load_idx %arg7[%parallel_loop3A_396, %parallel_loop3A_627] : memref<512x64xi32, #tpu.memory_space<vmem>>[vector<16xi32>, vector<16xi32>], vector<16xi32>,
        %parallel_loop3A_629 = vector.bitcast %parallel_loop3A_628 : vector<16xi32> to vector<32xbf16>
        %parallel_loop3A_630 = tpu.unpack_subelements %parallel_loop3A_629, 0 {pack_format = #tpu.pack_format<interleaved>} : vector<32xbf16> -> vector<16xf32>
        %parallel_loop3A_631 = tpu.unpack_subelements %parallel_loop3A_629, 1 {pack_format = #tpu.pack_format<interleaved>} : vector<32xbf16> -> vector<16xf32>
        %parallel_loop3A_632 = arith.mulf %parallel_loop3A_630, %parallel_loop3A_402 : vector<16xf32>
        %parallel_loop3A_633 = arith.mulf %parallel_loop3A_631, %parallel_loop3A_403 : vector<16xf32>
        %parallel_loop3A_634 = arith.addf %parallel_loop3A_632, %parallel_loop3A_633 : vector<16xf32>
        %parallel_loop3A_635 = arith.constant 1 : i32
        %parallel_loop3A_636 = vector.broadcast %parallel_loop3A_635 : i32 to vector<16xi32>
        %parallel_loop3A_637 = arith.addi %parallel_loop3A_624, %parallel_loop3A_636 : vector<16xi32>
        %parallel_loop3A_638 = tpu.vector_load_idx %arg7[%parallel_loop3A_396, %parallel_loop3A_637] : memref<512x64xi32, #tpu.memory_space<vmem>>[vector<16xi32>, vector<16xi32>], vector<16xi32>,
        %parallel_loop3A_639 = vector.bitcast %parallel_loop3A_638 : vector<16xi32> to vector<32xbf16>
        %parallel_loop3A_640 = tpu.unpack_subelements %parallel_loop3A_639, 0 {pack_format = #tpu.pack_format<interleaved>} : vector<32xbf16> -> vector<16xf32>
        %parallel_loop3A_641 = tpu.unpack_subelements %parallel_loop3A_639, 1 {pack_format = #tpu.pack_format<interleaved>} : vector<32xbf16> -> vector<16xf32>
        %parallel_loop3A_642 = arith.mulf %parallel_loop3A_640, %parallel_loop3A_409 : vector<16xf32>
        %parallel_loop3A_643 = arith.mulf %parallel_loop3A_641, %parallel_loop3A_410 : vector<16xf32>
        %parallel_loop3A_644 = arith.addf %parallel_loop3A_642, %parallel_loop3A_643 : vector<16xf32>
        %parallel_loop3A_645 = arith.addf %parallel_loop3A_634, %parallel_loop3A_644 : vector<16xf32>
        %parallel_loop3A_646 = arith.constant 2 : i32
        %parallel_loop3A_647 = vector.broadcast %parallel_loop3A_646 : i32 to vector<16xi32>
        %parallel_loop3A_648 = arith.addi %parallel_loop3A_624, %parallel_loop3A_647 : vector<16xi32>
        %parallel_loop3A_649 = tpu.vector_load_idx %arg7[%parallel_loop3A_396, %parallel_loop3A_648] : memref<512x64xi32, #tpu.memory_space<vmem>>[vector<16xi32>, vector<16xi32>], vector<16xi32>,
        %parallel_loop3A_650 = vector.bitcast %parallel_loop3A_649 : vector<16xi32> to vector<32xbf16>
        %parallel_loop3A_651 = tpu.unpack_subelements %parallel_loop3A_650, 0 {pack_format = #tpu.pack_format<interleaved>} : vector<32xbf16> -> vector<16xf32>
        %parallel_loop3A_652 = tpu.unpack_subelements %parallel_loop3A_650, 1 {pack_format = #tpu.pack_format<interleaved>} : vector<32xbf16> -> vector<16xf32>
        %parallel_loop3A_653 = arith.mulf %parallel_loop3A_651, %parallel_loop3A_416 : vector<16xf32>
        %parallel_loop3A_654 = arith.mulf %parallel_loop3A_652, %parallel_loop3A_417 : vector<16xf32>
        %parallel_loop3A_655 = arith.addf %parallel_loop3A_653, %parallel_loop3A_654 : vector<16xf32>
        %parallel_loop3A_656 = arith.addf %parallel_loop3A_645, %parallel_loop3A_655 : vector<16xf32>
        %parallel_loop3A_657 = arith.constant 3 : i32
        %parallel_loop3A_658 = vector.broadcast %parallel_loop3A_657 : i32 to vector<16xi32>
        %parallel_loop3A_659 = arith.addi %parallel_loop3A_624, %parallel_loop3A_658 : vector<16xi32>
        %parallel_loop3A_660 = tpu.vector_load_idx %arg7[%parallel_loop3A_396, %parallel_loop3A_659] : memref<512x64xi32, #tpu.memory_space<vmem>>[vector<16xi32>, vector<16xi32>], vector<16xi32>,
        %parallel_loop3A_661 = vector.bitcast %parallel_loop3A_660 : vector<16xi32> to vector<32xbf16>
        %parallel_loop3A_662 = tpu.unpack_subelements %parallel_loop3A_661, 0 {pack_format = #tpu.pack_format<interleaved>} : vector<32xbf16> -> vector<16xf32>
        %parallel_loop3A_663 = tpu.unpack_subelements %parallel_loop3A_661, 1 {pack_format = #tpu.pack_format<interleaved>} : vector<32xbf16> -> vector<16xf32>
        %parallel_loop3A_664 = arith.mulf %parallel_loop3A_662, %parallel_loop3A_423 : vector<16xf32>
        %parallel_loop3A_665 = arith.mulf %parallel_loop3A_663, %parallel_loop3A_424 : vector<16xf32>
        %parallel_loop3A_666 = arith.addf %parallel_loop3A_664, %parallel_loop3A_665 : vector<16xf32>
        %parallel_loop3A_667 = arith.addf %parallel_loop3A_656, %parallel_loop3A_666 : vector<16xf32>
        %parallel_loop3A_668 = arith.constant 4 : i32
        %parallel_loop3A_669 = vector.broadcast %parallel_loop3A_668 : i32 to vector<16xi32>
        %parallel_loop3A_670 = arith.addi %parallel_loop3A_624, %parallel_loop3A_669 : vector<16xi32>
        %parallel_loop3A_671 = tpu.vector_load_idx %arg7[%parallel_loop3A_396, %parallel_loop3A_670] : memref<512x64xi32, #tpu.memory_space<vmem>>[vector<16xi32>, vector<16xi32>], vector<16xi32>,
        %parallel_loop3A_672 = vector.bitcast %parallel_loop3A_671 : vector<16xi32> to vector<32xbf16>
        %parallel_loop3A_673 = tpu.unpack_subelements %parallel_loop3A_672, 0 {pack_format = #tpu.pack_format<interleaved>} : vector<32xbf16> -> vector<16xf32>
        %parallel_loop3A_674 = tpu.unpack_subelements %parallel_loop3A_672, 1 {pack_format = #tpu.pack_format<interleaved>} : vector<32xbf16> -> vector<16xf32>
        %parallel_loop3A_675 = arith.mulf %parallel_loop3A_673, %parallel_loop3A_430 : vector<16xf32>
        %parallel_loop3A_676 = arith.mulf %parallel_loop3A_674, %parallel_loop3A_431 : vector<16xf32>
        %parallel_loop3A_677 = arith.addf %parallel_loop3A_675, %parallel_loop3A_676 : vector<16xf32>
        %parallel_loop3A_678 = arith.addf %parallel_loop3A_667, %parallel_loop3A_677 : vector<16xf32>
        %parallel_loop3A_679 = arith.constant 5 : i32
        %parallel_loop3A_680 = vector.broadcast %parallel_loop3A_679 : i32 to vector<16xi32>
        %parallel_loop3A_681 = arith.addi %parallel_loop3A_624, %parallel_loop3A_680 : vector<16xi32>
        %parallel_loop3A_682 = tpu.vector_load_idx %arg7[%parallel_loop3A_396, %parallel_loop3A_681] : memref<512x64xi32, #tpu.memory_space<vmem>>[vector<16xi32>, vector<16xi32>], vector<16xi32>,
        %parallel_loop3A_683 = vector.bitcast %parallel_loop3A_682 : vector<16xi32> to vector<32xbf16>
        %parallel_loop3A_684 = tpu.unpack_subelements %parallel_loop3A_683, 0 {pack_format = #tpu.pack_format<interleaved>} : vector<32xbf16> -> vector<16xf32>
        %parallel_loop3A_685 = tpu.unpack_subelements %parallel_loop3A_683, 1 {pack_format = #tpu.pack_format<interleaved>} : vector<32xbf16> -> vector<16xf32>
        %parallel_loop3A_686 = arith.mulf %parallel_loop3A_684, %parallel_loop3A_437 : vector<16xf32>
        %parallel_loop3A_687 = arith.mulf %parallel_loop3A_685, %parallel_loop3A_438 : vector<16xf32>
        %parallel_loop3A_688 = arith.addf %parallel_loop3A_686, %parallel_loop3A_687 : vector<16xf32>
        %parallel_loop3A_689 = arith.addf %parallel_loop3A_678, %parallel_loop3A_688 : vector<16xf32>
        %parallel_loop3A_690 = arith.constant 6 : i32
        %parallel_loop3A_691 = vector.broadcast %parallel_loop3A_690 : i32 to vector<16xi32>
        %parallel_loop3A_692 = arith.addi %parallel_loop3A_624, %parallel_loop3A_691 : vector<16xi32>
        %parallel_loop3A_693 = tpu.vector_load_idx %arg7[%parallel_loop3A_396, %parallel_loop3A_692] : memref<512x64xi32, #tpu.memory_space<vmem>>[vector<16xi32>, vector<16xi32>], vector<16xi32>,
        %parallel_loop3A_694 = vector.bitcast %parallel_loop3A_693 : vector<16xi32> to vector<32xbf16>
        %parallel_loop3A_695 = tpu.unpack_subelements %parallel_loop3A_694, 0 {pack_format = #tpu.pack_format<interleaved>} : vector<32xbf16> -> vector<16xf32>
        %parallel_loop3A_696 = tpu.unpack_subelements %parallel_loop3A_694, 1 {pack_format = #tpu.pack_format<interleaved>} : vector<32xbf16> -> vector<16xf32>
        %parallel_loop3A_697 = arith.mulf %parallel_loop3A_695, %parallel_loop3A_444 : vector<16xf32>
        %parallel_loop3A_698 = arith.mulf %parallel_loop3A_696, %parallel_loop3A_445 : vector<16xf32>
        %parallel_loop3A_699 = arith.addf %parallel_loop3A_697, %parallel_loop3A_698 : vector<16xf32>
        %parallel_loop3A_700 = arith.addf %parallel_loop3A_689, %parallel_loop3A_699 : vector<16xf32>
        tpu.vector_store_idx %arg11[%parallel_loop3A_621, %parallel_loop3A_396], %parallel_loop3A_700 : memref<8x512xf32, #tpu.memory_space<vmem>>[vector<16xi32>, vector<16xi32>], vector<16xf32>,
        %parallel_loop3A_701 = arith.constant 3 : i32
        %parallel_loop3A_702 = vector.broadcast %parallel_loop3A_701 : i32 to vector<16xi32>
        %parallel_loop3A_703 = arith.addi %parallel_loop3A_394, %parallel_loop3A_702 : vector<16xi32>
        %parallel_loop3A_704 = arith.constant 7 : i32
        %parallel_loop3A_705 = vector.broadcast %parallel_loop3A_704 : i32 to vector<16xi32>
        %parallel_loop3A_706 = arith.andi %parallel_loop3A_703, %parallel_loop3A_705 : vector<16xi32>
        %parallel_loop3A_707 = arith.constant 8 : i32
        %parallel_loop3A_708 = vector.broadcast %parallel_loop3A_707 : i32 to vector<16xi32>
        %parallel_loop3A_709 = arith.muli %parallel_loop3A_706, %parallel_loop3A_708 : vector<16xi32>
        %parallel_loop3A_710 = arith.constant 0 : i32
        %parallel_loop3A_711 = vector.broadcast %parallel_loop3A_710 : i32 to vector<16xi32>
        %parallel_loop3A_712 = arith.addi %parallel_loop3A_709, %parallel_loop3A_711 : vector<16xi32>
        %parallel_loop3A_713 = tpu.vector_load_idx %arg7[%parallel_loop3A_396, %parallel_loop3A_712] : memref<512x64xi32, #tpu.memory_space<vmem>>[vector<16xi32>, vector<16xi32>], vector<16xi32>,
        %parallel_loop3A_714 = vector.bitcast %parallel_loop3A_713 : vector<16xi32> to vector<32xbf16>
        %parallel_loop3A_715 = tpu.unpack_subelements %parallel_loop3A_714, 0 {pack_format = #tpu.pack_format<interleaved>} : vector<32xbf16> -> vector<16xf32>
        %parallel_loop3A_716 = tpu.unpack_subelements %parallel_loop3A_714, 1 {pack_format = #tpu.pack_format<interleaved>} : vector<32xbf16> -> vector<16xf32>
        %parallel_loop3A_717 = arith.mulf %parallel_loop3A_715, %parallel_loop3A_402 : vector<16xf32>
        %parallel_loop3A_718 = arith.mulf %parallel_loop3A_716, %parallel_loop3A_403 : vector<16xf32>
        %parallel_loop3A_719 = arith.addf %parallel_loop3A_717, %parallel_loop3A_718 : vector<16xf32>
        %parallel_loop3A_720 = arith.constant 1 : i32
        %parallel_loop3A_721 = vector.broadcast %parallel_loop3A_720 : i32 to vector<16xi32>
        %parallel_loop3A_722 = arith.addi %parallel_loop3A_709, %parallel_loop3A_721 : vector<16xi32>
        %parallel_loop3A_723 = tpu.vector_load_idx %arg7[%parallel_loop3A_396, %parallel_loop3A_722] : memref<512x64xi32, #tpu.memory_space<vmem>>[vector<16xi32>, vector<16xi32>], vector<16xi32>,
        %parallel_loop3A_724 = vector.bitcast %parallel_loop3A_723 : vector<16xi32> to vector<32xbf16>
        %parallel_loop3A_725 = tpu.unpack_subelements %parallel_loop3A_724, 0 {pack_format = #tpu.pack_format<interleaved>} : vector<32xbf16> -> vector<16xf32>
        %parallel_loop3A_726 = tpu.unpack_subelements %parallel_loop3A_724, 1 {pack_format = #tpu.pack_format<interleaved>} : vector<32xbf16> -> vector<16xf32>
        %parallel_loop3A_727 = arith.mulf %parallel_loop3A_725, %parallel_loop3A_409 : vector<16xf32>
        %parallel_loop3A_728 = arith.mulf %parallel_loop3A_726, %parallel_loop3A_410 : vector<16xf32>
        %parallel_loop3A_729 = arith.addf %parallel_loop3A_727, %parallel_loop3A_728 : vector<16xf32>
        %parallel_loop3A_730 = arith.addf %parallel_loop3A_719, %parallel_loop3A_729 : vector<16xf32>
        %parallel_loop3A_731 = arith.constant 2 : i32
        %parallel_loop3A_732 = vector.broadcast %parallel_loop3A_731 : i32 to vector<16xi32>
        %parallel_loop3A_733 = arith.addi %parallel_loop3A_709, %parallel_loop3A_732 : vector<16xi32>
        %parallel_loop3A_734 = tpu.vector_load_idx %arg7[%parallel_loop3A_396, %parallel_loop3A_733] : memref<512x64xi32, #tpu.memory_space<vmem>>[vector<16xi32>, vector<16xi32>], vector<16xi32>,
        %parallel_loop3A_735 = vector.bitcast %parallel_loop3A_734 : vector<16xi32> to vector<32xbf16>
        %parallel_loop3A_736 = tpu.unpack_subelements %parallel_loop3A_735, 0 {pack_format = #tpu.pack_format<interleaved>} : vector<32xbf16> -> vector<16xf32>
        %parallel_loop3A_737 = tpu.unpack_subelements %parallel_loop3A_735, 1 {pack_format = #tpu.pack_format<interleaved>} : vector<32xbf16> -> vector<16xf32>
        %parallel_loop3A_738 = arith.mulf %parallel_loop3A_736, %parallel_loop3A_416 : vector<16xf32>
        %parallel_loop3A_739 = arith.mulf %parallel_loop3A_737, %parallel_loop3A_417 : vector<16xf32>
        %parallel_loop3A_740 = arith.addf %parallel_loop3A_738, %parallel_loop3A_739 : vector<16xf32>
        %parallel_loop3A_741 = arith.addf %parallel_loop3A_730, %parallel_loop3A_740 : vector<16xf32>
        %parallel_loop3A_742 = arith.constant 3 : i32
        %parallel_loop3A_743 = vector.broadcast %parallel_loop3A_742 : i32 to vector<16xi32>
        %parallel_loop3A_744 = arith.addi %parallel_loop3A_709, %parallel_loop3A_743 : vector<16xi32>
        %parallel_loop3A_745 = tpu.vector_load_idx %arg7[%parallel_loop3A_396, %parallel_loop3A_744] : memref<512x64xi32, #tpu.memory_space<vmem>>[vector<16xi32>, vector<16xi32>], vector<16xi32>,
        %parallel_loop3A_746 = vector.bitcast %parallel_loop3A_745 : vector<16xi32> to vector<32xbf16>
        %parallel_loop3A_747 = tpu.unpack_subelements %parallel_loop3A_746, 0 {pack_format = #tpu.pack_format<interleaved>} : vector<32xbf16> -> vector<16xf32>
        %parallel_loop3A_748 = tpu.unpack_subelements %parallel_loop3A_746, 1 {pack_format = #tpu.pack_format<interleaved>} : vector<32xbf16> -> vector<16xf32>
        %parallel_loop3A_749 = arith.mulf %parallel_loop3A_747, %parallel_loop3A_423 : vector<16xf32>
        %parallel_loop3A_750 = arith.mulf %parallel_loop3A_748, %parallel_loop3A_424 : vector<16xf32>
        %parallel_loop3A_751 = arith.addf %parallel_loop3A_749, %parallel_loop3A_750 : vector<16xf32>
        %parallel_loop3A_752 = arith.addf %parallel_loop3A_741, %parallel_loop3A_751 : vector<16xf32>
        %parallel_loop3A_753 = arith.constant 4 : i32
        %parallel_loop3A_754 = vector.broadcast %parallel_loop3A_753 : i32 to vector<16xi32>
        %parallel_loop3A_755 = arith.addi %parallel_loop3A_709, %parallel_loop3A_754 : vector<16xi32>
        %parallel_loop3A_756 = tpu.vector_load_idx %arg7[%parallel_loop3A_396, %parallel_loop3A_755] : memref<512x64xi32, #tpu.memory_space<vmem>>[vector<16xi32>, vector<16xi32>], vector<16xi32>,
        %parallel_loop3A_757 = vector.bitcast %parallel_loop3A_756 : vector<16xi32> to vector<32xbf16>
        %parallel_loop3A_758 = tpu.unpack_subelements %parallel_loop3A_757, 0 {pack_format = #tpu.pack_format<interleaved>} : vector<32xbf16> -> vector<16xf32>
        %parallel_loop3A_759 = tpu.unpack_subelements %parallel_loop3A_757, 1 {pack_format = #tpu.pack_format<interleaved>} : vector<32xbf16> -> vector<16xf32>
        %parallel_loop3A_760 = arith.mulf %parallel_loop3A_758, %parallel_loop3A_430 : vector<16xf32>
        %parallel_loop3A_761 = arith.mulf %parallel_loop3A_759, %parallel_loop3A_431 : vector<16xf32>
        %parallel_loop3A_762 = arith.addf %parallel_loop3A_760, %parallel_loop3A_761 : vector<16xf32>
        %parallel_loop3A_763 = arith.addf %parallel_loop3A_752, %parallel_loop3A_762 : vector<16xf32>
        %parallel_loop3A_764 = arith.constant 5 : i32
        %parallel_loop3A_765 = vector.broadcast %parallel_loop3A_764 : i32 to vector<16xi32>
        %parallel_loop3A_766 = arith.addi %parallel_loop3A_709, %parallel_loop3A_765 : vector<16xi32>
        %parallel_loop3A_767 = tpu.vector_load_idx %arg7[%parallel_loop3A_396, %parallel_loop3A_766] : memref<512x64xi32, #tpu.memory_space<vmem>>[vector<16xi32>, vector<16xi32>], vector<16xi32>,
        %parallel_loop3A_768 = vector.bitcast %parallel_loop3A_767 : vector<16xi32> to vector<32xbf16>
        %parallel_loop3A_769 = tpu.unpack_subelements %parallel_loop3A_768, 0 {pack_format = #tpu.pack_format<interleaved>} : vector<32xbf16> -> vector<16xf32>
        %parallel_loop3A_770 = tpu.unpack_subelements %parallel_loop3A_768, 1 {pack_format = #tpu.pack_format<interleaved>} : vector<32xbf16> -> vector<16xf32>
        %parallel_loop3A_771 = arith.mulf %parallel_loop3A_769, %parallel_loop3A_437 : vector<16xf32>
        %parallel_loop3A_772 = arith.mulf %parallel_loop3A_770, %parallel_loop3A_438 : vector<16xf32>
        %parallel_loop3A_773 = arith.addf %parallel_loop3A_771, %parallel_loop3A_772 : vector<16xf32>
        %parallel_loop3A_774 = arith.addf %parallel_loop3A_763, %parallel_loop3A_773 : vector<16xf32>
        %parallel_loop3A_775 = arith.constant 6 : i32
        %parallel_loop3A_776 = vector.broadcast %parallel_loop3A_775 : i32 to vector<16xi32>
        %parallel_loop3A_777 = arith.addi %parallel_loop3A_709, %parallel_loop3A_776 : vector<16xi32>
        %parallel_loop3A_778 = tpu.vector_load_idx %arg7[%parallel_loop3A_396, %parallel_loop3A_777] : memref<512x64xi32, #tpu.memory_space<vmem>>[vector<16xi32>, vector<16xi32>], vector<16xi32>,
        %parallel_loop3A_779 = vector.bitcast %parallel_loop3A_778 : vector<16xi32> to vector<32xbf16>
        %parallel_loop3A_780 = tpu.unpack_subelements %parallel_loop3A_779, 0 {pack_format = #tpu.pack_format<interleaved>} : vector<32xbf16> -> vector<16xf32>
        %parallel_loop3A_781 = tpu.unpack_subelements %parallel_loop3A_779, 1 {pack_format = #tpu.pack_format<interleaved>} : vector<32xbf16> -> vector<16xf32>
        %parallel_loop3A_782 = arith.mulf %parallel_loop3A_780, %parallel_loop3A_444 : vector<16xf32>
        %parallel_loop3A_783 = arith.mulf %parallel_loop3A_781, %parallel_loop3A_445 : vector<16xf32>
        %parallel_loop3A_784 = arith.addf %parallel_loop3A_782, %parallel_loop3A_783 : vector<16xf32>
        %parallel_loop3A_785 = arith.addf %parallel_loop3A_774, %parallel_loop3A_784 : vector<16xf32>
        tpu.vector_store_idx %arg11[%parallel_loop3A_706, %parallel_loop3A_396], %parallel_loop3A_785 : memref<8x512xf32, #tpu.memory_space<vmem>>[vector<16xi32>, vector<16xi32>], vector<16xf32>,
        %parallel_loop3A_786 = arith.constant 4 : i32
        %parallel_loop3A_787 = vector.broadcast %parallel_loop3A_786 : i32 to vector<16xi32>
        %parallel_loop3A_788 = arith.addi %parallel_loop3A_394, %parallel_loop3A_787 : vector<16xi32>
        %parallel_loop3A_789 = arith.constant 7 : i32
        %parallel_loop3A_790 = vector.broadcast %parallel_loop3A_789 : i32 to vector<16xi32>
        %parallel_loop3A_791 = arith.andi %parallel_loop3A_788, %parallel_loop3A_790 : vector<16xi32>
        %parallel_loop3A_792 = arith.constant 8 : i32
        %parallel_loop3A_793 = vector.broadcast %parallel_loop3A_792 : i32 to vector<16xi32>
        %parallel_loop3A_794 = arith.muli %parallel_loop3A_791, %parallel_loop3A_793 : vector<16xi32>
        %parallel_loop3A_795 = arith.constant 0 : i32
        %parallel_loop3A_796 = vector.broadcast %parallel_loop3A_795 : i32 to vector<16xi32>
        %parallel_loop3A_797 = arith.addi %parallel_loop3A_794, %parallel_loop3A_796 : vector<16xi32>
        %parallel_loop3A_798 = tpu.vector_load_idx %arg7[%parallel_loop3A_396, %parallel_loop3A_797] : memref<512x64xi32, #tpu.memory_space<vmem>>[vector<16xi32>, vector<16xi32>], vector<16xi32>,
        %parallel_loop3A_799 = vector.bitcast %parallel_loop3A_798 : vector<16xi32> to vector<32xbf16>
        %parallel_loop3A_800 = tpu.unpack_subelements %parallel_loop3A_799, 0 {pack_format = #tpu.pack_format<interleaved>} : vector<32xbf16> -> vector<16xf32>
        %parallel_loop3A_801 = tpu.unpack_subelements %parallel_loop3A_799, 1 {pack_format = #tpu.pack_format<interleaved>} : vector<32xbf16> -> vector<16xf32>
        %parallel_loop3A_802 = arith.mulf %parallel_loop3A_800, %parallel_loop3A_402 : vector<16xf32>
        %parallel_loop3A_803 = arith.mulf %parallel_loop3A_801, %parallel_loop3A_403 : vector<16xf32>
        %parallel_loop3A_804 = arith.addf %parallel_loop3A_802, %parallel_loop3A_803 : vector<16xf32>
        %parallel_loop3A_805 = arith.constant 1 : i32
        %parallel_loop3A_806 = vector.broadcast %parallel_loop3A_805 : i32 to vector<16xi32>
        %parallel_loop3A_807 = arith.addi %parallel_loop3A_794, %parallel_loop3A_806 : vector<16xi32>
        %parallel_loop3A_808 = tpu.vector_load_idx %arg7[%parallel_loop3A_396, %parallel_loop3A_807] : memref<512x64xi32, #tpu.memory_space<vmem>>[vector<16xi32>, vector<16xi32>], vector<16xi32>,
        %parallel_loop3A_809 = vector.bitcast %parallel_loop3A_808 : vector<16xi32> to vector<32xbf16>
        %parallel_loop3A_810 = tpu.unpack_subelements %parallel_loop3A_809, 0 {pack_format = #tpu.pack_format<interleaved>} : vector<32xbf16> -> vector<16xf32>
        %parallel_loop3A_811 = tpu.unpack_subelements %parallel_loop3A_809, 1 {pack_format = #tpu.pack_format<interleaved>} : vector<32xbf16> -> vector<16xf32>
        %parallel_loop3A_812 = arith.mulf %parallel_loop3A_810, %parallel_loop3A_409 : vector<16xf32>
        %parallel_loop3A_813 = arith.mulf %parallel_loop3A_811, %parallel_loop3A_410 : vector<16xf32>
        %parallel_loop3A_814 = arith.addf %parallel_loop3A_812, %parallel_loop3A_813 : vector<16xf32>
        %parallel_loop3A_815 = arith.addf %parallel_loop3A_804, %parallel_loop3A_814 : vector<16xf32>
        %parallel_loop3A_816 = arith.constant 2 : i32
        %parallel_loop3A_817 = vector.broadcast %parallel_loop3A_816 : i32 to vector<16xi32>
        %parallel_loop3A_818 = arith.addi %parallel_loop3A_794, %parallel_loop3A_817 : vector<16xi32>
        %parallel_loop3A_819 = tpu.vector_load_idx %arg7[%parallel_loop3A_396, %parallel_loop3A_818] : memref<512x64xi32, #tpu.memory_space<vmem>>[vector<16xi32>, vector<16xi32>], vector<16xi32>,
        %parallel_loop3A_820 = vector.bitcast %parallel_loop3A_819 : vector<16xi32> to vector<32xbf16>
        %parallel_loop3A_821 = tpu.unpack_subelements %parallel_loop3A_820, 0 {pack_format = #tpu.pack_format<interleaved>} : vector<32xbf16> -> vector<16xf32>
        %parallel_loop3A_822 = tpu.unpack_subelements %parallel_loop3A_820, 1 {pack_format = #tpu.pack_format<interleaved>} : vector<32xbf16> -> vector<16xf32>
        %parallel_loop3A_823 = arith.mulf %parallel_loop3A_821, %parallel_loop3A_416 : vector<16xf32>
        %parallel_loop3A_824 = arith.mulf %parallel_loop3A_822, %parallel_loop3A_417 : vector<16xf32>
        %parallel_loop3A_825 = arith.addf %parallel_loop3A_823, %parallel_loop3A_824 : vector<16xf32>
        %parallel_loop3A_826 = arith.addf %parallel_loop3A_815, %parallel_loop3A_825 : vector<16xf32>
        %parallel_loop3A_827 = arith.constant 3 : i32
        %parallel_loop3A_828 = vector.broadcast %parallel_loop3A_827 : i32 to vector<16xi32>
        %parallel_loop3A_829 = arith.addi %parallel_loop3A_794, %parallel_loop3A_828 : vector<16xi32>
        %parallel_loop3A_830 = tpu.vector_load_idx %arg7[%parallel_loop3A_396, %parallel_loop3A_829] : memref<512x64xi32, #tpu.memory_space<vmem>>[vector<16xi32>, vector<16xi32>], vector<16xi32>,
        %parallel_loop3A_831 = vector.bitcast %parallel_loop3A_830 : vector<16xi32> to vector<32xbf16>
        %parallel_loop3A_832 = tpu.unpack_subelements %parallel_loop3A_831, 0 {pack_format = #tpu.pack_format<interleaved>} : vector<32xbf16> -> vector<16xf32>
        %parallel_loop3A_833 = tpu.unpack_subelements %parallel_loop3A_831, 1 {pack_format = #tpu.pack_format<interleaved>} : vector<32xbf16> -> vector<16xf32>
        %parallel_loop3A_834 = arith.mulf %parallel_loop3A_832, %parallel_loop3A_423 : vector<16xf32>
        %parallel_loop3A_835 = arith.mulf %parallel_loop3A_833, %parallel_loop3A_424 : vector<16xf32>
        %parallel_loop3A_836 = arith.addf %parallel_loop3A_834, %parallel_loop3A_835 : vector<16xf32>
        %parallel_loop3A_837 = arith.addf %parallel_loop3A_826, %parallel_loop3A_836 : vector<16xf32>
        %parallel_loop3A_838 = arith.constant 4 : i32
        %parallel_loop3A_839 = vector.broadcast %parallel_loop3A_838 : i32 to vector<16xi32>
        %parallel_loop3A_840 = arith.addi %parallel_loop3A_794, %parallel_loop3A_839 : vector<16xi32>
        %parallel_loop3A_841 = tpu.vector_load_idx %arg7[%parallel_loop3A_396, %parallel_loop3A_840] : memref<512x64xi32, #tpu.memory_space<vmem>>[vector<16xi32>, vector<16xi32>], vector<16xi32>,
        %parallel_loop3A_842 = vector.bitcast %parallel_loop3A_841 : vector<16xi32> to vector<32xbf16>
        %parallel_loop3A_843 = tpu.unpack_subelements %parallel_loop3A_842, 0 {pack_format = #tpu.pack_format<interleaved>} : vector<32xbf16> -> vector<16xf32>
        %parallel_loop3A_844 = tpu.unpack_subelements %parallel_loop3A_842, 1 {pack_format = #tpu.pack_format<interleaved>} : vector<32xbf16> -> vector<16xf32>
        %parallel_loop3A_845 = arith.mulf %parallel_loop3A_843, %parallel_loop3A_430 : vector<16xf32>
        %parallel_loop3A_846 = arith.mulf %parallel_loop3A_844, %parallel_loop3A_431 : vector<16xf32>
        %parallel_loop3A_847 = arith.addf %parallel_loop3A_845, %parallel_loop3A_846 : vector<16xf32>
        %parallel_loop3A_848 = arith.addf %parallel_loop3A_837, %parallel_loop3A_847 : vector<16xf32>
        %parallel_loop3A_849 = arith.constant 5 : i32
        %parallel_loop3A_850 = vector.broadcast %parallel_loop3A_849 : i32 to vector<16xi32>
        %parallel_loop3A_851 = arith.addi %parallel_loop3A_794, %parallel_loop3A_850 : vector<16xi32>
        %parallel_loop3A_852 = tpu.vector_load_idx %arg7[%parallel_loop3A_396, %parallel_loop3A_851] : memref<512x64xi32, #tpu.memory_space<vmem>>[vector<16xi32>, vector<16xi32>], vector<16xi32>,
        %parallel_loop3A_853 = vector.bitcast %parallel_loop3A_852 : vector<16xi32> to vector<32xbf16>
        %parallel_loop3A_854 = tpu.unpack_subelements %parallel_loop3A_853, 0 {pack_format = #tpu.pack_format<interleaved>} : vector<32xbf16> -> vector<16xf32>
        %parallel_loop3A_855 = tpu.unpack_subelements %parallel_loop3A_853, 1 {pack_format = #tpu.pack_format<interleaved>} : vector<32xbf16> -> vector<16xf32>
        %parallel_loop3A_856 = arith.mulf %parallel_loop3A_854, %parallel_loop3A_437 : vector<16xf32>
        %parallel_loop3A_857 = arith.mulf %parallel_loop3A_855, %parallel_loop3A_438 : vector<16xf32>
        %parallel_loop3A_858 = arith.addf %parallel_loop3A_856, %parallel_loop3A_857 : vector<16xf32>
        %parallel_loop3A_859 = arith.addf %parallel_loop3A_848, %parallel_loop3A_858 : vector<16xf32>
        %parallel_loop3A_860 = arith.constant 6 : i32
        %parallel_loop3A_861 = vector.broadcast %parallel_loop3A_860 : i32 to vector<16xi32>
        %parallel_loop3A_862 = arith.addi %parallel_loop3A_794, %parallel_loop3A_861 : vector<16xi32>
        %parallel_loop3A_863 = tpu.vector_load_idx %arg7[%parallel_loop3A_396, %parallel_loop3A_862] : memref<512x64xi32, #tpu.memory_space<vmem>>[vector<16xi32>, vector<16xi32>], vector<16xi32>,
        %parallel_loop3A_864 = vector.bitcast %parallel_loop3A_863 : vector<16xi32> to vector<32xbf16>
        %parallel_loop3A_865 = tpu.unpack_subelements %parallel_loop3A_864, 0 {pack_format = #tpu.pack_format<interleaved>} : vector<32xbf16> -> vector<16xf32>
        %parallel_loop3A_866 = tpu.unpack_subelements %parallel_loop3A_864, 1 {pack_format = #tpu.pack_format<interleaved>} : vector<32xbf16> -> vector<16xf32>
        %parallel_loop3A_867 = arith.mulf %parallel_loop3A_865, %parallel_loop3A_444 : vector<16xf32>
        %parallel_loop3A_868 = arith.mulf %parallel_loop3A_866, %parallel_loop3A_445 : vector<16xf32>
        %parallel_loop3A_869 = arith.addf %parallel_loop3A_867, %parallel_loop3A_868 : vector<16xf32>
        %parallel_loop3A_870 = arith.addf %parallel_loop3A_859, %parallel_loop3A_869 : vector<16xf32>
        tpu.vector_store_idx %arg11[%parallel_loop3A_791, %parallel_loop3A_396], %parallel_loop3A_870 : memref<8x512xf32, #tpu.memory_space<vmem>>[vector<16xi32>, vector<16xi32>], vector<16xf32>,
        %parallel_loop3A_871 = arith.constant 5 : i32
        %parallel_loop3A_872 = vector.broadcast %parallel_loop3A_871 : i32 to vector<16xi32>
        %parallel_loop3A_873 = arith.addi %parallel_loop3A_394, %parallel_loop3A_872 : vector<16xi32>
        %parallel_loop3A_874 = arith.constant 7 : i32
        %parallel_loop3A_875 = vector.broadcast %parallel_loop3A_874 : i32 to vector<16xi32>
        %parallel_loop3A_876 = arith.andi %parallel_loop3A_873, %parallel_loop3A_875 : vector<16xi32>
        %parallel_loop3A_877 = arith.constant 8 : i32
        %parallel_loop3A_878 = vector.broadcast %parallel_loop3A_877 : i32 to vector<16xi32>
        %parallel_loop3A_879 = arith.muli %parallel_loop3A_876, %parallel_loop3A_878 : vector<16xi32>
        %parallel_loop3A_880 = arith.constant 0 : i32
        %parallel_loop3A_881 = vector.broadcast %parallel_loop3A_880 : i32 to vector<16xi32>
        %parallel_loop3A_882 = arith.addi %parallel_loop3A_879, %parallel_loop3A_881 : vector<16xi32>
        %parallel_loop3A_883 = tpu.vector_load_idx %arg7[%parallel_loop3A_396, %parallel_loop3A_882] : memref<512x64xi32, #tpu.memory_space<vmem>>[vector<16xi32>, vector<16xi32>], vector<16xi32>,
        %parallel_loop3A_884 = vector.bitcast %parallel_loop3A_883 : vector<16xi32> to vector<32xbf16>
        %parallel_loop3A_885 = tpu.unpack_subelements %parallel_loop3A_884, 0 {pack_format = #tpu.pack_format<interleaved>} : vector<32xbf16> -> vector<16xf32>
        %parallel_loop3A_886 = tpu.unpack_subelements %parallel_loop3A_884, 1 {pack_format = #tpu.pack_format<interleaved>} : vector<32xbf16> -> vector<16xf32>
        %parallel_loop3A_887 = arith.mulf %parallel_loop3A_885, %parallel_loop3A_402 : vector<16xf32>
        %parallel_loop3A_888 = arith.mulf %parallel_loop3A_886, %parallel_loop3A_403 : vector<16xf32>
        %parallel_loop3A_889 = arith.addf %parallel_loop3A_887, %parallel_loop3A_888 : vector<16xf32>
        %parallel_loop3A_890 = arith.constant 1 : i32
        %parallel_loop3A_891 = vector.broadcast %parallel_loop3A_890 : i32 to vector<16xi32>
        %parallel_loop3A_892 = arith.addi %parallel_loop3A_879, %parallel_loop3A_891 : vector<16xi32>
        %parallel_loop3A_893 = tpu.vector_load_idx %arg7[%parallel_loop3A_396, %parallel_loop3A_892] : memref<512x64xi32, #tpu.memory_space<vmem>>[vector<16xi32>, vector<16xi32>], vector<16xi32>,
        %parallel_loop3A_894 = vector.bitcast %parallel_loop3A_893 : vector<16xi32> to vector<32xbf16>
        %parallel_loop3A_895 = tpu.unpack_subelements %parallel_loop3A_894, 0 {pack_format = #tpu.pack_format<interleaved>} : vector<32xbf16> -> vector<16xf32>
        %parallel_loop3A_896 = tpu.unpack_subelements %parallel_loop3A_894, 1 {pack_format = #tpu.pack_format<interleaved>} : vector<32xbf16> -> vector<16xf32>
        %parallel_loop3A_897 = arith.mulf %parallel_loop3A_895, %parallel_loop3A_409 : vector<16xf32>
        %parallel_loop3A_898 = arith.mulf %parallel_loop3A_896, %parallel_loop3A_410 : vector<16xf32>
        %parallel_loop3A_899 = arith.addf %parallel_loop3A_897, %parallel_loop3A_898 : vector<16xf32>
        %parallel_loop3A_900 = arith.addf %parallel_loop3A_889, %parallel_loop3A_899 : vector<16xf32>
        %parallel_loop3A_901 = arith.constant 2 : i32
        %parallel_loop3A_902 = vector.broadcast %parallel_loop3A_901 : i32 to vector<16xi32>
        %parallel_loop3A_903 = arith.addi %parallel_loop3A_879, %parallel_loop3A_902 : vector<16xi32>
        %parallel_loop3A_904 = tpu.vector_load_idx %arg7[%parallel_loop3A_396, %parallel_loop3A_903] : memref<512x64xi32, #tpu.memory_space<vmem>>[vector<16xi32>, vector<16xi32>], vector<16xi32>,
        %parallel_loop3A_905 = vector.bitcast %parallel_loop3A_904 : vector<16xi32> to vector<32xbf16>
        %parallel_loop3A_906 = tpu.unpack_subelements %parallel_loop3A_905, 0 {pack_format = #tpu.pack_format<interleaved>} : vector<32xbf16> -> vector<16xf32>
        %parallel_loop3A_907 = tpu.unpack_subelements %parallel_loop3A_905, 1 {pack_format = #tpu.pack_format<interleaved>} : vector<32xbf16> -> vector<16xf32>
        %parallel_loop3A_908 = arith.mulf %parallel_loop3A_906, %parallel_loop3A_416 : vector<16xf32>
        %parallel_loop3A_909 = arith.mulf %parallel_loop3A_907, %parallel_loop3A_417 : vector<16xf32>
        %parallel_loop3A_910 = arith.addf %parallel_loop3A_908, %parallel_loop3A_909 : vector<16xf32>
        %parallel_loop3A_911 = arith.addf %parallel_loop3A_900, %parallel_loop3A_910 : vector<16xf32>
        %parallel_loop3A_912 = arith.constant 3 : i32
        %parallel_loop3A_913 = vector.broadcast %parallel_loop3A_912 : i32 to vector<16xi32>
        %parallel_loop3A_914 = arith.addi %parallel_loop3A_879, %parallel_loop3A_913 : vector<16xi32>
        %parallel_loop3A_915 = tpu.vector_load_idx %arg7[%parallel_loop3A_396, %parallel_loop3A_914] : memref<512x64xi32, #tpu.memory_space<vmem>>[vector<16xi32>, vector<16xi32>], vector<16xi32>,
        %parallel_loop3A_916 = vector.bitcast %parallel_loop3A_915 : vector<16xi32> to vector<32xbf16>
        %parallel_loop3A_917 = tpu.unpack_subelements %parallel_loop3A_916, 0 {pack_format = #tpu.pack_format<interleaved>} : vector<32xbf16> -> vector<16xf32>
        %parallel_loop3A_918 = tpu.unpack_subelements %parallel_loop3A_916, 1 {pack_format = #tpu.pack_format<interleaved>} : vector<32xbf16> -> vector<16xf32>
        %parallel_loop3A_919 = arith.mulf %parallel_loop3A_917, %parallel_loop3A_423 : vector<16xf32>
        %parallel_loop3A_920 = arith.mulf %parallel_loop3A_918, %parallel_loop3A_424 : vector<16xf32>
        %parallel_loop3A_921 = arith.addf %parallel_loop3A_919, %parallel_loop3A_920 : vector<16xf32>
        %parallel_loop3A_922 = arith.addf %parallel_loop3A_911, %parallel_loop3A_921 : vector<16xf32>
        %parallel_loop3A_923 = arith.constant 4 : i32
        %parallel_loop3A_924 = vector.broadcast %parallel_loop3A_923 : i32 to vector<16xi32>
        %parallel_loop3A_925 = arith.addi %parallel_loop3A_879, %parallel_loop3A_924 : vector<16xi32>
        %parallel_loop3A_926 = tpu.vector_load_idx %arg7[%parallel_loop3A_396, %parallel_loop3A_925] : memref<512x64xi32, #tpu.memory_space<vmem>>[vector<16xi32>, vector<16xi32>], vector<16xi32>,
        %parallel_loop3A_927 = vector.bitcast %parallel_loop3A_926 : vector<16xi32> to vector<32xbf16>
        %parallel_loop3A_928 = tpu.unpack_subelements %parallel_loop3A_927, 0 {pack_format = #tpu.pack_format<interleaved>} : vector<32xbf16> -> vector<16xf32>
        %parallel_loop3A_929 = tpu.unpack_subelements %parallel_loop3A_927, 1 {pack_format = #tpu.pack_format<interleaved>} : vector<32xbf16> -> vector<16xf32>
        %parallel_loop3A_930 = arith.mulf %parallel_loop3A_928, %parallel_loop3A_430 : vector<16xf32>
        %parallel_loop3A_931 = arith.mulf %parallel_loop3A_929, %parallel_loop3A_431 : vector<16xf32>
        %parallel_loop3A_932 = arith.addf %parallel_loop3A_930, %parallel_loop3A_931 : vector<16xf32>
        %parallel_loop3A_933 = arith.addf %parallel_loop3A_922, %parallel_loop3A_932 : vector<16xf32>
        %parallel_loop3A_934 = arith.constant 5 : i32
        %parallel_loop3A_935 = vector.broadcast %parallel_loop3A_934 : i32 to vector<16xi32>
        %parallel_loop3A_936 = arith.addi %parallel_loop3A_879, %parallel_loop3A_935 : vector<16xi32>
        %parallel_loop3A_937 = tpu.vector_load_idx %arg7[%parallel_loop3A_396, %parallel_loop3A_936] : memref<512x64xi32, #tpu.memory_space<vmem>>[vector<16xi32>, vector<16xi32>], vector<16xi32>,
        %parallel_loop3A_938 = vector.bitcast %parallel_loop3A_937 : vector<16xi32> to vector<32xbf16>
        %parallel_loop3A_939 = tpu.unpack_subelements %parallel_loop3A_938, 0 {pack_format = #tpu.pack_format<interleaved>} : vector<32xbf16> -> vector<16xf32>
        %parallel_loop3A_940 = tpu.unpack_subelements %parallel_loop3A_938, 1 {pack_format = #tpu.pack_format<interleaved>} : vector<32xbf16> -> vector<16xf32>
        %parallel_loop3A_941 = arith.mulf %parallel_loop3A_939, %parallel_loop3A_437 : vector<16xf32>
        %parallel_loop3A_942 = arith.mulf %parallel_loop3A_940, %parallel_loop3A_438 : vector<16xf32>
        %parallel_loop3A_943 = arith.addf %parallel_loop3A_941, %parallel_loop3A_942 : vector<16xf32>
        %parallel_loop3A_944 = arith.addf %parallel_loop3A_933, %parallel_loop3A_943 : vector<16xf32>
        %parallel_loop3A_945 = arith.constant 6 : i32
        %parallel_loop3A_946 = vector.broadcast %parallel_loop3A_945 : i32 to vector<16xi32>
        %parallel_loop3A_947 = arith.addi %parallel_loop3A_879, %parallel_loop3A_946 : vector<16xi32>
        %parallel_loop3A_948 = tpu.vector_load_idx %arg7[%parallel_loop3A_396, %parallel_loop3A_947] : memref<512x64xi32, #tpu.memory_space<vmem>>[vector<16xi32>, vector<16xi32>], vector<16xi32>,
        %parallel_loop3A_949 = vector.bitcast %parallel_loop3A_948 : vector<16xi32> to vector<32xbf16>
        %parallel_loop3A_950 = tpu.unpack_subelements %parallel_loop3A_949, 0 {pack_format = #tpu.pack_format<interleaved>} : vector<32xbf16> -> vector<16xf32>
        %parallel_loop3A_951 = tpu.unpack_subelements %parallel_loop3A_949, 1 {pack_format = #tpu.pack_format<interleaved>} : vector<32xbf16> -> vector<16xf32>
        %parallel_loop3A_952 = arith.mulf %parallel_loop3A_950, %parallel_loop3A_444 : vector<16xf32>
        %parallel_loop3A_953 = arith.mulf %parallel_loop3A_951, %parallel_loop3A_445 : vector<16xf32>
        %parallel_loop3A_954 = arith.addf %parallel_loop3A_952, %parallel_loop3A_953 : vector<16xf32>
        %parallel_loop3A_955 = arith.addf %parallel_loop3A_944, %parallel_loop3A_954 : vector<16xf32>
        tpu.vector_store_idx %arg11[%parallel_loop3A_876, %parallel_loop3A_396], %parallel_loop3A_955 : memref<8x512xf32, #tpu.memory_space<vmem>>[vector<16xi32>, vector<16xi32>], vector<16xf32>,
        %parallel_loop3A_956 = arith.constant 6 : i32
        %parallel_loop3A_957 = vector.broadcast %parallel_loop3A_956 : i32 to vector<16xi32>
        %parallel_loop3A_958 = arith.addi %parallel_loop3A_394, %parallel_loop3A_957 : vector<16xi32>
        %parallel_loop3A_959 = arith.constant 7 : i32
        %parallel_loop3A_960 = vector.broadcast %parallel_loop3A_959 : i32 to vector<16xi32>
        %parallel_loop3A_961 = arith.andi %parallel_loop3A_958, %parallel_loop3A_960 : vector<16xi32>
        %parallel_loop3A_962 = arith.constant 8 : i32
        %parallel_loop3A_963 = vector.broadcast %parallel_loop3A_962 : i32 to vector<16xi32>
        %parallel_loop3A_964 = arith.muli %parallel_loop3A_961, %parallel_loop3A_963 : vector<16xi32>
        %parallel_loop3A_965 = arith.constant 0 : i32
        %parallel_loop3A_966 = vector.broadcast %parallel_loop3A_965 : i32 to vector<16xi32>
        %parallel_loop3A_967 = arith.addi %parallel_loop3A_964, %parallel_loop3A_966 : vector<16xi32>
        %parallel_loop3A_968 = tpu.vector_load_idx %arg7[%parallel_loop3A_396, %parallel_loop3A_967] : memref<512x64xi32, #tpu.memory_space<vmem>>[vector<16xi32>, vector<16xi32>], vector<16xi32>,
        %parallel_loop3A_969 = vector.bitcast %parallel_loop3A_968 : vector<16xi32> to vector<32xbf16>
        %parallel_loop3A_970 = tpu.unpack_subelements %parallel_loop3A_969, 0 {pack_format = #tpu.pack_format<interleaved>} : vector<32xbf16> -> vector<16xf32>
        %parallel_loop3A_971 = tpu.unpack_subelements %parallel_loop3A_969, 1 {pack_format = #tpu.pack_format<interleaved>} : vector<32xbf16> -> vector<16xf32>
        %parallel_loop3A_972 = arith.mulf %parallel_loop3A_970, %parallel_loop3A_402 : vector<16xf32>
        %parallel_loop3A_973 = arith.mulf %parallel_loop3A_971, %parallel_loop3A_403 : vector<16xf32>
        %parallel_loop3A_974 = arith.addf %parallel_loop3A_972, %parallel_loop3A_973 : vector<16xf32>
        %parallel_loop3A_975 = arith.constant 1 : i32
        %parallel_loop3A_976 = vector.broadcast %parallel_loop3A_975 : i32 to vector<16xi32>
        %parallel_loop3A_977 = arith.addi %parallel_loop3A_964, %parallel_loop3A_976 : vector<16xi32>
        %parallel_loop3A_978 = tpu.vector_load_idx %arg7[%parallel_loop3A_396, %parallel_loop3A_977] : memref<512x64xi32, #tpu.memory_space<vmem>>[vector<16xi32>, vector<16xi32>], vector<16xi32>,
        %parallel_loop3A_979 = vector.bitcast %parallel_loop3A_978 : vector<16xi32> to vector<32xbf16>
        %parallel_loop3A_980 = tpu.unpack_subelements %parallel_loop3A_979, 0 {pack_format = #tpu.pack_format<interleaved>} : vector<32xbf16> -> vector<16xf32>
        %parallel_loop3A_981 = tpu.unpack_subelements %parallel_loop3A_979, 1 {pack_format = #tpu.pack_format<interleaved>} : vector<32xbf16> -> vector<16xf32>
        %parallel_loop3A_982 = arith.mulf %parallel_loop3A_980, %parallel_loop3A_409 : vector<16xf32>
        %parallel_loop3A_983 = arith.mulf %parallel_loop3A_981, %parallel_loop3A_410 : vector<16xf32>
        %parallel_loop3A_984 = arith.addf %parallel_loop3A_982, %parallel_loop3A_983 : vector<16xf32>
        %parallel_loop3A_985 = arith.addf %parallel_loop3A_974, %parallel_loop3A_984 : vector<16xf32>
        %parallel_loop3A_986 = arith.constant 2 : i32
        %parallel_loop3A_987 = vector.broadcast %parallel_loop3A_986 : i32 to vector<16xi32>
        %parallel_loop3A_988 = arith.addi %parallel_loop3A_964, %parallel_loop3A_987 : vector<16xi32>
        %parallel_loop3A_989 = tpu.vector_load_idx %arg7[%parallel_loop3A_396, %parallel_loop3A_988] : memref<512x64xi32, #tpu.memory_space<vmem>>[vector<16xi32>, vector<16xi32>], vector<16xi32>,
        %parallel_loop3A_990 = vector.bitcast %parallel_loop3A_989 : vector<16xi32> to vector<32xbf16>
        %parallel_loop3A_991 = tpu.unpack_subelements %parallel_loop3A_990, 0 {pack_format = #tpu.pack_format<interleaved>} : vector<32xbf16> -> vector<16xf32>
        %parallel_loop3A_992 = tpu.unpack_subelements %parallel_loop3A_990, 1 {pack_format = #tpu.pack_format<interleaved>} : vector<32xbf16> -> vector<16xf32>
        %parallel_loop3A_993 = arith.mulf %parallel_loop3A_991, %parallel_loop3A_416 : vector<16xf32>
        %parallel_loop3A_994 = arith.mulf %parallel_loop3A_992, %parallel_loop3A_417 : vector<16xf32>
        %parallel_loop3A_995 = arith.addf %parallel_loop3A_993, %parallel_loop3A_994 : vector<16xf32>
        %parallel_loop3A_996 = arith.addf %parallel_loop3A_985, %parallel_loop3A_995 : vector<16xf32>
        %parallel_loop3A_997 = arith.constant 3 : i32
        %parallel_loop3A_998 = vector.broadcast %parallel_loop3A_997 : i32 to vector<16xi32>
        %parallel_loop3A_999 = arith.addi %parallel_loop3A_964, %parallel_loop3A_998 : vector<16xi32>
        %parallel_loop3A_1000 = tpu.vector_load_idx %arg7[%parallel_loop3A_396, %parallel_loop3A_999] : memref<512x64xi32, #tpu.memory_space<vmem>>[vector<16xi32>, vector<16xi32>], vector<16xi32>,
        %parallel_loop3A_1001 = vector.bitcast %parallel_loop3A_1000 : vector<16xi32> to vector<32xbf16>
        %parallel_loop3A_1002 = tpu.unpack_subelements %parallel_loop3A_1001, 0 {pack_format = #tpu.pack_format<interleaved>} : vector<32xbf16> -> vector<16xf32>
        %parallel_loop3A_1003 = tpu.unpack_subelements %parallel_loop3A_1001, 1 {pack_format = #tpu.pack_format<interleaved>} : vector<32xbf16> -> vector<16xf32>
        %parallel_loop3A_1004 = arith.mulf %parallel_loop3A_1002, %parallel_loop3A_423 : vector<16xf32>
        %parallel_loop3A_1005 = arith.mulf %parallel_loop3A_1003, %parallel_loop3A_424 : vector<16xf32>
        %parallel_loop3A_1006 = arith.addf %parallel_loop3A_1004, %parallel_loop3A_1005 : vector<16xf32>
        %parallel_loop3A_1007 = arith.addf %parallel_loop3A_996, %parallel_loop3A_1006 : vector<16xf32>
        %parallel_loop3A_1008 = arith.constant 4 : i32
        %parallel_loop3A_1009 = vector.broadcast %parallel_loop3A_1008 : i32 to vector<16xi32>
        %parallel_loop3A_1010 = arith.addi %parallel_loop3A_964, %parallel_loop3A_1009 : vector<16xi32>
        %parallel_loop3A_1011 = tpu.vector_load_idx %arg7[%parallel_loop3A_396, %parallel_loop3A_1010] : memref<512x64xi32, #tpu.memory_space<vmem>>[vector<16xi32>, vector<16xi32>], vector<16xi32>,
        %parallel_loop3A_1012 = vector.bitcast %parallel_loop3A_1011 : vector<16xi32> to vector<32xbf16>
        %parallel_loop3A_1013 = tpu.unpack_subelements %parallel_loop3A_1012, 0 {pack_format = #tpu.pack_format<interleaved>} : vector<32xbf16> -> vector<16xf32>
        %parallel_loop3A_1014 = tpu.unpack_subelements %parallel_loop3A_1012, 1 {pack_format = #tpu.pack_format<interleaved>} : vector<32xbf16> -> vector<16xf32>
        %parallel_loop3A_1015 = arith.mulf %parallel_loop3A_1013, %parallel_loop3A_430 : vector<16xf32>
        %parallel_loop3A_1016 = arith.mulf %parallel_loop3A_1014, %parallel_loop3A_431 : vector<16xf32>
        %parallel_loop3A_1017 = arith.addf %parallel_loop3A_1015, %parallel_loop3A_1016 : vector<16xf32>
        %parallel_loop3A_1018 = arith.addf %parallel_loop3A_1007, %parallel_loop3A_1017 : vector<16xf32>
        %parallel_loop3A_1019 = arith.constant 5 : i32
        %parallel_loop3A_1020 = vector.broadcast %parallel_loop3A_1019 : i32 to vector<16xi32>
        %parallel_loop3A_1021 = arith.addi %parallel_loop3A_964, %parallel_loop3A_1020 : vector<16xi32>
        %parallel_loop3A_1022 = tpu.vector_load_idx %arg7[%parallel_loop3A_396, %parallel_loop3A_1021] : memref<512x64xi32, #tpu.memory_space<vmem>>[vector<16xi32>, vector<16xi32>], vector<16xi32>,
        %parallel_loop3A_1023 = vector.bitcast %parallel_loop3A_1022 : vector<16xi32> to vector<32xbf16>
        %parallel_loop3A_1024 = tpu.unpack_subelements %parallel_loop3A_1023, 0 {pack_format = #tpu.pack_format<interleaved>} : vector<32xbf16> -> vector<16xf32>
        %parallel_loop3A_1025 = tpu.unpack_subelements %parallel_loop3A_1023, 1 {pack_format = #tpu.pack_format<interleaved>} : vector<32xbf16> -> vector<16xf32>
        %parallel_loop3A_1026 = arith.mulf %parallel_loop3A_1024, %parallel_loop3A_437 : vector<16xf32>
        %parallel_loop3A_1027 = arith.mulf %parallel_loop3A_1025, %parallel_loop3A_438 : vector<16xf32>
        %parallel_loop3A_1028 = arith.addf %parallel_loop3A_1026, %parallel_loop3A_1027 : vector<16xf32>
        %parallel_loop3A_1029 = arith.addf %parallel_loop3A_1018, %parallel_loop3A_1028 : vector<16xf32>
        %parallel_loop3A_1030 = arith.constant 6 : i32
        %parallel_loop3A_1031 = vector.broadcast %parallel_loop3A_1030 : i32 to vector<16xi32>
        %parallel_loop3A_1032 = arith.addi %parallel_loop3A_964, %parallel_loop3A_1031 : vector<16xi32>
        %parallel_loop3A_1033 = tpu.vector_load_idx %arg7[%parallel_loop3A_396, %parallel_loop3A_1032] : memref<512x64xi32, #tpu.memory_space<vmem>>[vector<16xi32>, vector<16xi32>], vector<16xi32>,
        %parallel_loop3A_1034 = vector.bitcast %parallel_loop3A_1033 : vector<16xi32> to vector<32xbf16>
        %parallel_loop3A_1035 = tpu.unpack_subelements %parallel_loop3A_1034, 0 {pack_format = #tpu.pack_format<interleaved>} : vector<32xbf16> -> vector<16xf32>
        %parallel_loop3A_1036 = tpu.unpack_subelements %parallel_loop3A_1034, 1 {pack_format = #tpu.pack_format<interleaved>} : vector<32xbf16> -> vector<16xf32>
        %parallel_loop3A_1037 = arith.mulf %parallel_loop3A_1035, %parallel_loop3A_444 : vector<16xf32>
        %parallel_loop3A_1038 = arith.mulf %parallel_loop3A_1036, %parallel_loop3A_445 : vector<16xf32>
        %parallel_loop3A_1039 = arith.addf %parallel_loop3A_1037, %parallel_loop3A_1038 : vector<16xf32>
        %parallel_loop3A_1040 = arith.addf %parallel_loop3A_1029, %parallel_loop3A_1039 : vector<16xf32>
        tpu.vector_store_idx %arg11[%parallel_loop3A_961, %parallel_loop3A_396], %parallel_loop3A_1040 : memref<8x512xf32, #tpu.memory_space<vmem>>[vector<16xi32>, vector<16xi32>], vector<16xf32>,
        %parallel_loop3A_1041 = arith.constant 7 : i32
        %parallel_loop3A_1042 = vector.broadcast %parallel_loop3A_1041 : i32 to vector<16xi32>
        %parallel_loop3A_1043 = arith.addi %parallel_loop3A_394, %parallel_loop3A_1042 : vector<16xi32>
        %parallel_loop3A_1044 = arith.constant 7 : i32
        %parallel_loop3A_1045 = vector.broadcast %parallel_loop3A_1044 : i32 to vector<16xi32>
        %parallel_loop3A_1046 = arith.andi %parallel_loop3A_1043, %parallel_loop3A_1045 : vector<16xi32>
        %parallel_loop3A_1047 = arith.constant 8 : i32
        %parallel_loop3A_1048 = vector.broadcast %parallel_loop3A_1047 : i32 to vector<16xi32>
        %parallel_loop3A_1049 = arith.muli %parallel_loop3A_1046, %parallel_loop3A_1048 : vector<16xi32>
        %parallel_loop3A_1050 = arith.constant 0 : i32
        %parallel_loop3A_1051 = vector.broadcast %parallel_loop3A_1050 : i32 to vector<16xi32>
        %parallel_loop3A_1052 = arith.addi %parallel_loop3A_1049, %parallel_loop3A_1051 : vector<16xi32>
        %parallel_loop3A_1053 = tpu.vector_load_idx %arg7[%parallel_loop3A_396, %parallel_loop3A_1052] : memref<512x64xi32, #tpu.memory_space<vmem>>[vector<16xi32>, vector<16xi32>], vector<16xi32>,
        %parallel_loop3A_1054 = vector.bitcast %parallel_loop3A_1053 : vector<16xi32> to vector<32xbf16>
        %parallel_loop3A_1055 = tpu.unpack_subelements %parallel_loop3A_1054, 0 {pack_format = #tpu.pack_format<interleaved>} : vector<32xbf16> -> vector<16xf32>
        %parallel_loop3A_1056 = tpu.unpack_subelements %parallel_loop3A_1054, 1 {pack_format = #tpu.pack_format<interleaved>} : vector<32xbf16> -> vector<16xf32>
        %parallel_loop3A_1057 = arith.mulf %parallel_loop3A_1055, %parallel_loop3A_402 : vector<16xf32>
        %parallel_loop3A_1058 = arith.mulf %parallel_loop3A_1056, %parallel_loop3A_403 : vector<16xf32>
        %parallel_loop3A_1059 = arith.addf %parallel_loop3A_1057, %parallel_loop3A_1058 : vector<16xf32>
        %parallel_loop3A_1060 = arith.constant 1 : i32
        %parallel_loop3A_1061 = vector.broadcast %parallel_loop3A_1060 : i32 to vector<16xi32>
        %parallel_loop3A_1062 = arith.addi %parallel_loop3A_1049, %parallel_loop3A_1061 : vector<16xi32>
        %parallel_loop3A_1063 = tpu.vector_load_idx %arg7[%parallel_loop3A_396, %parallel_loop3A_1062] : memref<512x64xi32, #tpu.memory_space<vmem>>[vector<16xi32>, vector<16xi32>], vector<16xi32>,
        %parallel_loop3A_1064 = vector.bitcast %parallel_loop3A_1063 : vector<16xi32> to vector<32xbf16>
        %parallel_loop3A_1065 = tpu.unpack_subelements %parallel_loop3A_1064, 0 {pack_format = #tpu.pack_format<interleaved>} : vector<32xbf16> -> vector<16xf32>
        %parallel_loop3A_1066 = tpu.unpack_subelements %parallel_loop3A_1064, 1 {pack_format = #tpu.pack_format<interleaved>} : vector<32xbf16> -> vector<16xf32>
        %parallel_loop3A_1067 = arith.mulf %parallel_loop3A_1065, %parallel_loop3A_409 : vector<16xf32>
        %parallel_loop3A_1068 = arith.mulf %parallel_loop3A_1066, %parallel_loop3A_410 : vector<16xf32>
        %parallel_loop3A_1069 = arith.addf %parallel_loop3A_1067, %parallel_loop3A_1068 : vector<16xf32>
        %parallel_loop3A_1070 = arith.addf %parallel_loop3A_1059, %parallel_loop3A_1069 : vector<16xf32>
        %parallel_loop3A_1071 = arith.constant 2 : i32
        %parallel_loop3A_1072 = vector.broadcast %parallel_loop3A_1071 : i32 to vector<16xi32>
        %parallel_loop3A_1073 = arith.addi %parallel_loop3A_1049, %parallel_loop3A_1072 : vector<16xi32>
        %parallel_loop3A_1074 = tpu.vector_load_idx %arg7[%parallel_loop3A_396, %parallel_loop3A_1073] : memref<512x64xi32, #tpu.memory_space<vmem>>[vector<16xi32>, vector<16xi32>], vector<16xi32>,
        %parallel_loop3A_1075 = vector.bitcast %parallel_loop3A_1074 : vector<16xi32> to vector<32xbf16>
        %parallel_loop3A_1076 = tpu.unpack_subelements %parallel_loop3A_1075, 0 {pack_format = #tpu.pack_format<interleaved>} : vector<32xbf16> -> vector<16xf32>
        %parallel_loop3A_1077 = tpu.unpack_subelements %parallel_loop3A_1075, 1 {pack_format = #tpu.pack_format<interleaved>} : vector<32xbf16> -> vector<16xf32>
        %parallel_loop3A_1078 = arith.mulf %parallel_loop3A_1076, %parallel_loop3A_416 : vector<16xf32>
        %parallel_loop3A_1079 = arith.mulf %parallel_loop3A_1077, %parallel_loop3A_417 : vector<16xf32>
        %parallel_loop3A_1080 = arith.addf %parallel_loop3A_1078, %parallel_loop3A_1079 : vector<16xf32>
        %parallel_loop3A_1081 = arith.addf %parallel_loop3A_1070, %parallel_loop3A_1080 : vector<16xf32>
        %parallel_loop3A_1082 = arith.constant 3 : i32
        %parallel_loop3A_1083 = vector.broadcast %parallel_loop3A_1082 : i32 to vector<16xi32>
        %parallel_loop3A_1084 = arith.addi %parallel_loop3A_1049, %parallel_loop3A_1083 : vector<16xi32>
        %parallel_loop3A_1085 = tpu.vector_load_idx %arg7[%parallel_loop3A_396, %parallel_loop3A_1084] : memref<512x64xi32, #tpu.memory_space<vmem>>[vector<16xi32>, vector<16xi32>], vector<16xi32>,
        %parallel_loop3A_1086 = vector.bitcast %parallel_loop3A_1085 : vector<16xi32> to vector<32xbf16>
        %parallel_loop3A_1087 = tpu.unpack_subelements %parallel_loop3A_1086, 0 {pack_format = #tpu.pack_format<interleaved>} : vector<32xbf16> -> vector<16xf32>
        %parallel_loop3A_1088 = tpu.unpack_subelements %parallel_loop3A_1086, 1 {pack_format = #tpu.pack_format<interleaved>} : vector<32xbf16> -> vector<16xf32>
        %parallel_loop3A_1089 = arith.mulf %parallel_loop3A_1087, %parallel_loop3A_423 : vector<16xf32>
        %parallel_loop3A_1090 = arith.mulf %parallel_loop3A_1088, %parallel_loop3A_424 : vector<16xf32>
        %parallel_loop3A_1091 = arith.addf %parallel_loop3A_1089, %parallel_loop3A_1090 : vector<16xf32>
        %parallel_loop3A_1092 = arith.addf %parallel_loop3A_1081, %parallel_loop3A_1091 : vector<16xf32>
        %parallel_loop3A_1093 = arith.constant 4 : i32
        %parallel_loop3A_1094 = vector.broadcast %parallel_loop3A_1093 : i32 to vector<16xi32>
        %parallel_loop3A_1095 = arith.addi %parallel_loop3A_1049, %parallel_loop3A_1094 : vector<16xi32>
        %parallel_loop3A_1096 = tpu.vector_load_idx %arg7[%parallel_loop3A_396, %parallel_loop3A_1095] : memref<512x64xi32, #tpu.memory_space<vmem>>[vector<16xi32>, vector<16xi32>], vector<16xi32>,
        %parallel_loop3A_1097 = vector.bitcast %parallel_loop3A_1096 : vector<16xi32> to vector<32xbf16>
        %parallel_loop3A_1098 = tpu.unpack_subelements %parallel_loop3A_1097, 0 {pack_format = #tpu.pack_format<interleaved>} : vector<32xbf16> -> vector<16xf32>
        %parallel_loop3A_1099 = tpu.unpack_subelements %parallel_loop3A_1097, 1 {pack_format = #tpu.pack_format<interleaved>} : vector<32xbf16> -> vector<16xf32>
        %parallel_loop3A_1100 = arith.mulf %parallel_loop3A_1098, %parallel_loop3A_430 : vector<16xf32>
        %parallel_loop3A_1101 = arith.mulf %parallel_loop3A_1099, %parallel_loop3A_431 : vector<16xf32>
        %parallel_loop3A_1102 = arith.addf %parallel_loop3A_1100, %parallel_loop3A_1101 : vector<16xf32>
        %parallel_loop3A_1103 = arith.addf %parallel_loop3A_1092, %parallel_loop3A_1102 : vector<16xf32>
        %parallel_loop3A_1104 = arith.constant 5 : i32
        %parallel_loop3A_1105 = vector.broadcast %parallel_loop3A_1104 : i32 to vector<16xi32>
        %parallel_loop3A_1106 = arith.addi %parallel_loop3A_1049, %parallel_loop3A_1105 : vector<16xi32>
        %parallel_loop3A_1107 = tpu.vector_load_idx %arg7[%parallel_loop3A_396, %parallel_loop3A_1106] : memref<512x64xi32, #tpu.memory_space<vmem>>[vector<16xi32>, vector<16xi32>], vector<16xi32>,
        %parallel_loop3A_1108 = vector.bitcast %parallel_loop3A_1107 : vector<16xi32> to vector<32xbf16>
        %parallel_loop3A_1109 = tpu.unpack_subelements %parallel_loop3A_1108, 0 {pack_format = #tpu.pack_format<interleaved>} : vector<32xbf16> -> vector<16xf32>
        %parallel_loop3A_1110 = tpu.unpack_subelements %parallel_loop3A_1108, 1 {pack_format = #tpu.pack_format<interleaved>} : vector<32xbf16> -> vector<16xf32>
        %parallel_loop3A_1111 = arith.mulf %parallel_loop3A_1109, %parallel_loop3A_437 : vector<16xf32>
        %parallel_loop3A_1112 = arith.mulf %parallel_loop3A_1110, %parallel_loop3A_438 : vector<16xf32>
        %parallel_loop3A_1113 = arith.addf %parallel_loop3A_1111, %parallel_loop3A_1112 : vector<16xf32>
        %parallel_loop3A_1114 = arith.addf %parallel_loop3A_1103, %parallel_loop3A_1113 : vector<16xf32>
        %parallel_loop3A_1115 = arith.constant 6 : i32
        %parallel_loop3A_1116 = vector.broadcast %parallel_loop3A_1115 : i32 to vector<16xi32>
        %parallel_loop3A_1117 = arith.addi %parallel_loop3A_1049, %parallel_loop3A_1116 : vector<16xi32>
        %parallel_loop3A_1118 = tpu.vector_load_idx %arg7[%parallel_loop3A_396, %parallel_loop3A_1117] : memref<512x64xi32, #tpu.memory_space<vmem>>[vector<16xi32>, vector<16xi32>], vector<16xi32>,
        %parallel_loop3A_1119 = vector.bitcast %parallel_loop3A_1118 : vector<16xi32> to vector<32xbf16>
        %parallel_loop3A_1120 = tpu.unpack_subelements %parallel_loop3A_1119, 0 {pack_format = #tpu.pack_format<interleaved>} : vector<32xbf16> -> vector<16xf32>
        %parallel_loop3A_1121 = tpu.unpack_subelements %parallel_loop3A_1119, 1 {pack_format = #tpu.pack_format<interleaved>} : vector<32xbf16> -> vector<16xf32>
        %parallel_loop3A_1122 = arith.mulf %parallel_loop3A_1120, %parallel_loop3A_444 : vector<16xf32>
        %parallel_loop3A_1123 = arith.mulf %parallel_loop3A_1121, %parallel_loop3A_445 : vector<16xf32>
        %parallel_loop3A_1124 = arith.addf %parallel_loop3A_1122, %parallel_loop3A_1123 : vector<16xf32>
        %parallel_loop3A_1125 = arith.addf %parallel_loop3A_1114, %parallel_loop3A_1124 : vector<16xf32>
        tpu.vector_store_idx %arg11[%parallel_loop3A_1046, %parallel_loop3A_396], %parallel_loop3A_1125 : memref<8x512xf32, #tpu.memory_space<vmem>>[vector<16xi32>, vector<16xi32>], vector<16xf32>,
      } {sc.loop_unroll_factor = 1 : i64, sc.parallel_access}
      %mul3A_242 = arith.constant 512 : i32
      %mul3A_243 = arith.muli %add3A_116, %mul3A_242 : i32
      %add3A_244 = arith.addi %mul3A_2, %mul3A_243 : i32
      %dma_start3A_245 = arith.constant 0 : i32
      %dma_start3A_246 = tpu.memref_slice %arg5[%dma_start3A_245, %add3A_244] : memref<8x524288xf32, #tpu.memory_space<hbm>> -> memref<8x512xf32, #tpu.memory_space<hbm>>
      %dma_start3A_247 = arith.constant 0 : i32
      %dma_start3A_248 = tpu.memref_slice %arg5[%dma_start3A_247, %add3A_244] : memref<8x524288xf32, #tpu.memory_space<hbm>> -> memref<8x512xf32, #tpu.memory_space<hbm>>
      tpu.enqueue_dma source(%arg11 : memref<8x512xf32, #tpu.memory_space<vmem>>) target(%dma_start3A_248 : memref<8x512xf32, #tpu.memory_space<hbm>>) target_semaphore(%arg15 : memref<!tpu.dma_semaphore, #tpu.memory_space<semaphore_mem>>)
      %mul3A_249 = arith.constant 2 : i32
      %mul3A_250 = arith.muli %scan3A_112, %mul3A_249 : i32
      %add3A_251 = arith.constant 1 : i32
      %add3A_252 = arith.addi %mul3A_250, %add3A_251 : i32
      %mul3A_253 = arith.constant 512 : i32
      %mul3A_254 = arith.muli %add3A_252, %mul3A_253 : i32
      %add3A_255 = arith.addi %mul3A_2, %mul3A_254 : i32
      %mul3A_256 = arith.constant 4 : i32
      %mul3A_257 = arith.muli %add3A_252, %mul3A_256 : i32
      %add3A_258 = arith.constant 0 : i32
      %add3A_259 = arith.addi %mul3A_257, %add3A_258 : i32
      %mul3A_260 = arith.constant 4 : i32
      %mul3A_261 = arith.muli %add3A_252, %mul3A_260 : i32
      %add3A_262 = arith.constant 1 : i32
      %add3A_263 = arith.addi %mul3A_261, %add3A_262 : i32
      %mul3A_264 = arith.constant 4 : i32
      %mul3A_265 = arith.muli %add3A_252, %mul3A_264 : i32
      %add3A_266 = arith.constant 2 : i32
      %add3A_267 = arith.addi %mul3A_265, %add3A_266 : i32
      %mul3A_268 = arith.constant 4 : i32
      %mul3A_269 = arith.muli %add3A_252, %mul3A_268 : i32
      %add3A_270 = arith.constant 3 : i32
      %add3A_271 = arith.addi %mul3A_269, %add3A_270 : i32
      %dma_wait3A_272 = arith.constant 0 : i32
      %dma_wait3A_273 = tpu.memref_slice %arg4[%dma_wait3A_272, %add3A_255] : memref<7x524288xi32, #tpu.memory_space<hbm>> -> memref<7x512xi32, #tpu.memory_space<hbm>>
      %dma_wait3A_274 = arith.constant 0 : i32
      %dma_wait3A_275 = tpu.memref_slice %arg4[%dma_wait3A_274, %add3A_255] : memref<7x524288xi32, #tpu.memory_space<hbm>> -> memref<7x512xi32, #tpu.memory_space<hbm>>
      tpu.wait_dma2 semaphore(%arg14 : memref<!tpu.dma_semaphore, #tpu.memory_space<semaphore_mem>>) src(%dma_wait3A_275 : memref<7x512xi32, #tpu.memory_space<hbm>>) dst(%arg10 : memref<7x512xi32, #tpu.memory_space<vmem>>)
      %dma_wait3A_276 = arith.constant 0 : i32
      %dma_wait3A_277 = arith.constant 0 : i32
      %dma_wait3A_278 = tpu.memref_slice %arg8[%dma_wait3A_276, %dma_wait3A_277] : memref<512x64xi32, #tpu.memory_space<vmem>> -> memref<128x64xi32, #tpu.memory_space<vmem>>
      %dma_wait3A_279 = arith.constant 0 : i32
      %dma_wait3A_280 = tpu.memref_slice %arg6[%add3A_259, %dma_wait3A_279] : memref<128x128xi32, #tpu.memory_space<vmem>> -> memref<1x128xi32, #tpu.memory_space<vmem>>
      %dma_wait3A_281 = tpu.memref_squeeze %dma_wait3A_280 : memref<1x128xi32, #tpu.memory_space<vmem>> -> memref<128xi32, #tpu.memory_space<vmem>>
      %dma_wait3A_282 = arith.constant 0 : i32
      %dma_wait3A_283 = arith.constant 0 : i32
      %dma_wait3A_284 = tpu.memref_slice %arg2[%dma_wait3A_282, %dma_wait3A_283] : memref<65536x64xi32, #tpu.memory_space<hbm>> -> memref<65536x64xi32, #tpu.memory_space<hbm>>
      tpu.wait_indirect_dma semaphore(%arg14 : memref<!tpu.dma_semaphore, #tpu.memory_space<semaphore_mem>>) src(%dma_wait3A_284 : memref<65536x64xi32, #tpu.memory_space<hbm>>) dst(%dma_wait3A_278 : memref<128x64xi32, #tpu.memory_space<vmem>>)
      %dma_wait3A_285 = arith.constant 128 : i32
      %dma_wait3A_286 = arith.constant 0 : i32
      %dma_wait3A_287 = tpu.memref_slice %arg8[%dma_wait3A_285, %dma_wait3A_286] : memref<512x64xi32, #tpu.memory_space<vmem>> -> memref<128x64xi32, #tpu.memory_space<vmem>>
      %dma_wait3A_288 = arith.constant 0 : i32
      %dma_wait3A_289 = tpu.memref_slice %arg6[%add3A_263, %dma_wait3A_288] : memref<128x128xi32, #tpu.memory_space<vmem>> -> memref<1x128xi32, #tpu.memory_space<vmem>>
      %dma_wait3A_290 = tpu.memref_squeeze %dma_wait3A_289 : memref<1x128xi32, #tpu.memory_space<vmem>> -> memref<128xi32, #tpu.memory_space<vmem>>
      %dma_wait3A_291 = arith.constant 0 : i32
      %dma_wait3A_292 = arith.constant 0 : i32
      %dma_wait3A_293 = tpu.memref_slice %arg2[%dma_wait3A_291, %dma_wait3A_292] : memref<65536x64xi32, #tpu.memory_space<hbm>> -> memref<65536x64xi32, #tpu.memory_space<hbm>>
      tpu.wait_indirect_dma semaphore(%arg14 : memref<!tpu.dma_semaphore, #tpu.memory_space<semaphore_mem>>) src(%dma_wait3A_293 : memref<65536x64xi32, #tpu.memory_space<hbm>>) dst(%dma_wait3A_287 : memref<128x64xi32, #tpu.memory_space<vmem>>)
      %dma_wait3A_294 = arith.constant 256 : i32
      %dma_wait3A_295 = arith.constant 0 : i32
      %dma_wait3A_296 = tpu.memref_slice %arg8[%dma_wait3A_294, %dma_wait3A_295] : memref<512x64xi32, #tpu.memory_space<vmem>> -> memref<128x64xi32, #tpu.memory_space<vmem>>
      %dma_wait3A_297 = arith.constant 0 : i32
      %dma_wait3A_298 = tpu.memref_slice %arg6[%add3A_267, %dma_wait3A_297] : memref<128x128xi32, #tpu.memory_space<vmem>> -> memref<1x128xi32, #tpu.memory_space<vmem>>
      %dma_wait3A_299 = tpu.memref_squeeze %dma_wait3A_298 : memref<1x128xi32, #tpu.memory_space<vmem>> -> memref<128xi32, #tpu.memory_space<vmem>>
      %dma_wait3A_300 = arith.constant 0 : i32
      %dma_wait3A_301 = arith.constant 0 : i32
      %dma_wait3A_302 = tpu.memref_slice %arg2[%dma_wait3A_300, %dma_wait3A_301] : memref<65536x64xi32, #tpu.memory_space<hbm>> -> memref<65536x64xi32, #tpu.memory_space<hbm>>
      tpu.wait_indirect_dma semaphore(%arg14 : memref<!tpu.dma_semaphore, #tpu.memory_space<semaphore_mem>>) src(%dma_wait3A_302 : memref<65536x64xi32, #tpu.memory_space<hbm>>) dst(%dma_wait3A_296 : memref<128x64xi32, #tpu.memory_space<vmem>>)
      %dma_wait3A_303 = arith.constant 384 : i32
      %dma_wait3A_304 = arith.constant 0 : i32
      %dma_wait3A_305 = tpu.memref_slice %arg8[%dma_wait3A_303, %dma_wait3A_304] : memref<512x64xi32, #tpu.memory_space<vmem>> -> memref<128x64xi32, #tpu.memory_space<vmem>>
      %dma_wait3A_306 = arith.constant 0 : i32
      %dma_wait3A_307 = tpu.memref_slice %arg6[%add3A_271, %dma_wait3A_306] : memref<128x128xi32, #tpu.memory_space<vmem>> -> memref<1x128xi32, #tpu.memory_space<vmem>>
      %dma_wait3A_308 = tpu.memref_squeeze %dma_wait3A_307 : memref<1x128xi32, #tpu.memory_space<vmem>> -> memref<128xi32, #tpu.memory_space<vmem>>
      %dma_wait3A_309 = arith.constant 0 : i32
      %dma_wait3A_310 = arith.constant 0 : i32
      %dma_wait3A_311 = tpu.memref_slice %arg2[%dma_wait3A_309, %dma_wait3A_310] : memref<65536x64xi32, #tpu.memory_space<hbm>> -> memref<65536x64xi32, #tpu.memory_space<hbm>>
      tpu.wait_indirect_dma semaphore(%arg14 : memref<!tpu.dma_semaphore, #tpu.memory_space<semaphore_mem>>) src(%dma_wait3A_311 : memref<65536x64xi32, #tpu.memory_space<hbm>>) dst(%dma_wait3A_305 : memref<128x64xi32, #tpu.memory_space<vmem>>)
      %add3A_312 = arith.constant 1 : i32
      %add3A_313 = arith.addi %add3A_252, %add3A_312 : i32
      %min3A_314 = arith.constant 31 : i32
      %min3A_315 = arith.minsi %add3A_313, %min3A_314 : i32
      %mul3A_316 = arith.constant 512 : i32
      %mul3A_317 = arith.muli %min3A_315, %mul3A_316 : i32
      %add3A_318 = arith.addi %mul3A_2, %mul3A_317 : i32
      %mul3A_319 = arith.constant 4 : i32
      %mul3A_320 = arith.muli %min3A_315, %mul3A_319 : i32
      %add3A_321 = arith.constant 0 : i32
      %add3A_322 = arith.addi %mul3A_320, %add3A_321 : i32
      %mul3A_323 = arith.constant 4 : i32
      %mul3A_324 = arith.muli %min3A_315, %mul3A_323 : i32
      %add3A_325 = arith.constant 1 : i32
      %add3A_326 = arith.addi %mul3A_324, %add3A_325 : i32
      %mul3A_327 = arith.constant 4 : i32
      %mul3A_328 = arith.muli %min3A_315, %mul3A_327 : i32
      %add3A_329 = arith.constant 2 : i32
      %add3A_330 = arith.addi %mul3A_328, %add3A_329 : i32
      %mul3A_331 = arith.constant 4 : i32
      %mul3A_332 = arith.muli %min3A_315, %mul3A_331 : i32
      %add3A_333 = arith.constant 3 : i32
      %add3A_334 = arith.addi %mul3A_332, %add3A_333 : i32
      %dma_start3A_335 = arith.constant 0 : i32
      %dma_start3A_336 = tpu.memref_slice %arg4[%dma_start3A_335, %add3A_318] : memref<7x524288xi32, #tpu.memory_space<hbm>> -> memref<7x512xi32, #tpu.memory_space<hbm>>
      %dma_start3A_337 = arith.constant 0 : i32
      %dma_start3A_338 = tpu.memref_slice %arg4[%dma_start3A_337, %add3A_318] : memref<7x524288xi32, #tpu.memory_space<hbm>> -> memref<7x512xi32, #tpu.memory_space<hbm>>
      tpu.enqueue_dma source(%dma_start3A_338 : memref<7x512xi32, #tpu.memory_space<hbm>>) target(%arg9 : memref<7x512xi32, #tpu.memory_space<vmem>>) target_semaphore(%arg13 : memref<!tpu.dma_semaphore, #tpu.memory_space<semaphore_mem>>)
      %dma_start3A_339 = arith.constant 0 : i32
      %dma_start3A_340 = arith.constant 0 : i32
      %dma_start3A_341 = tpu.memref_slice %arg7[%dma_start3A_339, %dma_start3A_340] : memref<512x64xi32, #tpu.memory_space<vmem>> -> memref<128x64xi32, #tpu.memory_space<vmem>>
      %dma_start3A_342 = arith.constant 0 : i32
      %dma_start3A_343 = tpu.memref_slice %arg6[%add3A_322, %dma_start3A_342] : memref<128x128xi32, #tpu.memory_space<vmem>> -> memref<1x128xi32, #tpu.memory_space<vmem>>
      %dma_start3A_344 = tpu.memref_squeeze %dma_start3A_343 : memref<1x128xi32, #tpu.memory_space<vmem>> -> memref<128xi32, #tpu.memory_space<vmem>>
      %dma_start3A_345 = arith.constant 0 : i32
      %dma_start3A_346 = arith.constant 0 : i32
      %dma_start3A_347 = tpu.memref_slice %arg2[%dma_start3A_345, %dma_start3A_346] : memref<65536x64xi32, #tpu.memory_space<hbm>> -> memref<65536x64xi32, #tpu.memory_space<hbm>>
      tpu.enqueue_indirect_dma source(%dma_start3A_347 : memref<65536x64xi32, #tpu.memory_space<hbm>>) target(%dma_start3A_341 : memref<128x64xi32, #tpu.memory_space<vmem>>) offsets(%dma_start3A_344 : memref<128xi32, #tpu.memory_space<vmem>>) semaphore(%arg13 : memref<!tpu.dma_semaphore, #tpu.memory_space<semaphore_mem>>)
      %dma_start3A_348 = arith.constant 128 : i32
      %dma_start3A_349 = arith.constant 0 : i32
      %dma_start3A_350 = tpu.memref_slice %arg7[%dma_start3A_348, %dma_start3A_349] : memref<512x64xi32, #tpu.memory_space<vmem>> -> memref<128x64xi32, #tpu.memory_space<vmem>>
      %dma_start3A_351 = arith.constant 0 : i32
      %dma_start3A_352 = tpu.memref_slice %arg6[%add3A_326, %dma_start3A_351] : memref<128x128xi32, #tpu.memory_space<vmem>> -> memref<1x128xi32, #tpu.memory_space<vmem>>
      %dma_start3A_353 = tpu.memref_squeeze %dma_start3A_352 : memref<1x128xi32, #tpu.memory_space<vmem>> -> memref<128xi32, #tpu.memory_space<vmem>>
      %dma_start3A_354 = arith.constant 0 : i32
      %dma_start3A_355 = arith.constant 0 : i32
      %dma_start3A_356 = tpu.memref_slice %arg2[%dma_start3A_354, %dma_start3A_355] : memref<65536x64xi32, #tpu.memory_space<hbm>> -> memref<65536x64xi32, #tpu.memory_space<hbm>>
      tpu.enqueue_indirect_dma source(%dma_start3A_356 : memref<65536x64xi32, #tpu.memory_space<hbm>>) target(%dma_start3A_350 : memref<128x64xi32, #tpu.memory_space<vmem>>) offsets(%dma_start3A_353 : memref<128xi32, #tpu.memory_space<vmem>>) semaphore(%arg13 : memref<!tpu.dma_semaphore, #tpu.memory_space<semaphore_mem>>)
      %dma_start3A_357 = arith.constant 256 : i32
      %dma_start3A_358 = arith.constant 0 : i32
      %dma_start3A_359 = tpu.memref_slice %arg7[%dma_start3A_357, %dma_start3A_358] : memref<512x64xi32, #tpu.memory_space<vmem>> -> memref<128x64xi32, #tpu.memory_space<vmem>>
      %dma_start3A_360 = arith.constant 0 : i32
      %dma_start3A_361 = tpu.memref_slice %arg6[%add3A_330, %dma_start3A_360] : memref<128x128xi32, #tpu.memory_space<vmem>> -> memref<1x128xi32, #tpu.memory_space<vmem>>
      %dma_start3A_362 = tpu.memref_squeeze %dma_start3A_361 : memref<1x128xi32, #tpu.memory_space<vmem>> -> memref<128xi32, #tpu.memory_space<vmem>>
      %dma_start3A_363 = arith.constant 0 : i32
      %dma_start3A_364 = arith.constant 0 : i32
      %dma_start3A_365 = tpu.memref_slice %arg2[%dma_start3A_363, %dma_start3A_364] : memref<65536x64xi32, #tpu.memory_space<hbm>> -> memref<65536x64xi32, #tpu.memory_space<hbm>>
      tpu.enqueue_indirect_dma source(%dma_start3A_365 : memref<65536x64xi32, #tpu.memory_space<hbm>>) target(%dma_start3A_359 : memref<128x64xi32, #tpu.memory_space<vmem>>) offsets(%dma_start3A_362 : memref<128xi32, #tpu.memory_space<vmem>>) semaphore(%arg13 : memref<!tpu.dma_semaphore, #tpu.memory_space<semaphore_mem>>)
      %dma_start3A_366 = arith.constant 384 : i32
      %dma_start3A_367 = arith.constant 0 : i32
      %dma_start3A_368 = tpu.memref_slice %arg7[%dma_start3A_366, %dma_start3A_367] : memref<512x64xi32, #tpu.memory_space<vmem>> -> memref<128x64xi32, #tpu.memory_space<vmem>>
      %dma_start3A_369 = arith.constant 0 : i32
      %dma_start3A_370 = tpu.memref_slice %arg6[%add3A_334, %dma_start3A_369] : memref<128x128xi32, #tpu.memory_space<vmem>> -> memref<1x128xi32, #tpu.memory_space<vmem>>
      %dma_start3A_371 = tpu.memref_squeeze %dma_start3A_370 : memref<1x128xi32, #tpu.memory_space<vmem>> -> memref<128xi32, #tpu.memory_space<vmem>>
      %dma_start3A_372 = arith.constant 0 : i32
      %dma_start3A_373 = arith.constant 0 : i32
      %dma_start3A_374 = tpu.memref_slice %arg2[%dma_start3A_372, %dma_start3A_373] : memref<65536x64xi32, #tpu.memory_space<hbm>> -> memref<65536x64xi32, #tpu.memory_space<hbm>>
      tpu.enqueue_indirect_dma source(%dma_start3A_374 : memref<65536x64xi32, #tpu.memory_space<hbm>>) target(%dma_start3A_368 : memref<128x64xi32, #tpu.memory_space<vmem>>) offsets(%dma_start3A_371 : memref<128xi32, #tpu.memory_space<vmem>>) semaphore(%arg13 : memref<!tpu.dma_semaphore, #tpu.memory_space<semaphore_mem>>)
      %ge3A_375 = arith.constant 1 : i32
      %ge3A_376 = arith.cmpi sge, %scan3A_112, %ge3A_375 : i32
      %convert_element_type3A_377 = arith.extui %ge3A_376 : i1 to i32
      %cond3A_378 = arith.constant 0 : i32
      %cond3A_379 = arith.cmpi ne, %convert_element_type3A_377, %cond3A_378 : i32
      scf.if %cond3A_379 {
        %mul3A_390 = arith.constant 512 : i32
        %mul3A_391 = arith.muli %add3A_252, %mul3A_390 : i32
        %add3A_392 = arith.addi %mul3A_2, %mul3A_391 : i32
        %dma_wait3A_393 = arith.constant 0 : i32
        %dma_wait3A_394 = tpu.memref_slice %arg5[%dma_wait3A_393, %add3A_392] : memref<8x524288xf32, #tpu.memory_space<hbm>> -> memref<8x512xf32, #tpu.memory_space<hbm>>
        %dma_wait3A_395 = arith.constant 0 : i32
        %dma_wait3A_396 = tpu.memref_slice %arg5[%dma_wait3A_395, %add3A_392] : memref<8x524288xf32, #tpu.memory_space<hbm>> -> memref<8x512xf32, #tpu.memory_space<hbm>>
        tpu.wait_dma2 semaphore(%arg16 : memref<!tpu.dma_semaphore, #tpu.memory_space<semaphore_mem>>) src(%arg12 : memref<8x512xf32, #tpu.memory_space<vmem>>) dst(%dma_wait3A_396 : memref<8x512xf32, #tpu.memory_space<hbm>>)
      } else {
      }
      %parallel_loop3A_380 = arith.constant 0 : i32
      %parallel_loop3A_381 = arith.constant 32 : i32
      %parallel_loop3A_382 = arith.constant 1 : i32
      scf.for %parallel_loop3A_390 = %parallel_loop3A_380 to %parallel_loop3A_381 step %parallel_loop3A_382  : i32 {
        %parallel_loop3A_391 = arith.constant 16 : i32
        %parallel_loop3A_392 = arith.muli %parallel_loop3A_390, %parallel_loop3A_391 : i32
        %parallel_loop3A_393 = tpu.assume_multiple %parallel_loop3A_392, 16 : i32
        %parallel_loop3A_394 = tpu.iota {dimensions = array<i32: 0>} : vector<16xi32>
        %parallel_loop3A_395 = vector.broadcast %parallel_loop3A_393 : i32 to vector<16xi32>
        %parallel_loop3A_396 = arith.addi %parallel_loop3A_394, %parallel_loop3A_395 : vector<16xi32>
        %parallel_loop3A_397 = arith.constant 0 : i32
        %parallel_loop3A_398 = arith.index_cast %parallel_loop3A_397 : i32 to index
        %parallel_loop3A_399 = arith.index_cast %parallel_loop3A_393 : i32 to index
        %parallel_loop3A_400 = tpu.vector_load %arg10[%parallel_loop3A_398, %parallel_loop3A_399] {strides = array<i32>} : memref<7x512xi32, #tpu.memory_space<vmem>>, vector<16xi32>,
        %parallel_loop3A_401 = vector.bitcast %parallel_loop3A_400 : vector<16xi32> to vector<32xbf16>
        %parallel_loop3A_402 = tpu.unpack_subelements %parallel_loop3A_401, 0 {pack_format = #tpu.pack_format<interleaved>} : vector<32xbf16> -> vector<16xf32>
        %parallel_loop3A_403 = tpu.unpack_subelements %parallel_loop3A_401, 1 {pack_format = #tpu.pack_format<interleaved>} : vector<32xbf16> -> vector<16xf32>
        %parallel_loop3A_404 = arith.constant 1 : i32
        %parallel_loop3A_405 = arith.index_cast %parallel_loop3A_404 : i32 to index
        %parallel_loop3A_406 = arith.index_cast %parallel_loop3A_393 : i32 to index
        %parallel_loop3A_407 = tpu.vector_load %arg10[%parallel_loop3A_405, %parallel_loop3A_406] {strides = array<i32>} : memref<7x512xi32, #tpu.memory_space<vmem>>, vector<16xi32>,
        %parallel_loop3A_408 = vector.bitcast %parallel_loop3A_407 : vector<16xi32> to vector<32xbf16>
        %parallel_loop3A_409 = tpu.unpack_subelements %parallel_loop3A_408, 0 {pack_format = #tpu.pack_format<interleaved>} : vector<32xbf16> -> vector<16xf32>
        %parallel_loop3A_410 = tpu.unpack_subelements %parallel_loop3A_408, 1 {pack_format = #tpu.pack_format<interleaved>} : vector<32xbf16> -> vector<16xf32>
        %parallel_loop3A_411 = arith.constant 2 : i32
        %parallel_loop3A_412 = arith.index_cast %parallel_loop3A_411 : i32 to index
        %parallel_loop3A_413 = arith.index_cast %parallel_loop3A_393 : i32 to index
        %parallel_loop3A_414 = tpu.vector_load %arg10[%parallel_loop3A_412, %parallel_loop3A_413] {strides = array<i32>} : memref<7x512xi32, #tpu.memory_space<vmem>>, vector<16xi32>,
        %parallel_loop3A_415 = vector.bitcast %parallel_loop3A_414 : vector<16xi32> to vector<32xbf16>
        %parallel_loop3A_416 = tpu.unpack_subelements %parallel_loop3A_415, 0 {pack_format = #tpu.pack_format<interleaved>} : vector<32xbf16> -> vector<16xf32>
        %parallel_loop3A_417 = tpu.unpack_subelements %parallel_loop3A_415, 1 {pack_format = #tpu.pack_format<interleaved>} : vector<32xbf16> -> vector<16xf32>
        %parallel_loop3A_418 = arith.constant 3 : i32
        %parallel_loop3A_419 = arith.index_cast %parallel_loop3A_418 : i32 to index
        %parallel_loop3A_420 = arith.index_cast %parallel_loop3A_393 : i32 to index
        %parallel_loop3A_421 = tpu.vector_load %arg10[%parallel_loop3A_419, %parallel_loop3A_420] {strides = array<i32>} : memref<7x512xi32, #tpu.memory_space<vmem>>, vector<16xi32>,
        %parallel_loop3A_422 = vector.bitcast %parallel_loop3A_421 : vector<16xi32> to vector<32xbf16>
        %parallel_loop3A_423 = tpu.unpack_subelements %parallel_loop3A_422, 0 {pack_format = #tpu.pack_format<interleaved>} : vector<32xbf16> -> vector<16xf32>
        %parallel_loop3A_424 = tpu.unpack_subelements %parallel_loop3A_422, 1 {pack_format = #tpu.pack_format<interleaved>} : vector<32xbf16> -> vector<16xf32>
        %parallel_loop3A_425 = arith.constant 4 : i32
        %parallel_loop3A_426 = arith.index_cast %parallel_loop3A_425 : i32 to index
        %parallel_loop3A_427 = arith.index_cast %parallel_loop3A_393 : i32 to index
        %parallel_loop3A_428 = tpu.vector_load %arg10[%parallel_loop3A_426, %parallel_loop3A_427] {strides = array<i32>} : memref<7x512xi32, #tpu.memory_space<vmem>>, vector<16xi32>,
        %parallel_loop3A_429 = vector.bitcast %parallel_loop3A_428 : vector<16xi32> to vector<32xbf16>
        %parallel_loop3A_430 = tpu.unpack_subelements %parallel_loop3A_429, 0 {pack_format = #tpu.pack_format<interleaved>} : vector<32xbf16> -> vector<16xf32>
        %parallel_loop3A_431 = tpu.unpack_subelements %parallel_loop3A_429, 1 {pack_format = #tpu.pack_format<interleaved>} : vector<32xbf16> -> vector<16xf32>
        %parallel_loop3A_432 = arith.constant 5 : i32
        %parallel_loop3A_433 = arith.index_cast %parallel_loop3A_432 : i32 to index
        %parallel_loop3A_434 = arith.index_cast %parallel_loop3A_393 : i32 to index
        %parallel_loop3A_435 = tpu.vector_load %arg10[%parallel_loop3A_433, %parallel_loop3A_434] {strides = array<i32>} : memref<7x512xi32, #tpu.memory_space<vmem>>, vector<16xi32>,
        %parallel_loop3A_436 = vector.bitcast %parallel_loop3A_435 : vector<16xi32> to vector<32xbf16>
        %parallel_loop3A_437 = tpu.unpack_subelements %parallel_loop3A_436, 0 {pack_format = #tpu.pack_format<interleaved>} : vector<32xbf16> -> vector<16xf32>
        %parallel_loop3A_438 = tpu.unpack_subelements %parallel_loop3A_436, 1 {pack_format = #tpu.pack_format<interleaved>} : vector<32xbf16> -> vector<16xf32>
        %parallel_loop3A_439 = arith.constant 6 : i32
        %parallel_loop3A_440 = arith.index_cast %parallel_loop3A_439 : i32 to index
        %parallel_loop3A_441 = arith.index_cast %parallel_loop3A_393 : i32 to index
        %parallel_loop3A_442 = tpu.vector_load %arg10[%parallel_loop3A_440, %parallel_loop3A_441] {strides = array<i32>} : memref<7x512xi32, #tpu.memory_space<vmem>>, vector<16xi32>,
        %parallel_loop3A_443 = vector.bitcast %parallel_loop3A_442 : vector<16xi32> to vector<32xbf16>
        %parallel_loop3A_444 = tpu.unpack_subelements %parallel_loop3A_443, 0 {pack_format = #tpu.pack_format<interleaved>} : vector<32xbf16> -> vector<16xf32>
        %parallel_loop3A_445 = tpu.unpack_subelements %parallel_loop3A_443, 1 {pack_format = #tpu.pack_format<interleaved>} : vector<32xbf16> -> vector<16xf32>
        %parallel_loop3A_446 = arith.constant 0 : i32
        %parallel_loop3A_447 = vector.broadcast %parallel_loop3A_446 : i32 to vector<16xi32>
        %parallel_loop3A_448 = arith.addi %parallel_loop3A_394, %parallel_loop3A_447 : vector<16xi32>
        %parallel_loop3A_449 = arith.constant 7 : i32
        %parallel_loop3A_450 = vector.broadcast %parallel_loop3A_449 : i32 to vector<16xi32>
        %parallel_loop3A_451 = arith.andi %parallel_loop3A_448, %parallel_loop3A_450 : vector<16xi32>
        %parallel_loop3A_452 = arith.constant 8 : i32
        %parallel_loop3A_453 = vector.broadcast %parallel_loop3A_452 : i32 to vector<16xi32>
        %parallel_loop3A_454 = arith.muli %parallel_loop3A_451, %parallel_loop3A_453 : vector<16xi32>
        %parallel_loop3A_455 = arith.constant 0 : i32
        %parallel_loop3A_456 = vector.broadcast %parallel_loop3A_455 : i32 to vector<16xi32>
        %parallel_loop3A_457 = arith.addi %parallel_loop3A_454, %parallel_loop3A_456 : vector<16xi32>
        %parallel_loop3A_458 = tpu.vector_load_idx %arg8[%parallel_loop3A_396, %parallel_loop3A_457] : memref<512x64xi32, #tpu.memory_space<vmem>>[vector<16xi32>, vector<16xi32>], vector<16xi32>,
        %parallel_loop3A_459 = vector.bitcast %parallel_loop3A_458 : vector<16xi32> to vector<32xbf16>
        %parallel_loop3A_460 = tpu.unpack_subelements %parallel_loop3A_459, 0 {pack_format = #tpu.pack_format<interleaved>} : vector<32xbf16> -> vector<16xf32>
        %parallel_loop3A_461 = tpu.unpack_subelements %parallel_loop3A_459, 1 {pack_format = #tpu.pack_format<interleaved>} : vector<32xbf16> -> vector<16xf32>
        %parallel_loop3A_462 = arith.mulf %parallel_loop3A_460, %parallel_loop3A_402 : vector<16xf32>
        %parallel_loop3A_463 = arith.mulf %parallel_loop3A_461, %parallel_loop3A_403 : vector<16xf32>
        %parallel_loop3A_464 = arith.addf %parallel_loop3A_462, %parallel_loop3A_463 : vector<16xf32>
        %parallel_loop3A_465 = arith.constant 1 : i32
        %parallel_loop3A_466 = vector.broadcast %parallel_loop3A_465 : i32 to vector<16xi32>
        %parallel_loop3A_467 = arith.addi %parallel_loop3A_454, %parallel_loop3A_466 : vector<16xi32>
        %parallel_loop3A_468 = tpu.vector_load_idx %arg8[%parallel_loop3A_396, %parallel_loop3A_467] : memref<512x64xi32, #tpu.memory_space<vmem>>[vector<16xi32>, vector<16xi32>], vector<16xi32>,
        %parallel_loop3A_469 = vector.bitcast %parallel_loop3A_468 : vector<16xi32> to vector<32xbf16>
        %parallel_loop3A_470 = tpu.unpack_subelements %parallel_loop3A_469, 0 {pack_format = #tpu.pack_format<interleaved>} : vector<32xbf16> -> vector<16xf32>
        %parallel_loop3A_471 = tpu.unpack_subelements %parallel_loop3A_469, 1 {pack_format = #tpu.pack_format<interleaved>} : vector<32xbf16> -> vector<16xf32>
        %parallel_loop3A_472 = arith.mulf %parallel_loop3A_470, %parallel_loop3A_409 : vector<16xf32>
        %parallel_loop3A_473 = arith.mulf %parallel_loop3A_471, %parallel_loop3A_410 : vector<16xf32>
        %parallel_loop3A_474 = arith.addf %parallel_loop3A_472, %parallel_loop3A_473 : vector<16xf32>
        %parallel_loop3A_475 = arith.addf %parallel_loop3A_464, %parallel_loop3A_474 : vector<16xf32>
        %parallel_loop3A_476 = arith.constant 2 : i32
        %parallel_loop3A_477 = vector.broadcast %parallel_loop3A_476 : i32 to vector<16xi32>
        %parallel_loop3A_478 = arith.addi %parallel_loop3A_454, %parallel_loop3A_477 : vector<16xi32>
        %parallel_loop3A_479 = tpu.vector_load_idx %arg8[%parallel_loop3A_396, %parallel_loop3A_478] : memref<512x64xi32, #tpu.memory_space<vmem>>[vector<16xi32>, vector<16xi32>], vector<16xi32>,
        %parallel_loop3A_480 = vector.bitcast %parallel_loop3A_479 : vector<16xi32> to vector<32xbf16>
        %parallel_loop3A_481 = tpu.unpack_subelements %parallel_loop3A_480, 0 {pack_format = #tpu.pack_format<interleaved>} : vector<32xbf16> -> vector<16xf32>
        %parallel_loop3A_482 = tpu.unpack_subelements %parallel_loop3A_480, 1 {pack_format = #tpu.pack_format<interleaved>} : vector<32xbf16> -> vector<16xf32>
        %parallel_loop3A_483 = arith.mulf %parallel_loop3A_481, %parallel_loop3A_416 : vector<16xf32>
        %parallel_loop3A_484 = arith.mulf %parallel_loop3A_482, %parallel_loop3A_417 : vector<16xf32>
        %parallel_loop3A_485 = arith.addf %parallel_loop3A_483, %parallel_loop3A_484 : vector<16xf32>
        %parallel_loop3A_486 = arith.addf %parallel_loop3A_475, %parallel_loop3A_485 : vector<16xf32>
        %parallel_loop3A_487 = arith.constant 3 : i32
        %parallel_loop3A_488 = vector.broadcast %parallel_loop3A_487 : i32 to vector<16xi32>
        %parallel_loop3A_489 = arith.addi %parallel_loop3A_454, %parallel_loop3A_488 : vector<16xi32>
        %parallel_loop3A_490 = tpu.vector_load_idx %arg8[%parallel_loop3A_396, %parallel_loop3A_489] : memref<512x64xi32, #tpu.memory_space<vmem>>[vector<16xi32>, vector<16xi32>], vector<16xi32>,
        %parallel_loop3A_491 = vector.bitcast %parallel_loop3A_490 : vector<16xi32> to vector<32xbf16>
        %parallel_loop3A_492 = tpu.unpack_subelements %parallel_loop3A_491, 0 {pack_format = #tpu.pack_format<interleaved>} : vector<32xbf16> -> vector<16xf32>
        %parallel_loop3A_493 = tpu.unpack_subelements %parallel_loop3A_491, 1 {pack_format = #tpu.pack_format<interleaved>} : vector<32xbf16> -> vector<16xf32>
        %parallel_loop3A_494 = arith.mulf %parallel_loop3A_492, %parallel_loop3A_423 : vector<16xf32>
        %parallel_loop3A_495 = arith.mulf %parallel_loop3A_493, %parallel_loop3A_424 : vector<16xf32>
        %parallel_loop3A_496 = arith.addf %parallel_loop3A_494, %parallel_loop3A_495 : vector<16xf32>
        %parallel_loop3A_497 = arith.addf %parallel_loop3A_486, %parallel_loop3A_496 : vector<16xf32>
        %parallel_loop3A_498 = arith.constant 4 : i32
        %parallel_loop3A_499 = vector.broadcast %parallel_loop3A_498 : i32 to vector<16xi32>
        %parallel_loop3A_500 = arith.addi %parallel_loop3A_454, %parallel_loop3A_499 : vector<16xi32>
        %parallel_loop3A_501 = tpu.vector_load_idx %arg8[%parallel_loop3A_396, %parallel_loop3A_500] : memref<512x64xi32, #tpu.memory_space<vmem>>[vector<16xi32>, vector<16xi32>], vector<16xi32>,
        %parallel_loop3A_502 = vector.bitcast %parallel_loop3A_501 : vector<16xi32> to vector<32xbf16>
        %parallel_loop3A_503 = tpu.unpack_subelements %parallel_loop3A_502, 0 {pack_format = #tpu.pack_format<interleaved>} : vector<32xbf16> -> vector<16xf32>
        %parallel_loop3A_504 = tpu.unpack_subelements %parallel_loop3A_502, 1 {pack_format = #tpu.pack_format<interleaved>} : vector<32xbf16> -> vector<16xf32>
        %parallel_loop3A_505 = arith.mulf %parallel_loop3A_503, %parallel_loop3A_430 : vector<16xf32>
        %parallel_loop3A_506 = arith.mulf %parallel_loop3A_504, %parallel_loop3A_431 : vector<16xf32>
        %parallel_loop3A_507 = arith.addf %parallel_loop3A_505, %parallel_loop3A_506 : vector<16xf32>
        %parallel_loop3A_508 = arith.addf %parallel_loop3A_497, %parallel_loop3A_507 : vector<16xf32>
        %parallel_loop3A_509 = arith.constant 5 : i32
        %parallel_loop3A_510 = vector.broadcast %parallel_loop3A_509 : i32 to vector<16xi32>
        %parallel_loop3A_511 = arith.addi %parallel_loop3A_454, %parallel_loop3A_510 : vector<16xi32>
        %parallel_loop3A_512 = tpu.vector_load_idx %arg8[%parallel_loop3A_396, %parallel_loop3A_511] : memref<512x64xi32, #tpu.memory_space<vmem>>[vector<16xi32>, vector<16xi32>], vector<16xi32>,
        %parallel_loop3A_513 = vector.bitcast %parallel_loop3A_512 : vector<16xi32> to vector<32xbf16>
        %parallel_loop3A_514 = tpu.unpack_subelements %parallel_loop3A_513, 0 {pack_format = #tpu.pack_format<interleaved>} : vector<32xbf16> -> vector<16xf32>
        %parallel_loop3A_515 = tpu.unpack_subelements %parallel_loop3A_513, 1 {pack_format = #tpu.pack_format<interleaved>} : vector<32xbf16> -> vector<16xf32>
        %parallel_loop3A_516 = arith.mulf %parallel_loop3A_514, %parallel_loop3A_437 : vector<16xf32>
        %parallel_loop3A_517 = arith.mulf %parallel_loop3A_515, %parallel_loop3A_438 : vector<16xf32>
        %parallel_loop3A_518 = arith.addf %parallel_loop3A_516, %parallel_loop3A_517 : vector<16xf32>
        %parallel_loop3A_519 = arith.addf %parallel_loop3A_508, %parallel_loop3A_518 : vector<16xf32>
        %parallel_loop3A_520 = arith.constant 6 : i32
        %parallel_loop3A_521 = vector.broadcast %parallel_loop3A_520 : i32 to vector<16xi32>
        %parallel_loop3A_522 = arith.addi %parallel_loop3A_454, %parallel_loop3A_521 : vector<16xi32>
        %parallel_loop3A_523 = tpu.vector_load_idx %arg8[%parallel_loop3A_396, %parallel_loop3A_522] : memref<512x64xi32, #tpu.memory_space<vmem>>[vector<16xi32>, vector<16xi32>], vector<16xi32>,
        %parallel_loop3A_524 = vector.bitcast %parallel_loop3A_523 : vector<16xi32> to vector<32xbf16>
        %parallel_loop3A_525 = tpu.unpack_subelements %parallel_loop3A_524, 0 {pack_format = #tpu.pack_format<interleaved>} : vector<32xbf16> -> vector<16xf32>
        %parallel_loop3A_526 = tpu.unpack_subelements %parallel_loop3A_524, 1 {pack_format = #tpu.pack_format<interleaved>} : vector<32xbf16> -> vector<16xf32>
        %parallel_loop3A_527 = arith.mulf %parallel_loop3A_525, %parallel_loop3A_444 : vector<16xf32>
        %parallel_loop3A_528 = arith.mulf %parallel_loop3A_526, %parallel_loop3A_445 : vector<16xf32>
        %parallel_loop3A_529 = arith.addf %parallel_loop3A_527, %parallel_loop3A_528 : vector<16xf32>
        %parallel_loop3A_530 = arith.addf %parallel_loop3A_519, %parallel_loop3A_529 : vector<16xf32>
        tpu.vector_store_idx %arg12[%parallel_loop3A_451, %parallel_loop3A_396], %parallel_loop3A_530 : memref<8x512xf32, #tpu.memory_space<vmem>>[vector<16xi32>, vector<16xi32>], vector<16xf32>,
        %parallel_loop3A_531 = arith.constant 1 : i32
        %parallel_loop3A_532 = vector.broadcast %parallel_loop3A_531 : i32 to vector<16xi32>
        %parallel_loop3A_533 = arith.addi %parallel_loop3A_394, %parallel_loop3A_532 : vector<16xi32>
        %parallel_loop3A_534 = arith.constant 7 : i32
        %parallel_loop3A_535 = vector.broadcast %parallel_loop3A_534 : i32 to vector<16xi32>
        %parallel_loop3A_536 = arith.andi %parallel_loop3A_533, %parallel_loop3A_535 : vector<16xi32>
        %parallel_loop3A_537 = arith.constant 8 : i32
        %parallel_loop3A_538 = vector.broadcast %parallel_loop3A_537 : i32 to vector<16xi32>
        %parallel_loop3A_539 = arith.muli %parallel_loop3A_536, %parallel_loop3A_538 : vector<16xi32>
        %parallel_loop3A_540 = arith.constant 0 : i32
        %parallel_loop3A_541 = vector.broadcast %parallel_loop3A_540 : i32 to vector<16xi32>
        %parallel_loop3A_542 = arith.addi %parallel_loop3A_539, %parallel_loop3A_541 : vector<16xi32>
        %parallel_loop3A_543 = tpu.vector_load_idx %arg8[%parallel_loop3A_396, %parallel_loop3A_542] : memref<512x64xi32, #tpu.memory_space<vmem>>[vector<16xi32>, vector<16xi32>], vector<16xi32>,
        %parallel_loop3A_544 = vector.bitcast %parallel_loop3A_543 : vector<16xi32> to vector<32xbf16>
        %parallel_loop3A_545 = tpu.unpack_subelements %parallel_loop3A_544, 0 {pack_format = #tpu.pack_format<interleaved>} : vector<32xbf16> -> vector<16xf32>
        %parallel_loop3A_546 = tpu.unpack_subelements %parallel_loop3A_544, 1 {pack_format = #tpu.pack_format<interleaved>} : vector<32xbf16> -> vector<16xf32>
        %parallel_loop3A_547 = arith.mulf %parallel_loop3A_545, %parallel_loop3A_402 : vector<16xf32>
        %parallel_loop3A_548 = arith.mulf %parallel_loop3A_546, %parallel_loop3A_403 : vector<16xf32>
        %parallel_loop3A_549 = arith.addf %parallel_loop3A_547, %parallel_loop3A_548 : vector<16xf32>
        %parallel_loop3A_550 = arith.constant 1 : i32
        %parallel_loop3A_551 = vector.broadcast %parallel_loop3A_550 : i32 to vector<16xi32>
        %parallel_loop3A_552 = arith.addi %parallel_loop3A_539, %parallel_loop3A_551 : vector<16xi32>
        %parallel_loop3A_553 = tpu.vector_load_idx %arg8[%parallel_loop3A_396, %parallel_loop3A_552] : memref<512x64xi32, #tpu.memory_space<vmem>>[vector<16xi32>, vector<16xi32>], vector<16xi32>,
        %parallel_loop3A_554 = vector.bitcast %parallel_loop3A_553 : vector<16xi32> to vector<32xbf16>
        %parallel_loop3A_555 = tpu.unpack_subelements %parallel_loop3A_554, 0 {pack_format = #tpu.pack_format<interleaved>} : vector<32xbf16> -> vector<16xf32>
        %parallel_loop3A_556 = tpu.unpack_subelements %parallel_loop3A_554, 1 {pack_format = #tpu.pack_format<interleaved>} : vector<32xbf16> -> vector<16xf32>
        %parallel_loop3A_557 = arith.mulf %parallel_loop3A_555, %parallel_loop3A_409 : vector<16xf32>
        %parallel_loop3A_558 = arith.mulf %parallel_loop3A_556, %parallel_loop3A_410 : vector<16xf32>
        %parallel_loop3A_559 = arith.addf %parallel_loop3A_557, %parallel_loop3A_558 : vector<16xf32>
        %parallel_loop3A_560 = arith.addf %parallel_loop3A_549, %parallel_loop3A_559 : vector<16xf32>
        %parallel_loop3A_561 = arith.constant 2 : i32
        %parallel_loop3A_562 = vector.broadcast %parallel_loop3A_561 : i32 to vector<16xi32>
        %parallel_loop3A_563 = arith.addi %parallel_loop3A_539, %parallel_loop3A_562 : vector<16xi32>
        %parallel_loop3A_564 = tpu.vector_load_idx %arg8[%parallel_loop3A_396, %parallel_loop3A_563] : memref<512x64xi32, #tpu.memory_space<vmem>>[vector<16xi32>, vector<16xi32>], vector<16xi32>,
        %parallel_loop3A_565 = vector.bitcast %parallel_loop3A_564 : vector<16xi32> to vector<32xbf16>
        %parallel_loop3A_566 = tpu.unpack_subelements %parallel_loop3A_565, 0 {pack_format = #tpu.pack_format<interleaved>} : vector<32xbf16> -> vector<16xf32>
        %parallel_loop3A_567 = tpu.unpack_subelements %parallel_loop3A_565, 1 {pack_format = #tpu.pack_format<interleaved>} : vector<32xbf16> -> vector<16xf32>
        %parallel_loop3A_568 = arith.mulf %parallel_loop3A_566, %parallel_loop3A_416 : vector<16xf32>
        %parallel_loop3A_569 = arith.mulf %parallel_loop3A_567, %parallel_loop3A_417 : vector<16xf32>
        %parallel_loop3A_570 = arith.addf %parallel_loop3A_568, %parallel_loop3A_569 : vector<16xf32>
        %parallel_loop3A_571 = arith.addf %parallel_loop3A_560, %parallel_loop3A_570 : vector<16xf32>
        %parallel_loop3A_572 = arith.constant 3 : i32
        %parallel_loop3A_573 = vector.broadcast %parallel_loop3A_572 : i32 to vector<16xi32>
        %parallel_loop3A_574 = arith.addi %parallel_loop3A_539, %parallel_loop3A_573 : vector<16xi32>
        %parallel_loop3A_575 = tpu.vector_load_idx %arg8[%parallel_loop3A_396, %parallel_loop3A_574] : memref<512x64xi32, #tpu.memory_space<vmem>>[vector<16xi32>, vector<16xi32>], vector<16xi32>,
        %parallel_loop3A_576 = vector.bitcast %parallel_loop3A_575 : vector<16xi32> to vector<32xbf16>
        %parallel_loop3A_577 = tpu.unpack_subelements %parallel_loop3A_576, 0 {pack_format = #tpu.pack_format<interleaved>} : vector<32xbf16> -> vector<16xf32>
        %parallel_loop3A_578 = tpu.unpack_subelements %parallel_loop3A_576, 1 {pack_format = #tpu.pack_format<interleaved>} : vector<32xbf16> -> vector<16xf32>
        %parallel_loop3A_579 = arith.mulf %parallel_loop3A_577, %parallel_loop3A_423 : vector<16xf32>
        %parallel_loop3A_580 = arith.mulf %parallel_loop3A_578, %parallel_loop3A_424 : vector<16xf32>
        %parallel_loop3A_581 = arith.addf %parallel_loop3A_579, %parallel_loop3A_580 : vector<16xf32>
        %parallel_loop3A_582 = arith.addf %parallel_loop3A_571, %parallel_loop3A_581 : vector<16xf32>
        %parallel_loop3A_583 = arith.constant 4 : i32
        %parallel_loop3A_584 = vector.broadcast %parallel_loop3A_583 : i32 to vector<16xi32>
        %parallel_loop3A_585 = arith.addi %parallel_loop3A_539, %parallel_loop3A_584 : vector<16xi32>
        %parallel_loop3A_586 = tpu.vector_load_idx %arg8[%parallel_loop3A_396, %parallel_loop3A_585] : memref<512x64xi32, #tpu.memory_space<vmem>>[vector<16xi32>, vector<16xi32>], vector<16xi32>,
        %parallel_loop3A_587 = vector.bitcast %parallel_loop3A_586 : vector<16xi32> to vector<32xbf16>
        %parallel_loop3A_588 = tpu.unpack_subelements %parallel_loop3A_587, 0 {pack_format = #tpu.pack_format<interleaved>} : vector<32xbf16> -> vector<16xf32>
        %parallel_loop3A_589 = tpu.unpack_subelements %parallel_loop3A_587, 1 {pack_format = #tpu.pack_format<interleaved>} : vector<32xbf16> -> vector<16xf32>
        %parallel_loop3A_590 = arith.mulf %parallel_loop3A_588, %parallel_loop3A_430 : vector<16xf32>
        %parallel_loop3A_591 = arith.mulf %parallel_loop3A_589, %parallel_loop3A_431 : vector<16xf32>
        %parallel_loop3A_592 = arith.addf %parallel_loop3A_590, %parallel_loop3A_591 : vector<16xf32>
        %parallel_loop3A_593 = arith.addf %parallel_loop3A_582, %parallel_loop3A_592 : vector<16xf32>
        %parallel_loop3A_594 = arith.constant 5 : i32
        %parallel_loop3A_595 = vector.broadcast %parallel_loop3A_594 : i32 to vector<16xi32>
        %parallel_loop3A_596 = arith.addi %parallel_loop3A_539, %parallel_loop3A_595 : vector<16xi32>
        %parallel_loop3A_597 = tpu.vector_load_idx %arg8[%parallel_loop3A_396, %parallel_loop3A_596] : memref<512x64xi32, #tpu.memory_space<vmem>>[vector<16xi32>, vector<16xi32>], vector<16xi32>,
        %parallel_loop3A_598 = vector.bitcast %parallel_loop3A_597 : vector<16xi32> to vector<32xbf16>
        %parallel_loop3A_599 = tpu.unpack_subelements %parallel_loop3A_598, 0 {pack_format = #tpu.pack_format<interleaved>} : vector<32xbf16> -> vector<16xf32>
        %parallel_loop3A_600 = tpu.unpack_subelements %parallel_loop3A_598, 1 {pack_format = #tpu.pack_format<interleaved>} : vector<32xbf16> -> vector<16xf32>
        %parallel_loop3A_601 = arith.mulf %parallel_loop3A_599, %parallel_loop3A_437 : vector<16xf32>
        %parallel_loop3A_602 = arith.mulf %parallel_loop3A_600, %parallel_loop3A_438 : vector<16xf32>
        %parallel_loop3A_603 = arith.addf %parallel_loop3A_601, %parallel_loop3A_602 : vector<16xf32>
        %parallel_loop3A_604 = arith.addf %parallel_loop3A_593, %parallel_loop3A_603 : vector<16xf32>
        %parallel_loop3A_605 = arith.constant 6 : i32
        %parallel_loop3A_606 = vector.broadcast %parallel_loop3A_605 : i32 to vector<16xi32>
        %parallel_loop3A_607 = arith.addi %parallel_loop3A_539, %parallel_loop3A_606 : vector<16xi32>
        %parallel_loop3A_608 = tpu.vector_load_idx %arg8[%parallel_loop3A_396, %parallel_loop3A_607] : memref<512x64xi32, #tpu.memory_space<vmem>>[vector<16xi32>, vector<16xi32>], vector<16xi32>,
        %parallel_loop3A_609 = vector.bitcast %parallel_loop3A_608 : vector<16xi32> to vector<32xbf16>
        %parallel_loop3A_610 = tpu.unpack_subelements %parallel_loop3A_609, 0 {pack_format = #tpu.pack_format<interleaved>} : vector<32xbf16> -> vector<16xf32>
        %parallel_loop3A_611 = tpu.unpack_subelements %parallel_loop3A_609, 1 {pack_format = #tpu.pack_format<interleaved>} : vector<32xbf16> -> vector<16xf32>
        %parallel_loop3A_612 = arith.mulf %parallel_loop3A_610, %parallel_loop3A_444 : vector<16xf32>
        %parallel_loop3A_613 = arith.mulf %parallel_loop3A_611, %parallel_loop3A_445 : vector<16xf32>
        %parallel_loop3A_614 = arith.addf %parallel_loop3A_612, %parallel_loop3A_613 : vector<16xf32>
        %parallel_loop3A_615 = arith.addf %parallel_loop3A_604, %parallel_loop3A_614 : vector<16xf32>
        tpu.vector_store_idx %arg12[%parallel_loop3A_536, %parallel_loop3A_396], %parallel_loop3A_615 : memref<8x512xf32, #tpu.memory_space<vmem>>[vector<16xi32>, vector<16xi32>], vector<16xf32>,
        %parallel_loop3A_616 = arith.constant 2 : i32
        %parallel_loop3A_617 = vector.broadcast %parallel_loop3A_616 : i32 to vector<16xi32>
        %parallel_loop3A_618 = arith.addi %parallel_loop3A_394, %parallel_loop3A_617 : vector<16xi32>
        %parallel_loop3A_619 = arith.constant 7 : i32
        %parallel_loop3A_620 = vector.broadcast %parallel_loop3A_619 : i32 to vector<16xi32>
        %parallel_loop3A_621 = arith.andi %parallel_loop3A_618, %parallel_loop3A_620 : vector<16xi32>
        %parallel_loop3A_622 = arith.constant 8 : i32
        %parallel_loop3A_623 = vector.broadcast %parallel_loop3A_622 : i32 to vector<16xi32>
        %parallel_loop3A_624 = arith.muli %parallel_loop3A_621, %parallel_loop3A_623 : vector<16xi32>
        %parallel_loop3A_625 = arith.constant 0 : i32
        %parallel_loop3A_626 = vector.broadcast %parallel_loop3A_625 : i32 to vector<16xi32>
        %parallel_loop3A_627 = arith.addi %parallel_loop3A_624, %parallel_loop3A_626 : vector<16xi32>
        %parallel_loop3A_628 = tpu.vector_load_idx %arg8[%parallel_loop3A_396, %parallel_loop3A_627] : memref<512x64xi32, #tpu.memory_space<vmem>>[vector<16xi32>, vector<16xi32>], vector<16xi32>,
        %parallel_loop3A_629 = vector.bitcast %parallel_loop3A_628 : vector<16xi32> to vector<32xbf16>
        %parallel_loop3A_630 = tpu.unpack_subelements %parallel_loop3A_629, 0 {pack_format = #tpu.pack_format<interleaved>} : vector<32xbf16> -> vector<16xf32>
        %parallel_loop3A_631 = tpu.unpack_subelements %parallel_loop3A_629, 1 {pack_format = #tpu.pack_format<interleaved>} : vector<32xbf16> -> vector<16xf32>
        %parallel_loop3A_632 = arith.mulf %parallel_loop3A_630, %parallel_loop3A_402 : vector<16xf32>
        %parallel_loop3A_633 = arith.mulf %parallel_loop3A_631, %parallel_loop3A_403 : vector<16xf32>
        %parallel_loop3A_634 = arith.addf %parallel_loop3A_632, %parallel_loop3A_633 : vector<16xf32>
        %parallel_loop3A_635 = arith.constant 1 : i32
        %parallel_loop3A_636 = vector.broadcast %parallel_loop3A_635 : i32 to vector<16xi32>
        %parallel_loop3A_637 = arith.addi %parallel_loop3A_624, %parallel_loop3A_636 : vector<16xi32>
        %parallel_loop3A_638 = tpu.vector_load_idx %arg8[%parallel_loop3A_396, %parallel_loop3A_637] : memref<512x64xi32, #tpu.memory_space<vmem>>[vector<16xi32>, vector<16xi32>], vector<16xi32>,
        %parallel_loop3A_639 = vector.bitcast %parallel_loop3A_638 : vector<16xi32> to vector<32xbf16>
        %parallel_loop3A_640 = tpu.unpack_subelements %parallel_loop3A_639, 0 {pack_format = #tpu.pack_format<interleaved>} : vector<32xbf16> -> vector<16xf32>
        %parallel_loop3A_641 = tpu.unpack_subelements %parallel_loop3A_639, 1 {pack_format = #tpu.pack_format<interleaved>} : vector<32xbf16> -> vector<16xf32>
        %parallel_loop3A_642 = arith.mulf %parallel_loop3A_640, %parallel_loop3A_409 : vector<16xf32>
        %parallel_loop3A_643 = arith.mulf %parallel_loop3A_641, %parallel_loop3A_410 : vector<16xf32>
        %parallel_loop3A_644 = arith.addf %parallel_loop3A_642, %parallel_loop3A_643 : vector<16xf32>
        %parallel_loop3A_645 = arith.addf %parallel_loop3A_634, %parallel_loop3A_644 : vector<16xf32>
        %parallel_loop3A_646 = arith.constant 2 : i32
        %parallel_loop3A_647 = vector.broadcast %parallel_loop3A_646 : i32 to vector<16xi32>
        %parallel_loop3A_648 = arith.addi %parallel_loop3A_624, %parallel_loop3A_647 : vector<16xi32>
        %parallel_loop3A_649 = tpu.vector_load_idx %arg8[%parallel_loop3A_396, %parallel_loop3A_648] : memref<512x64xi32, #tpu.memory_space<vmem>>[vector<16xi32>, vector<16xi32>], vector<16xi32>,
        %parallel_loop3A_650 = vector.bitcast %parallel_loop3A_649 : vector<16xi32> to vector<32xbf16>
        %parallel_loop3A_651 = tpu.unpack_subelements %parallel_loop3A_650, 0 {pack_format = #tpu.pack_format<interleaved>} : vector<32xbf16> -> vector<16xf32>
        %parallel_loop3A_652 = tpu.unpack_subelements %parallel_loop3A_650, 1 {pack_format = #tpu.pack_format<interleaved>} : vector<32xbf16> -> vector<16xf32>
        %parallel_loop3A_653 = arith.mulf %parallel_loop3A_651, %parallel_loop3A_416 : vector<16xf32>
        %parallel_loop3A_654 = arith.mulf %parallel_loop3A_652, %parallel_loop3A_417 : vector<16xf32>
        %parallel_loop3A_655 = arith.addf %parallel_loop3A_653, %parallel_loop3A_654 : vector<16xf32>
        %parallel_loop3A_656 = arith.addf %parallel_loop3A_645, %parallel_loop3A_655 : vector<16xf32>
        %parallel_loop3A_657 = arith.constant 3 : i32
        %parallel_loop3A_658 = vector.broadcast %parallel_loop3A_657 : i32 to vector<16xi32>
        %parallel_loop3A_659 = arith.addi %parallel_loop3A_624, %parallel_loop3A_658 : vector<16xi32>
        %parallel_loop3A_660 = tpu.vector_load_idx %arg8[%parallel_loop3A_396, %parallel_loop3A_659] : memref<512x64xi32, #tpu.memory_space<vmem>>[vector<16xi32>, vector<16xi32>], vector<16xi32>,
        %parallel_loop3A_661 = vector.bitcast %parallel_loop3A_660 : vector<16xi32> to vector<32xbf16>
        %parallel_loop3A_662 = tpu.unpack_subelements %parallel_loop3A_661, 0 {pack_format = #tpu.pack_format<interleaved>} : vector<32xbf16> -> vector<16xf32>
        %parallel_loop3A_663 = tpu.unpack_subelements %parallel_loop3A_661, 1 {pack_format = #tpu.pack_format<interleaved>} : vector<32xbf16> -> vector<16xf32>
        %parallel_loop3A_664 = arith.mulf %parallel_loop3A_662, %parallel_loop3A_423 : vector<16xf32>
        %parallel_loop3A_665 = arith.mulf %parallel_loop3A_663, %parallel_loop3A_424 : vector<16xf32>
        %parallel_loop3A_666 = arith.addf %parallel_loop3A_664, %parallel_loop3A_665 : vector<16xf32>
        %parallel_loop3A_667 = arith.addf %parallel_loop3A_656, %parallel_loop3A_666 : vector<16xf32>
        %parallel_loop3A_668 = arith.constant 4 : i32
        %parallel_loop3A_669 = vector.broadcast %parallel_loop3A_668 : i32 to vector<16xi32>
        %parallel_loop3A_670 = arith.addi %parallel_loop3A_624, %parallel_loop3A_669 : vector<16xi32>
        %parallel_loop3A_671 = tpu.vector_load_idx %arg8[%parallel_loop3A_396, %parallel_loop3A_670] : memref<512x64xi32, #tpu.memory_space<vmem>>[vector<16xi32>, vector<16xi32>], vector<16xi32>,
        %parallel_loop3A_672 = vector.bitcast %parallel_loop3A_671 : vector<16xi32> to vector<32xbf16>
        %parallel_loop3A_673 = tpu.unpack_subelements %parallel_loop3A_672, 0 {pack_format = #tpu.pack_format<interleaved>} : vector<32xbf16> -> vector<16xf32>
        %parallel_loop3A_674 = tpu.unpack_subelements %parallel_loop3A_672, 1 {pack_format = #tpu.pack_format<interleaved>} : vector<32xbf16> -> vector<16xf32>
        %parallel_loop3A_675 = arith.mulf %parallel_loop3A_673, %parallel_loop3A_430 : vector<16xf32>
        %parallel_loop3A_676 = arith.mulf %parallel_loop3A_674, %parallel_loop3A_431 : vector<16xf32>
        %parallel_loop3A_677 = arith.addf %parallel_loop3A_675, %parallel_loop3A_676 : vector<16xf32>
        %parallel_loop3A_678 = arith.addf %parallel_loop3A_667, %parallel_loop3A_677 : vector<16xf32>
        %parallel_loop3A_679 = arith.constant 5 : i32
        %parallel_loop3A_680 = vector.broadcast %parallel_loop3A_679 : i32 to vector<16xi32>
        %parallel_loop3A_681 = arith.addi %parallel_loop3A_624, %parallel_loop3A_680 : vector<16xi32>
        %parallel_loop3A_682 = tpu.vector_load_idx %arg8[%parallel_loop3A_396, %parallel_loop3A_681] : memref<512x64xi32, #tpu.memory_space<vmem>>[vector<16xi32>, vector<16xi32>], vector<16xi32>,
        %parallel_loop3A_683 = vector.bitcast %parallel_loop3A_682 : vector<16xi32> to vector<32xbf16>
        %parallel_loop3A_684 = tpu.unpack_subelements %parallel_loop3A_683, 0 {pack_format = #tpu.pack_format<interleaved>} : vector<32xbf16> -> vector<16xf32>
        %parallel_loop3A_685 = tpu.unpack_subelements %parallel_loop3A_683, 1 {pack_format = #tpu.pack_format<interleaved>} : vector<32xbf16> -> vector<16xf32>
        %parallel_loop3A_686 = arith.mulf %parallel_loop3A_684, %parallel_loop3A_437 : vector<16xf32>
        %parallel_loop3A_687 = arith.mulf %parallel_loop3A_685, %parallel_loop3A_438 : vector<16xf32>
        %parallel_loop3A_688 = arith.addf %parallel_loop3A_686, %parallel_loop3A_687 : vector<16xf32>
        %parallel_loop3A_689 = arith.addf %parallel_loop3A_678, %parallel_loop3A_688 : vector<16xf32>
        %parallel_loop3A_690 = arith.constant 6 : i32
        %parallel_loop3A_691 = vector.broadcast %parallel_loop3A_690 : i32 to vector<16xi32>
        %parallel_loop3A_692 = arith.addi %parallel_loop3A_624, %parallel_loop3A_691 : vector<16xi32>
        %parallel_loop3A_693 = tpu.vector_load_idx %arg8[%parallel_loop3A_396, %parallel_loop3A_692] : memref<512x64xi32, #tpu.memory_space<vmem>>[vector<16xi32>, vector<16xi32>], vector<16xi32>,
        %parallel_loop3A_694 = vector.bitcast %parallel_loop3A_693 : vector<16xi32> to vector<32xbf16>
        %parallel_loop3A_695 = tpu.unpack_subelements %parallel_loop3A_694, 0 {pack_format = #tpu.pack_format<interleaved>} : vector<32xbf16> -> vector<16xf32>
        %parallel_loop3A_696 = tpu.unpack_subelements %parallel_loop3A_694, 1 {pack_format = #tpu.pack_format<interleaved>} : vector<32xbf16> -> vector<16xf32>
        %parallel_loop3A_697 = arith.mulf %parallel_loop3A_695, %parallel_loop3A_444 : vector<16xf32>
        %parallel_loop3A_698 = arith.mulf %parallel_loop3A_696, %parallel_loop3A_445 : vector<16xf32>
        %parallel_loop3A_699 = arith.addf %parallel_loop3A_697, %parallel_loop3A_698 : vector<16xf32>
        %parallel_loop3A_700 = arith.addf %parallel_loop3A_689, %parallel_loop3A_699 : vector<16xf32>
        tpu.vector_store_idx %arg12[%parallel_loop3A_621, %parallel_loop3A_396], %parallel_loop3A_700 : memref<8x512xf32, #tpu.memory_space<vmem>>[vector<16xi32>, vector<16xi32>], vector<16xf32>,
        %parallel_loop3A_701 = arith.constant 3 : i32
        %parallel_loop3A_702 = vector.broadcast %parallel_loop3A_701 : i32 to vector<16xi32>
        %parallel_loop3A_703 = arith.addi %parallel_loop3A_394, %parallel_loop3A_702 : vector<16xi32>
        %parallel_loop3A_704 = arith.constant 7 : i32
        %parallel_loop3A_705 = vector.broadcast %parallel_loop3A_704 : i32 to vector<16xi32>
        %parallel_loop3A_706 = arith.andi %parallel_loop3A_703, %parallel_loop3A_705 : vector<16xi32>
        %parallel_loop3A_707 = arith.constant 8 : i32
        %parallel_loop3A_708 = vector.broadcast %parallel_loop3A_707 : i32 to vector<16xi32>
        %parallel_loop3A_709 = arith.muli %parallel_loop3A_706, %parallel_loop3A_708 : vector<16xi32>
        %parallel_loop3A_710 = arith.constant 0 : i32
        %parallel_loop3A_711 = vector.broadcast %parallel_loop3A_710 : i32 to vector<16xi32>
        %parallel_loop3A_712 = arith.addi %parallel_loop3A_709, %parallel_loop3A_711 : vector<16xi32>
        %parallel_loop3A_713 = tpu.vector_load_idx %arg8[%parallel_loop3A_396, %parallel_loop3A_712] : memref<512x64xi32, #tpu.memory_space<vmem>>[vector<16xi32>, vector<16xi32>], vector<16xi32>,
        %parallel_loop3A_714 = vector.bitcast %parallel_loop3A_713 : vector<16xi32> to vector<32xbf16>
        %parallel_loop3A_715 = tpu.unpack_subelements %parallel_loop3A_714, 0 {pack_format = #tpu.pack_format<interleaved>} : vector<32xbf16> -> vector<16xf32>
        %parallel_loop3A_716 = tpu.unpack_subelements %parallel_loop3A_714, 1 {pack_format = #tpu.pack_format<interleaved>} : vector<32xbf16> -> vector<16xf32>
        %parallel_loop3A_717 = arith.mulf %parallel_loop3A_715, %parallel_loop3A_402 : vector<16xf32>
        %parallel_loop3A_718 = arith.mulf %parallel_loop3A_716, %parallel_loop3A_403 : vector<16xf32>
        %parallel_loop3A_719 = arith.addf %parallel_loop3A_717, %parallel_loop3A_718 : vector<16xf32>
        %parallel_loop3A_720 = arith.constant 1 : i32
        %parallel_loop3A_721 = vector.broadcast %parallel_loop3A_720 : i32 to vector<16xi32>
        %parallel_loop3A_722 = arith.addi %parallel_loop3A_709, %parallel_loop3A_721 : vector<16xi32>
        %parallel_loop3A_723 = tpu.vector_load_idx %arg8[%parallel_loop3A_396, %parallel_loop3A_722] : memref<512x64xi32, #tpu.memory_space<vmem>>[vector<16xi32>, vector<16xi32>], vector<16xi32>,
        %parallel_loop3A_724 = vector.bitcast %parallel_loop3A_723 : vector<16xi32> to vector<32xbf16>
        %parallel_loop3A_725 = tpu.unpack_subelements %parallel_loop3A_724, 0 {pack_format = #tpu.pack_format<interleaved>} : vector<32xbf16> -> vector<16xf32>
        %parallel_loop3A_726 = tpu.unpack_subelements %parallel_loop3A_724, 1 {pack_format = #tpu.pack_format<interleaved>} : vector<32xbf16> -> vector<16xf32>
        %parallel_loop3A_727 = arith.mulf %parallel_loop3A_725, %parallel_loop3A_409 : vector<16xf32>
        %parallel_loop3A_728 = arith.mulf %parallel_loop3A_726, %parallel_loop3A_410 : vector<16xf32>
        %parallel_loop3A_729 = arith.addf %parallel_loop3A_727, %parallel_loop3A_728 : vector<16xf32>
        %parallel_loop3A_730 = arith.addf %parallel_loop3A_719, %parallel_loop3A_729 : vector<16xf32>
        %parallel_loop3A_731 = arith.constant 2 : i32
        %parallel_loop3A_732 = vector.broadcast %parallel_loop3A_731 : i32 to vector<16xi32>
        %parallel_loop3A_733 = arith.addi %parallel_loop3A_709, %parallel_loop3A_732 : vector<16xi32>
        %parallel_loop3A_734 = tpu.vector_load_idx %arg8[%parallel_loop3A_396, %parallel_loop3A_733] : memref<512x64xi32, #tpu.memory_space<vmem>>[vector<16xi32>, vector<16xi32>], vector<16xi32>,
        %parallel_loop3A_735 = vector.bitcast %parallel_loop3A_734 : vector<16xi32> to vector<32xbf16>
        %parallel_loop3A_736 = tpu.unpack_subelements %parallel_loop3A_735, 0 {pack_format = #tpu.pack_format<interleaved>} : vector<32xbf16> -> vector<16xf32>
        %parallel_loop3A_737 = tpu.unpack_subelements %parallel_loop3A_735, 1 {pack_format = #tpu.pack_format<interleaved>} : vector<32xbf16> -> vector<16xf32>
        %parallel_loop3A_738 = arith.mulf %parallel_loop3A_736, %parallel_loop3A_416 : vector<16xf32>
        %parallel_loop3A_739 = arith.mulf %parallel_loop3A_737, %parallel_loop3A_417 : vector<16xf32>
        %parallel_loop3A_740 = arith.addf %parallel_loop3A_738, %parallel_loop3A_739 : vector<16xf32>
        %parallel_loop3A_741 = arith.addf %parallel_loop3A_730, %parallel_loop3A_740 : vector<16xf32>
        %parallel_loop3A_742 = arith.constant 3 : i32
        %parallel_loop3A_743 = vector.broadcast %parallel_loop3A_742 : i32 to vector<16xi32>
        %parallel_loop3A_744 = arith.addi %parallel_loop3A_709, %parallel_loop3A_743 : vector<16xi32>
        %parallel_loop3A_745 = tpu.vector_load_idx %arg8[%parallel_loop3A_396, %parallel_loop3A_744] : memref<512x64xi32, #tpu.memory_space<vmem>>[vector<16xi32>, vector<16xi32>], vector<16xi32>,
        %parallel_loop3A_746 = vector.bitcast %parallel_loop3A_745 : vector<16xi32> to vector<32xbf16>
        %parallel_loop3A_747 = tpu.unpack_subelements %parallel_loop3A_746, 0 {pack_format = #tpu.pack_format<interleaved>} : vector<32xbf16> -> vector<16xf32>
        %parallel_loop3A_748 = tpu.unpack_subelements %parallel_loop3A_746, 1 {pack_format = #tpu.pack_format<interleaved>} : vector<32xbf16> -> vector<16xf32>
        %parallel_loop3A_749 = arith.mulf %parallel_loop3A_747, %parallel_loop3A_423 : vector<16xf32>
        %parallel_loop3A_750 = arith.mulf %parallel_loop3A_748, %parallel_loop3A_424 : vector<16xf32>
        %parallel_loop3A_751 = arith.addf %parallel_loop3A_749, %parallel_loop3A_750 : vector<16xf32>
        %parallel_loop3A_752 = arith.addf %parallel_loop3A_741, %parallel_loop3A_751 : vector<16xf32>
        %parallel_loop3A_753 = arith.constant 4 : i32
        %parallel_loop3A_754 = vector.broadcast %parallel_loop3A_753 : i32 to vector<16xi32>
        %parallel_loop3A_755 = arith.addi %parallel_loop3A_709, %parallel_loop3A_754 : vector<16xi32>
        %parallel_loop3A_756 = tpu.vector_load_idx %arg8[%parallel_loop3A_396, %parallel_loop3A_755] : memref<512x64xi32, #tpu.memory_space<vmem>>[vector<16xi32>, vector<16xi32>], vector<16xi32>,
        %parallel_loop3A_757 = vector.bitcast %parallel_loop3A_756 : vector<16xi32> to vector<32xbf16>
        %parallel_loop3A_758 = tpu.unpack_subelements %parallel_loop3A_757, 0 {pack_format = #tpu.pack_format<interleaved>} : vector<32xbf16> -> vector<16xf32>
        %parallel_loop3A_759 = tpu.unpack_subelements %parallel_loop3A_757, 1 {pack_format = #tpu.pack_format<interleaved>} : vector<32xbf16> -> vector<16xf32>
        %parallel_loop3A_760 = arith.mulf %parallel_loop3A_758, %parallel_loop3A_430 : vector<16xf32>
        %parallel_loop3A_761 = arith.mulf %parallel_loop3A_759, %parallel_loop3A_431 : vector<16xf32>
        %parallel_loop3A_762 = arith.addf %parallel_loop3A_760, %parallel_loop3A_761 : vector<16xf32>
        %parallel_loop3A_763 = arith.addf %parallel_loop3A_752, %parallel_loop3A_762 : vector<16xf32>
        %parallel_loop3A_764 = arith.constant 5 : i32
        %parallel_loop3A_765 = vector.broadcast %parallel_loop3A_764 : i32 to vector<16xi32>
        %parallel_loop3A_766 = arith.addi %parallel_loop3A_709, %parallel_loop3A_765 : vector<16xi32>
        %parallel_loop3A_767 = tpu.vector_load_idx %arg8[%parallel_loop3A_396, %parallel_loop3A_766] : memref<512x64xi32, #tpu.memory_space<vmem>>[vector<16xi32>, vector<16xi32>], vector<16xi32>,
        %parallel_loop3A_768 = vector.bitcast %parallel_loop3A_767 : vector<16xi32> to vector<32xbf16>
        %parallel_loop3A_769 = tpu.unpack_subelements %parallel_loop3A_768, 0 {pack_format = #tpu.pack_format<interleaved>} : vector<32xbf16> -> vector<16xf32>
        %parallel_loop3A_770 = tpu.unpack_subelements %parallel_loop3A_768, 1 {pack_format = #tpu.pack_format<interleaved>} : vector<32xbf16> -> vector<16xf32>
        %parallel_loop3A_771 = arith.mulf %parallel_loop3A_769, %parallel_loop3A_437 : vector<16xf32>
        %parallel_loop3A_772 = arith.mulf %parallel_loop3A_770, %parallel_loop3A_438 : vector<16xf32>
        %parallel_loop3A_773 = arith.addf %parallel_loop3A_771, %parallel_loop3A_772 : vector<16xf32>
        %parallel_loop3A_774 = arith.addf %parallel_loop3A_763, %parallel_loop3A_773 : vector<16xf32>
        %parallel_loop3A_775 = arith.constant 6 : i32
        %parallel_loop3A_776 = vector.broadcast %parallel_loop3A_775 : i32 to vector<16xi32>
        %parallel_loop3A_777 = arith.addi %parallel_loop3A_709, %parallel_loop3A_776 : vector<16xi32>
        %parallel_loop3A_778 = tpu.vector_load_idx %arg8[%parallel_loop3A_396, %parallel_loop3A_777] : memref<512x64xi32, #tpu.memory_space<vmem>>[vector<16xi32>, vector<16xi32>], vector<16xi32>,
        %parallel_loop3A_779 = vector.bitcast %parallel_loop3A_778 : vector<16xi32> to vector<32xbf16>
        %parallel_loop3A_780 = tpu.unpack_subelements %parallel_loop3A_779, 0 {pack_format = #tpu.pack_format<interleaved>} : vector<32xbf16> -> vector<16xf32>
        %parallel_loop3A_781 = tpu.unpack_subelements %parallel_loop3A_779, 1 {pack_format = #tpu.pack_format<interleaved>} : vector<32xbf16> -> vector<16xf32>
        %parallel_loop3A_782 = arith.mulf %parallel_loop3A_780, %parallel_loop3A_444 : vector<16xf32>
        %parallel_loop3A_783 = arith.mulf %parallel_loop3A_781, %parallel_loop3A_445 : vector<16xf32>
        %parallel_loop3A_784 = arith.addf %parallel_loop3A_782, %parallel_loop3A_783 : vector<16xf32>
        %parallel_loop3A_785 = arith.addf %parallel_loop3A_774, %parallel_loop3A_784 : vector<16xf32>
        tpu.vector_store_idx %arg12[%parallel_loop3A_706, %parallel_loop3A_396], %parallel_loop3A_785 : memref<8x512xf32, #tpu.memory_space<vmem>>[vector<16xi32>, vector<16xi32>], vector<16xf32>,
        %parallel_loop3A_786 = arith.constant 4 : i32
        %parallel_loop3A_787 = vector.broadcast %parallel_loop3A_786 : i32 to vector<16xi32>
        %parallel_loop3A_788 = arith.addi %parallel_loop3A_394, %parallel_loop3A_787 : vector<16xi32>
        %parallel_loop3A_789 = arith.constant 7 : i32
        %parallel_loop3A_790 = vector.broadcast %parallel_loop3A_789 : i32 to vector<16xi32>
        %parallel_loop3A_791 = arith.andi %parallel_loop3A_788, %parallel_loop3A_790 : vector<16xi32>
        %parallel_loop3A_792 = arith.constant 8 : i32
        %parallel_loop3A_793 = vector.broadcast %parallel_loop3A_792 : i32 to vector<16xi32>
        %parallel_loop3A_794 = arith.muli %parallel_loop3A_791, %parallel_loop3A_793 : vector<16xi32>
        %parallel_loop3A_795 = arith.constant 0 : i32
        %parallel_loop3A_796 = vector.broadcast %parallel_loop3A_795 : i32 to vector<16xi32>
        %parallel_loop3A_797 = arith.addi %parallel_loop3A_794, %parallel_loop3A_796 : vector<16xi32>
        %parallel_loop3A_798 = tpu.vector_load_idx %arg8[%parallel_loop3A_396, %parallel_loop3A_797] : memref<512x64xi32, #tpu.memory_space<vmem>>[vector<16xi32>, vector<16xi32>], vector<16xi32>,
        %parallel_loop3A_799 = vector.bitcast %parallel_loop3A_798 : vector<16xi32> to vector<32xbf16>
        %parallel_loop3A_800 = tpu.unpack_subelements %parallel_loop3A_799, 0 {pack_format = #tpu.pack_format<interleaved>} : vector<32xbf16> -> vector<16xf32>
        %parallel_loop3A_801 = tpu.unpack_subelements %parallel_loop3A_799, 1 {pack_format = #tpu.pack_format<interleaved>} : vector<32xbf16> -> vector<16xf32>
        %parallel_loop3A_802 = arith.mulf %parallel_loop3A_800, %parallel_loop3A_402 : vector<16xf32>
        %parallel_loop3A_803 = arith.mulf %parallel_loop3A_801, %parallel_loop3A_403 : vector<16xf32>
        %parallel_loop3A_804 = arith.addf %parallel_loop3A_802, %parallel_loop3A_803 : vector<16xf32>
        %parallel_loop3A_805 = arith.constant 1 : i32
        %parallel_loop3A_806 = vector.broadcast %parallel_loop3A_805 : i32 to vector<16xi32>
        %parallel_loop3A_807 = arith.addi %parallel_loop3A_794, %parallel_loop3A_806 : vector<16xi32>
        %parallel_loop3A_808 = tpu.vector_load_idx %arg8[%parallel_loop3A_396, %parallel_loop3A_807] : memref<512x64xi32, #tpu.memory_space<vmem>>[vector<16xi32>, vector<16xi32>], vector<16xi32>,
        %parallel_loop3A_809 = vector.bitcast %parallel_loop3A_808 : vector<16xi32> to vector<32xbf16>
        %parallel_loop3A_810 = tpu.unpack_subelements %parallel_loop3A_809, 0 {pack_format = #tpu.pack_format<interleaved>} : vector<32xbf16> -> vector<16xf32>
        %parallel_loop3A_811 = tpu.unpack_subelements %parallel_loop3A_809, 1 {pack_format = #tpu.pack_format<interleaved>} : vector<32xbf16> -> vector<16xf32>
        %parallel_loop3A_812 = arith.mulf %parallel_loop3A_810, %parallel_loop3A_409 : vector<16xf32>
        %parallel_loop3A_813 = arith.mulf %parallel_loop3A_811, %parallel_loop3A_410 : vector<16xf32>
        %parallel_loop3A_814 = arith.addf %parallel_loop3A_812, %parallel_loop3A_813 : vector<16xf32>
        %parallel_loop3A_815 = arith.addf %parallel_loop3A_804, %parallel_loop3A_814 : vector<16xf32>
        %parallel_loop3A_816 = arith.constant 2 : i32
        %parallel_loop3A_817 = vector.broadcast %parallel_loop3A_816 : i32 to vector<16xi32>
        %parallel_loop3A_818 = arith.addi %parallel_loop3A_794, %parallel_loop3A_817 : vector<16xi32>
        %parallel_loop3A_819 = tpu.vector_load_idx %arg8[%parallel_loop3A_396, %parallel_loop3A_818] : memref<512x64xi32, #tpu.memory_space<vmem>>[vector<16xi32>, vector<16xi32>], vector<16xi32>,
        %parallel_loop3A_820 = vector.bitcast %parallel_loop3A_819 : vector<16xi32> to vector<32xbf16>
        %parallel_loop3A_821 = tpu.unpack_subelements %parallel_loop3A_820, 0 {pack_format = #tpu.pack_format<interleaved>} : vector<32xbf16> -> vector<16xf32>
        %parallel_loop3A_822 = tpu.unpack_subelements %parallel_loop3A_820, 1 {pack_format = #tpu.pack_format<interleaved>} : vector<32xbf16> -> vector<16xf32>
        %parallel_loop3A_823 = arith.mulf %parallel_loop3A_821, %parallel_loop3A_416 : vector<16xf32>
        %parallel_loop3A_824 = arith.mulf %parallel_loop3A_822, %parallel_loop3A_417 : vector<16xf32>
        %parallel_loop3A_825 = arith.addf %parallel_loop3A_823, %parallel_loop3A_824 : vector<16xf32>
        %parallel_loop3A_826 = arith.addf %parallel_loop3A_815, %parallel_loop3A_825 : vector<16xf32>
        %parallel_loop3A_827 = arith.constant 3 : i32
        %parallel_loop3A_828 = vector.broadcast %parallel_loop3A_827 : i32 to vector<16xi32>
        %parallel_loop3A_829 = arith.addi %parallel_loop3A_794, %parallel_loop3A_828 : vector<16xi32>
        %parallel_loop3A_830 = tpu.vector_load_idx %arg8[%parallel_loop3A_396, %parallel_loop3A_829] : memref<512x64xi32, #tpu.memory_space<vmem>>[vector<16xi32>, vector<16xi32>], vector<16xi32>,
        %parallel_loop3A_831 = vector.bitcast %parallel_loop3A_830 : vector<16xi32> to vector<32xbf16>
        %parallel_loop3A_832 = tpu.unpack_subelements %parallel_loop3A_831, 0 {pack_format = #tpu.pack_format<interleaved>} : vector<32xbf16> -> vector<16xf32>
        %parallel_loop3A_833 = tpu.unpack_subelements %parallel_loop3A_831, 1 {pack_format = #tpu.pack_format<interleaved>} : vector<32xbf16> -> vector<16xf32>
        %parallel_loop3A_834 = arith.mulf %parallel_loop3A_832, %parallel_loop3A_423 : vector<16xf32>
        %parallel_loop3A_835 = arith.mulf %parallel_loop3A_833, %parallel_loop3A_424 : vector<16xf32>
        %parallel_loop3A_836 = arith.addf %parallel_loop3A_834, %parallel_loop3A_835 : vector<16xf32>
        %parallel_loop3A_837 = arith.addf %parallel_loop3A_826, %parallel_loop3A_836 : vector<16xf32>
        %parallel_loop3A_838 = arith.constant 4 : i32
        %parallel_loop3A_839 = vector.broadcast %parallel_loop3A_838 : i32 to vector<16xi32>
        %parallel_loop3A_840 = arith.addi %parallel_loop3A_794, %parallel_loop3A_839 : vector<16xi32>
        %parallel_loop3A_841 = tpu.vector_load_idx %arg8[%parallel_loop3A_396, %parallel_loop3A_840] : memref<512x64xi32, #tpu.memory_space<vmem>>[vector<16xi32>, vector<16xi32>], vector<16xi32>,
        %parallel_loop3A_842 = vector.bitcast %parallel_loop3A_841 : vector<16xi32> to vector<32xbf16>
        %parallel_loop3A_843 = tpu.unpack_subelements %parallel_loop3A_842, 0 {pack_format = #tpu.pack_format<interleaved>} : vector<32xbf16> -> vector<16xf32>
        %parallel_loop3A_844 = tpu.unpack_subelements %parallel_loop3A_842, 1 {pack_format = #tpu.pack_format<interleaved>} : vector<32xbf16> -> vector<16xf32>
        %parallel_loop3A_845 = arith.mulf %parallel_loop3A_843, %parallel_loop3A_430 : vector<16xf32>
        %parallel_loop3A_846 = arith.mulf %parallel_loop3A_844, %parallel_loop3A_431 : vector<16xf32>
        %parallel_loop3A_847 = arith.addf %parallel_loop3A_845, %parallel_loop3A_846 : vector<16xf32>
        %parallel_loop3A_848 = arith.addf %parallel_loop3A_837, %parallel_loop3A_847 : vector<16xf32>
        %parallel_loop3A_849 = arith.constant 5 : i32
        %parallel_loop3A_850 = vector.broadcast %parallel_loop3A_849 : i32 to vector<16xi32>
        %parallel_loop3A_851 = arith.addi %parallel_loop3A_794, %parallel_loop3A_850 : vector<16xi32>
        %parallel_loop3A_852 = tpu.vector_load_idx %arg8[%parallel_loop3A_396, %parallel_loop3A_851] : memref<512x64xi32, #tpu.memory_space<vmem>>[vector<16xi32>, vector<16xi32>], vector<16xi32>,
        %parallel_loop3A_853 = vector.bitcast %parallel_loop3A_852 : vector<16xi32> to vector<32xbf16>
        %parallel_loop3A_854 = tpu.unpack_subelements %parallel_loop3A_853, 0 {pack_format = #tpu.pack_format<interleaved>} : vector<32xbf16> -> vector<16xf32>
        %parallel_loop3A_855 = tpu.unpack_subelements %parallel_loop3A_853, 1 {pack_format = #tpu.pack_format<interleaved>} : vector<32xbf16> -> vector<16xf32>
        %parallel_loop3A_856 = arith.mulf %parallel_loop3A_854, %parallel_loop3A_437 : vector<16xf32>
        %parallel_loop3A_857 = arith.mulf %parallel_loop3A_855, %parallel_loop3A_438 : vector<16xf32>
        %parallel_loop3A_858 = arith.addf %parallel_loop3A_856, %parallel_loop3A_857 : vector<16xf32>
        %parallel_loop3A_859 = arith.addf %parallel_loop3A_848, %parallel_loop3A_858 : vector<16xf32>
        %parallel_loop3A_860 = arith.constant 6 : i32
        %parallel_loop3A_861 = vector.broadcast %parallel_loop3A_860 : i32 to vector<16xi32>
        %parallel_loop3A_862 = arith.addi %parallel_loop3A_794, %parallel_loop3A_861 : vector<16xi32>
        %parallel_loop3A_863 = tpu.vector_load_idx %arg8[%parallel_loop3A_396, %parallel_loop3A_862] : memref<512x64xi32, #tpu.memory_space<vmem>>[vector<16xi32>, vector<16xi32>], vector<16xi32>,
        %parallel_loop3A_864 = vector.bitcast %parallel_loop3A_863 : vector<16xi32> to vector<32xbf16>
        %parallel_loop3A_865 = tpu.unpack_subelements %parallel_loop3A_864, 0 {pack_format = #tpu.pack_format<interleaved>} : vector<32xbf16> -> vector<16xf32>
        %parallel_loop3A_866 = tpu.unpack_subelements %parallel_loop3A_864, 1 {pack_format = #tpu.pack_format<interleaved>} : vector<32xbf16> -> vector<16xf32>
        %parallel_loop3A_867 = arith.mulf %parallel_loop3A_865, %parallel_loop3A_444 : vector<16xf32>
        %parallel_loop3A_868 = arith.mulf %parallel_loop3A_866, %parallel_loop3A_445 : vector<16xf32>
        %parallel_loop3A_869 = arith.addf %parallel_loop3A_867, %parallel_loop3A_868 : vector<16xf32>
        %parallel_loop3A_870 = arith.addf %parallel_loop3A_859, %parallel_loop3A_869 : vector<16xf32>
        tpu.vector_store_idx %arg12[%parallel_loop3A_791, %parallel_loop3A_396], %parallel_loop3A_870 : memref<8x512xf32, #tpu.memory_space<vmem>>[vector<16xi32>, vector<16xi32>], vector<16xf32>,
        %parallel_loop3A_871 = arith.constant 5 : i32
        %parallel_loop3A_872 = vector.broadcast %parallel_loop3A_871 : i32 to vector<16xi32>
        %parallel_loop3A_873 = arith.addi %parallel_loop3A_394, %parallel_loop3A_872 : vector<16xi32>
        %parallel_loop3A_874 = arith.constant 7 : i32
        %parallel_loop3A_875 = vector.broadcast %parallel_loop3A_874 : i32 to vector<16xi32>
        %parallel_loop3A_876 = arith.andi %parallel_loop3A_873, %parallel_loop3A_875 : vector<16xi32>
        %parallel_loop3A_877 = arith.constant 8 : i32
        %parallel_loop3A_878 = vector.broadcast %parallel_loop3A_877 : i32 to vector<16xi32>
        %parallel_loop3A_879 = arith.muli %parallel_loop3A_876, %parallel_loop3A_878 : vector<16xi32>
        %parallel_loop3A_880 = arith.constant 0 : i32
        %parallel_loop3A_881 = vector.broadcast %parallel_loop3A_880 : i32 to vector<16xi32>
        %parallel_loop3A_882 = arith.addi %parallel_loop3A_879, %parallel_loop3A_881 : vector<16xi32>
        %parallel_loop3A_883 = tpu.vector_load_idx %arg8[%parallel_loop3A_396, %parallel_loop3A_882] : memref<512x64xi32, #tpu.memory_space<vmem>>[vector<16xi32>, vector<16xi32>], vector<16xi32>,
        %parallel_loop3A_884 = vector.bitcast %parallel_loop3A_883 : vector<16xi32> to vector<32xbf16>
        %parallel_loop3A_885 = tpu.unpack_subelements %parallel_loop3A_884, 0 {pack_format = #tpu.pack_format<interleaved>} : vector<32xbf16> -> vector<16xf32>
        %parallel_loop3A_886 = tpu.unpack_subelements %parallel_loop3A_884, 1 {pack_format = #tpu.pack_format<interleaved>} : vector<32xbf16> -> vector<16xf32>
        %parallel_loop3A_887 = arith.mulf %parallel_loop3A_885, %parallel_loop3A_402 : vector<16xf32>
        %parallel_loop3A_888 = arith.mulf %parallel_loop3A_886, %parallel_loop3A_403 : vector<16xf32>
        %parallel_loop3A_889 = arith.addf %parallel_loop3A_887, %parallel_loop3A_888 : vector<16xf32>
        %parallel_loop3A_890 = arith.constant 1 : i32
        %parallel_loop3A_891 = vector.broadcast %parallel_loop3A_890 : i32 to vector<16xi32>
        %parallel_loop3A_892 = arith.addi %parallel_loop3A_879, %parallel_loop3A_891 : vector<16xi32>
        %parallel_loop3A_893 = tpu.vector_load_idx %arg8[%parallel_loop3A_396, %parallel_loop3A_892] : memref<512x64xi32, #tpu.memory_space<vmem>>[vector<16xi32>, vector<16xi32>], vector<16xi32>,
        %parallel_loop3A_894 = vector.bitcast %parallel_loop3A_893 : vector<16xi32> to vector<32xbf16>
        %parallel_loop3A_895 = tpu.unpack_subelements %parallel_loop3A_894, 0 {pack_format = #tpu.pack_format<interleaved>} : vector<32xbf16> -> vector<16xf32>
        %parallel_loop3A_896 = tpu.unpack_subelements %parallel_loop3A_894, 1 {pack_format = #tpu.pack_format<interleaved>} : vector<32xbf16> -> vector<16xf32>
        %parallel_loop3A_897 = arith.mulf %parallel_loop3A_895, %parallel_loop3A_409 : vector<16xf32>
        %parallel_loop3A_898 = arith.mulf %parallel_loop3A_896, %parallel_loop3A_410 : vector<16xf32>
        %parallel_loop3A_899 = arith.addf %parallel_loop3A_897, %parallel_loop3A_898 : vector<16xf32>
        %parallel_loop3A_900 = arith.addf %parallel_loop3A_889, %parallel_loop3A_899 : vector<16xf32>
        %parallel_loop3A_901 = arith.constant 2 : i32
        %parallel_loop3A_902 = vector.broadcast %parallel_loop3A_901 : i32 to vector<16xi32>
        %parallel_loop3A_903 = arith.addi %parallel_loop3A_879, %parallel_loop3A_902 : vector<16xi32>
        %parallel_loop3A_904 = tpu.vector_load_idx %arg8[%parallel_loop3A_396, %parallel_loop3A_903] : memref<512x64xi32, #tpu.memory_space<vmem>>[vector<16xi32>, vector<16xi32>], vector<16xi32>,
        %parallel_loop3A_905 = vector.bitcast %parallel_loop3A_904 : vector<16xi32> to vector<32xbf16>
        %parallel_loop3A_906 = tpu.unpack_subelements %parallel_loop3A_905, 0 {pack_format = #tpu.pack_format<interleaved>} : vector<32xbf16> -> vector<16xf32>
        %parallel_loop3A_907 = tpu.unpack_subelements %parallel_loop3A_905, 1 {pack_format = #tpu.pack_format<interleaved>} : vector<32xbf16> -> vector<16xf32>
        %parallel_loop3A_908 = arith.mulf %parallel_loop3A_906, %parallel_loop3A_416 : vector<16xf32>
        %parallel_loop3A_909 = arith.mulf %parallel_loop3A_907, %parallel_loop3A_417 : vector<16xf32>
        %parallel_loop3A_910 = arith.addf %parallel_loop3A_908, %parallel_loop3A_909 : vector<16xf32>
        %parallel_loop3A_911 = arith.addf %parallel_loop3A_900, %parallel_loop3A_910 : vector<16xf32>
        %parallel_loop3A_912 = arith.constant 3 : i32
        %parallel_loop3A_913 = vector.broadcast %parallel_loop3A_912 : i32 to vector<16xi32>
        %parallel_loop3A_914 = arith.addi %parallel_loop3A_879, %parallel_loop3A_913 : vector<16xi32>
        %parallel_loop3A_915 = tpu.vector_load_idx %arg8[%parallel_loop3A_396, %parallel_loop3A_914] : memref<512x64xi32, #tpu.memory_space<vmem>>[vector<16xi32>, vector<16xi32>], vector<16xi32>,
        %parallel_loop3A_916 = vector.bitcast %parallel_loop3A_915 : vector<16xi32> to vector<32xbf16>
        %parallel_loop3A_917 = tpu.unpack_subelements %parallel_loop3A_916, 0 {pack_format = #tpu.pack_format<interleaved>} : vector<32xbf16> -> vector<16xf32>
        %parallel_loop3A_918 = tpu.unpack_subelements %parallel_loop3A_916, 1 {pack_format = #tpu.pack_format<interleaved>} : vector<32xbf16> -> vector<16xf32>
        %parallel_loop3A_919 = arith.mulf %parallel_loop3A_917, %parallel_loop3A_423 : vector<16xf32>
        %parallel_loop3A_920 = arith.mulf %parallel_loop3A_918, %parallel_loop3A_424 : vector<16xf32>
        %parallel_loop3A_921 = arith.addf %parallel_loop3A_919, %parallel_loop3A_920 : vector<16xf32>
        %parallel_loop3A_922 = arith.addf %parallel_loop3A_911, %parallel_loop3A_921 : vector<16xf32>
        %parallel_loop3A_923 = arith.constant 4 : i32
        %parallel_loop3A_924 = vector.broadcast %parallel_loop3A_923 : i32 to vector<16xi32>
        %parallel_loop3A_925 = arith.addi %parallel_loop3A_879, %parallel_loop3A_924 : vector<16xi32>
        %parallel_loop3A_926 = tpu.vector_load_idx %arg8[%parallel_loop3A_396, %parallel_loop3A_925] : memref<512x64xi32, #tpu.memory_space<vmem>>[vector<16xi32>, vector<16xi32>], vector<16xi32>,
        %parallel_loop3A_927 = vector.bitcast %parallel_loop3A_926 : vector<16xi32> to vector<32xbf16>
        %parallel_loop3A_928 = tpu.unpack_subelements %parallel_loop3A_927, 0 {pack_format = #tpu.pack_format<interleaved>} : vector<32xbf16> -> vector<16xf32>
        %parallel_loop3A_929 = tpu.unpack_subelements %parallel_loop3A_927, 1 {pack_format = #tpu.pack_format<interleaved>} : vector<32xbf16> -> vector<16xf32>
        %parallel_loop3A_930 = arith.mulf %parallel_loop3A_928, %parallel_loop3A_430 : vector<16xf32>
        %parallel_loop3A_931 = arith.mulf %parallel_loop3A_929, %parallel_loop3A_431 : vector<16xf32>
        %parallel_loop3A_932 = arith.addf %parallel_loop3A_930, %parallel_loop3A_931 : vector<16xf32>
        %parallel_loop3A_933 = arith.addf %parallel_loop3A_922, %parallel_loop3A_932 : vector<16xf32>
        %parallel_loop3A_934 = arith.constant 5 : i32
        %parallel_loop3A_935 = vector.broadcast %parallel_loop3A_934 : i32 to vector<16xi32>
        %parallel_loop3A_936 = arith.addi %parallel_loop3A_879, %parallel_loop3A_935 : vector<16xi32>
        %parallel_loop3A_937 = tpu.vector_load_idx %arg8[%parallel_loop3A_396, %parallel_loop3A_936] : memref<512x64xi32, #tpu.memory_space<vmem>>[vector<16xi32>, vector<16xi32>], vector<16xi32>,
        %parallel_loop3A_938 = vector.bitcast %parallel_loop3A_937 : vector<16xi32> to vector<32xbf16>
        %parallel_loop3A_939 = tpu.unpack_subelements %parallel_loop3A_938, 0 {pack_format = #tpu.pack_format<interleaved>} : vector<32xbf16> -> vector<16xf32>
        %parallel_loop3A_940 = tpu.unpack_subelements %parallel_loop3A_938, 1 {pack_format = #tpu.pack_format<interleaved>} : vector<32xbf16> -> vector<16xf32>
        %parallel_loop3A_941 = arith.mulf %parallel_loop3A_939, %parallel_loop3A_437 : vector<16xf32>
        %parallel_loop3A_942 = arith.mulf %parallel_loop3A_940, %parallel_loop3A_438 : vector<16xf32>
        %parallel_loop3A_943 = arith.addf %parallel_loop3A_941, %parallel_loop3A_942 : vector<16xf32>
        %parallel_loop3A_944 = arith.addf %parallel_loop3A_933, %parallel_loop3A_943 : vector<16xf32>
        %parallel_loop3A_945 = arith.constant 6 : i32
        %parallel_loop3A_946 = vector.broadcast %parallel_loop3A_945 : i32 to vector<16xi32>
        %parallel_loop3A_947 = arith.addi %parallel_loop3A_879, %parallel_loop3A_946 : vector<16xi32>
        %parallel_loop3A_948 = tpu.vector_load_idx %arg8[%parallel_loop3A_396, %parallel_loop3A_947] : memref<512x64xi32, #tpu.memory_space<vmem>>[vector<16xi32>, vector<16xi32>], vector<16xi32>,
        %parallel_loop3A_949 = vector.bitcast %parallel_loop3A_948 : vector<16xi32> to vector<32xbf16>
        %parallel_loop3A_950 = tpu.unpack_subelements %parallel_loop3A_949, 0 {pack_format = #tpu.pack_format<interleaved>} : vector<32xbf16> -> vector<16xf32>
        %parallel_loop3A_951 = tpu.unpack_subelements %parallel_loop3A_949, 1 {pack_format = #tpu.pack_format<interleaved>} : vector<32xbf16> -> vector<16xf32>
        %parallel_loop3A_952 = arith.mulf %parallel_loop3A_950, %parallel_loop3A_444 : vector<16xf32>
        %parallel_loop3A_953 = arith.mulf %parallel_loop3A_951, %parallel_loop3A_445 : vector<16xf32>
        %parallel_loop3A_954 = arith.addf %parallel_loop3A_952, %parallel_loop3A_953 : vector<16xf32>
        %parallel_loop3A_955 = arith.addf %parallel_loop3A_944, %parallel_loop3A_954 : vector<16xf32>
        tpu.vector_store_idx %arg12[%parallel_loop3A_876, %parallel_loop3A_396], %parallel_loop3A_955 : memref<8x512xf32, #tpu.memory_space<vmem>>[vector<16xi32>, vector<16xi32>], vector<16xf32>,
        %parallel_loop3A_956 = arith.constant 6 : i32
        %parallel_loop3A_957 = vector.broadcast %parallel_loop3A_956 : i32 to vector<16xi32>
        %parallel_loop3A_958 = arith.addi %parallel_loop3A_394, %parallel_loop3A_957 : vector<16xi32>
        %parallel_loop3A_959 = arith.constant 7 : i32
        %parallel_loop3A_960 = vector.broadcast %parallel_loop3A_959 : i32 to vector<16xi32>
        %parallel_loop3A_961 = arith.andi %parallel_loop3A_958, %parallel_loop3A_960 : vector<16xi32>
        %parallel_loop3A_962 = arith.constant 8 : i32
        %parallel_loop3A_963 = vector.broadcast %parallel_loop3A_962 : i32 to vector<16xi32>
        %parallel_loop3A_964 = arith.muli %parallel_loop3A_961, %parallel_loop3A_963 : vector<16xi32>
        %parallel_loop3A_965 = arith.constant 0 : i32
        %parallel_loop3A_966 = vector.broadcast %parallel_loop3A_965 : i32 to vector<16xi32>
        %parallel_loop3A_967 = arith.addi %parallel_loop3A_964, %parallel_loop3A_966 : vector<16xi32>
        %parallel_loop3A_968 = tpu.vector_load_idx %arg8[%parallel_loop3A_396, %parallel_loop3A_967] : memref<512x64xi32, #tpu.memory_space<vmem>>[vector<16xi32>, vector<16xi32>], vector<16xi32>,
        %parallel_loop3A_969 = vector.bitcast %parallel_loop3A_968 : vector<16xi32> to vector<32xbf16>
        %parallel_loop3A_970 = tpu.unpack_subelements %parallel_loop3A_969, 0 {pack_format = #tpu.pack_format<interleaved>} : vector<32xbf16> -> vector<16xf32>
        %parallel_loop3A_971 = tpu.unpack_subelements %parallel_loop3A_969, 1 {pack_format = #tpu.pack_format<interleaved>} : vector<32xbf16> -> vector<16xf32>
        %parallel_loop3A_972 = arith.mulf %parallel_loop3A_970, %parallel_loop3A_402 : vector<16xf32>
        %parallel_loop3A_973 = arith.mulf %parallel_loop3A_971, %parallel_loop3A_403 : vector<16xf32>
        %parallel_loop3A_974 = arith.addf %parallel_loop3A_972, %parallel_loop3A_973 : vector<16xf32>
        %parallel_loop3A_975 = arith.constant 1 : i32
        %parallel_loop3A_976 = vector.broadcast %parallel_loop3A_975 : i32 to vector<16xi32>
        %parallel_loop3A_977 = arith.addi %parallel_loop3A_964, %parallel_loop3A_976 : vector<16xi32>
        %parallel_loop3A_978 = tpu.vector_load_idx %arg8[%parallel_loop3A_396, %parallel_loop3A_977] : memref<512x64xi32, #tpu.memory_space<vmem>>[vector<16xi32>, vector<16xi32>], vector<16xi32>,
        %parallel_loop3A_979 = vector.bitcast %parallel_loop3A_978 : vector<16xi32> to vector<32xbf16>
        %parallel_loop3A_980 = tpu.unpack_subelements %parallel_loop3A_979, 0 {pack_format = #tpu.pack_format<interleaved>} : vector<32xbf16> -> vector<16xf32>
        %parallel_loop3A_981 = tpu.unpack_subelements %parallel_loop3A_979, 1 {pack_format = #tpu.pack_format<interleaved>} : vector<32xbf16> -> vector<16xf32>
        %parallel_loop3A_982 = arith.mulf %parallel_loop3A_980, %parallel_loop3A_409 : vector<16xf32>
        %parallel_loop3A_983 = arith.mulf %parallel_loop3A_981, %parallel_loop3A_410 : vector<16xf32>
        %parallel_loop3A_984 = arith.addf %parallel_loop3A_982, %parallel_loop3A_983 : vector<16xf32>
        %parallel_loop3A_985 = arith.addf %parallel_loop3A_974, %parallel_loop3A_984 : vector<16xf32>
        %parallel_loop3A_986 = arith.constant 2 : i32
        %parallel_loop3A_987 = vector.broadcast %parallel_loop3A_986 : i32 to vector<16xi32>
        %parallel_loop3A_988 = arith.addi %parallel_loop3A_964, %parallel_loop3A_987 : vector<16xi32>
        %parallel_loop3A_989 = tpu.vector_load_idx %arg8[%parallel_loop3A_396, %parallel_loop3A_988] : memref<512x64xi32, #tpu.memory_space<vmem>>[vector<16xi32>, vector<16xi32>], vector<16xi32>,
        %parallel_loop3A_990 = vector.bitcast %parallel_loop3A_989 : vector<16xi32> to vector<32xbf16>
        %parallel_loop3A_991 = tpu.unpack_subelements %parallel_loop3A_990, 0 {pack_format = #tpu.pack_format<interleaved>} : vector<32xbf16> -> vector<16xf32>
        %parallel_loop3A_992 = tpu.unpack_subelements %parallel_loop3A_990, 1 {pack_format = #tpu.pack_format<interleaved>} : vector<32xbf16> -> vector<16xf32>
        %parallel_loop3A_993 = arith.mulf %parallel_loop3A_991, %parallel_loop3A_416 : vector<16xf32>
        %parallel_loop3A_994 = arith.mulf %parallel_loop3A_992, %parallel_loop3A_417 : vector<16xf32>
        %parallel_loop3A_995 = arith.addf %parallel_loop3A_993, %parallel_loop3A_994 : vector<16xf32>
        %parallel_loop3A_996 = arith.addf %parallel_loop3A_985, %parallel_loop3A_995 : vector<16xf32>
        %parallel_loop3A_997 = arith.constant 3 : i32
        %parallel_loop3A_998 = vector.broadcast %parallel_loop3A_997 : i32 to vector<16xi32>
        %parallel_loop3A_999 = arith.addi %parallel_loop3A_964, %parallel_loop3A_998 : vector<16xi32>
        %parallel_loop3A_1000 = tpu.vector_load_idx %arg8[%parallel_loop3A_396, %parallel_loop3A_999] : memref<512x64xi32, #tpu.memory_space<vmem>>[vector<16xi32>, vector<16xi32>], vector<16xi32>,
        %parallel_loop3A_1001 = vector.bitcast %parallel_loop3A_1000 : vector<16xi32> to vector<32xbf16>
        %parallel_loop3A_1002 = tpu.unpack_subelements %parallel_loop3A_1001, 0 {pack_format = #tpu.pack_format<interleaved>} : vector<32xbf16> -> vector<16xf32>
        %parallel_loop3A_1003 = tpu.unpack_subelements %parallel_loop3A_1001, 1 {pack_format = #tpu.pack_format<interleaved>} : vector<32xbf16> -> vector<16xf32>
        %parallel_loop3A_1004 = arith.mulf %parallel_loop3A_1002, %parallel_loop3A_423 : vector<16xf32>
        %parallel_loop3A_1005 = arith.mulf %parallel_loop3A_1003, %parallel_loop3A_424 : vector<16xf32>
        %parallel_loop3A_1006 = arith.addf %parallel_loop3A_1004, %parallel_loop3A_1005 : vector<16xf32>
        %parallel_loop3A_1007 = arith.addf %parallel_loop3A_996, %parallel_loop3A_1006 : vector<16xf32>
        %parallel_loop3A_1008 = arith.constant 4 : i32
        %parallel_loop3A_1009 = vector.broadcast %parallel_loop3A_1008 : i32 to vector<16xi32>
        %parallel_loop3A_1010 = arith.addi %parallel_loop3A_964, %parallel_loop3A_1009 : vector<16xi32>
        %parallel_loop3A_1011 = tpu.vector_load_idx %arg8[%parallel_loop3A_396, %parallel_loop3A_1010] : memref<512x64xi32, #tpu.memory_space<vmem>>[vector<16xi32>, vector<16xi32>], vector<16xi32>,
        %parallel_loop3A_1012 = vector.bitcast %parallel_loop3A_1011 : vector<16xi32> to vector<32xbf16>
        %parallel_loop3A_1013 = tpu.unpack_subelements %parallel_loop3A_1012, 0 {pack_format = #tpu.pack_format<interleaved>} : vector<32xbf16> -> vector<16xf32>
        %parallel_loop3A_1014 = tpu.unpack_subelements %parallel_loop3A_1012, 1 {pack_format = #tpu.pack_format<interleaved>} : vector<32xbf16> -> vector<16xf32>
        %parallel_loop3A_1015 = arith.mulf %parallel_loop3A_1013, %parallel_loop3A_430 : vector<16xf32>
        %parallel_loop3A_1016 = arith.mulf %parallel_loop3A_1014, %parallel_loop3A_431 : vector<16xf32>
        %parallel_loop3A_1017 = arith.addf %parallel_loop3A_1015, %parallel_loop3A_1016 : vector<16xf32>
        %parallel_loop3A_1018 = arith.addf %parallel_loop3A_1007, %parallel_loop3A_1017 : vector<16xf32>
        %parallel_loop3A_1019 = arith.constant 5 : i32
        %parallel_loop3A_1020 = vector.broadcast %parallel_loop3A_1019 : i32 to vector<16xi32>
        %parallel_loop3A_1021 = arith.addi %parallel_loop3A_964, %parallel_loop3A_1020 : vector<16xi32>
        %parallel_loop3A_1022 = tpu.vector_load_idx %arg8[%parallel_loop3A_396, %parallel_loop3A_1021] : memref<512x64xi32, #tpu.memory_space<vmem>>[vector<16xi32>, vector<16xi32>], vector<16xi32>,
        %parallel_loop3A_1023 = vector.bitcast %parallel_loop3A_1022 : vector<16xi32> to vector<32xbf16>
        %parallel_loop3A_1024 = tpu.unpack_subelements %parallel_loop3A_1023, 0 {pack_format = #tpu.pack_format<interleaved>} : vector<32xbf16> -> vector<16xf32>
        %parallel_loop3A_1025 = tpu.unpack_subelements %parallel_loop3A_1023, 1 {pack_format = #tpu.pack_format<interleaved>} : vector<32xbf16> -> vector<16xf32>
        %parallel_loop3A_1026 = arith.mulf %parallel_loop3A_1024, %parallel_loop3A_437 : vector<16xf32>
        %parallel_loop3A_1027 = arith.mulf %parallel_loop3A_1025, %parallel_loop3A_438 : vector<16xf32>
        %parallel_loop3A_1028 = arith.addf %parallel_loop3A_1026, %parallel_loop3A_1027 : vector<16xf32>
        %parallel_loop3A_1029 = arith.addf %parallel_loop3A_1018, %parallel_loop3A_1028 : vector<16xf32>
        %parallel_loop3A_1030 = arith.constant 6 : i32
        %parallel_loop3A_1031 = vector.broadcast %parallel_loop3A_1030 : i32 to vector<16xi32>
        %parallel_loop3A_1032 = arith.addi %parallel_loop3A_964, %parallel_loop3A_1031 : vector<16xi32>
        %parallel_loop3A_1033 = tpu.vector_load_idx %arg8[%parallel_loop3A_396, %parallel_loop3A_1032] : memref<512x64xi32, #tpu.memory_space<vmem>>[vector<16xi32>, vector<16xi32>], vector<16xi32>,
        %parallel_loop3A_1034 = vector.bitcast %parallel_loop3A_1033 : vector<16xi32> to vector<32xbf16>
        %parallel_loop3A_1035 = tpu.unpack_subelements %parallel_loop3A_1034, 0 {pack_format = #tpu.pack_format<interleaved>} : vector<32xbf16> -> vector<16xf32>
        %parallel_loop3A_1036 = tpu.unpack_subelements %parallel_loop3A_1034, 1 {pack_format = #tpu.pack_format<interleaved>} : vector<32xbf16> -> vector<16xf32>
        %parallel_loop3A_1037 = arith.mulf %parallel_loop3A_1035, %parallel_loop3A_444 : vector<16xf32>
        %parallel_loop3A_1038 = arith.mulf %parallel_loop3A_1036, %parallel_loop3A_445 : vector<16xf32>
        %parallel_loop3A_1039 = arith.addf %parallel_loop3A_1037, %parallel_loop3A_1038 : vector<16xf32>
        %parallel_loop3A_1040 = arith.addf %parallel_loop3A_1029, %parallel_loop3A_1039 : vector<16xf32>
        tpu.vector_store_idx %arg12[%parallel_loop3A_961, %parallel_loop3A_396], %parallel_loop3A_1040 : memref<8x512xf32, #tpu.memory_space<vmem>>[vector<16xi32>, vector<16xi32>], vector<16xf32>,
        %parallel_loop3A_1041 = arith.constant 7 : i32
        %parallel_loop3A_1042 = vector.broadcast %parallel_loop3A_1041 : i32 to vector<16xi32>
        %parallel_loop3A_1043 = arith.addi %parallel_loop3A_394, %parallel_loop3A_1042 : vector<16xi32>
        %parallel_loop3A_1044 = arith.constant 7 : i32
        %parallel_loop3A_1045 = vector.broadcast %parallel_loop3A_1044 : i32 to vector<16xi32>
        %parallel_loop3A_1046 = arith.andi %parallel_loop3A_1043, %parallel_loop3A_1045 : vector<16xi32>
        %parallel_loop3A_1047 = arith.constant 8 : i32
        %parallel_loop3A_1048 = vector.broadcast %parallel_loop3A_1047 : i32 to vector<16xi32>
        %parallel_loop3A_1049 = arith.muli %parallel_loop3A_1046, %parallel_loop3A_1048 : vector<16xi32>
        %parallel_loop3A_1050 = arith.constant 0 : i32
        %parallel_loop3A_1051 = vector.broadcast %parallel_loop3A_1050 : i32 to vector<16xi32>
        %parallel_loop3A_1052 = arith.addi %parallel_loop3A_1049, %parallel_loop3A_1051 : vector<16xi32>
        %parallel_loop3A_1053 = tpu.vector_load_idx %arg8[%parallel_loop3A_396, %parallel_loop3A_1052] : memref<512x64xi32, #tpu.memory_space<vmem>>[vector<16xi32>, vector<16xi32>], vector<16xi32>,
        %parallel_loop3A_1054 = vector.bitcast %parallel_loop3A_1053 : vector<16xi32> to vector<32xbf16>
        %parallel_loop3A_1055 = tpu.unpack_subelements %parallel_loop3A_1054, 0 {pack_format = #tpu.pack_format<interleaved>} : vector<32xbf16> -> vector<16xf32>
        %parallel_loop3A_1056 = tpu.unpack_subelements %parallel_loop3A_1054, 1 {pack_format = #tpu.pack_format<interleaved>} : vector<32xbf16> -> vector<16xf32>
        %parallel_loop3A_1057 = arith.mulf %parallel_loop3A_1055, %parallel_loop3A_402 : vector<16xf32>
        %parallel_loop3A_1058 = arith.mulf %parallel_loop3A_1056, %parallel_loop3A_403 : vector<16xf32>
        %parallel_loop3A_1059 = arith.addf %parallel_loop3A_1057, %parallel_loop3A_1058 : vector<16xf32>
        %parallel_loop3A_1060 = arith.constant 1 : i32
        %parallel_loop3A_1061 = vector.broadcast %parallel_loop3A_1060 : i32 to vector<16xi32>
        %parallel_loop3A_1062 = arith.addi %parallel_loop3A_1049, %parallel_loop3A_1061 : vector<16xi32>
        %parallel_loop3A_1063 = tpu.vector_load_idx %arg8[%parallel_loop3A_396, %parallel_loop3A_1062] : memref<512x64xi32, #tpu.memory_space<vmem>>[vector<16xi32>, vector<16xi32>], vector<16xi32>,
        %parallel_loop3A_1064 = vector.bitcast %parallel_loop3A_1063 : vector<16xi32> to vector<32xbf16>
        %parallel_loop3A_1065 = tpu.unpack_subelements %parallel_loop3A_1064, 0 {pack_format = #tpu.pack_format<interleaved>} : vector<32xbf16> -> vector<16xf32>
        %parallel_loop3A_1066 = tpu.unpack_subelements %parallel_loop3A_1064, 1 {pack_format = #tpu.pack_format<interleaved>} : vector<32xbf16> -> vector<16xf32>
        %parallel_loop3A_1067 = arith.mulf %parallel_loop3A_1065, %parallel_loop3A_409 : vector<16xf32>
        %parallel_loop3A_1068 = arith.mulf %parallel_loop3A_1066, %parallel_loop3A_410 : vector<16xf32>
        %parallel_loop3A_1069 = arith.addf %parallel_loop3A_1067, %parallel_loop3A_1068 : vector<16xf32>
        %parallel_loop3A_1070 = arith.addf %parallel_loop3A_1059, %parallel_loop3A_1069 : vector<16xf32>
        %parallel_loop3A_1071 = arith.constant 2 : i32
        %parallel_loop3A_1072 = vector.broadcast %parallel_loop3A_1071 : i32 to vector<16xi32>
        %parallel_loop3A_1073 = arith.addi %parallel_loop3A_1049, %parallel_loop3A_1072 : vector<16xi32>
        %parallel_loop3A_1074 = tpu.vector_load_idx %arg8[%parallel_loop3A_396, %parallel_loop3A_1073] : memref<512x64xi32, #tpu.memory_space<vmem>>[vector<16xi32>, vector<16xi32>], vector<16xi32>,
        %parallel_loop3A_1075 = vector.bitcast %parallel_loop3A_1074 : vector<16xi32> to vector<32xbf16>
        %parallel_loop3A_1076 = tpu.unpack_subelements %parallel_loop3A_1075, 0 {pack_format = #tpu.pack_format<interleaved>} : vector<32xbf16> -> vector<16xf32>
        %parallel_loop3A_1077 = tpu.unpack_subelements %parallel_loop3A_1075, 1 {pack_format = #tpu.pack_format<interleaved>} : vector<32xbf16> -> vector<16xf32>
        %parallel_loop3A_1078 = arith.mulf %parallel_loop3A_1076, %parallel_loop3A_416 : vector<16xf32>
        %parallel_loop3A_1079 = arith.mulf %parallel_loop3A_1077, %parallel_loop3A_417 : vector<16xf32>
        %parallel_loop3A_1080 = arith.addf %parallel_loop3A_1078, %parallel_loop3A_1079 : vector<16xf32>
        %parallel_loop3A_1081 = arith.addf %parallel_loop3A_1070, %parallel_loop3A_1080 : vector<16xf32>
        %parallel_loop3A_1082 = arith.constant 3 : i32
        %parallel_loop3A_1083 = vector.broadcast %parallel_loop3A_1082 : i32 to vector<16xi32>
        %parallel_loop3A_1084 = arith.addi %parallel_loop3A_1049, %parallel_loop3A_1083 : vector<16xi32>
        %parallel_loop3A_1085 = tpu.vector_load_idx %arg8[%parallel_loop3A_396, %parallel_loop3A_1084] : memref<512x64xi32, #tpu.memory_space<vmem>>[vector<16xi32>, vector<16xi32>], vector<16xi32>,
        %parallel_loop3A_1086 = vector.bitcast %parallel_loop3A_1085 : vector<16xi32> to vector<32xbf16>
        %parallel_loop3A_1087 = tpu.unpack_subelements %parallel_loop3A_1086, 0 {pack_format = #tpu.pack_format<interleaved>} : vector<32xbf16> -> vector<16xf32>
        %parallel_loop3A_1088 = tpu.unpack_subelements %parallel_loop3A_1086, 1 {pack_format = #tpu.pack_format<interleaved>} : vector<32xbf16> -> vector<16xf32>
        %parallel_loop3A_1089 = arith.mulf %parallel_loop3A_1087, %parallel_loop3A_423 : vector<16xf32>
        %parallel_loop3A_1090 = arith.mulf %parallel_loop3A_1088, %parallel_loop3A_424 : vector<16xf32>
        %parallel_loop3A_1091 = arith.addf %parallel_loop3A_1089, %parallel_loop3A_1090 : vector<16xf32>
        %parallel_loop3A_1092 = arith.addf %parallel_loop3A_1081, %parallel_loop3A_1091 : vector<16xf32>
        %parallel_loop3A_1093 = arith.constant 4 : i32
        %parallel_loop3A_1094 = vector.broadcast %parallel_loop3A_1093 : i32 to vector<16xi32>
        %parallel_loop3A_1095 = arith.addi %parallel_loop3A_1049, %parallel_loop3A_1094 : vector<16xi32>
        %parallel_loop3A_1096 = tpu.vector_load_idx %arg8[%parallel_loop3A_396, %parallel_loop3A_1095] : memref<512x64xi32, #tpu.memory_space<vmem>>[vector<16xi32>, vector<16xi32>], vector<16xi32>,
        %parallel_loop3A_1097 = vector.bitcast %parallel_loop3A_1096 : vector<16xi32> to vector<32xbf16>
        %parallel_loop3A_1098 = tpu.unpack_subelements %parallel_loop3A_1097, 0 {pack_format = #tpu.pack_format<interleaved>} : vector<32xbf16> -> vector<16xf32>
        %parallel_loop3A_1099 = tpu.unpack_subelements %parallel_loop3A_1097, 1 {pack_format = #tpu.pack_format<interleaved>} : vector<32xbf16> -> vector<16xf32>
        %parallel_loop3A_1100 = arith.mulf %parallel_loop3A_1098, %parallel_loop3A_430 : vector<16xf32>
        %parallel_loop3A_1101 = arith.mulf %parallel_loop3A_1099, %parallel_loop3A_431 : vector<16xf32>
        %parallel_loop3A_1102 = arith.addf %parallel_loop3A_1100, %parallel_loop3A_1101 : vector<16xf32>
        %parallel_loop3A_1103 = arith.addf %parallel_loop3A_1092, %parallel_loop3A_1102 : vector<16xf32>
        %parallel_loop3A_1104 = arith.constant 5 : i32
        %parallel_loop3A_1105 = vector.broadcast %parallel_loop3A_1104 : i32 to vector<16xi32>
        %parallel_loop3A_1106 = arith.addi %parallel_loop3A_1049, %parallel_loop3A_1105 : vector<16xi32>
        %parallel_loop3A_1107 = tpu.vector_load_idx %arg8[%parallel_loop3A_396, %parallel_loop3A_1106] : memref<512x64xi32, #tpu.memory_space<vmem>>[vector<16xi32>, vector<16xi32>], vector<16xi32>,
        %parallel_loop3A_1108 = vector.bitcast %parallel_loop3A_1107 : vector<16xi32> to vector<32xbf16>
        %parallel_loop3A_1109 = tpu.unpack_subelements %parallel_loop3A_1108, 0 {pack_format = #tpu.pack_format<interleaved>} : vector<32xbf16> -> vector<16xf32>
        %parallel_loop3A_1110 = tpu.unpack_subelements %parallel_loop3A_1108, 1 {pack_format = #tpu.pack_format<interleaved>} : vector<32xbf16> -> vector<16xf32>
        %parallel_loop3A_1111 = arith.mulf %parallel_loop3A_1109, %parallel_loop3A_437 : vector<16xf32>
        %parallel_loop3A_1112 = arith.mulf %parallel_loop3A_1110, %parallel_loop3A_438 : vector<16xf32>
        %parallel_loop3A_1113 = arith.addf %parallel_loop3A_1111, %parallel_loop3A_1112 : vector<16xf32>
        %parallel_loop3A_1114 = arith.addf %parallel_loop3A_1103, %parallel_loop3A_1113 : vector<16xf32>
        %parallel_loop3A_1115 = arith.constant 6 : i32
        %parallel_loop3A_1116 = vector.broadcast %parallel_loop3A_1115 : i32 to vector<16xi32>
        %parallel_loop3A_1117 = arith.addi %parallel_loop3A_1049, %parallel_loop3A_1116 : vector<16xi32>
        %parallel_loop3A_1118 = tpu.vector_load_idx %arg8[%parallel_loop3A_396, %parallel_loop3A_1117] : memref<512x64xi32, #tpu.memory_space<vmem>>[vector<16xi32>, vector<16xi32>], vector<16xi32>,
        %parallel_loop3A_1119 = vector.bitcast %parallel_loop3A_1118 : vector<16xi32> to vector<32xbf16>
        %parallel_loop3A_1120 = tpu.unpack_subelements %parallel_loop3A_1119, 0 {pack_format = #tpu.pack_format<interleaved>} : vector<32xbf16> -> vector<16xf32>
        %parallel_loop3A_1121 = tpu.unpack_subelements %parallel_loop3A_1119, 1 {pack_format = #tpu.pack_format<interleaved>} : vector<32xbf16> -> vector<16xf32>
        %parallel_loop3A_1122 = arith.mulf %parallel_loop3A_1120, %parallel_loop3A_444 : vector<16xf32>
        %parallel_loop3A_1123 = arith.mulf %parallel_loop3A_1121, %parallel_loop3A_445 : vector<16xf32>
        %parallel_loop3A_1124 = arith.addf %parallel_loop3A_1122, %parallel_loop3A_1123 : vector<16xf32>
        %parallel_loop3A_1125 = arith.addf %parallel_loop3A_1114, %parallel_loop3A_1124 : vector<16xf32>
        tpu.vector_store_idx %arg12[%parallel_loop3A_1046, %parallel_loop3A_396], %parallel_loop3A_1125 : memref<8x512xf32, #tpu.memory_space<vmem>>[vector<16xi32>, vector<16xi32>], vector<16xf32>,
      } {sc.loop_unroll_factor = 1 : i64, sc.parallel_access}
      %mul3A_383 = arith.constant 512 : i32
      %mul3A_384 = arith.muli %add3A_252, %mul3A_383 : i32
      %add3A_385 = arith.addi %mul3A_2, %mul3A_384 : i32
      %dma_start3A_386 = arith.constant 0 : i32
      %dma_start3A_387 = tpu.memref_slice %arg5[%dma_start3A_386, %add3A_385] : memref<8x524288xf32, #tpu.memory_space<hbm>> -> memref<8x512xf32, #tpu.memory_space<hbm>>
      %dma_start3A_388 = arith.constant 0 : i32
      %dma_start3A_389 = tpu.memref_slice %arg5[%dma_start3A_388, %add3A_385] : memref<8x524288xf32, #tpu.memory_space<hbm>> -> memref<8x512xf32, #tpu.memory_space<hbm>>
      tpu.enqueue_dma source(%arg12 : memref<8x512xf32, #tpu.memory_space<vmem>>) target(%dma_start3A_389 : memref<8x512xf32, #tpu.memory_space<hbm>>) target_semaphore(%arg16 : memref<!tpu.dma_semaphore, #tpu.memory_space<semaphore_mem>>)
    }
    %scan3A_54 = arith.constant 16 : i32
    %add3A_55 = arith.constant 15872 : i32
    %add3A_56 = arith.addi %mul3A_2, %add3A_55 : i32
    %dma_wait3A = arith.constant 0 : i32
    %dma_wait3A_57 = tpu.memref_slice %arg4[%dma_wait3A, %add3A_56] : memref<7x524288xi32, #tpu.memory_space<hbm>> -> memref<7x512xi32, #tpu.memory_space<hbm>>
    %dma_wait3A_58 = arith.constant 0 : i32
    %dma_wait3A_59 = tpu.memref_slice %arg4[%dma_wait3A_58, %add3A_56] : memref<7x524288xi32, #tpu.memory_space<hbm>> -> memref<7x512xi32, #tpu.memory_space<hbm>>
    tpu.wait_dma2 semaphore(%arg13 : memref<!tpu.dma_semaphore, #tpu.memory_space<semaphore_mem>>) src(%dma_wait3A_59 : memref<7x512xi32, #tpu.memory_space<hbm>>) dst(%arg9 : memref<7x512xi32, #tpu.memory_space<vmem>>)
    %dma_wait3A_60 = arith.constant 124 : i32
    %dma_wait3A_61 = arith.constant 0 : i32
    %dma_wait3A_62 = arith.constant 0 : i32
    %dma_wait3A_63 = tpu.memref_slice %arg7[%dma_wait3A_61, %dma_wait3A_62] : memref<512x64xi32, #tpu.memory_space<vmem>> -> memref<128x64xi32, #tpu.memory_space<vmem>>
    %dma_wait3A_64 = arith.constant 0 : i32
    %dma_wait3A_65 = tpu.memref_slice %arg6[%dma_wait3A_60, %dma_wait3A_64] : memref<128x128xi32, #tpu.memory_space<vmem>> -> memref<1x128xi32, #tpu.memory_space<vmem>>
    %dma_wait3A_66 = tpu.memref_squeeze %dma_wait3A_65 : memref<1x128xi32, #tpu.memory_space<vmem>> -> memref<128xi32, #tpu.memory_space<vmem>>
    %dma_wait3A_67 = arith.constant 0 : i32
    %dma_wait3A_68 = arith.constant 0 : i32
    %dma_wait3A_69 = tpu.memref_slice %arg2[%dma_wait3A_67, %dma_wait3A_68] : memref<65536x64xi32, #tpu.memory_space<hbm>> -> memref<65536x64xi32, #tpu.memory_space<hbm>>
    tpu.wait_indirect_dma semaphore(%arg13 : memref<!tpu.dma_semaphore, #tpu.memory_space<semaphore_mem>>) src(%dma_wait3A_69 : memref<65536x64xi32, #tpu.memory_space<hbm>>) dst(%dma_wait3A_63 : memref<128x64xi32, #tpu.memory_space<vmem>>)
    %dma_wait3A_70 = arith.constant 125 : i32
    %dma_wait3A_71 = arith.constant 128 : i32
    %dma_wait3A_72 = arith.constant 0 : i32
    %dma_wait3A_73 = tpu.memref_slice %arg7[%dma_wait3A_71, %dma_wait3A_72] : memref<512x64xi32, #tpu.memory_space<vmem>> -> memref<128x64xi32, #tpu.memory_space<vmem>>
    %dma_wait3A_74 = arith.constant 0 : i32
    %dma_wait3A_75 = tpu.memref_slice %arg6[%dma_wait3A_70, %dma_wait3A_74] : memref<128x128xi32, #tpu.memory_space<vmem>> -> memref<1x128xi32, #tpu.memory_space<vmem>>
    %dma_wait3A_76 = tpu.memref_squeeze %dma_wait3A_75 : memref<1x128xi32, #tpu.memory_space<vmem>> -> memref<128xi32, #tpu.memory_space<vmem>>
    %dma_wait3A_77 = arith.constant 0 : i32
    %dma_wait3A_78 = arith.constant 0 : i32
    %dma_wait3A_79 = tpu.memref_slice %arg2[%dma_wait3A_77, %dma_wait3A_78] : memref<65536x64xi32, #tpu.memory_space<hbm>> -> memref<65536x64xi32, #tpu.memory_space<hbm>>
    tpu.wait_indirect_dma semaphore(%arg13 : memref<!tpu.dma_semaphore, #tpu.memory_space<semaphore_mem>>) src(%dma_wait3A_79 : memref<65536x64xi32, #tpu.memory_space<hbm>>) dst(%dma_wait3A_73 : memref<128x64xi32, #tpu.memory_space<vmem>>)
    %dma_wait3A_80 = arith.constant 126 : i32
    %dma_wait3A_81 = arith.constant 256 : i32
    %dma_wait3A_82 = arith.constant 0 : i32
    %dma_wait3A_83 = tpu.memref_slice %arg7[%dma_wait3A_81, %dma_wait3A_82] : memref<512x64xi32, #tpu.memory_space<vmem>> -> memref<128x64xi32, #tpu.memory_space<vmem>>
    %dma_wait3A_84 = arith.constant 0 : i32
    %dma_wait3A_85 = tpu.memref_slice %arg6[%dma_wait3A_80, %dma_wait3A_84] : memref<128x128xi32, #tpu.memory_space<vmem>> -> memref<1x128xi32, #tpu.memory_space<vmem>>
    %dma_wait3A_86 = tpu.memref_squeeze %dma_wait3A_85 : memref<1x128xi32, #tpu.memory_space<vmem>> -> memref<128xi32, #tpu.memory_space<vmem>>
    %dma_wait3A_87 = arith.constant 0 : i32
    %dma_wait3A_88 = arith.constant 0 : i32
    %dma_wait3A_89 = tpu.memref_slice %arg2[%dma_wait3A_87, %dma_wait3A_88] : memref<65536x64xi32, #tpu.memory_space<hbm>> -> memref<65536x64xi32, #tpu.memory_space<hbm>>
    tpu.wait_indirect_dma semaphore(%arg13 : memref<!tpu.dma_semaphore, #tpu.memory_space<semaphore_mem>>) src(%dma_wait3A_89 : memref<65536x64xi32, #tpu.memory_space<hbm>>) dst(%dma_wait3A_83 : memref<128x64xi32, #tpu.memory_space<vmem>>)
    %dma_wait3A_90 = arith.constant 127 : i32
    %dma_wait3A_91 = arith.constant 384 : i32
    %dma_wait3A_92 = arith.constant 0 : i32
    %dma_wait3A_93 = tpu.memref_slice %arg7[%dma_wait3A_91, %dma_wait3A_92] : memref<512x64xi32, #tpu.memory_space<vmem>> -> memref<128x64xi32, #tpu.memory_space<vmem>>
    %dma_wait3A_94 = arith.constant 0 : i32
    %dma_wait3A_95 = tpu.memref_slice %arg6[%dma_wait3A_90, %dma_wait3A_94] : memref<128x128xi32, #tpu.memory_space<vmem>> -> memref<1x128xi32, #tpu.memory_space<vmem>>
    %dma_wait3A_96 = tpu.memref_squeeze %dma_wait3A_95 : memref<1x128xi32, #tpu.memory_space<vmem>> -> memref<128xi32, #tpu.memory_space<vmem>>
    %dma_wait3A_97 = arith.constant 0 : i32
    %dma_wait3A_98 = arith.constant 0 : i32
    %dma_wait3A_99 = tpu.memref_slice %arg2[%dma_wait3A_97, %dma_wait3A_98] : memref<65536x64xi32, #tpu.memory_space<hbm>> -> memref<65536x64xi32, #tpu.memory_space<hbm>>
    tpu.wait_indirect_dma semaphore(%arg13 : memref<!tpu.dma_semaphore, #tpu.memory_space<semaphore_mem>>) src(%dma_wait3A_99 : memref<65536x64xi32, #tpu.memory_space<hbm>>) dst(%dma_wait3A_93 : memref<128x64xi32, #tpu.memory_space<vmem>>)
    %add3A_100 = arith.constant 15360 : i32
    %add3A_101 = arith.addi %mul3A_2, %add3A_100 : i32
    %dma_wait3A_102 = arith.constant 0 : i32
    %dma_wait3A_103 = tpu.memref_slice %arg5[%dma_wait3A_102, %add3A_101] : memref<8x524288xf32, #tpu.memory_space<hbm>> -> memref<8x512xf32, #tpu.memory_space<hbm>>
    %dma_wait3A_104 = arith.constant 0 : i32
    %dma_wait3A_105 = tpu.memref_slice %arg5[%dma_wait3A_104, %add3A_101] : memref<8x524288xf32, #tpu.memory_space<hbm>> -> memref<8x512xf32, #tpu.memory_space<hbm>>
    tpu.wait_dma2 semaphore(%arg15 : memref<!tpu.dma_semaphore, #tpu.memory_space<semaphore_mem>>) src(%arg11 : memref<8x512xf32, #tpu.memory_space<vmem>>) dst(%dma_wait3A_105 : memref<8x512xf32, #tpu.memory_space<hbm>>)
    %add3A_106 = arith.constant 15872 : i32
    %add3A_107 = arith.addi %mul3A_2, %add3A_106 : i32
    %dma_wait3A_108 = arith.constant 0 : i32
    %dma_wait3A_109 = tpu.memref_slice %arg5[%dma_wait3A_108, %add3A_107] : memref<8x524288xf32, #tpu.memory_space<hbm>> -> memref<8x512xf32, #tpu.memory_space<hbm>>
    %dma_wait3A_110 = arith.constant 0 : i32
    %dma_wait3A_111 = tpu.memref_slice %arg5[%dma_wait3A_110, %add3A_107] : memref<8x524288xf32, #tpu.memory_space<hbm>> -> memref<8x512xf32, #tpu.memory_space<hbm>>
    tpu.wait_dma2 semaphore(%arg16 : memref<!tpu.dma_semaphore, #tpu.memory_space<semaphore_mem>>) src(%arg12 : memref<8x512xf32, #tpu.memory_space<vmem>>) dst(%dma_wait3A_111 : memref<8x512xf32, #tpu.memory_space<hbm>>)
    return
  }
}

module attributes {stable_mosaic.version = 14 : i64} {
  func.func @_pack_body(%arg0: i32, %arg1: memref<4096x64xf32, #tpu.memory_space<vmem>>, %arg2: memref<1x1x64xf32, #tpu.memory_space<vmem>>, %arg3: memref<4096x64xi32, #tpu.memory_space<vmem>>) attributes {dimension_semantics = [#tpu.dimension_semantics<arbitrary>], iteration_bounds = array<i64: 16>, scalar_prefetch = 0 : i64, scratch_operands = 0 : i64, tpu.core_type = #tpu.core_type<tc>, window_params = [{transform_indices = @transform_0, window_bounds = array<i64: 4096, 64>}, {transform_indices = @transform_1, window_bounds = array<i64: 1, 1, 64>}, {transform_indices = @transform_2, window_bounds = array<i64: 4096, 64>}]} {
    %get3A = arith.constant 0 : index
    %get3A_0 = arith.constant 0 : index
    %get3A_1 = vector.load %arg1[%get3A, %get3A_0] : memref<4096x64xf32, #tpu.memory_space<vmem>>, vector<4096x64xf32>
    %slice3A = vector.extract_strided_slice %get3A_1 {offsets = [1, 0], sizes = [4095, 64], strides = [1, 1]} : vector<4096x64xf32> to vector<4095x64xf32>
    %get3A_2 = arith.constant 0 : index
    %get3A_3 = arith.constant 0 : index
    %get3A_4 = arith.constant 0 : index
    %get3A_5 = vector.load %arg2[%get3A_2, %get3A_3, %get3A_4] : memref<1x1x64xf32, #tpu.memory_space<vmem>>, vector<1x1x64xf32>
    %reshape3A = vector.shape_cast %get3A_5 : vector<1x1x64xf32> to vector<1x64xf32>
    %concatenate3A = tpu.concatenate %slice3A, %reshape3A in 0 : vector<4095x64xf32>, vector<1x64xf32> -> vector<4096x64xf32>
    %bitcast_convert_type3A = tpu.bitcast %get3A_1 : vector<4096x64xf32> -> vector<4096x64xi32>
    %bitcast_convert_type3A_6 = tpu.bitcast %concatenate3A : vector<4096x64xf32> -> vector<4096x64xi32>
    %add3A = arith.constant 32767 : i32
    %add3A_7 = vector.broadcast %add3A : i32 to vector<4096x64xi32>
    %add3A_8 = arith.addi %bitcast_convert_type3A_6, %add3A_7 : vector<4096x64xi32>
    %shift_right_logical3A = arith.constant 16 : i32
    %shift_right_logical3A_9 = vector.broadcast %shift_right_logical3A : i32 to vector<4096x64xi32>
    %shift_right_logical3A_10 = arith.shrui %bitcast_convert_type3A_6, %shift_right_logical3A_9 : vector<4096x64xi32>
    %and3A = arith.constant 1 : i32
    %and3A_11 = vector.broadcast %and3A : i32 to vector<4096x64xi32>
    %and3A_12 = arith.andi %shift_right_logical3A_10, %and3A_11 : vector<4096x64xi32>
    %add3A_13 = arith.addi %add3A_8, %and3A_12 : vector<4096x64xi32>
    %shift_right_logical3A_14 = arith.constant 16 : i32
    %shift_right_logical3A_15 = vector.broadcast %shift_right_logical3A_14 : i32 to vector<4096x64xi32>
    %shift_right_logical3A_16 = arith.shrui %add3A_13, %shift_right_logical3A_15 : vector<4096x64xi32>
    %shift_left3A = arith.constant 16 : i32
    %shift_left3A_17 = vector.broadcast %shift_left3A : i32 to vector<4096x64xi32>
    %shift_left3A_18 = arith.shli %shift_right_logical3A_16, %shift_left3A_17 : vector<4096x64xi32>
    %add3A_19 = arith.constant 32767 : i32
    %add3A_20 = vector.broadcast %add3A_19 : i32 to vector<4096x64xi32>
    %add3A_21 = arith.addi %bitcast_convert_type3A, %add3A_20 : vector<4096x64xi32>
    %shift_right_logical3A_22 = arith.constant 16 : i32
    %shift_right_logical3A_23 = vector.broadcast %shift_right_logical3A_22 : i32 to vector<4096x64xi32>
    %shift_right_logical3A_24 = arith.shrui %bitcast_convert_type3A, %shift_right_logical3A_23 : vector<4096x64xi32>
    %and3A_25 = arith.constant 1 : i32
    %and3A_26 = vector.broadcast %and3A_25 : i32 to vector<4096x64xi32>
    %and3A_27 = arith.andi %shift_right_logical3A_24, %and3A_26 : vector<4096x64xi32>
    %add3A_28 = arith.addi %add3A_21, %and3A_27 : vector<4096x64xi32>
    %shift_right_logical3A_29 = arith.constant 16 : i32
    %shift_right_logical3A_30 = vector.broadcast %shift_right_logical3A_29 : i32 to vector<4096x64xi32>
    %shift_right_logical3A_31 = arith.shrui %add3A_28, %shift_right_logical3A_30 : vector<4096x64xi32>
    %or3A = arith.ori %shift_left3A_18, %shift_right_logical3A_31 : vector<4096x64xi32>
    %bitcast_convert_type3A_32 = tpu.bitcast %or3A : vector<4096x64xi32> -> vector<4096x64xi32>
    %swap3A = arith.constant 0 : index
    %swap3A_33 = arith.constant 0 : index
    %swap3A_34 = vector.load %arg3[%swap3A, %swap3A_33] : memref<4096x64xi32, #tpu.memory_space<vmem>>, vector<4096x64xi32>
    tpu.vector_store %arg3[%swap3A, %swap3A_33], %bitcast_convert_type3A_32 {strides = array<i32>} : memref<4096x64xi32, #tpu.memory_space<vmem>>, vector<4096x64xi32>,
    return
  }
  func.func @transform_0(%arg0: i32) -> (i32, i32) {
    %c0_i32 = arith.constant 0 : i32
    %c0_i32_0 = arith.constant 0 : i32
    return %arg0, %c0_i32 : i32, i32
  }
  func.func @transform_1(%arg0: i32) -> (i32, i32, i32) {
    %c0_i32 = arith.constant 0 : i32
    %c0_i32_0 = arith.constant 0 : i32
    %c0_i32_1 = arith.constant 0 : i32
    return %arg0, %c0_i32, %c0_i32_0 : i32, i32, i32
  }
  func.func @transform_2(%arg0: i32) -> (i32, i32) {
    %c0_i32 = arith.constant 0 : i32
    %c0_i32_0 = arith.constant 0 : i32
    return %arg0, %c0_i32 : i32, i32
  }
}

module attributes {stable_mosaic.version = 14 : i64} {
  func.func @_conv_body(%arg0: i32, %arg1: memref<8x512x8xf32, #tpu.memory_space<vmem>>, %arg2: memref<3x8x112xf32, #tpu.memory_space<vmem>>, %arg3: memref<1x112xf32, #tpu.memory_space<vmem>>, %arg4: memref<3x112x64xf32, #tpu.memory_space<vmem>>, %arg5: memref<1x64xf32, #tpu.memory_space<vmem>>, %arg6: memref<4096x64xf32, #tpu.memory_space<vmem>>) attributes {dimension_semantics = [#tpu.dimension_semantics<arbitrary>], iteration_bounds = array<i64: 16>, scalar_prefetch = 0 : i64, scratch_operands = 0 : i64, tpu.core_type = #tpu.core_type<tc>, window_params = [{transform_indices = @transform_0, window_bounds = array<i64: 8, 512, 8>}, {pipeline_mode = #tpu.pipeline_mode<synchronous>, transform_indices = @transform_1, window_bounds = array<i64: 3, 8, 112>}, {pipeline_mode = #tpu.pipeline_mode<synchronous>, transform_indices = @transform_2, window_bounds = array<i64: 1, 112>}, {pipeline_mode = #tpu.pipeline_mode<synchronous>, transform_indices = @transform_3, window_bounds = array<i64: 3, 112, 64>}, {pipeline_mode = #tpu.pipeline_mode<synchronous>, transform_indices = @transform_4, window_bounds = array<i64: 1, 64>}, {transform_indices = @transform_5, window_bounds = array<i64: 4096, 64>}]} {
    %get3A = arith.constant 0 : index
    %get3A_0 = arith.constant 0 : index
    %get3A_1 = arith.constant 0 : index
    %get3A_2 = vector.load %arg1[%get3A, %get3A_0, %get3A_1] : memref<8x512x8xf32, #tpu.memory_space<vmem>>, vector<8x512x8xf32>
    %reshape3A = vector.shape_cast %get3A_2 : vector<8x512x8xf32> to vector<4096x8xf32>
    %iota3A = tpu.iota {dimensions = array<i32: 0>} : vector<4096x1xi32>
    %jit3A = arith.constant 512 : i32
    %eq3A = arith.constant 0 : i32
    %eq3A_3 = arith.cmpi eq, %jit3A, %eq3A : i32
    %jit3A_4 = arith.constant 1 : i32
    %select_n3A = arith.select %eq3A_3, %jit3A_4, %jit3A : i32
    %rem3A = vector.broadcast %select_n3A : i32 to vector<4096x1xi32>
    %rem3A_5 = arith.remsi %iota3A, %rem3A : vector<4096x1xi32>
    %ne3A = arith.constant 0 : i32
    %ne3A_6 = vector.broadcast %ne3A : i32 to vector<4096x1xi32>
    %ne3A_7 = arith.cmpi ne, %rem3A_5, %ne3A_6 : vector<4096x1xi32>
    %lt3A = arith.constant 0 : i32
    %lt3A_8 = vector.broadcast %lt3A : i32 to vector<4096x1xi32>
    %lt3A_9 = arith.cmpi slt, %rem3A_5, %lt3A_8 : vector<4096x1xi32>
    %lt3A_10 = arith.constant 0 : i32
    %lt3A_11 = arith.cmpi slt, %select_n3A, %lt3A_10 : i32
    %ne3A_12 = vector.broadcast %lt3A_11 : i1 to vector<4096x1xi1>
    %ne3A_13 = vector.broadcast %ne3A_12 : vector<4096x1xi1> to vector<4096x1xi1>
    %ne3A_14 = arith.xori %lt3A_9, %ne3A_13 : vector<4096x1xi1>
    %and3A = arith.andi %ne3A_14, %ne3A_7 : vector<4096x1xi1>
    %add3A = vector.broadcast %select_n3A : i32 to vector<4096x1xi32>
    %add3A_15 = arith.addi %rem3A_5, %add3A : vector<4096x1xi32>
    %select_n3A_16 = arith.select %and3A, %add3A_15, %rem3A_5 : vector<4096x1xi1>, vector<4096x1xi32>
    %eq3A_17 = arith.constant 0 : i32
    %eq3A_18 = vector.broadcast %eq3A_17 : i32 to vector<4096x1xi32>
    %eq3A_19 = arith.cmpi eq, %select_n3A_16, %eq3A_18 : vector<4096x1xi32>
    %jit3A_20 = arith.constant 512 : i32
    %eq3A_21 = arith.constant 0 : i32
    %eq3A_22 = arith.cmpi eq, %jit3A_20, %eq3A_21 : i32
    %jit3A_23 = arith.constant 1 : i32
    %select_n3A_24 = arith.select %eq3A_22, %jit3A_23, %jit3A_20 : i32
    %rem3A_25 = vector.broadcast %select_n3A_24 : i32 to vector<4096x1xi32>
    %rem3A_26 = arith.remsi %iota3A, %rem3A_25 : vector<4096x1xi32>
    %ne3A_27 = arith.constant 0 : i32
    %ne3A_28 = vector.broadcast %ne3A_27 : i32 to vector<4096x1xi32>
    %ne3A_29 = arith.cmpi ne, %rem3A_26, %ne3A_28 : vector<4096x1xi32>
    %lt3A_30 = arith.constant 0 : i32
    %lt3A_31 = vector.broadcast %lt3A_30 : i32 to vector<4096x1xi32>
    %lt3A_32 = arith.cmpi slt, %rem3A_26, %lt3A_31 : vector<4096x1xi32>
    %lt3A_33 = arith.constant 0 : i32
    %lt3A_34 = arith.cmpi slt, %select_n3A_24, %lt3A_33 : i32
    %ne3A_35 = vector.broadcast %lt3A_34 : i1 to vector<4096x1xi1>
    %ne3A_36 = vector.broadcast %ne3A_35 : vector<4096x1xi1> to vector<4096x1xi1>
    %ne3A_37 = arith.xori %lt3A_32, %ne3A_36 : vector<4096x1xi1>
    %and3A_38 = arith.andi %ne3A_37, %ne3A_29 : vector<4096x1xi1>
    %add3A_39 = vector.broadcast %select_n3A_24 : i32 to vector<4096x1xi32>
    %add3A_40 = arith.addi %rem3A_26, %add3A_39 : vector<4096x1xi32>
    %select_n3A_41 = arith.select %and3A_38, %add3A_40, %rem3A_26 : vector<4096x1xi1>, vector<4096x1xi32>
    %eq3A_42 = arith.constant 511 : i32
    %eq3A_43 = vector.broadcast %eq3A_42 : i32 to vector<4096x1xi32>
    %eq3A_44 = arith.cmpi eq, %select_n3A_41, %eq3A_43 : vector<4096x1xi32>
    %broadcast_in_dim3A = arith.constant 0.000000e+00 : f32
    %broadcast_in_dim3A_45 = vector.broadcast %broadcast_in_dim3A : f32 to vector<1x8xf32>
    %slice3A = vector.extract_strided_slice %reshape3A {offsets = [0, 0], sizes = [4095, 8], strides = [1, 1]} : vector<4096x8xf32> to vector<4095x8xf32>
    %concatenate3A = tpu.concatenate %broadcast_in_dim3A_45, %slice3A in 0 : vector<1x8xf32>, vector<4095x8xf32> -> vector<4096x8xf32>
    %jit3A_46 = arith.constant 0.000000e+00 : f32
    %broadcast_in_dim3A_47 = vector.shape_cast %eq3A_19 : vector<4096x1xi1> to vector<4096x1xi1>
    %broadcast_in_dim3A_48 = vector.broadcast %broadcast_in_dim3A_47 : vector<4096x1xi1> to vector<4096x8xi1>
    %broadcast_in_dim3A_49 = vector.broadcast %jit3A_46 : f32 to vector<4096x8xf32>
    %select_n3A_50 = arith.select %broadcast_in_dim3A_48, %broadcast_in_dim3A_49, %concatenate3A : vector<4096x8xi1>, vector<4096x8xf32>
    %slice3A_51 = vector.extract_strided_slice %reshape3A {offsets = [1, 0], sizes = [4095, 8], strides = [1, 1]} : vector<4096x8xf32> to vector<4095x8xf32>
    %concatenate3A_52 = tpu.concatenate %slice3A_51, %broadcast_in_dim3A_45 in 0 : vector<4095x8xf32>, vector<1x8xf32> -> vector<4096x8xf32>
    %jit3A_53 = arith.constant 0.000000e+00 : f32
    %broadcast_in_dim3A_54 = vector.shape_cast %eq3A_44 : vector<4096x1xi1> to vector<4096x1xi1>
    %broadcast_in_dim3A_55 = vector.broadcast %broadcast_in_dim3A_54 : vector<4096x1xi1> to vector<4096x8xi1>
    %broadcast_in_dim3A_56 = vector.broadcast %jit3A_53 : f32 to vector<4096x8xf32>
    %select_n3A_57 = arith.select %broadcast_in_dim3A_55, %broadcast_in_dim3A_56, %concatenate3A_52 : vector<4096x8xi1>, vector<4096x8xf32>
    %concatenate3A_58 = tpu.concatenate %select_n3A_50, %reshape3A, %select_n3A_57 in 1 : vector<4096x8xf32>, vector<4096x8xf32>, vector<4096x8xf32> -> vector<4096x24xf32>
    %convert_element_type3A = arith.truncf %concatenate3A_58 : vector<4096x24xf32> to vector<4096x24xbf16>
    %get3A_59 = arith.constant 0 : index
    %get3A_60 = arith.constant 0 : index
    %get3A_61 = arith.constant 0 : index
    %get3A_62 = vector.load %arg2[%get3A_59, %get3A_60, %get3A_61] : memref<3x8x112xf32, #tpu.memory_space<vmem>>, vector<3x8x112xf32>
    %reshape3A_63 = vector.shape_cast %get3A_62 : vector<3x8x112xf32> to vector<24x112xf32>
    %convert_element_type3A_64 = arith.truncf %reshape3A_63 : vector<24x112xf32> to vector<24x112xbf16>
    %dot_general3A = arith.constant dense<0.000000e+00> : vector<4096x112xf32>
    %dot_general3A_65 = tpu.matmul %convert_element_type3A, %convert_element_type3A_64, %dot_general3A {dimension_numbers = #tpu.dot_dimension_numbers<[1], [0], [0], [1], [0, 0, 1, 1], [], []>, transpose_lhs_hint = false} : vector<4096x24xbf16>, vector<24x112xbf16>, vector<4096x112xf32> -> vector<4096x112xf32>
    %get3A_66 = arith.constant 0 : index
    %get3A_67 = arith.constant 0 : index
    %get3A_68 = vector.load %arg3[%get3A_66, %get3A_67] : memref<1x112xf32, #tpu.memory_space<vmem>>, vector<1x112xf32>
    %add3A_69 = vector.broadcast %get3A_68 : vector<1x112xf32> to vector<4096x112xf32>
    %add3A_70 = arith.addf %dot_general3A_65, %add3A_69 : vector<4096x112xf32>
    %mul3A = arith.constant 5.000000e-01 : f32
    %mul3A_71 = vector.broadcast %mul3A : f32 to vector<4096x112xf32>
    %mul3A_72 = arith.mulf %mul3A_71, %add3A_70 : vector<4096x112xf32>
    %mul3A_73 = arith.constant 0.707106769 : f32
    %mul3A_74 = vector.broadcast %mul3A_73 : f32 to vector<4096x112xf32>
    %mul3A_75 = arith.mulf %add3A_70, %mul3A_74 : vector<4096x112xf32>
    %erf3A = math.erf %mul3A_75 : vector<4096x112xf32>
    %add3A_76 = arith.constant 1.000000e+00 : f32
    %add3A_77 = vector.broadcast %add3A_76 : f32 to vector<4096x112xf32>
    %add3A_78 = arith.addf %add3A_77, %erf3A : vector<4096x112xf32>
    %mul3A_79 = arith.mulf %mul3A_72, %add3A_78 : vector<4096x112xf32>
    %broadcast_in_dim3A_80 = arith.constant 0.000000e+00 : f32
    %broadcast_in_dim3A_81 = vector.broadcast %broadcast_in_dim3A_80 : f32 to vector<1x112xf32>
    %slice3A_82 = vector.extract_strided_slice %mul3A_79 {offsets = [0, 0], sizes = [4095, 112], strides = [1, 1]} : vector<4096x112xf32> to vector<4095x112xf32>
    %concatenate3A_83 = tpu.concatenate %broadcast_in_dim3A_81, %slice3A_82 in 0 : vector<1x112xf32>, vector<4095x112xf32> -> vector<4096x112xf32>
    %jit3A_84 = arith.constant 0.000000e+00 : f32
    %broadcast_in_dim3A_85 = vector.shape_cast %eq3A_19 : vector<4096x1xi1> to vector<4096x1xi1>
    %broadcast_in_dim3A_86 = vector.broadcast %broadcast_in_dim3A_85 : vector<4096x1xi1> to vector<4096x112xi1>
    %broadcast_in_dim3A_87 = vector.broadcast %jit3A_84 : f32 to vector<4096x112xf32>
    %select_n3A_88 = arith.select %broadcast_in_dim3A_86, %broadcast_in_dim3A_87, %concatenate3A_83 : vector<4096x112xi1>, vector<4096x112xf32>
    %slice3A_89 = vector.extract_strided_slice %mul3A_79 {offsets = [1, 0], sizes = [4095, 112], strides = [1, 1]} : vector<4096x112xf32> to vector<4095x112xf32>
    %concatenate3A_90 = tpu.concatenate %slice3A_89, %broadcast_in_dim3A_81 in 0 : vector<4095x112xf32>, vector<1x112xf32> -> vector<4096x112xf32>
    %jit3A_91 = arith.constant 0.000000e+00 : f32
    %broadcast_in_dim3A_92 = vector.shape_cast %eq3A_44 : vector<4096x1xi1> to vector<4096x1xi1>
    %broadcast_in_dim3A_93 = vector.broadcast %broadcast_in_dim3A_92 : vector<4096x1xi1> to vector<4096x112xi1>
    %broadcast_in_dim3A_94 = vector.broadcast %jit3A_91 : f32 to vector<4096x112xf32>
    %select_n3A_95 = arith.select %broadcast_in_dim3A_93, %broadcast_in_dim3A_94, %concatenate3A_90 : vector<4096x112xi1>, vector<4096x112xf32>
    %concatenate3A_96 = tpu.concatenate %select_n3A_88, %mul3A_79, %select_n3A_95 in 1 : vector<4096x112xf32>, vector<4096x112xf32>, vector<4096x112xf32> -> vector<4096x336xf32>
    %convert_element_type3A_97 = arith.truncf %concatenate3A_96 : vector<4096x336xf32> to vector<4096x336xbf16>
    %get3A_98 = arith.constant 0 : index
    %get3A_99 = arith.constant 0 : index
    %get3A_100 = arith.constant 0 : index
    %get3A_101 = vector.load %arg4[%get3A_98, %get3A_99, %get3A_100] : memref<3x112x64xf32, #tpu.memory_space<vmem>>, vector<3x112x64xf32>
    %reshape3A_102 = vector.shape_cast %get3A_101 : vector<3x112x64xf32> to vector<336x64xf32>
    %convert_element_type3A_103 = arith.truncf %reshape3A_102 : vector<336x64xf32> to vector<336x64xbf16>
    %dot_general3A_104 = arith.constant dense<0.000000e+00> : vector<4096x64xf32>
    %dot_general3A_105 = tpu.matmul %convert_element_type3A_97, %convert_element_type3A_103, %dot_general3A_104 {dimension_numbers = #tpu.dot_dimension_numbers<[1], [0], [0], [1], [0, 0, 1, 1], [], []>, transpose_lhs_hint = false} : vector<4096x336xbf16>, vector<336x64xbf16>, vector<4096x64xf32> -> vector<4096x64xf32>
    %get3A_106 = arith.constant 0 : index
    %get3A_107 = arith.constant 0 : index
    %get3A_108 = vector.load %arg5[%get3A_106, %get3A_107] : memref<1x64xf32, #tpu.memory_space<vmem>>, vector<1x64xf32>
    %add3A_109 = vector.broadcast %get3A_108 : vector<1x64xf32> to vector<4096x64xf32>
    %add3A_110 = arith.addf %dot_general3A_105, %add3A_109 : vector<4096x64xf32>
    %swap3A = arith.constant 0 : index
    %swap3A_111 = arith.constant 0 : index
    %swap3A_112 = vector.load %arg6[%swap3A, %swap3A_111] : memref<4096x64xf32, #tpu.memory_space<vmem>>, vector<4096x64xf32>
    tpu.vector_store %arg6[%swap3A, %swap3A_111], %add3A_110 {strides = array<i32>} : memref<4096x64xf32, #tpu.memory_space<vmem>>, vector<4096x64xf32>,
    return
  }
  func.func @transform_0(%arg0: i32) -> (i32, i32, i32) {
    %c0_i32 = arith.constant 0 : i32
    %c0_i32_0 = arith.constant 0 : i32
    %c0_i32_1 = arith.constant 0 : i32
    return %arg0, %c0_i32, %c0_i32_0 : i32, i32, i32
  }
  func.func @transform_1(%arg0: i32) -> (i32, i32, i32) {
    %c0_i32 = arith.constant 0 : i32
    %c0_i32_0 = arith.constant 0 : i32
    %c0_i32_1 = arith.constant 0 : i32
    %c0_i32_2 = arith.constant 0 : i32
    return %c0_i32, %c0_i32_0, %c0_i32_1 : i32, i32, i32
  }
  func.func @transform_2(%arg0: i32) -> (i32, i32) {
    %c0_i32 = arith.constant 0 : i32
    %c0_i32_0 = arith.constant 0 : i32
    %c0_i32_1 = arith.constant 0 : i32
    return %c0_i32, %c0_i32_0 : i32, i32
  }
  func.func @transform_3(%arg0: i32) -> (i32, i32, i32) {
    %c0_i32 = arith.constant 0 : i32
    %c0_i32_0 = arith.constant 0 : i32
    %c0_i32_1 = arith.constant 0 : i32
    %c0_i32_2 = arith.constant 0 : i32
    return %c0_i32, %c0_i32_0, %c0_i32_1 : i32, i32, i32
  }
  func.func @transform_4(%arg0: i32) -> (i32, i32) {
    %c0_i32 = arith.constant 0 : i32
    %c0_i32_0 = arith.constant 0 : i32
    %c0_i32_1 = arith.constant 0 : i32
    return %c0_i32, %c0_i32_0 : i32, i32
  }
  func.func @transform_5(%arg0: i32) -> (i32, i32) {
    %c0_i32 = arith.constant 0 : i32
    %c0_i32_0 = arith.constant 0 : i32
    return %arg0, %c0_i32 : i32, i32
  }
}

module attributes {stable_mosaic.version = 14 : i64} {
  func.func @_wq_body(%arg0: i32, %arg1: memref<8x4096xf32, #tpu.memory_space<vmem>>, %arg2: memref<8x4096xi32, #tpu.memory_space<vmem>>, %arg3: memref<7x8x4096xi32, #tpu.memory_space<vmem>>) attributes {dimension_semantics = [#tpu.dimension_semantics<arbitrary>], iteration_bounds = array<i64: 16>, scalar_prefetch = 0 : i64, scratch_operands = 0 : i64, tpu.core_type = #tpu.core_type<tc>, window_params = [{transform_indices = @transform_0, window_bounds = array<i64: 8, 4096>}, {transform_indices = @transform_1, window_bounds = array<i64: 8, 4096>}, {transform_indices = @transform_2, window_bounds = array<i64: 7, 8, 4096>}]} {
    %get3A = arith.constant 0 : index
    %get3A_0 = arith.constant 0 : index
    %get3A_1 = vector.load %arg1[%get3A, %get3A_0] : memref<8x4096xf32, #tpu.memory_space<vmem>>, vector<8x4096xf32>
    %floor3A = math.floor %get3A_1 : vector<8x4096xf32>
    %sub3A = arith.subf %get3A_1, %floor3A : vector<8x4096xf32>
    %convert_element_type3A = arith.fptosi %floor3A : vector<8x4096xf32> to vector<8x4096xi32>
    %swap3A = arith.constant 0 : index
    %swap3A_2 = arith.constant 0 : index
    %swap3A_3 = vector.load %arg2[%swap3A, %swap3A_2] : memref<8x4096xi32, #tpu.memory_space<vmem>>, vector<8x4096xi32>
    tpu.vector_store %arg2[%swap3A, %swap3A_2], %convert_element_type3A {strides = array<i32>} : memref<8x4096xi32, #tpu.memory_space<vmem>>, vector<8x4096xi32>,
    %sub3A_4 = arith.constant 1.000000e+00 : f32
    %sub3A_5 = vector.broadcast %sub3A_4 : f32 to vector<8x4096xf32>
    %sub3A_6 = arith.subf %sub3A, %sub3A_5 : vector<8x4096xf32>
    %cos3A = math.cos %sub3A : vector<8x4096xf32>
    %sin3A = math.sin %sub3A : vector<8x4096xf32>
    %cos3A_7 = math.cos %sub3A_6 : vector<8x4096xf32>
    %sin3A_8 = math.sin %sub3A_6 : vector<8x4096xf32>
    %mul3A = arith.constant 2.000000e+00 : f32
    %mul3A_9 = vector.broadcast %mul3A : f32 to vector<8x4096xf32>
    %mul3A_10 = arith.mulf %mul3A_9, %cos3A : vector<8x4096xf32>
    %mul3A_11 = arith.mulf %mul3A_10, %cos3A : vector<8x4096xf32>
    %sub3A_12 = arith.constant 1.000000e+00 : f32
    %sub3A_13 = vector.broadcast %sub3A_12 : f32 to vector<8x4096xf32>
    %sub3A_14 = arith.subf %mul3A_11, %sub3A_13 : vector<8x4096xf32>
    %mul3A_15 = arith.constant 2.000000e+00 : f32
    %mul3A_16 = vector.broadcast %mul3A_15 : f32 to vector<8x4096xf32>
    %mul3A_17 = arith.mulf %mul3A_16, %sin3A : vector<8x4096xf32>
    %mul3A_18 = arith.mulf %mul3A_17, %cos3A : vector<8x4096xf32>
    %mul3A_19 = arith.mulf %sub3A_14, %cos3A : vector<8x4096xf32>
    %mul3A_20 = arith.mulf %mul3A_18, %sin3A : vector<8x4096xf32>
    %sub3A_21 = arith.subf %mul3A_19, %mul3A_20 : vector<8x4096xf32>
    %mul3A_22 = arith.mulf %mul3A_18, %cos3A : vector<8x4096xf32>
    %mul3A_23 = arith.mulf %sub3A_14, %sin3A : vector<8x4096xf32>
    %add3A = arith.addf %mul3A_22, %mul3A_23 : vector<8x4096xf32>
    %mul3A_24 = arith.constant 2.000000e+00 : f32
    %mul3A_25 = vector.broadcast %mul3A_24 : f32 to vector<8x4096xf32>
    %mul3A_26 = arith.mulf %mul3A_25, %cos3A_7 : vector<8x4096xf32>
    %mul3A_27 = arith.mulf %mul3A_26, %cos3A_7 : vector<8x4096xf32>
    %sub3A_28 = arith.constant 1.000000e+00 : f32
    %sub3A_29 = vector.broadcast %sub3A_28 : f32 to vector<8x4096xf32>
    %sub3A_30 = arith.subf %mul3A_27, %sub3A_29 : vector<8x4096xf32>
    %mul3A_31 = arith.constant 2.000000e+00 : f32
    %mul3A_32 = vector.broadcast %mul3A_31 : f32 to vector<8x4096xf32>
    %mul3A_33 = arith.mulf %mul3A_32, %sin3A_8 : vector<8x4096xf32>
    %mul3A_34 = arith.mulf %mul3A_33, %cos3A_7 : vector<8x4096xf32>
    %mul3A_35 = arith.mulf %sub3A_30, %cos3A_7 : vector<8x4096xf32>
    %mul3A_36 = arith.mulf %mul3A_34, %sin3A_8 : vector<8x4096xf32>
    %sub3A_37 = arith.subf %mul3A_35, %mul3A_36 : vector<8x4096xf32>
    %mul3A_38 = arith.mulf %mul3A_34, %cos3A_7 : vector<8x4096xf32>
    %mul3A_39 = arith.mulf %sub3A_30, %sin3A_8 : vector<8x4096xf32>
    %add3A_40 = arith.addf %mul3A_38, %mul3A_39 : vector<8x4096xf32>
    %sub3A_41 = arith.constant 1.000000e+00 : f32
    %sub3A_42 = vector.broadcast %sub3A_41 : f32 to vector<8x4096xf32>
    %sub3A_43 = arith.subf %sub3A_42, %sub3A : vector<8x4096xf32>
    %mul3A_44 = arith.mulf %sub3A_43, %cos3A : vector<8x4096xf32>
    %mul3A_45 = arith.mulf %sub3A_43, %sin3A : vector<8x4096xf32>
    %mul3A_46 = arith.mulf %sub3A_43, %sub3A_14 : vector<8x4096xf32>
    %mul3A_47 = arith.mulf %sub3A_43, %mul3A_18 : vector<8x4096xf32>
    %mul3A_48 = arith.mulf %sub3A_43, %sub3A_21 : vector<8x4096xf32>
    %mul3A_49 = arith.mulf %sub3A_43, %add3A : vector<8x4096xf32>
    %mul3A_50 = arith.mulf %sub3A, %cos3A_7 : vector<8x4096xf32>
    %mul3A_51 = arith.mulf %sub3A, %sin3A_8 : vector<8x4096xf32>
    %mul3A_52 = arith.mulf %sub3A, %sub3A_30 : vector<8x4096xf32>
    %mul3A_53 = arith.mulf %sub3A, %mul3A_34 : vector<8x4096xf32>
    %mul3A_54 = arith.mulf %sub3A, %sub3A_37 : vector<8x4096xf32>
    %mul3A_55 = arith.mulf %sub3A, %add3A_40 : vector<8x4096xf32>
    %bitcast_convert_type3A = tpu.bitcast %sub3A : vector<8x4096xf32> -> vector<8x4096xi32>
    %add3A_56 = arith.constant 32767 : i32
    %add3A_57 = vector.broadcast %add3A_56 : i32 to vector<8x4096xi32>
    %add3A_58 = arith.addi %bitcast_convert_type3A, %add3A_57 : vector<8x4096xi32>
    %shift_right_logical3A = arith.constant 16 : i32
    %shift_right_logical3A_59 = vector.broadcast %shift_right_logical3A : i32 to vector<8x4096xi32>
    %shift_right_logical3A_60 = arith.shrui %bitcast_convert_type3A, %shift_right_logical3A_59 : vector<8x4096xi32>
    %and3A = arith.constant 1 : i32
    %and3A_61 = vector.broadcast %and3A : i32 to vector<8x4096xi32>
    %and3A_62 = arith.andi %shift_right_logical3A_60, %and3A_61 : vector<8x4096xi32>
    %add3A_63 = arith.addi %add3A_58, %and3A_62 : vector<8x4096xi32>
    %shift_right_logical3A_64 = arith.constant 16 : i32
    %shift_right_logical3A_65 = vector.broadcast %shift_right_logical3A_64 : i32 to vector<8x4096xi32>
    %shift_right_logical3A_66 = arith.shrui %add3A_63, %shift_right_logical3A_65 : vector<8x4096xi32>
    %shift_left3A = arith.constant 16 : i32
    %shift_left3A_67 = vector.broadcast %shift_left3A : i32 to vector<8x4096xi32>
    %shift_left3A_68 = arith.shli %shift_right_logical3A_66, %shift_left3A_67 : vector<8x4096xi32>
    %bitcast_convert_type3A_69 = tpu.bitcast %sub3A_43 : vector<8x4096xf32> -> vector<8x4096xi32>
    %add3A_70 = arith.constant 32767 : i32
    %add3A_71 = vector.broadcast %add3A_70 : i32 to vector<8x4096xi32>
    %add3A_72 = arith.addi %bitcast_convert_type3A_69, %add3A_71 : vector<8x4096xi32>
    %shift_right_logical3A_73 = arith.constant 16 : i32
    %shift_right_logical3A_74 = vector.broadcast %shift_right_logical3A_73 : i32 to vector<8x4096xi32>
    %shift_right_logical3A_75 = arith.shrui %bitcast_convert_type3A_69, %shift_right_logical3A_74 : vector<8x4096xi32>
    %and3A_76 = arith.constant 1 : i32
    %and3A_77 = vector.broadcast %and3A_76 : i32 to vector<8x4096xi32>
    %and3A_78 = arith.andi %shift_right_logical3A_75, %and3A_77 : vector<8x4096xi32>
    %add3A_79 = arith.addi %add3A_72, %and3A_78 : vector<8x4096xi32>
    %shift_right_logical3A_80 = arith.constant 16 : i32
    %shift_right_logical3A_81 = vector.broadcast %shift_right_logical3A_80 : i32 to vector<8x4096xi32>
    %shift_right_logical3A_82 = arith.shrui %add3A_79, %shift_right_logical3A_81 : vector<8x4096xi32>
    %or3A = arith.ori %shift_left3A_68, %shift_right_logical3A_82 : vector<8x4096xi32>
    %bitcast_convert_type3A_83 = tpu.bitcast %or3A : vector<8x4096xi32> -> vector<8x4096xi32>
    %bitcast_convert_type3A_84 = tpu.bitcast %mul3A_50 : vector<8x4096xf32> -> vector<8x4096xi32>
    %add3A_85 = arith.constant 32767 : i32
    %add3A_86 = vector.broadcast %add3A_85 : i32 to vector<8x4096xi32>
    %add3A_87 = arith.addi %bitcast_convert_type3A_84, %add3A_86 : vector<8x4096xi32>
    %shift_right_logical3A_88 = arith.constant 16 : i32
    %shift_right_logical3A_89 = vector.broadcast %shift_right_logical3A_88 : i32 to vector<8x4096xi32>
    %shift_right_logical3A_90 = arith.shrui %bitcast_convert_type3A_84, %shift_right_logical3A_89 : vector<8x4096xi32>
    %and3A_91 = arith.constant 1 : i32
    %and3A_92 = vector.broadcast %and3A_91 : i32 to vector<8x4096xi32>
    %and3A_93 = arith.andi %shift_right_logical3A_90, %and3A_92 : vector<8x4096xi32>
    %add3A_94 = arith.addi %add3A_87, %and3A_93 : vector<8x4096xi32>
    %shift_right_logical3A_95 = arith.constant 16 : i32
    %shift_right_logical3A_96 = vector.broadcast %shift_right_logical3A_95 : i32 to vector<8x4096xi32>
    %shift_right_logical3A_97 = arith.shrui %add3A_94, %shift_right_logical3A_96 : vector<8x4096xi32>
    %shift_left3A_98 = arith.constant 16 : i32
    %shift_left3A_99 = vector.broadcast %shift_left3A_98 : i32 to vector<8x4096xi32>
    %shift_left3A_100 = arith.shli %shift_right_logical3A_97, %shift_left3A_99 : vector<8x4096xi32>
    %bitcast_convert_type3A_101 = tpu.bitcast %mul3A_44 : vector<8x4096xf32> -> vector<8x4096xi32>
    %add3A_102 = arith.constant 32767 : i32
    %add3A_103 = vector.broadcast %add3A_102 : i32 to vector<8x4096xi32>
    %add3A_104 = arith.addi %bitcast_convert_type3A_101, %add3A_103 : vector<8x4096xi32>
    %shift_right_logical3A_105 = arith.constant 16 : i32
    %shift_right_logical3A_106 = vector.broadcast %shift_right_logical3A_105 : i32 to vector<8x4096xi32>
    %shift_right_logical3A_107 = arith.shrui %bitcast_convert_type3A_101, %shift_right_logical3A_106 : vector<8x4096xi32>
    %and3A_108 = arith.constant 1 : i32
    %and3A_109 = vector.broadcast %and3A_108 : i32 to vector<8x4096xi32>
    %and3A_110 = arith.andi %shift_right_logical3A_107, %and3A_109 : vector<8x4096xi32>
    %add3A_111 = arith.addi %add3A_104, %and3A_110 : vector<8x4096xi32>
    %shift_right_logical3A_112 = arith.constant 16 : i32
    %shift_right_logical3A_113 = vector.broadcast %shift_right_logical3A_112 : i32 to vector<8x4096xi32>
    %shift_right_logical3A_114 = arith.shrui %add3A_111, %shift_right_logical3A_113 : vector<8x4096xi32>
    %or3A_115 = arith.ori %shift_left3A_100, %shift_right_logical3A_114 : vector<8x4096xi32>
    %bitcast_convert_type3A_116 = tpu.bitcast %or3A_115 : vector<8x4096xi32> -> vector<8x4096xi32>
    %bitcast_convert_type3A_117 = tpu.bitcast %mul3A_51 : vector<8x4096xf32> -> vector<8x4096xi32>
    %add3A_118 = arith.constant 32767 : i32
    %add3A_119 = vector.broadcast %add3A_118 : i32 to vector<8x4096xi32>
    %add3A_120 = arith.addi %bitcast_convert_type3A_117, %add3A_119 : vector<8x4096xi32>
    %shift_right_logical3A_121 = arith.constant 16 : i32
    %shift_right_logical3A_122 = vector.broadcast %shift_right_logical3A_121 : i32 to vector<8x4096xi32>
    %shift_right_logical3A_123 = arith.shrui %bitcast_convert_type3A_117, %shift_right_logical3A_122 : vector<8x4096xi32>
    %and3A_124 = arith.constant 1 : i32
    %and3A_125 = vector.broadcast %and3A_124 : i32 to vector<8x4096xi32>
    %and3A_126 = arith.andi %shift_right_logical3A_123, %and3A_125 : vector<8x4096xi32>
    %add3A_127 = arith.addi %add3A_120, %and3A_126 : vector<8x4096xi32>
    %shift_right_logical3A_128 = arith.constant 16 : i32
    %shift_right_logical3A_129 = vector.broadcast %shift_right_logical3A_128 : i32 to vector<8x4096xi32>
    %shift_right_logical3A_130 = arith.shrui %add3A_127, %shift_right_logical3A_129 : vector<8x4096xi32>
    %shift_left3A_131 = arith.constant 16 : i32
    %shift_left3A_132 = vector.broadcast %shift_left3A_131 : i32 to vector<8x4096xi32>
    %shift_left3A_133 = arith.shli %shift_right_logical3A_130, %shift_left3A_132 : vector<8x4096xi32>
    %bitcast_convert_type3A_134 = tpu.bitcast %mul3A_45 : vector<8x4096xf32> -> vector<8x4096xi32>
    %add3A_135 = arith.constant 32767 : i32
    %add3A_136 = vector.broadcast %add3A_135 : i32 to vector<8x4096xi32>
    %add3A_137 = arith.addi %bitcast_convert_type3A_134, %add3A_136 : vector<8x4096xi32>
    %shift_right_logical3A_138 = arith.constant 16 : i32
    %shift_right_logical3A_139 = vector.broadcast %shift_right_logical3A_138 : i32 to vector<8x4096xi32>
    %shift_right_logical3A_140 = arith.shrui %bitcast_convert_type3A_134, %shift_right_logical3A_139 : vector<8x4096xi32>
    %and3A_141 = arith.constant 1 : i32
    %and3A_142 = vector.broadcast %and3A_141 : i32 to vector<8x4096xi32>
    %and3A_143 = arith.andi %shift_right_logical3A_140, %and3A_142 : vector<8x4096xi32>
    %add3A_144 = arith.addi %add3A_137, %and3A_143 : vector<8x4096xi32>
    %shift_right_logical3A_145 = arith.constant 16 : i32
    %shift_right_logical3A_146 = vector.broadcast %shift_right_logical3A_145 : i32 to vector<8x4096xi32>
    %shift_right_logical3A_147 = arith.shrui %add3A_144, %shift_right_logical3A_146 : vector<8x4096xi32>
    %or3A_148 = arith.ori %shift_left3A_133, %shift_right_logical3A_147 : vector<8x4096xi32>
    %bitcast_convert_type3A_149 = tpu.bitcast %or3A_148 : vector<8x4096xi32> -> vector<8x4096xi32>
    %bitcast_convert_type3A_150 = tpu.bitcast %mul3A_52 : vector<8x4096xf32> -> vector<8x4096xi32>
    %add3A_151 = arith.constant 32767 : i32
    %add3A_152 = vector.broadcast %add3A_151 : i32 to vector<8x4096xi32>
    %add3A_153 = arith.addi %bitcast_convert_type3A_150, %add3A_152 : vector<8x4096xi32>
    %shift_right_logical3A_154 = arith.constant 16 : i32
    %shift_right_logical3A_155 = vector.broadcast %shift_right_logical3A_154 : i32 to vector<8x4096xi32>
    %shift_right_logical3A_156 = arith.shrui %bitcast_convert_type3A_150, %shift_right_logical3A_155 : vector<8x4096xi32>
    %and3A_157 = arith.constant 1 : i32
    %and3A_158 = vector.broadcast %and3A_157 : i32 to vector<8x4096xi32>
    %and3A_159 = arith.andi %shift_right_logical3A_156, %and3A_158 : vector<8x4096xi32>
    %add3A_160 = arith.addi %add3A_153, %and3A_159 : vector<8x4096xi32>
    %shift_right_logical3A_161 = arith.constant 16 : i32
    %shift_right_logical3A_162 = vector.broadcast %shift_right_logical3A_161 : i32 to vector<8x4096xi32>
    %shift_right_logical3A_163 = arith.shrui %add3A_160, %shift_right_logical3A_162 : vector<8x4096xi32>
    %shift_left3A_164 = arith.constant 16 : i32
    %shift_left3A_165 = vector.broadcast %shift_left3A_164 : i32 to vector<8x4096xi32>
    %shift_left3A_166 = arith.shli %shift_right_logical3A_163, %shift_left3A_165 : vector<8x4096xi32>
    %bitcast_convert_type3A_167 = tpu.bitcast %mul3A_46 : vector<8x4096xf32> -> vector<8x4096xi32>
    %add3A_168 = arith.constant 32767 : i32
    %add3A_169 = vector.broadcast %add3A_168 : i32 to vector<8x4096xi32>
    %add3A_170 = arith.addi %bitcast_convert_type3A_167, %add3A_169 : vector<8x4096xi32>
    %shift_right_logical3A_171 = arith.constant 16 : i32
    %shift_right_logical3A_172 = vector.broadcast %shift_right_logical3A_171 : i32 to vector<8x4096xi32>
    %shift_right_logical3A_173 = arith.shrui %bitcast_convert_type3A_167, %shift_right_logical3A_172 : vector<8x4096xi32>
    %and3A_174 = arith.constant 1 : i32
    %and3A_175 = vector.broadcast %and3A_174 : i32 to vector<8x4096xi32>
    %and3A_176 = arith.andi %shift_right_logical3A_173, %and3A_175 : vector<8x4096xi32>
    %add3A_177 = arith.addi %add3A_170, %and3A_176 : vector<8x4096xi32>
    %shift_right_logical3A_178 = arith.constant 16 : i32
    %shift_right_logical3A_179 = vector.broadcast %shift_right_logical3A_178 : i32 to vector<8x4096xi32>
    %shift_right_logical3A_180 = arith.shrui %add3A_177, %shift_right_logical3A_179 : vector<8x4096xi32>
    %or3A_181 = arith.ori %shift_left3A_166, %shift_right_logical3A_180 : vector<8x4096xi32>
    %bitcast_convert_type3A_182 = tpu.bitcast %or3A_181 : vector<8x4096xi32> -> vector<8x4096xi32>
    %bitcast_convert_type3A_183 = tpu.bitcast %mul3A_53 : vector<8x4096xf32> -> vector<8x4096xi32>
    %add3A_184 = arith.constant 32767 : i32
    %add3A_185 = vector.broadcast %add3A_184 : i32 to vector<8x4096xi32>
    %add3A_186 = arith.addi %bitcast_convert_type3A_183, %add3A_185 : vector<8x4096xi32>
    %shift_right_logical3A_187 = arith.constant 16 : i32
    %shift_right_logical3A_188 = vector.broadcast %shift_right_logical3A_187 : i32 to vector<8x4096xi32>
    %shift_right_logical3A_189 = arith.shrui %bitcast_convert_type3A_183, %shift_right_logical3A_188 : vector<8x4096xi32>
    %and3A_190 = arith.constant 1 : i32
    %and3A_191 = vector.broadcast %and3A_190 : i32 to vector<8x4096xi32>
    %and3A_192 = arith.andi %shift_right_logical3A_189, %and3A_191 : vector<8x4096xi32>
    %add3A_193 = arith.addi %add3A_186, %and3A_192 : vector<8x4096xi32>
    %shift_right_logical3A_194 = arith.constant 16 : i32
    %shift_right_logical3A_195 = vector.broadcast %shift_right_logical3A_194 : i32 to vector<8x4096xi32>
    %shift_right_logical3A_196 = arith.shrui %add3A_193, %shift_right_logical3A_195 : vector<8x4096xi32>
    %shift_left3A_197 = arith.constant 16 : i32
    %shift_left3A_198 = vector.broadcast %shift_left3A_197 : i32 to vector<8x4096xi32>
    %shift_left3A_199 = arith.shli %shift_right_logical3A_196, %shift_left3A_198 : vector<8x4096xi32>
    %bitcast_convert_type3A_200 = tpu.bitcast %mul3A_47 : vector<8x4096xf32> -> vector<8x4096xi32>
    %add3A_201 = arith.constant 32767 : i32
    %add3A_202 = vector.broadcast %add3A_201 : i32 to vector<8x4096xi32>
    %add3A_203 = arith.addi %bitcast_convert_type3A_200, %add3A_202 : vector<8x4096xi32>
    %shift_right_logical3A_204 = arith.constant 16 : i32
    %shift_right_logical3A_205 = vector.broadcast %shift_right_logical3A_204 : i32 to vector<8x4096xi32>
    %shift_right_logical3A_206 = arith.shrui %bitcast_convert_type3A_200, %shift_right_logical3A_205 : vector<8x4096xi32>
    %and3A_207 = arith.constant 1 : i32
    %and3A_208 = vector.broadcast %and3A_207 : i32 to vector<8x4096xi32>
    %and3A_209 = arith.andi %shift_right_logical3A_206, %and3A_208 : vector<8x4096xi32>
    %add3A_210 = arith.addi %add3A_203, %and3A_209 : vector<8x4096xi32>
    %shift_right_logical3A_211 = arith.constant 16 : i32
    %shift_right_logical3A_212 = vector.broadcast %shift_right_logical3A_211 : i32 to vector<8x4096xi32>
    %shift_right_logical3A_213 = arith.shrui %add3A_210, %shift_right_logical3A_212 : vector<8x4096xi32>
    %or3A_214 = arith.ori %shift_left3A_199, %shift_right_logical3A_213 : vector<8x4096xi32>
    %bitcast_convert_type3A_215 = tpu.bitcast %or3A_214 : vector<8x4096xi32> -> vector<8x4096xi32>
    %bitcast_convert_type3A_216 = tpu.bitcast %mul3A_54 : vector<8x4096xf32> -> vector<8x4096xi32>
    %add3A_217 = arith.constant 32767 : i32
    %add3A_218 = vector.broadcast %add3A_217 : i32 to vector<8x4096xi32>
    %add3A_219 = arith.addi %bitcast_convert_type3A_216, %add3A_218 : vector<8x4096xi32>
    %shift_right_logical3A_220 = arith.constant 16 : i32
    %shift_right_logical3A_221 = vector.broadcast %shift_right_logical3A_220 : i32 to vector<8x4096xi32>
    %shift_right_logical3A_222 = arith.shrui %bitcast_convert_type3A_216, %shift_right_logical3A_221 : vector<8x4096xi32>
    %and3A_223 = arith.constant 1 : i32
    %and3A_224 = vector.broadcast %and3A_223 : i32 to vector<8x4096xi32>
    %and3A_225 = arith.andi %shift_right_logical3A_222, %and3A_224 : vector<8x4096xi32>
    %add3A_226 = arith.addi %add3A_219, %and3A_225 : vector<8x4096xi32>
    %shift_right_logical3A_227 = arith.constant 16 : i32
    %shift_right_logical3A_228 = vector.broadcast %shift_right_logical3A_227 : i32 to vector<8x4096xi32>
    %shift_right_logical3A_229 = arith.shrui %add3A_226, %shift_right_logical3A_228 : vector<8x4096xi32>
    %shift_left3A_230 = arith.constant 16 : i32
    %shift_left3A_231 = vector.broadcast %shift_left3A_230 : i32 to vector<8x4096xi32>
    %shift_left3A_232 = arith.shli %shift_right_logical3A_229, %shift_left3A_231 : vector<8x4096xi32>
    %bitcast_convert_type3A_233 = tpu.bitcast %mul3A_48 : vector<8x4096xf32> -> vector<8x4096xi32>
    %add3A_234 = arith.constant 32767 : i32
    %add3A_235 = vector.broadcast %add3A_234 : i32 to vector<8x4096xi32>
    %add3A_236 = arith.addi %bitcast_convert_type3A_233, %add3A_235 : vector<8x4096xi32>
    %shift_right_logical3A_237 = arith.constant 16 : i32
    %shift_right_logical3A_238 = vector.broadcast %shift_right_logical3A_237 : i32 to vector<8x4096xi32>
    %shift_right_logical3A_239 = arith.shrui %bitcast_convert_type3A_233, %shift_right_logical3A_238 : vector<8x4096xi32>
    %and3A_240 = arith.constant 1 : i32
    %and3A_241 = vector.broadcast %and3A_240 : i32 to vector<8x4096xi32>
    %and3A_242 = arith.andi %shift_right_logical3A_239, %and3A_241 : vector<8x4096xi32>
    %add3A_243 = arith.addi %add3A_236, %and3A_242 : vector<8x4096xi32>
    %shift_right_logical3A_244 = arith.constant 16 : i32
    %shift_right_logical3A_245 = vector.broadcast %shift_right_logical3A_244 : i32 to vector<8x4096xi32>
    %shift_right_logical3A_246 = arith.shrui %add3A_243, %shift_right_logical3A_245 : vector<8x4096xi32>
    %or3A_247 = arith.ori %shift_left3A_232, %shift_right_logical3A_246 : vector<8x4096xi32>
    %bitcast_convert_type3A_248 = tpu.bitcast %or3A_247 : vector<8x4096xi32> -> vector<8x4096xi32>
    %bitcast_convert_type3A_249 = tpu.bitcast %mul3A_55 : vector<8x4096xf32> -> vector<8x4096xi32>
    %add3A_250 = arith.constant 32767 : i32
    %add3A_251 = vector.broadcast %add3A_250 : i32 to vector<8x4096xi32>
    %add3A_252 = arith.addi %bitcast_convert_type3A_249, %add3A_251 : vector<8x4096xi32>
    %shift_right_logical3A_253 = arith.constant 16 : i32
    %shift_right_logical3A_254 = vector.broadcast %shift_right_logical3A_253 : i32 to vector<8x4096xi32>
    %shift_right_logical3A_255 = arith.shrui %bitcast_convert_type3A_249, %shift_right_logical3A_254 : vector<8x4096xi32>
    %and3A_256 = arith.constant 1 : i32
    %and3A_257 = vector.broadcast %and3A_256 : i32 to vector<8x4096xi32>
    %and3A_258 = arith.andi %shift_right_logical3A_255, %and3A_257 : vector<8x4096xi32>
    %add3A_259 = arith.addi %add3A_252, %and3A_258 : vector<8x4096xi32>
    %shift_right_logical3A_260 = arith.constant 16 : i32
    %shift_right_logical3A_261 = vector.broadcast %shift_right_logical3A_260 : i32 to vector<8x4096xi32>
    %shift_right_logical3A_262 = arith.shrui %add3A_259, %shift_right_logical3A_261 : vector<8x4096xi32>
    %shift_left3A_263 = arith.constant 16 : i32
    %shift_left3A_264 = vector.broadcast %shift_left3A_263 : i32 to vector<8x4096xi32>
    %shift_left3A_265 = arith.shli %shift_right_logical3A_262, %shift_left3A_264 : vector<8x4096xi32>
    %bitcast_convert_type3A_266 = tpu.bitcast %mul3A_49 : vector<8x4096xf32> -> vector<8x4096xi32>
    %add3A_267 = arith.constant 32767 : i32
    %add3A_268 = vector.broadcast %add3A_267 : i32 to vector<8x4096xi32>
    %add3A_269 = arith.addi %bitcast_convert_type3A_266, %add3A_268 : vector<8x4096xi32>
    %shift_right_logical3A_270 = arith.constant 16 : i32
    %shift_right_logical3A_271 = vector.broadcast %shift_right_logical3A_270 : i32 to vector<8x4096xi32>
    %shift_right_logical3A_272 = arith.shrui %bitcast_convert_type3A_266, %shift_right_logical3A_271 : vector<8x4096xi32>
    %and3A_273 = arith.constant 1 : i32
    %and3A_274 = vector.broadcast %and3A_273 : i32 to vector<8x4096xi32>
    %and3A_275 = arith.andi %shift_right_logical3A_272, %and3A_274 : vector<8x4096xi32>
    %add3A_276 = arith.addi %add3A_269, %and3A_275 : vector<8x4096xi32>
    %shift_right_logical3A_277 = arith.constant 16 : i32
    %shift_right_logical3A_278 = vector.broadcast %shift_right_logical3A_277 : i32 to vector<8x4096xi32>
    %shift_right_logical3A_279 = arith.shrui %add3A_276, %shift_right_logical3A_278 : vector<8x4096xi32>
    %or3A_280 = arith.ori %shift_left3A_265, %shift_right_logical3A_279 : vector<8x4096xi32>
    %bitcast_convert_type3A_281 = tpu.bitcast %or3A_280 : vector<8x4096xi32> -> vector<8x4096xi32>
    %stack3A = vector.shape_cast %bitcast_convert_type3A_83 : vector<8x4096xi32> to vector<1x8x4096xi32>
    %stack3A_282 = vector.shape_cast %bitcast_convert_type3A_116 : vector<8x4096xi32> to vector<1x8x4096xi32>
    %stack3A_283 = vector.shape_cast %bitcast_convert_type3A_149 : vector<8x4096xi32> to vector<1x8x4096xi32>
    %stack3A_284 = vector.shape_cast %bitcast_convert_type3A_182 : vector<8x4096xi32> to vector<1x8x4096xi32>
    %stack3A_285 = vector.shape_cast %bitcast_convert_type3A_215 : vector<8x4096xi32> to vector<1x8x4096xi32>
    %stack3A_286 = vector.shape_cast %bitcast_convert_type3A_248 : vector<8x4096xi32> to vector<1x8x4096xi32>
    %stack3A_287 = vector.shape_cast %bitcast_convert_type3A_281 : vector<8x4096xi32> to vector<1x8x4096xi32>
    %stack3A_288 = tpu.concatenate %stack3A, %stack3A_282, %stack3A_283, %stack3A_284, %stack3A_285, %stack3A_286, %stack3A_287 in 0 : vector<1x8x4096xi32>, vector<1x8x4096xi32>, vector<1x8x4096xi32>, vector<1x8x4096xi32>, vector<1x8x4096xi32>, vector<1x8x4096xi32>, vector<1x8x4096xi32> -> vector<7x8x4096xi32>
    %swap3A_289 = arith.constant 0 : index
    %swap3A_290 = arith.constant 0 : index
    %swap3A_291 = arith.constant 0 : index
    %swap3A_292 = vector.load %arg3[%swap3A_289, %swap3A_290, %swap3A_291] : memref<7x8x4096xi32, #tpu.memory_space<vmem>>, vector<7x8x4096xi32>
    tpu.vector_store %arg3[%swap3A_289, %swap3A_290, %swap3A_291], %stack3A_288 {strides = array<i32>} : memref<7x8x4096xi32, #tpu.memory_space<vmem>>, vector<7x8x4096xi32>,
    return
  }
  func.func @transform_0(%arg0: i32) -> (i32, i32) {
    %c0_i32 = arith.constant 0 : i32
    %c0_i32_0 = arith.constant 0 : i32
    return %arg0, %c0_i32 : i32, i32
  }
  func.func @transform_1(%arg0: i32) -> (i32, i32) {
    %c0_i32 = arith.constant 0 : i32
    %c0_i32_0 = arith.constant 0 : i32
    return %arg0, %c0_i32 : i32, i32
  }
  func.func @transform_2(%arg0: i32) -> (i32, i32, i32) {
    %c0_i32 = arith.constant 0 : i32
    %c0_i32_0 = arith.constant 0 : i32
    %c0_i32_1 = arith.constant 0 : i32
    return %c0_i32, %arg0, %c0_i32_0 : i32, i32, i32
  }
}

</mosaic_0001>

<sc_bundles>
// kernel: kernel.6.cloned.1.call-start
scs
__scs_entry_jumppad:
0x0: {  	(pc) =	sbr.rel $0x88, $3  }
0x1: {  	(tag) =	ssettag $0x0;
	lr =	simm.s32 $0x1  }
0x2: {  	[smem:$0x3F9B] =	sst lr;
	_ =	strace $0xD0000000  }
0x3: {  	_ = 	snop  }
0x4: {  	_ = 	snop  }
0x5: {  	_ = 	snop  }
0x6: {  	_ = 	snop  }
0x7: {  	_ = 	snop  }
__scs_overlays_trampoline_lowered:
0x8: {  	[smem:$0x3FAA] =	sst s0  }
0x9: {  	[smem:$0x3FAB] =	sst s1  }
0xa: {  	[smem:$0x3FAC] =	sst s2  }
0xb: {  	[smem:$0x3FAD] =	sst s3  }
0xc: {  	[smem:$0x3FAE] =	sst s4  }
0xd: {  	[smem:$0x3FAF] =	sst s5  }
0xe: {  	[smem:$0x3FB0] =	sst s6  }
0xf: {  	[smem:$0x3FB1] =	sst s7  }
0x10: {  	[smem:$0x3FB2] =	sst s8  }
0x11: {  	[smem:$0x3FB3] =	sst s9;
	s0 =	simm.s32 @!p0 $0x0  }
0x12: {  	s1 =	sld [smem:$0x3F99];
	s0 =	simm.s32 @p0 $0x1  }
0x13: {  	[smem:$0x3FB4] =	sst s0;
	s0 =	simm.s32 @!p1 $0x0  }
0x14: {  	s2 =	sld [smem:$0x3F98];
	s0 =	simm.s32 @p1 $0x1  }
0x15: {  	[smem:$0x3FB5] =	sst s0;
	s0 =	simm.s32 @!p2 $0x0  }
0x16: {  	s3 =	sld [smem:$0x3FDB];
	s0 =	simm.s32 @p2 $0x1  }
0x17: {  	s4 =	simm.s32 $0x1BF5;
	[smem:$0x3FB7] =	sst s0  }
0x18: {  	s0 =	sld [smem:$0x3F9A];
	_ =	swait.ge [sflag:s4], $0x0  }
0x19: {  	s7 =	sld [smem:$0x3F9B]  }
0x1a: {  	s8 =	sadd.s32 $0xFFFFE003, lr  }
0x1b: {  	s9 =	sadd.s32 $0xFFFFFEF7, lr;
	s5 =	simm.s32 $0xFFFFFFFF;
	p2 =	slt.u32 s8, $0xFFFFF086  }
0x1c: {  	p1 =	slt.u32 s9, $0xF7A;
	s5 =	simm.s32 @!p2 $0x0  }
0x1d: {  	s5 =	simm.s32 @p1 $0x1;
	p0 =	seq.s32 s7, s2  }
0x1e: {  	s7 =	smul.u32 @!p0 $0xF7A, s2;
	p2 =	seq.s32 @!p0 s5, $0x0  }
0x1f: {  	s9 =	smul.u32 $0xF7A, s1;
	s8 =	simm.s32 @!p0 $0x1BF5;
	p2 =	por !p2, p0  }
0x20: {  	[sflag:s8] =	ssyncset.s32 @!p0 $0xFFFFF086;
	s6 =	sadd.s32 @!p0 s3, s7;
	s7 =	simm.s32 @!p0 $0x108  }
0x21: {  	s3 =	sadd.s32 s3, s9;
	s6 =	sadd.s32 @!p0 $0x88, s6;
	s7 =	simm.s32 @p2 $0x1082  }
0x22: {  	[simem:s7], [sflag:s8] =	dma.local @!p0 [hbm:s6], $0xF7A  }
0x23: {  	s9 =	sor.u32 $0xD0000000, s2;
	s6 =	simm.s32 $0x108;
	_ =	swait.ge @!p0 [sflag:s8], $0x0  }
0x24: {  	s3 =	sadd.s32 $0x88, s3;
	s6 =	simm.s32 @!p1 $0x1082;
	[sflag:s4] =	ssyncset.s32 $0xFFFFF086  }
0x25: {  	[simem:s6], [sflag:s4] =	dma.local [hbm:s3], $0xF7A  }
0x26: {  	[smem:$0x3F9B] =	sst s1;
	(tag) =	ssettag s2;
	_ =	strace s9  }
0x27: {  	s1 =	sld [smem:$0x3FAB]  }
0x28: {  	s2 =	sld [smem:$0x3FAC]  }
0x29: {  	s4 =	sld [smem:$0x3FAE]  }
0x2a: {  	p0 =	seq.s32 s5, $0x0;
	s5 =	sld [smem:$0x3FAF]  }
0x2b: {  	s6 =	sld [smem:$0x3FB0]  }
0x2c: {  	s7 =	sld [smem:$0x3FB1]  }
0x2d: {  	s3 =	simm.s32 $0x108;
	s8 =	sld [smem:$0x3FB2]  }
0x2e: {  	s3 =	simm.s32 @!p0 $0x1082;
	s9 =	sld [smem:$0x3FB3]  }
0x2f: {  	lr =	sadd.s32 s0, s3;
	s0 =	sld [smem:$0x3FAA]  }
0x30: {  	s3 =	sld [smem:$0x3FAD]  }
0x31: {  	[smem:$0x3FB6] =	sst s10  }
0x32: {  	s10 =	sld [smem:$0x3FB4];
	_ =	sdelay $0x3  }
0x33: {  	p0 =	seq.s32 s10, $0x1;
	s10 =	sld [smem:$0x3FB6];
	_ =	sdelay $0x3  }
0x34: {  	[smem:$0x3FB6] =	sst s10  }
0x35: {  	s10 =	sld [smem:$0x3FB5];
	_ =	sdelay $0x3  }
0x36: {  	p1 =	seq.s32 s10, $0x1;
	s10 =	sld [smem:$0x3FB6];
	_ =	sdelay $0x3  }
0x37: {  	[smem:$0x3FB6] =	sst s10  }
0x38: {  	s10 =	sld [smem:$0x3FB7]  }
0x39: {  	_ = 	snop;
	(pc) =	sbr.ind lr, $3  }
0x3a: {  	_ = 	snop  }
0x3b: {  	_ = 	snop  }
0x3c: {  	p2 =	seq.s32 s10, $0x1;
	s10 =	sld [smem:$0x3FB6]  }
0x3d: {  	_ =	shalt  }
0x3e: {  	_ =	shalt  }
0x3f: {  	_ =	shalt  }
0x40: {  	_ =	shalt  }
0x41: {  	_ =	shalt  }
0x42: {  	_ =	shalt  }
0x43: {  	_ =	shalt  }
0x44: {  	_ =	shalt  }
0x45: {  	_ =	shalt  }
0x46: {  	_ =	shalt  }
0x47: {  	_ =	shalt  }
0x48: {  	_ =	shalt  }
0x49: {  	_ =	shalt  }
0x4a: {  	_ =	shalt  }
0x4b: {  	_ =	shalt  }
0x4c: {  	_ =	shalt  }
0x4d: {  	_ =	shalt  }
0x4e: {  	_ =	shalt  }
0x4f: {  	_ =	shalt  }
0x50: {  	_ =	shalt  }
0x51: {  	_ =	shalt  }
0x52: {  	_ =	shalt  }
0x53: {  	_ =	shalt  }
0x54: {  	_ =	shalt  }
0x55: {  	_ =	shalt  }
0x56: {  	_ =	shalt  }
0x57: {  	_ =	shalt  }
0x58: {  	_ =	shalt  }
0x59: {  	_ =	shalt  }
0x5a: {  	_ =	shalt  }
0x5b: {  	_ =	shalt  }
0x5c: {  	_ =	shalt  }
0x5d: {  	_ =	shalt  }
0x5e: {  	_ =	shalt  }
0x5f: {  	_ =	shalt  }
0x60: {  	_ =	shalt  }
0x61: {  	_ =	shalt  }
0x62: {  	_ =	shalt  }
0x63: {  	_ =	shalt  }
0x64: {  	_ =	shalt  }
0x65: {  	_ =	shalt  }
0x66: {  	_ =	shalt  }
0x67: {  	_ =	shalt  }
0x68: {  	_ =	shalt  }
0x69: {  	_ =	shalt  }
0x6a: {  	_ =	shalt  }
0x6b: {  	_ =	shalt  }
0x6c: {  	_ =	shalt  }
0x6d: {  	_ =	shalt  }
0x6e: {  	_ =	shalt  }
0x6f: {  	_ =	shalt  }
0x70: {  	_ =	shalt  }
0x71: {  	_ =	shalt  }
0x72: {  	_ =	shalt  }
0x73: {  	_ =	shalt  }
0x74: {  	_ =	shalt  }
0x75: {  	_ =	shalt  }
0x76: {  	_ =	shalt  }
0x77: {  	_ =	shalt  }
0x78: {  	_ =	shalt  }
0x79: {  	_ =	shalt  }
0x7a: {  	_ =	shalt  }
0x7b: {  	_ =	shalt  }
0x7c: {  	_ =	shalt  }
0x7d: {  	_ =	shalt  }
0x7e: {  	_ =	shalt  }
0x7f: {  	_ =	shalt  }
0x80: {  	_ =	shalt  }
0x81: {  	_ =	shalt  }
0x82: {  	_ =	shalt  }
0x83: {  	_ =	shalt  }
0x84: {  	_ =	shalt  }
0x85: {  	_ =	shalt  }
0x86: {  	_ =	shalt  }
0x87: {  	_ =	shalt  }
.Lfunc_end0:
.L_simem_size_0:
called_computation_lowered:
.L_overlay_start_0:
0x88: {  	s2 =	sld [smem:$0x3FD9]  }
0x89: {  	s3 =	sld [smem:$0x3FFE];
	_ =	sdelay $0x1  }
0x8a: {  	s1 =	srdreg.scid  }
0x8b: {  	s0 =	sand.u32 $0x1, s1  }
0x8c: {  	s17 =	sshll.u32 s0, $0xA;
	s2 =	sadd.s32 s3, s2  }
0x8d: {  	s2 =	sadd.s32 s2, s17  }
0x8e: {  	[smem:$0x3FC2] =	sst s2  }
0x8f: {  	_ = 	snop  }
0x90: {  	s2 =	sld [smem:$0x3FD0];
	(tm) =	ssettm $0x1  }
0x91: {  	s18 =	sld [smem:$0x3FFB];
	_ =	sdelay $0x3  }
0x92: {  	_ =	strace s18  }
0x93: {  	s3 =	sld [smem:$0x3FFC];
	_ =	sdelay $0x3  }
0x94: {  	_ =	strace s3  }
0x95: {  	s3 =	sld [smem:$0x3FFD];
	_ =	sdelay $0x3  }
0x96: {  	_ =	strace s3  }
0x97: {  	_ =	strace $0x8FFFFFFF  }
0x98: {  	s19 =	sld [smem:$0x3FDB];
	_ =	sdelay $0x1  }
0x99: {  	s4 =	simm.s32 $_scs_section_size  }
0x9a: {  	s5 =	simm.s32 $_size__tile_overlayer_lowered;
	s6 =	simm.s32 $_tile_overlayer_lowered  }
0x9b: {  	s22 =	simm.s32 $0x1BFF;
	s21 =	sshll.u32 s6, $0x1;
	s3 =	sadd.s32 s4, s19  }
0x9c: {  	s7 =	simm.s32 $0x0;
	s20 =	sshll.u32 s5, $0x1;
	s5 =	sadd.s32 s21, s3  }
0x9d: {  	[timem:s7], [sflag:s22] =	dma.local [hbm:s5], s20  }
0x9e: {  	_ =	swait.ge [sflag:s22], s20  }
0x9f: {  	s4 =	ssub.s32 $0x0, s20;
	[sflag:s22] =	ssyncset.done $0x0  }
0xa0: {  	[sflag:s22] =	ssyncadd.s32 s4;
	_ =	sdelay $0x1  }
0xa1: {  	s23 =	simm.s32 $0x1B8B  }
0xa2: {  	_ =	swait.ge [sflag:s23], $0x1  }
0xa3: {  	[sflag:s23] =	ssyncset.done $0x0  }
0xa4: {  	s25 =	simm.s32 $0x1B8E;
	s24 =	sld [smem:$0x3FFE];
	[sflag:s23] =	ssyncadd.s32 $0xFFFFFFFF  }
0xa5: {  	s26 =	simm.s32 $execute0_lowered;
	[smem:$0x3FD2] =	sst s25  }
0xa6: {  	s5 =	sshll.u32 s26, $0x1;
	_ =	strace $0x80000046;
	[dreg:$0x1] =	wrdreg $0xFFFFFFFF  }
0xa7: {  	s28 =	simm.s32 $_size_execute0_lowered;
	s3 =	sadd.s32 s3, s5;
	[dreg:$0x0] =	wrdreg $0x0  }
0xa8: {  	s5 =	sshll.u32 s28, $0x1;
	[dreg:$0x2] =	wrdreg s3  }
0xa9: {  	[dreg:$0x3] =	wrdreg s5  }
0xaa: {  	[dreg:$0x4] =	wrdreg $0xC0  }
0xab: {  	_ =	task [dreg:s7], $0x5FFFF  }
0xac: {  	[dreg:$0x1] =	wrdreg $0xFFFFFFFF  }
0xad: {  	[dreg:$0x0] =	wrdreg $0x60  }
0xae: {  	[dreg:$0x2] =	wrdreg s24  }
0xaf: {  	[dreg:$0x3] =	wrdreg s2  }
0xb0: {  	[dreg:$0x4] =	wrdreg $0x9  }
0xb1: {  	_ =	task.clear_ibuf [dreg:s7], $0x5FFFF;
	_ =	strace $0x90000046  }
0xb2: {  	s29 =	simm.s32 $0x9;
	_ =	strace $0x80000048  }
0xb3: {  	_ =	swait.ge [sflag:s29], $0x1  }
0xb4: {  	[sflag:s29] =	ssyncadd.s32 $0xFFFFFFFF  }
0xb5: {  	_ =	strace $0x90000048  }
0xb6: {  	_ =	sfence  }
0xb7: {  	s30 =	sld [smem:$0x0];
	_ =	sdelay $0x2  }
0xb8: {  	s31 =	sshll.u32 s1, $0xD;
	s1 =	sshrl.u32 s1, $0x2  }
0xb9: {  	s3 =	sand.u32 $0x4000, s31;
	s1 =	sadd.s32 s1, s30  }
0xba: {  	s0 =	sor.u32 s3, s0;
	s1 =	sshll.u32 s1, $0x11  }
0xbb: {  	s0 =	sor.u32 s1, s0  }
0xbc: {  	s0 =	sadd.s32 $0x8F2B, s0  }
0xbd: {  	[sflag:s0] =	ssyncadd.remote.s32 $0x1  }
0xbe: {  	_ =	sfence.sel $0xFFFF  }
0xbf: {  	[dreg:$0x0] =	wrdreg $0xFFFFFFFF;
	(pc) =	sbr.abs _section_cstart, $3  }
0xc0: {  	[dreg:$0x1] =	wrdreg $0xFFFFFFFF  }
0xc1: {  	_ =	task.clear_ibuf [dreg:s7], $0x2FFFF;
	_ =	strace $0x9FFFFFFF  }
0xc2: {  	(tm) =	ssettm $0x7FFFFFFF  }
0xc3: {  	_ =	shalt  }
tec
execute0_lowered:
.L_overlay_start_1:
0x0: {  	(tag) =	ssettag $0x1  }
0x1: {  	v0 =	vlaneseq.u32;
	v1 =	vimm.s32 $0x20181008;
	v2 =	vimm.s32 $0x383028  }
0x2: {  	vm0 =	vcmask $0x1F10;
	v50 =	vimm.s32 $0x21191109;
	v51 =	vimm.s32 $0x1393129  }
0x3: {  	v53 =	vimm.s32 $0x221A120A;
	v54 =	vimm.s32 $0x23A322A;
	v58 =	vimm.s32 $0x231B130B  }
0x4: {  	v60 =	vimm.s32 $0x33B332B;
	v5 =	vimm.s32 $0x241C140C;
	v6 =	vimm.s32 $0x43C342C  }
0x5: {  	v13 =	vimm.s32 $0x7;
	vm14 =	vcmask $0x300;
	vm13 =	vcmask $0x704  }
0x6: {  	vm12 =	vcmask $0xB08;
	v14 =	vimm.s32 $0x251D150D;
	vm11 =	vcmask $0xF0C  }
0x7: {  	vm10 =	vcmask $0x1310;
	v33 =	vimm.s32 $0x53D352D;
	vm9 =	vcmask $0x1714  }
0x8: {  	vm8 =	vcmask $0x1B18;
	v35 =	vimm.s32 $0x261E160E;
	vm7 =	vcmask $0x2320  }
0x9: {  	vm6 =	vcmask $0x2724;
	v37 =	vimm.s32 $0x63E362E;
	vm5 =	vcmask $0x2B28  }
0xa: {  	vm4 =	vcmask $0x2F2C;
	vm3 =	vcmask $0x3330;
	vm1 =	vcmask $0x3734  }
0xb: {  	v40 =	vimm.s32 $0x28201810;
	v41 =	vimm.s32 $0x8003830;
	vm2 =	vcmask $0x3B38  }
0xc: {  	v44 =	vimm.s32 $0x29211911;
	v45 =	vimm.s32 $0x9013931;
	v48 =	vimm.s32 $0x2A221A12  }
0xd: {  	v49 =	vimm.s32 $0xA023A32;
	v8 =	vimm.s32 $0x1D150D05;
	v0 =	vand.u32 $0x7, v0  }
0xe: {  	v3 =	vunpack.c.0.s8.s32 v1;
	v2 =	vunpack.c.0.s8.s32 v2;
	v52 =	vunpack.c.0.s8.s32 v50  }
0xf: {  	v4 =	vunpack.c.0.s8.s32 v51;
	v56 =	vunpack.c.0.s8.s32 v53;
	v57 =	vunpack.c.0.s8.s32 v54  }
0x10: {  	v62 =	vunpack.c.0.s8.s32 v58;
	v63 =	vunpack.c.0.s8.s32 v60;
	v12 =	vunpack.c.0.s8.s32 v5  }
0x11: {  	v1 =	vunpack.c.0.s8.s32 v6;
	v32 =	vunpack.c.0.s8.s32 v14;
	v34 =	vunpack.c.0.s8.s32 v33  }
0x12: {  	v36 =	vunpack.c.0.s8.s32 v35;
	v5 =	vunpack.c.0.s8.s32 v37;
	v42 =	vunpack.c.0.s8.s32 v40;
	[tilespmem:$0x1FB30] =	vst v3  }
0x13: {  	v43 =	vunpack.c.0.s8.s32 v41;
	v54 =	vimm.s32 $0x2B231B13;
	v58 =	vimm.s32 $0x2C241C14;
	[tilespmem:$0x1FB40] =	vst v2  }
0x14: {  	v50 =	vunpack.c.0.s8.s32 v48;
	v60 =	vimm.s32 $0xC043C34;
	v33 =	vimm.s32 $0xE063E36;
	[tilespmem:$0x1FB60] =	vst v4  }
0x15: {  	v51 =	vunpack.c.0.s8.s32 v49;
	v35 =	vimm.s32 $0x30282018;
	v37 =	vimm.s32 $0x10080038;
	[tilespmem:$0x1FB70] =	vst v56  }
0x16: {  	v53 =	vimm.s32 $0x207;
	v41 =	vimm.s32 $0x322A221A;
	v48 =	vimm.s32 $0x18100800;
	[tilespmem:$0x1FB90] =	vst v62  }
0x17: {  	v49 =	vimm.s32 $0x39312921;
	v6 =	vimm.s32 $0x1C140C04;
	v10 =	vmul.u32 $0x8, v0;
	[tilespmem:$0x1FBB0] =	vst v12  }
0x18: {  	v59 =	vmul.u32 $0x201, v0;
	v0 =	vsel vm14, $0x200, v13;
	v6 =	vunpack.c.0.s8.s32 v6;
	[tilespmem:$0x1FBC0] =	vst v1  }
0x19: {  	v2 =	vsel vm0, v2, v3;
	v55 =	vsel vm0, v4, v52;
	v61 =	vsel vm0, v57, v56;
	[tilespmem:$0x1FBD0] =	vst v32  }
0x1a: {  	v7 =	vsel vm0, v63, v62;
	v1 =	vsel vm0, v1, v12;
	v0 =	vsel vm13, $0x401, v0;
	[tilespmem:$0x1FBF0] =	vst v36  }
0x1b: {  	v38 =	vsel vm0, v34, v32;
	v39 =	vsel vm0, v5, v36;
	[tilespmem:$0x1FC20] =	vst v43;
	v4 =	vsel vm0, v43, v42  }
0x1c: {  	v3 =	vunpack.c.0.s8.s32 v45;
	[tilespmem:$0x1FC50] =	vst v50;
	v56 =	vsel vm0, v51, v50;
	v62 =	vunpack.c.0.s8.s32 v60  }
0x1d: {  	[tilespmem:$0x1FC60] =	vst v51;
	v12 =	vimm.s32 $0xD053D35;
	v32 =	vimm.s32 $0x2E261E16;
	v36 =	vunpack.c.0.s8.s32 v35  }
0x1e: {  	v43 =	vimm.s32 $0x120A023A;
	v50 =	vimm.s32 $0x19110901;
	v51 =	vimm.s32 $0x332B231B  }
0x1f: {  	v60 =	vimm.s32 $0x1A120A02;
	v27 =	vcombine.low v2, v2;
	v17 =	vcombine.low v55, v55  }
0x20: {  	[tilespmem:$0x1FB50] =	vst v52;
	v35 =	vimm.s32 $0x1E160E06;
	v52 =	vcombine.low v61, v61;
	v9 =	vcombine.low v7, v7  }
0x21: {  	v29 =	vcombine.low v1, v1;
	v0 =	vsel vm12, $0x602, v0;
	v47 =	vcombine.low v38, v38  }
0x22: {  	[tilespmem:$0x1FB80] =	vst v57;
	v2 =	vunpack.c.0.s8.s32 v44;
	v11 =	vcombine.low v39, v39;
	v45 =	vcombine.low v4, v4  }
0x23: {  	[tilespmem:$0x1FBA0] =	vst v63;
	v55 =	vimm.s32 $0xB033B33;
	v1 =	vsel vm14, $0x400, v53;
	v61 =	vunpack.c.0.s8.s32 v58  }
0x24: {  	[tilespmem:$0x1FBE0] =	vst v34;
	v7 =	vimm.s32 $0x2D251D15;
	v38 =	vimm.s32 $0x31292119;
	v0 =	vsel vm11, $0x803, v0  }
0x25: {  	[tilespmem:$0x1FC00] =	vst v5;
	v39 =	vimm.s32 $0x11090139;
	v44 =	vimm.s32 $0x38302820;
	v0 =	vsel vm10, $0xA04, v0  }
0x26: {  	[tilespmem:$0x1FC10] =	vst v42;
	v4 =	vunpack.c.0.s8.s32 v51;
	v1 =	vsel vm13, $0x601, v1;
	v0 =	vsel vm9, $0xC05, v0  }
0x27: {  	[tilespmem:$0x1FCF0] =	vst v36;
	v40 =	vunpack.c.0.s8.s32 v39;
	v36 =	vimm.s32 $0x607;
	v0 =	vsel vm8, $0xE06, v0  }
0x28: {  	[tilespmem:$0x1FC30] =	vst v2;
	v46 =	vsel vm0, v3, v2;
	v2 =	vunpack.c.0.s8.s32 v54;
	v0 =	vsel vm7, $0x200, v0  }
0x29: {  	[tilespmem:$0x1FC40] =	vst v3;
	v3 =	vunpack.c.0.s8.s32 v55;
	v1 =	vsel vm12, $0x802, v1;
	v0 =	vsel vm6, $0x401, v0  }
0x2a: {  	[tilespmem:$0x1FCA0] =	vst v62;
	v55 =	vcombine.low v56, v56;
	v13 =	vsel vm0, v62, v61;
	v0 =	vsel vm5, $0x602, v0  }
0x2b: {  	[tilespmem:$0x1FC90] =	vst v61;
	v56 =	vimm.s32 $0x3A322A22;
	v61 =	vimm.s32 $0x3B332B23;
	v0 =	vsel vm4, $0x803, v0  }
0x2c: {  	[tilespmem:$0x1FC70] =	vst v2;
	v57 =	vsel vm0, v3, v2;
	v2 =	vunpack.c.0.s8.s32 v7;
	v0 =	vsel vm3, $0xA04, v0  }
0x2d: {  	v1 =	vsel vm11, $0xA03, v1;
	[tilespmem:$0x1FC80] =	vst v3;
	v3 =	vunpack.c.0.s8.s32 v12;
	v0 =	vsel vm1, $0xC05, v0  }
0x2e: {  	v1 =	vsel vm10, $0xC04, v1;
	[tilespmem:$0x1FCB0] =	vst v2;
	v42 =	vsel vm2, $0xE06, v0;
	v0 =	vunpack.c.0.s8.s32 v32  }
0x2f: {  	[tilespmem:$0x1FCC0] =	vst v3;
	v14 =	vsel vm0, v3, v2;
	v2 =	vunpack.c.0.s8.s32 v49;
	v3 =	vunpack.c.0.s8.s32 v50  }
0x30: {  	v62 =	vimm.s32 $0x1B130B03;
	v1 =	vsel vm9, $0xE05, v1;
	[tilespmem:$0x1FCD0] =	vst v0;
	v0 =	vunpack.c.0.s8.s32 v33  }
0x31: {  	[tilespmem:$0x1FD50] =	vst v4;
	v63 =	vcombine.low v46, v46;
	v1 =	vsel vm8, $0x6, v1;
	v54 =	vsel vm0, v3, v2  }
0x32: {  	v2 =	vunpack.c.0.s8.s32 v61;
	v3 =	vunpack.c.0.s8.s32 v62;
	[tilespmem:$0x1FCE0] =	vst v0;
	v0 =	vunpack.c.0.s8.s32 v37  }
0x33: {  	[tilespmem:$0x1FD20] =	vst v40;
	v46 =	vunpack.c.0.s8.s32 v44;
	v12 =	vimm.s32 $0x3C342C24;
	v1 =	vsel vm7, $0x400, v1  }
0x34: {  	v1 =	vsel vm6, $0x601, v1;
	v2 =	vsel vm0, v3, v2;
	[tilespmem:$0x1FD00] =	vst v0;
	v0 =	vunpack.c.0.s8.s32 v38  }
0x35: {  	v44 =	vimm.s32 $0x140C043C;
	v5 =	vunpack.c.0.s8.s32 v12;
	v1 =	vsel vm5, $0x802, v1;
	[tilespmem:$0x1FD90] =	vst v2  }
0x36: {  	v1 =	vsel vm4, $0xA03, v1;
	v2 =	vsel vm14, $0x800, v36;
	[tilespmem:$0x1FD10] =	vst v0;
	v0 =	vunpack.c.0.s8.s32 v41  }
0x37: {  	[tilespmem:$0x1FD70] =	vst v54;
	v1 =	vsel vm3, $0xC04, v1;
	v39 =	vsel vm13, $0xA01, v2;
	v2 =	vunpack.c.0.s8.s32 v44  }
0x38: {  	v34 =	vsel vm1, $0xE05, v1;
	v1 =	vunpack.c.0.s8.s32 v48;
	[tilespmem:$0x1FD30] =	vst v0;
	v0 =	vunpack.c.0.s8.s32 v43  }
0x39: {  	v7 =	vimm.s32 $0x3D352D25;
	v58 =	vcombine.low v57, v57;
	v57 =	vcombine.low v13, v13;
	[tilespmem:$0x1FDF0] =	vst v2  }
0x3a: {  	v33 =	vsel vm0, v6, v5;
	[tilespmem:$0x1FD40] =	vst v0;
	v0 =	vsel vm0, v1, v46;
	v46 =	vimm.s32 $0x352D251D  }
0x3b: {  	v1 =	vunpack.c.0.s8.s32 v60;
	[tilespmem:$0x1FD60] =	vst v0;
	v0 =	vunpack.c.0.s8.s32 v56;
	v2 =	vunpack.c.0.s8.s32 v46  }
0x3c: {  	v13 =	vunpack.c.0.s8.s32 v7;
	v19 =	vcombine.low v14, v14;
	v14 =	vunpack.c.0.s8.s32 v8;
	[tilespmem:$0x1FDA0] =	vst v33  }
0x3d: {  	v53 =	vimm.s32 $0x130B033B;
	v48 =	vimm.s32 $0x150D053D;
	v0 =	vsel vm0, v1, v0;
	[tilespmem:$0x1FE00] =	vst v2  }
0x3e: {  	v49 =	vimm.s32 $0x362E261E;
	v2 =	vunpack.c.0.s8.s32 v48;
	[tilespmem:$0x1FD80] =	vst v0;
	v0 =	vsel vm0, v14, v13  }
0x3f: {  	v20 =	vsel vm2, $0x6, v34;
	v34 =	vimm.s32 $0x3E362E26;
	v37 =	vunpack.c.0.s8.s32 v53;
	[tilespmem:$0x1FDB0] =	vst v0  }
0x40: {  	v1 =	vunpack.c.0.s8.s32 v35;
	v0 =	vunpack.c.0.s8.s32 v34;
	[tilespmem:$0x1FE10] =	vst v2;
	v2 =	vunpack.c.0.s8.s32 v49  }
0x41: {  	v40 =	vimm.s32 $0x342C241C;
	[tilespmem:$0x1FDC0] =	vst v37  }
0x42: {  	v50 =	vimm.s32 $0x160E063E;
	v0 =	vsel vm0, v1, v0;
	v1 =	vunpack.c.0.s8.s32 v40;
	[tilespmem:$0x1FE20] =	vst v2  }
0x43: {  	v2 =	vunpack.c.0.s8.s32 v50;
	[tilespmem:$0x1FDD0] =	vst v0  }
0x44: {  	s0 =	rddreg [dreg:$0x0];
	s4 =	simm.s32 $0x0;
	v32 =	vimm.s32 $0x407;
	[tilespmem:$0x1FDE0] =	vst v1  }
0x45: {  	[smem:$0x7FF] =	sst s4;
	v38 =	vsel vm14, $0x600, v32;
	[tilespmem:$0x1FE30] =	vst v2  }
0x46: {  	s1 =	rddreg [dreg:$0x1];
	v3 =	vsel vm13, $0x801, v38;
	_ =	strace $0x80000047;
	[tilespmem:$0x1FE40] =	vst v10  }
0x47: {  	v51 =	vimm.s32 $0x807;
	v26 =	vor.u32 $0x1, v10;
	v41 =	vsel vm12, $0xA02, v3;
	[tilespmem:$0x1FE50] =	vst v17  }
0x48: {  	v31 =	vor.u32 $0x2, v10;
	v43 =	vsel vm11, $0xC03, v41;
	v0 =	vsel vm12, $0xC02, v39;
	[tilespmem:$0x1FE60] =	vst v52  }
0x49: {  	v62 =	vor.u32 $0x6, v10;
	v0 =	vsel vm11, $0xE03, v0;
	v1 =	vsel vm10, $0xE04, v43;
	[tilespmem:$0x1FE80] =	vst v19  }
0x4a: {  	v54 =	vimm.s32 $0xC07;
	v0 =	vsel vm10, $0x4, v0;
	v1 =	vsel vm9, $0x5, v1;
	[tilespmem:$0x1FEA0] =	vst v20  }
0x4b: {  	v36 =	vor.u32 $0x5, v10;
	[tilespmem:$0x1FED0] =	vst v26;
	v0 =	vsel vm9, $0x205, v0;
	v1 =	vsel vm8, $0x206, v1  }
0x4c: {  	v32 =	vor.u32 $0x3, v10;
	[tilespmem:$0x1FEF0] =	vst v31;
	v0 =	vsel vm8, $0x406, v0;
	v1 =	vsel vm7, $0x600, v1  }
0x4d: {  	v33 =	vor.u32 $0x4, v10;
	[tilespmem:$0x1FF00] =	vst v32;
	v0 =	vsel vm7, $0x800, v0;
	v1 =	vsel vm6, $0x801, v1  }
0x4e: {  	v53 =	vimm.s32 $0xA07;
	[tilespmem:$0x1FF10] =	vst v33;
	v0 =	vsel vm6, $0xA01, v0;
	v1 =	vsel vm5, $0xA02, v1  }
0x4f: {  	v2 =	vsel vm14, $0xE00, v54;
	[tilespmem:$0x1FF20] =	vst v36;
	v0 =	vsel vm5, $0xC02, v0;
	v1 =	vsel vm4, $0xC03, v1  }
0x50: {  	v2 =	vsel vm13, $0x1, v2;
	[tilespmem:$0x1FF30] =	vst v62;
	v0 =	vsel vm4, $0xE03, v0;
	v1 =	vsel vm3, $0xE04, v1  }
0x51: {  	[tilespmem:$0x1FF40] =	vst v42;
	v2 =	vsel vm12, $0x202, v2;
	v0 =	vsel vm3, $0x4, v0;
	v1 =	vsel vm1, $0x5, v1  }
0x52: {  	[tilespmem:$0x1FF50] =	vst v45;
	v0 =	vsel vm1, $0x205, v0;
	v21 =	vsel vm2, $0x206, v1;
	v1 =	vsel vm14, $0xC00, v53  }
0x53: {  	[tilespmem:$0x1FF60] =	vst v29;
	v23 =	vsel vm2, $0x406, v0;
	v0 =	vsel vm14, $0xA00, v51;
	v1 =	vsel vm13, $0xE01, v1  }
0x54: {  	s2 =	srdreg.scid;
	[tilespmem:$0x1FF70] =	vst v58;
	v2 =	vsel vm11, $0x403, v2;
	v0 =	vsel vm13, $0xC01, v0;
	v1 =	vsel vm12, $0x2, v1  }
0x55: {  	s3 =	stileid.u32;
	s10 =	simm.s32 $0x5;
	s11 =	simm.s32 $0x200;
	[tilespmem:$0x1FF80] =	vst v47;
	v2 =	vsel vm10, $0x604, v2;
	v0 =	vsel vm12, $0xE02, v0;
	v1 =	vsel vm11, $0x203, v1  }
0x56: {  	s12 =	simm.s32 $0x80000;
	s13 =	simm.s32 $0x14000;
	s15 =	simm.s32 $0x4000;
	[tilespmem:$0x1FF90] =	vst v63;
	v2 =	vsel vm9, $0x805, v2;
	v0 =	vsel vm11, $0x3, v0;
	v1 =	vsel vm10, $0x404, v1  }
0x57: {  	s14 =	simm.s32 $0x80;
	s16 =	simm.s32 $0x6000;
	s18 =	simm.s32 $0x8000;
	[tilespmem:$0x1FFA0] =	vst v55;
	v2 =	vsel vm8, $0xA06, v2;
	v0 =	vsel vm10, $0x204, v0;
	v1 =	vsel vm9, $0x605, v1  }
0x58: {  	s20 =	simm.s32 $0xA000;
	s21 =	simm.s32 $0x1;
	s22 =	simm.s32 $0x14E00;
	[tilespmem:$0x1FFB0] =	vst v57;
	v2 =	vsel vm7, $0xE00, v2;
	v0 =	vsel vm9, $0x405, v0;
	v1 =	vsel vm8, $0x806, v1  }
0x59: {  	s23 =	simm.s32 $0xC000;
	s2 =	sand.u32 $0x1, s2;
	s3 =	sshll.u32 s3, $0x1;
	[tilespmem:$0x1FFC0] =	vst v11;
	v2 =	vsel vm6, $0x1, v2;
	v0 =	vsel vm8, $0x606, v0;
	v1 =	vsel vm7, $0xC00, v1  }
0x5a: {  	s28 =	simm.s32 $0x15C00;
	s29 =	simm.s32 $0x2;
	s3 =	sor.u32 s2, s3;
	[tilespmem:$0x1FFD0] =	vst v9;
	v2 =	vsel vm5, $0x202, v2;
	v0 =	vsel vm7, $0xA00, v0;
	v1 =	vsel vm6, $0xE01, v1  }
0x5b: {  	s30 =	simm.s32 $0x16C00;
	s31 =	simm.s32 $0x3;
	s7 =	sshll.u32 s3, $0xB;
	[tilespmem:$0x1FFE0] =	vst v59;
	v2 =	vsel vm4, $0x403, v2;
	v0 =	vsel vm6, $0xC01, v0;
	v1 =	vsel vm5, $0x2, v1  }
0x5c: {  	s4 =	sadd.s32 $0x100A00, s0;
	s2 =	ssub.s32 $0x2, s2;
	s8 =	sadd.s32 s7, s0;
	[tilespmem:$0x1FFF0] =	vst v27;
	v2 =	vsel vm3, $0x604, v2;
	v0 =	vsel vm5, $0xE02, v0;
	v1 =	vsel vm4, $0x203, v1  }
0x5d: {  	s5 =	sadd.s32 $0xA00, s0;
	s6 =	sshrl.u32 s2, $0x1;
	s25 =	sadd.s32 $0x70A00, s8;
	[tilespmem:$0x1FEB0] =	vst v21;
	v2 =	vsel vm1, $0x805, v2;
	v0 =	vsel vm4, $0x3, v0;
	v1 =	vsel vm3, $0x404, v1  }
0x5e: {  	s24 =	ssub.s32 s2, s6;
	s26 =	sadd.s32 s5, s7;
	[dreg:$0x3] =	wrdreg s25;
	[tilespmem:$0x1FEE0] =	vst v23;
	v56 =	vsel vm2, $0xA06, v2;
	v0 =	vsel vm3, $0x204, v0;
	v1 =	vsel vm1, $0x605, v1  }
0x5f: {  	s6 =	sshll.u32 s3, $0xE;
	s0 =	smax.u32 s24, $0x1;
	[dreg:$0x4] =	wrdreg s26;
	[tilespmem:$0x1FE70] =	vst v56;
	v0 =	vsel vm1, $0x405, v0;
	v1 =	vsel vm2, $0x806, v1  }
0x60: {  	s2 =	simm.s32 $0x0;
	s24 =	simm.s32 $0xE000;
	[dreg:$0x5] =	wrdreg s0;
	v24 =	vsel vm2, $0x606, v0;
	[tilespmem:$0x1FE90] =	vst v1  }
0x61: {  	s25 =	simm.s32 $0x10000;
	s26 =	simm.s32 $0x12000;
	s0 =	simm.s32 $0x4;
	[tilespmem:$0x1FEC0] =	vst v24  }
.LBB2_1:
0x62: {  	s3 =	simm.s32 $0x0;
	s7 =	rddreg [dreg:$0x3]  }
0x63: {  	[tilespmem:s3], [sflag:$0x5] =	stream.linear.gather [hbm4b:s7+s3], $0x4000, $0x38;
	[tilespmem:$0x17C00] =	vst v63  }
0x64: {  	_ =	swait.ge [sflag:s10], $0x4000  }
0x65: {  	[sflag:s10] =	ssyncset.done $0x0  }
0x66: {  	s9 =	rddreg [dreg:$0x4];
	[sflag:s10] =	ssyncadd.s32 $0xFFFFC000  }
0x67: {  	[tilespmem:s13], [sflag:$0x1] =	stream.strided.gather [hbm4b:s9+s11], $0xE00, s12, s11, $0x38;
	[tilespmem:$0x17C00] =	vst v63  }
0x68: {  	_ = 	snop  }
0x69: {  	[tilespmem:s15], [sflag:$0x1] =	stream.indirect.gather [hbm4b:s4+s14], $0x40, s3, s14, $0xb8;
	[tilespmem:$0x17C00] =	vst v63  }
0x6a: {  	_ = 	snop  }
0x6b: {  	[tilespmem:s16], [sflag:$0x1] =	stream.indirect.gather [hbm4b:s4+s14], $0x40, s14, s14, $0xb8;
	[tilespmem:$0x17C00] =	vst v63  }
0x6c: {  	s17 =	simm.s32 $0x100  }
0x6d: {  	[tilespmem:s18], [sflag:$0x1] =	stream.indirect.gather [hbm4b:s4+s14], $0x40, s17, s14, $0xb8;
	[tilespmem:$0x17C00] =	vst v63  }
0x6e: {  	s19 =	simm.s32 $0x180;
	s17 =	simm.s32 $0x0  }
0x6f: {  	[tilespmem:s20], [sflag:$0x1] =	stream.indirect.gather [hbm4b:s4+s14], $0x40, s19, s14, $0xb8;
	[tilespmem:$0x17C00] =	vst v63  }
.LBB2_2:
0x70: {  	_ =	swait.ge [sflag:s21], $0xE00  }
0x71: {  	[sflag:s21] =	ssyncset.done $0x0  }
0x72: {  	[sflag:s21] =	ssyncadd.s32 $0xFFFFF200  }
0x73: {  	_ =	swait.ge [sflag:s21], $0x2000  }
0x74: {  	[sflag:s21] =	ssyncset.done $0x0  }
0x75: {  	[sflag:s21] =	ssyncadd.s32 $0xFFFFE000  }
0x76: {  	_ =	swait.ge [sflag:s21], $0x2000  }
0x77: {  	[sflag:s21] =	ssyncset.done $0x0  }
0x78: {  	[sflag:s21] =	ssyncadd.s32 $0xFFFFE000  }
0x79: {  	_ =	swait.ge [sflag:s21], $0x2000  }
0x7a: {  	s7 =	sshll.u32 s17, $0xA;
	[sflag:s21] =	ssyncset.done $0x0  }
0x7b: {  	s3 =	sor.u32 $0x200, s7;
	[sflag:s21] =	ssyncadd.s32 $0xFFFFE000  }
0x7c: {  	s8 =	sadd.s32 s6, s3;
	_ =	swait.ge [sflag:s21], $0x2000  }
0x7d: {  	s19 =	sshrl.u32 s8, $0x3;
	[sflag:s21] =	ssyncset.done $0x0  }
0x7e: {  	s8 =	sadd.s32 s5, s19;
	[sflag:s21] =	ssyncadd.s32 $0xFFFFE000  }
0x7f: {  	[tilespmem:s22], [sflag:$0x2] =	stream.strided.gather [hbm4b:s8+s11], $0xE00, s12, s11, $0x38;
	[tilespmem:$0x17C00] =	vst v63  }
0x80: {  	s3 =	sand.u32 $0x3FFFFE00, s3  }
0x81: {  	[tilespmem:s23], [sflag:$0x2] =	stream.indirect.gather [hbm4b:s4+s14], $0x40, s3, s14, $0xb8;
	[tilespmem:$0x17C00] =	vst v63  }
0x82: {  	s9 =	sor.u32 $0x80, s3  }
0x83: {  	[tilespmem:s24], [sflag:$0x2] =	stream.indirect.gather [hbm4b:s4+s14], $0x40, s9, s14, $0xb8;
	[tilespmem:$0x17C00] =	vst v63  }
0x84: {  	s9 =	sor.u32 $0x100, s3  }
0x85: {  	[tilespmem:s25], [sflag:$0x2] =	stream.indirect.gather [hbm4b:s4+s14], $0x40, s9, s14, $0xb8;
	[tilespmem:$0x17C00] =	vst v63  }
0x86: {  	p0 =	seq.s32 s17, $0x0;
	s3 =	sor.u32 $0x180, s3  }
0x87: {  	[tilespmem:s26], [sflag:$0x2] =	stream.indirect.gather [hbm4b:s4+s14], $0x40, s3, s14, $0xb8;
	[tilespmem:$0x17C00] =	vst v63  }
0x88: {  	s3 =	simm.s32 @!p0 $0x3  }
0x89: {  	_ =	swait.ge @!p0 [sflag:s3], $0x1000  }
0x8a: {  	v38 =	vlaneseq.u32;
	s8 =	simm.s32 $0x0;
	[sflag:s3] =	ssyncset.done @!p0 $0x0;
	v37 =	vld [tilespmem:$0x1FE40]  }
0x8b: {  	v0 =	vor.u32 s8, v38;
	s9 =	simm.s32 $0x14600;
	[sflag:s3] =	ssyncadd.s32 @!p0 $0xFFFFF000  }
0x8c: {  	v28 =	vshll.u32 v0, $0x6;
	v1 =	vld [tilespmem:s9+$0x400]  }
0x8d: {  	v6 =	vor.u32 v26, v28;
	v4 =	vld [tilespmem:s9+$0x200]  }
0x8e: {  	v43 =	vmov v9;
	v9 =	vor.u32 v31, v28;
	v5 =	vld [tilespmem:s9+$0x0]  }
0x8f: {  	v8 =	vld [tilespmem:s9+$0xFFFFFE00];
	v2 =	vor.u32 v37, v28  }
0x90: {  	v10 =	vld [tilespmem:s9+$0xFFFFFA00]  }
0x91: {  	v48 =	vmov v11;
	v11 =	vor.u32 v32, v28;
	v12 =	vld [tilespmem:s9+$0xFFFFFC00]  }
0x92: {  	v39 =	vand.u32 $0x1F8, v0;
	v0 =	vor.u32 v33, v28;
	v15 =	vor.u32 v36, v28;
	v6 =	vld.idx.msk [tilespmem:v6+s15+$0x0], $0xffff  }
0x93: {  	v18 =	vor.u32 v62, v28;
	v9 =	vld.idx.msk [tilespmem:v9+s15+$0x0], $0xffff;
	v51 =	vunpack.i.u.bf16.f32 v1;
	v7 =	vunpack.i.l.bf16.f32 v1  }
0x94: {  	v16 =	vunpack.i.u.bf16.f32 v5;
	v13 =	vunpack.i.u.bf16.f32 v4;
	v41 =	vunpack.i.l.bf16.f32 v4;
	v14 =	vld.idx.msk [tilespmem:v2+s15+$0x0], $0xffff  }
0x95: {  	v3 =	vld [tilespmem:s9+$0x600];
	v44 =	vunpack.i.u.bf16.f32 v8;
	v35 =	vunpack.i.l.bf16.f32 v8;
	v54 =	vunpack.i.l.bf16.f32 v5  }
0x96: {  	v4 =	vld.idx.msk [tilespmem:v11+s15+$0x0], $0xffff;
	v40 =	vunpack.i.u.bf16.f32 v10;
	v1 =	vunpack.i.l.bf16.f32 v10;
	v34 =	vunpack.i.u.bf16.f32 v12  }
0x97: {  	v22 =	vunpack.i.l.bf16.f32 v12;
	v10 =	vunpack.i.l.bf16.f32 v6;
	v6 =	vunpack.i.u.bf16.f32 v6  }
0x98: {  	v12 =	vunpack.i.l.bf16.f32 v9;
	v9 =	vunpack.i.u.bf16.f32 v9;
	v10 =	vmul.f32 v10, v22  }
0x99: {  	v0 =	vld.idx.msk [tilespmem:v0+s15+$0x0], $0xffff;
	v6 =	vmul.f32 v6, v34;
	v5 =	vunpack.i.l.bf16.f32 v14;
	v8 =	vunpack.i.u.bf16.f32 v14  }
0x9a: {  	v30 =	vunpack.i.u.bf16.f32 v3;
	v5 =	vmul.f32 v5, v1;
	v8 =	vmul.f32 v8, v40  }
0x9b: {  	v11 =	vld.idx.msk [tilespmem:v15+s15+$0x0], $0xffff;
	v12 =	vmul.f32 v12, v35;
	v6 =	vadd.f32 v10, v6;
	v14 =	vunpack.i.l.bf16.f32 v4  }
0x9c: {  	v15 =	vld.idx.msk [tilespmem:v18+s15+$0x0], $0xffff;
	v4 =	vunpack.i.u.bf16.f32 v4;
	v5 =	vadd.f32 v5, v8;
	v8 =	vmul.f32 v9, v44  }
0x9d: {  	v2 =	vunpack.i.l.bf16.f32 v3;
	v10 =	vmul.f32 v14, v54;
	v4 =	vmul.f32 v4, v16  }
0x9e: {  	v9 =	vunpack.i.l.bf16.f32 v0;
	v5 =	vadd.f32 v6, v5;
	v6 =	vadd.f32 v12, v8  }
0x9f: {  	v0 =	vunpack.i.u.bf16.f32 v0;
	v4 =	vadd.f32 v10, v4;
	v9 =	vmul.f32 v9, v41  }
0xa0: {  	v0 =	vmul.f32 v0, v13;
	v8 =	vunpack.i.l.bf16.f32 v11;
	v5 =	vadd.f32 v6, v5  }
0xa1: {  	v3 =	vunpack.i.u.bf16.f32 v15;
	v8 =	vmul.f32 v8, v7;
	v6 =	vunpack.i.u.bf16.f32 v11  }
0xa2: {  	v0 =	vadd.f32 v9, v0;
	v4 =	vadd.f32 v4, v5;
	v5 =	vmul.f32 v6, v51  }
0xa3: {  	v3 =	vmul.f32 v3, v30;
	v11 =	vunpack.i.l.bf16.f32 v15  }
0xa4: {  	v6 =	vmul.f32 v11, v2;
	v0 =	vadd.f32 v0, v4;
	v4 =	vadd.f32 v8, v5  }
0xa5: {  	v5 =	vor.u32 v59, v39  }
0xa6: {  	v3 =	vadd.f32 v6, v3;
	v0 =	vadd.f32 v4, v0;
	v4 =	vor.u32 v43, v28  }
0xa7: {  	v6 =	vor.u32 v27, v28  }
0xa8: {  	v0 =	vadd.f32 v3, v0  }
0xa9: {  	v3 =	vor.u32 v17, v28  }
0xaa: {  	v8 =	vor.u32 v52, v28;
	[tilespmem:v5+s28+$0x0] =	vst.idx.msk $0xffff, v0  }
0xab: {  	v0 =	vld.idx.msk [tilespmem:v4+s15+$0x0], $0xffff  }
0xac: {  	v4 =	vld.idx.msk [tilespmem:v6+s15+$0x0], $0xffff  }
0xad: {  	v5 =	vor.u32 v29, v28  }
0xae: {  	v3 =	vld.idx.msk [tilespmem:v3+s15+$0x0], $0xffff  }
0xaf: {  	v8 =	vld.idx.msk [tilespmem:v8+s15+$0x0], $0xffff  }
0xb0: {  	v6 =	vor.u32 v47, v28  }
0xb1: {  	v9 =	vor.u32 v48, v28;
	v11 =	vunpack.i.u.bf16.f32 v4;
	v4 =	vunpack.i.l.bf16.f32 v4  }
0xb2: {  	v5 =	vld.idx.msk [tilespmem:v5+s15+$0x0], $0xffff;
	v12 =	vunpack.i.u.bf16.f32 v0;
	v4 =	vmul.f32 v4, v1  }
0xb3: {  	v11 =	vmul.f32 v11, v40;
	v14 =	vunpack.i.u.bf16.f32 v3;
	v3 =	vunpack.i.l.bf16.f32 v3  }
0xb4: {  	v15 =	vunpack.i.l.bf16.f32 v8;
	v3 =	vmul.f32 v3, v22;
	v14 =	vmul.f32 v14, v34  }
0xb5: {  	v6 =	vld.idx.msk [tilespmem:v6+s15+$0x0], $0xffff;
	v0 =	vunpack.i.l.bf16.f32 v0;
	v8 =	vunpack.i.u.bf16.f32 v8;
	v15 =	vmul.f32 v15, v35  }
0xb6: {  	v9 =	vld.idx.msk [tilespmem:v9+s15+$0x0], $0xffff;
	v8 =	vmul.f32 v8, v44;
	v4 =	vadd.f32 v4, v11;
	v3 =	vadd.f32 v3, v14  }
0xb7: {  	v0 =	vmul.f32 v0, v54;
	v11 =	vmul.f32 v12, v16;
	v12 =	vunpack.i.u.bf16.f32 v5  }
0xb8: {  	v5 =	vunpack.i.l.bf16.f32 v5;
	v3 =	vadd.f32 v3, v4;
	v4 =	vadd.f32 v15, v8  }
0xb9: {  	v0 =	vadd.f32 v0, v11;
	v5 =	vmul.f32 v5, v41  }
0xba: {  	v11 =	vmul.f32 v12, v13;
	v8 =	vunpack.i.l.bf16.f32 v6;
	v3 =	vadd.f32 v4, v3  }
0xbb: {  	v8 =	vmul.f32 v8, v7;
	v4 =	vunpack.i.u.bf16.f32 v6;
	v6 =	vunpack.i.l.bf16.f32 v9  }
0xbc: {  	v4 =	vmul.f32 v4, v51;
	v0 =	vadd.f32 v0, v3;
	v3 =	vadd.f32 v5, v11  }
0xbd: {  	v6 =	vmul.f32 v6, v2;
	v5 =	vunpack.i.u.bf16.f32 v9  }
0xbe: {  	v0 =	vadd.f32 v3, v0;
	v3 =	vadd.f32 v8, v4;
	v4 =	vmul.f32 v5, v30  }
0xbf: {  	v5 =	vor.u32 v42, v39  }
0xc0: {  	v0 =	vadd.f32 v3, v0;
	v3 =	vadd.f32 v6, v4;
	v4 =	vor.u32 v45, v28;
	_ =	sdelay $0x1  }
0xc1: {  	v0 =	vadd.f32 v3, v0  }
0xc2: {  	v6 =	vor.u32 v63, v28  }
0xc3: {  	[tilespmem:v5+s28+$0x0] =	vst.idx.msk $0xffff, v0  }
0xc4: {  	v4 =	vld.idx.msk [tilespmem:v4+s15+$0x0], $0xffff  }
0xc5: {  	v3 =	vor.u32 v55, v28;
	v9 =	vld [tilespmem:$0x1FCD0]  }
0xc6: {  	v8 =	vld [tilespmem:$0x1FCE0]  }
0xc7: {  	v5 =	vld.idx.msk [tilespmem:v6+s15+$0x0], $0xffff  }
0xc8: {  	v0 =	vor.u32 v58, v28;
	_ =	sdelay $0x1  }
0xc9: {  	v3 =	vld.idx.msk [tilespmem:v3+s15+$0x0], $0xffff  }
0xca: {  	v6 =	vor.u32 v57, v28;
	v8 =	vsel vm0, v8, v9;
	v9 =	vor.u32 v19, v28  }
0xcb: {  	v14 =	vunpack.i.u.bf16.f32 v4;
	v4 =	vunpack.i.l.bf16.f32 v4;
	v15 =	vunpack.i.u.bf16.f32 v5  }
0xcc: {  	v0 =	vld.idx.msk [tilespmem:v0+s15+$0x0], $0xffff;
	v5 =	vunpack.i.l.bf16.f32 v5;
	v8 =	vcombine.low v8, v8;
	v4 =	vmul.f32 v4, v1  }
0xcd: {  	v14 =	vmul.f32 v14, v40;
	v5 =	vmul.f32 v5, v22  }
0xce: {  	v10 =	vld [tilespmem:$0x1FCF0];
	v15 =	vmul.f32 v15, v34;
	v18 =	vunpack.i.l.bf16.f32 v3;
	[tilespmem:$0x1F8D0] =	vst v8;
	v8 =	vor.u32 v8, v28  }
0xcf: {  	v11 =	vld [tilespmem:$0x1FD00];
	v3 =	vunpack.i.u.bf16.f32 v3;
	v18 =	vmul.f32 v18, v35  }
0xd0: {  	v4 =	vadd.f32 v4, v14;
	v5 =	vadd.f32 v5, v15;
	v3 =	vmul.f32 v3, v44;
	v6 =	vld.idx.msk [tilespmem:v6+s15+$0x0], $0xffff  }
0xd1: {  	v19 =	vunpack.i.l.bf16.f32 v0;
	v9 =	vld.idx.msk [tilespmem:v9+s15+$0x0], $0xffff  }
0xd2: {  	v12 =	vld [tilespmem:$0x1FD20];
	v0 =	vunpack.i.u.bf16.f32 v0;
	v4 =	vadd.f32 v5, v4;
	v3 =	vadd.f32 v18, v3  }
0xd3: {  	v14 =	vmul.f32 v19, v54;
	v0 =	vmul.f32 v0, v16;
	v8 =	vld.idx.msk [tilespmem:v8+s15+$0x0], $0xffff  }
0xd4: {  	v11 =	vsel vm0, v11, v10;
	v10 =	vld [tilespmem:$0x1FD10];
	v3 =	vadd.f32 v3, v4  }
0xd5: {  	v0 =	vadd.f32 v14, v0;
	v15 =	vunpack.i.l.bf16.f32 v6;
	v5 =	vunpack.i.u.bf16.f32 v6  }
0xd6: {  	v53 =	vld [tilespmem:$0x1FD30];
	v6 =	vmul.f32 v15, v41;
	v15 =	vunpack.i.l.bf16.f32 v9;
	v4 =	vmul.f32 v5, v13  }
0xd7: {  	v48 =	vld [tilespmem:$0x1FD40];
	v0 =	vadd.f32 v0, v3;
	v5 =	vunpack.i.u.bf16.f32 v9;
	v9 =	vmul.f32 v15, v7  }
0xd8: {  	v3 =	vadd.f32 v6, v4;
	v4 =	vmul.f32 v5, v51;
	v14 =	vunpack.i.l.bf16.f32 v8  }
0xd9: {  	v12 =	vsel vm0, v12, v10;
	v5 =	vunpack.i.u.bf16.f32 v8;
	v6 =	vmul.f32 v14, v2  }
0xda: {  	v0 =	vadd.f32 v3, v0;
	v3 =	vadd.f32 v9, v4;
	v4 =	vmul.f32 v5, v30  }
0xdb: {  	v56 =	vld [tilespmem:$0x1FD50];
	v11 =	vcombine.low v11, v11;
	v5 =	vor.u32 v20, v39;
	v9 =	vcombine.low v12, v12  }
0xdc: {  	v55 =	vld [tilespmem:$0x1FDC0];
	v8 =	vsel vm0, v48, v53;
	v0 =	vadd.f32 v3, v0;
	v3 =	vadd.f32 v6, v4  }
0xdd: {  	[tilespmem:$0x1F8F0] =	vst v9;
	v6 =	vor.u32 v9, v28;
	v9 =	vcombine.low v8, v8  }
0xde: {  	[tilespmem:$0x1F8E0] =	vst v11;
	v0 =	vadd.f32 v3, v0  }
0xdf: {  	v60 =	vld [tilespmem:$0x1FDF0];
	[tilespmem:$0x1F900] =	vst v9  }
0xe0: {  	v10 =	vld [tilespmem:$0x1FDE0];
	v4 =	vor.u32 v11, v28;
	[tilespmem:v5+s28+$0x0] =	vst.idx.msk $0xffff, v0  }
0xe1: {  	v8 =	vsel vm0, v55, v56;
	v58 =	vld [tilespmem:$0x1FE00]  }
0xe2: {  	v11 =	vcombine.low v8, v8;
	v49 =	vld [tilespmem:$0x1FE10]  }
0xe3: {  	v50 =	vld [tilespmem:$0x1FE20]  }
0xe4: {  	v3 =	vor.u32 v9, v28;
	[tilespmem:$0x1F910] =	vst v11;
	v43 =	vld [tilespmem:$0x1FE30]  }
0xe5: {  	v8 =	vsel vm0, v60, v10;
	v4 =	vld.idx.msk [tilespmem:v4+s15+$0x0], $0xffff  }
0xe6: {  	v8 =	vcombine.low v8, v8;
	v6 =	vld.idx.msk [tilespmem:v6+s15+$0x0], $0xffff;
	_ =	sdelay $0x1  }
0xe7: {  	v0 =	vor.u32 v11, v28;
	[tilespmem:$0x1F920] =	vst v8  }
0xe8: {  	v8 =	vor.u32 v8, v28;
	v3 =	vld.idx.msk [tilespmem:v3+s15+$0x0], $0xffff;
	v5 =	vsel vm0, v49, v58  }
0xe9: {  	v9 =	vcombine.low v5, v5;
	v5 =	vsel vm0, v43, v50;
	v11 =	vunpack.i.u.bf16.f32 v4  }
0xea: {  	v4 =	vunpack.i.l.bf16.f32 v4;
	v12 =	vunpack.i.u.bf16.f32 v6;
	v6 =	vunpack.i.l.bf16.f32 v6  }
0xeb: {  	v5 =	vcombine.low v5, v5;
	v4 =	vmul.f32 v4, v1;
	[tilespmem:$0x1F930] =	vst v9;
	v9 =	vor.u32 v9, v28  }
0xec: {  	v11 =	vmul.f32 v11, v40;
	v6 =	vmul.f32 v6, v22;
	v0 =	vld.idx.msk [tilespmem:v0+s15+$0x0], $0xffff  }
0xed: {  	v12 =	vmul.f32 v12, v34;
	v14 =	vunpack.i.l.bf16.f32 v3;
	v3 =	vunpack.i.u.bf16.f32 v3;
	[tilespmem:$0x1F940] =	vst v5  }
0xee: {  	v14 =	vmul.f32 v14, v35;
	v3 =	vmul.f32 v3, v44;
	v8 =	vld.idx.msk [tilespmem:v8+s15+$0x0], $0xffff  }
0xef: {  	v5 =	vor.u32 v5, v28;
	v4 =	vadd.f32 v4, v11;
	v6 =	vadd.f32 v6, v12  }
0xf0: {  	v3 =	vadd.f32 v14, v3;
	v9 =	vld.idx.msk [tilespmem:v9+s15+$0x0], $0xffff  }
0xf1: {  	v4 =	vadd.f32 v6, v4;
	v15 =	vunpack.i.l.bf16.f32 v0;
	v0 =	vunpack.i.u.bf16.f32 v0  }
0xf2: {  	v11 =	vmul.f32 v15, v54;
	v0 =	vmul.f32 v0, v16  }
0xf3: {  	v3 =	vadd.f32 v3, v4;
	v12 =	vunpack.i.l.bf16.f32 v8;
	v6 =	vunpack.i.u.bf16.f32 v8  }
0xf4: {  	v5 =	vld.idx.msk [tilespmem:v5+s15+$0x0], $0xffff;
	v8 =	vmul.f32 v12, v41;
	v4 =	vmul.f32 v6, v13;
	v0 =	vadd.f32 v11, v0  }
0xf5: {  	v6 =	vunpack.i.u.bf16.f32 v9  }
0xf6: {  	v0 =	vadd.f32 v0, v3;
	v3 =	vadd.f32 v8, v4;
	v4 =	vmul.f32 v6, v51;
	v6 =	vld [tilespmem:$0x1FD60]  }
0xf7: {  	v12 =	vunpack.i.l.bf16.f32 v9  }
0xf8: {  	v9 =	vmul.f32 v12, v7  }
0xf9: {  	v11 =	vunpack.i.l.bf16.f32 v5;
	v5 =	vunpack.i.u.bf16.f32 v5  }
0xfa: {  	v0 =	vadd.f32 v3, v0;
	v3 =	vadd.f32 v9, v4;
	v4 =	vmul.f32 v5, v30  }
0xfb: {  	v5 =	vld [tilespmem:$0x1FD70];
	v8 =	vcombine.low v6, v6;
	v6 =	vmul.f32 v11, v2;
	_ =	sdelay $0x1  }
0xfc: {  	v0 =	vadd.f32 v3, v0;
	v3 =	vadd.f32 v6, v4;
	v6 =	vld [tilespmem:$0x1FD80];
	_ =	sdelay $0x2  }
0xfd: {  	v9 =	vcombine.low v5, v5;
	v5 =	vor.u32 v21, v39;
	[tilespmem:$0x1F950] =	vst v8;
	v4 =	vor.u32 v8, v28;
	v8 =	vld [tilespmem:$0x1FD90];
	_ =	sdelay $0x1  }
0xfe: {  	v11 =	vcombine.low v6, v6  }
0xff: {  	[tilespmem:$0x1F960] =	vst v9;
	v0 =	vadd.f32 v3, v0  }
0x100: {  	[tilespmem:$0x1F970] =	vst v11  }
0x101: {  	v6 =	vor.u32 v9, v28;
	v9 =	vcombine.low v8, v8;
	v8 =	vld [tilespmem:$0x1FDA0];
	[tilespmem:v5+s28+$0x0] =	vst.idx.msk $0xffff, v0  }
0x102: {  	v5 =	vld [tilespmem:$0x1FDB0];
	_ =	sdelay $0x2  }
0x103: {  	[tilespmem:$0x1F980] =	vst v9  }
0x104: {  	v8 =	vcombine.low v8, v8;
	v4 =	vld.idx.msk [tilespmem:v4+s15+$0x0], $0xffff  }
0x105: {  	v3 =	vor.u32 v11, v28;
	v0 =	vor.u32 v9, v28;
	v9 =	vcombine.low v5, v5;
	v5 =	vld.idx.msk [tilespmem:v6+s15+$0x0], $0xffff  }
0x106: {  	[tilespmem:$0x1F990] =	vst v8;
	v6 =	vor.u32 v8, v28;
	v8 =	vld [tilespmem:$0x1FDD0];
	_ =	sdelay $0x2  }
0x107: {  	v11 =	vld [tilespmem:$0x1FC20]  }
0x108: {  	v3 =	vld.idx.msk [tilespmem:v3+s15+$0x0], $0xffff  }
0x109: {  	[tilespmem:$0x1F9A0] =	vst v9;
	v18 =	vcombine.low v8, v8;
	v8 =	vor.u32 v9, v28;
	v9 =	vld [tilespmem:$0x1FC10];
	_ =	sdelay $0x3  }
0x10a: {  	v12 =	vld [tilespmem:$0x1FC40]  }
0x10b: {  	v9 =	vsel vm0, v9, v11;
	v11 =	vld [tilespmem:$0x1FC30];
	_ =	sdelay $0x3  }
0x10c: {  	v14 =	vld [tilespmem:$0x1FB40]  }
0x10d: {  	v11 =	vsel vm0, v11, v12;
	v12 =	vld [tilespmem:$0x1FB30];
	_ =	sdelay $0x3  }
0x10e: {  	v15 =	vld [tilespmem:$0x1FB60]  }
0x10f: {  	v12 =	vsel vm0, v12, v14;
	v14 =	vld [tilespmem:$0x1FB50];
	_ =	sdelay $0x2  }
0x110: {  	v19 =	vunpack.i.u.bf16.f32 v5;
	v5 =	vunpack.i.l.bf16.f32 v5  }
0x111: {  	v5 =	vmul.f32 v5, v22  }
0x112: {  	v0 =	vld.idx.msk [tilespmem:v0+s15+$0x0], $0xffff;
	v19 =	vmul.f32 v19, v34;
	v20 =	vunpack.i.l.bf16.f32 v3;
	v14 =	vsel vm0, v14, v15  }
0x113: {  	[tilespmem:$0x1F9B0] =	vst v18;
	v15 =	vor.u32 v18, v28;
	v18 =	vunpack.i.u.bf16.f32 v4;
	v4 =	vunpack.i.l.bf16.f32 v4  }
0x114: {  	v3 =	vunpack.i.u.bf16.f32 v3;
	v6 =	vld.idx.msk [tilespmem:v6+s15+$0x0], $0xffff;
	v4 =	vmul.f32 v4, v1;
	v18 =	vmul.f32 v18, v40  }
0x115: {  	v20 =	vmul.f32 v20, v35;
	v3 =	vmul.f32 v3, v44  }
0x116: {  	v5 =	vadd.f32 v5, v19;
	v8 =	vld.idx.msk [tilespmem:v8+s15+$0x0], $0xffff;
	v4 =	vadd.f32 v4, v18  }
0x117: {  	v21 =	vunpack.i.l.bf16.f32 v0;
	v0 =	vunpack.i.u.bf16.f32 v0;
	v3 =	vadd.f32 v20, v3  }
0x118: {  	v0 =	vmul.f32 v0, v16;
	v18 =	vmul.f32 v21, v54;
	v15 =	vld.idx.msk [tilespmem:v15+s15+$0x0], $0xffff;
	v4 =	vadd.f32 v5, v4  }
0x119: {  	v19 =	vunpack.i.l.bf16.f32 v6  }
0x11a: {  	v5 =	vunpack.i.u.bf16.f32 v6;
	v0 =	vadd.f32 v18, v0;
	v3 =	vadd.f32 v3, v4  }
0x11b: {  	v6 =	vmul.f32 v19, v41;
	v19 =	vunpack.i.l.bf16.f32 v8;
	v4 =	vmul.f32 v5, v13  }
0x11c: {  	v5 =	vunpack.i.u.bf16.f32 v8;
	v8 =	vmul.f32 v19, v7;
	v0 =	vadd.f32 v0, v3  }
0x11d: {  	v3 =	vadd.f32 v6, v4;
	v4 =	vmul.f32 v5, v51;
	v18 =	vunpack.i.l.bf16.f32 v15  }
0x11e: {  	v5 =	vunpack.i.u.bf16.f32 v15;
	v6 =	vmul.f32 v18, v2  }
0x11f: {  	v0 =	vadd.f32 v3, v0;
	v3 =	vadd.f32 v8, v4;
	v4 =	vmul.f32 v5, v30;
	v5 =	vld [tilespmem:$0x1FB70]  }
0x120: {  	v12 =	vcombine.low v12, v12;
	v8 =	vld [tilespmem:$0x1FB80]  }
0x121: {  	v0 =	vadd.f32 v3, v0;
	v3 =	vadd.f32 v6, v4;
	v6 =	vld [tilespmem:$0x1FBF0]  }
0x122: {  	[tilespmem:$0x1F9C0] =	vst v12;
	v4 =	vor.u32 v12, v28;
	v12 =	vld [tilespmem:$0x1FC00];
	_ =	sdelay $0x1  }
0x123: {  	v14 =	vcombine.low v14, v14  }
0x124: {  	v5 =	vsel vm0, v5, v8  }
0x125: {  	[tilespmem:$0x1F9D0] =	vst v14;
	v18 =	vcombine.low v5, v5;
	v5 =	vor.u32 v14, v28;
	v14 =	vld [tilespmem:$0x1FBA0]  }
0x126: {  	v6 =	vsel vm0, v6, v12;
	v12 =	vld [tilespmem:$0x1FB90];
	_ =	sdelay $0x3  }
0x127: {  	v15 =	vld [tilespmem:$0x1FBC0]  }
0x128: {  	v12 =	vsel vm0, v12, v14;
	v14 =	vld [tilespmem:$0x1FBB0];
	_ =	sdelay $0x3  }
0x129: {  	v0 =	vadd.f32 v3, v0;
	v3 =	vld [tilespmem:$0x1FBD0];
	v8 =	vor.u32 v23, v39  }
0x12a: {  	v14 =	vsel vm0, v14, v15;
	v15 =	vld [tilespmem:$0x1FBE0];
	_ =	sdelay $0x2  }
0x12b: {  	s9 =	simm.s32 $0x10;
	[tilespmem:$0x1F9E0] =	vst v18  }
0x12c: {  	v46 =	vor.u32 s9, v38;
	[tilespmem:v8+s28+$0x0] =	vst.idx.msk $0xffff, v0  }
0x12d: {  	v3 =	vsel vm0, v3, v15;
	v15 =	vor.u32 v18, v28;
	v18 =	vcombine.low v12, v12  }
0x12e: {  	s8 =	simm.s32 $0x14610;
	v57 =	vmov v29;
	v45 =	vcombine.low v9, v9;
	v9 =	vshll.u32 v46, $0x6;
	v0 =	vld.idx.msk [tilespmem:v4+s15+$0x0], $0xffff  }
0x12f: {  	v20 =	vor.u32 v32, v9;
	v29 =	vcombine.low v11, v11;
	v19 =	vor.u32 v31, v9;
	v12 =	vld [tilespmem:s8+$0xFFFFFE00];
	[tilespmem:$0x1F9F0] =	vst v18  }
0x130: {  	v11 =	vcombine.low v6, v6;
	v21 =	vcombine.low v3, v3;
	v3 =	vor.u32 v18, v28;
	v4 =	vld.idx.msk [tilespmem:v5+s15+$0x0], $0xffff  }
0x131: {  	v8 =	vor.u32 v33, v9;
	v25 =	vcombine.low v14, v14;
	v14 =	vor.u32 v37, v9;
	v23 =	vld [tilespmem:s8+$0xFFFFFA00]  }
0x132: {  	v18 =	vor.u32 v36, v9;
	v5 =	vor.u32 v24, v39;
	v15 =	vld.idx.msk [tilespmem:v15+s15+$0x0], $0xffff;
	[tilespmem:$0x1FA00] =	vst v11  }
0x133: {  	v24 =	vor.u32 v26, v9;
	v26 =	vor.u32 v11, v28;
	v32 =	vor.u32 v21, v28;
	[tilespmem:$0x1FA10] =	vst v25  }
0x134: {  	v25 =	vor.u32 v25, v28;
	v31 =	vld [tilespmem:s8+$0xFFFFFC00];
	[tilespmem:$0x1FA20] =	vst v21;
	v21 =	vunpack.i.u.bf16.f32 v0;
	v0 =	vunpack.i.l.bf16.f32 v0  }
0x135: {  	v11 =	vunpack.i.u.bf16.f32 v12;
	v61 =	vunpack.i.l.bf16.f32 v12;
	v3 =	vld.idx.msk [tilespmem:v3+s15+$0x0], $0xffff;
	v0 =	vmul.f32 v0, v1  }
0x136: {  	v36 =	vmul.f32 v21, v40;
	v42 =	vunpack.i.u.bf16.f32 v4;
	v4 =	vunpack.i.l.bf16.f32 v4  }
0x137: {  	v14 =	vld.idx.msk [tilespmem:v14+s15+$0x0], $0xffff;
	v12 =	vunpack.i.u.bf16.f32 v23;
	v4 =	vmul.f32 v4, v22;
	v33 =	vmul.f32 v42, v34  }
0x138: {  	v0 =	vadd.f32 v0, v36;
	v42 =	vunpack.i.l.bf16.f32 v15;
	v15 =	vunpack.i.u.bf16.f32 v15  }
0x139: {  	v38 =	vld.idx.msk [tilespmem:v25+s15+$0x0], $0xffff;
	v37 =	vmul.f32 v42, v35;
	v4 =	vadd.f32 v4, v33;
	v15 =	vmul.f32 v15, v44  }
0x13a: {  	v23 =	vunpack.i.l.bf16.f32 v23;
	v42 =	vunpack.i.u.bf16.f32 v31;
	v33 =	vunpack.i.l.bf16.f32 v3  }
0x13b: {  	v36 =	vld.idx.msk [tilespmem:v24+s15+$0x0], $0xffff;
	v3 =	vunpack.i.u.bf16.f32 v3;
	v0 =	vadd.f32 v4, v0;
	v4 =	vadd.f32 v37, v15  }
0x13c: {  	v19 =	vld.idx.msk [tilespmem:v19+s15+$0x0], $0xffff;
	v15 =	vmul.f32 v33, v54;
	v33 =	vunpack.i.u.bf16.f32 v14;
	v14 =	vunpack.i.l.bf16.f32 v14  }
0x13d: {  	v24 =	vunpack.i.l.bf16.f32 v31;
	v3 =	vmul.f32 v3, v16;
	v14 =	vmul.f32 v14, v23  }
0x13e: {  	v33 =	vmul.f32 v33, v12;
	v0 =	vadd.f32 v4, v0;
	v4 =	vld.idx.msk [tilespmem:v32+s15+$0x0], $0xffff;
	v32 =	vunpack.i.l.bf16.f32 v38  }
0x13f: {  	v37 =	vunpack.i.u.bf16.f32 v38;
	v3 =	vadd.f32 v15, v3;
	v15 =	vmul.f32 v32, v41  }
0x140: {  	[tilespmem:$0x1FA30] =	vst v41;
	v32 =	vmul.f32 v37, v13;
	v37 =	vunpack.i.l.bf16.f32 v36;
	v36 =	vunpack.i.u.bf16.f32 v36  }
0x141: {  	v31 =	vunpack.i.u.bf16.f32 v19;
	v26 =	vld.idx.msk [tilespmem:v26+s15+$0x0], $0xffff;
	v37 =	vmul.f32 v37, v24;
	v36 =	vmul.f32 v36, v42  }
0x142: {  	v19 =	vunpack.i.l.bf16.f32 v19;
	v33 =	vadd.f32 v14, v33;
	v0 =	vadd.f32 v3, v0;
	v3 =	vld [tilespmem:s8+$0x0]  }
0x143: {  	v31 =	vmul.f32 v31, v11;
	v20 =	vld.idx.msk [tilespmem:v20+s15+$0x0], $0xffff;
	v15 =	vadd.f32 v15, v32;
	v36 =	vadd.f32 v37, v36  }
0x144: {  	v25 =	vmovc v24;
	v41 =	vmovc v22;
	v32 =	vld [tilespmem:s8+$0x200];
	v37 =	vor.u32 v62, v9;
	v14 =	vunpack.i.l.bf16.f32 v4;
	v4 =	vunpack.i.u.bf16.f32 v4  }
0x145: {  	v24 =	vmovc v42;
	v0 =	vadd.f32 v15, v0;
	v42 =	vmul.f32 v14, v7;
	v4 =	vmul.f32 v4, v51  }
0x146: {  	v22 =	vmovc v51;
	v8 =	vld.idx.msk [tilespmem:v8+s15+$0x0], $0xffff;
	v51 =	vmul.f32 v19, v61;
	v15 =	vadd.f32 v36, v33;
	v36 =	vunpack.i.u.bf16.f32 v26  }
0x147: {  	v38 =	vld.idx.msk [tilespmem:v18+s15+$0x0], $0xffff;
	v19 =	vunpack.i.u.bf16.f32 v3;
	v18 =	vmul.f32 v36, v30;
	v4 =	vadd.f32 v42, v4  }
0x148: {  	v42 =	vunpack.i.l.bf16.f32 v3;
	v3 =	vunpack.i.u.bf16.f32 v20;
	v20 =	vunpack.i.l.bf16.f32 v20  }
0x149: {  	v33 =	vld [tilespmem:s8+$0x400];
	v14 =	vmovc v61;
	v61 =	vunpack.i.u.bf16.f32 v32;
	v31 =	vadd.f32 v51, v31;
	v20 =	vmul.f32 v20, v42  }
0x14a: {  	v3 =	vmul.f32 v3, v19;
	v0 =	vadd.f32 v4, v0;
	v4 =	vunpack.i.l.bf16.f32 v26  }
0x14b: {  	v15 =	vadd.f32 v31, v15;
	v26 =	vunpack.i.l.bf16.f32 v32;
	v4 =	vmul.f32 v4, v2  }
0x14c: {  	v21 =	vmovc v23;
	v31 =	vld [tilespmem:s8+$0x600];
	v3 =	vadd.f32 v20, v3;
	v20 =	vunpack.i.l.bf16.f32 v8;
	v8 =	vunpack.i.u.bf16.f32 v8  }
0x14d: {  	v32 =	vld.idx.msk [tilespmem:v37+s15+$0x0], $0xffff;
	v37 =	vor.u32 v45, v28;
	v36 =	vmul.f32 v20, v26;
	v8 =	vmul.f32 v8, v61  }
0x14e: {  	v23 =	vmovc v12;
	v12 =	vmovc v61;
	v20 =	vunpack.i.l.bf16.f32 v33;
	v61 =	vunpack.i.u.bf16.f32 v38;
	v4 =	vadd.f32 v4, v18  }
0x14f: {  	v3 =	vadd.f32 v3, v15;
	v18 =	vunpack.i.u.bf16.f32 v33;
	v8 =	vadd.f32 v36, v8  }
0x150: {  	v33 =	vmul.f32 v61, v18;
	v0 =	vadd.f32 v4, v0;
	v4 =	vunpack.i.l.bf16.f32 v38  }
0x151: {  	[tilespmem:$0x1FA40] =	vst v45;
	v36 =	vunpack.i.l.bf16.f32 v31;
	v45 =	vunpack.i.u.bf16.f32 v31;
	v4 =	vmul.f32 v4, v20  }
0x152: {  	v31 =	vunpack.i.u.bf16.f32 v32;
	v3 =	vadd.f32 v8, v3;
	v8 =	vunpack.i.l.bf16.f32 v32  }
0x153: {  	v31 =	vmul.f32 v31, v45;
	v8 =	vmul.f32 v8, v36;
	v4 =	vadd.f32 v4, v33  }
0x154: {  	[tilespmem:$0x1FA50] =	vst v29  }
0x155: {  	[tilespmem:v5+s28+$0x0] =	vst.idx.msk $0xffff, v0;
	v0 =	vadd.f32 v4, v3;
	v3 =	vadd.f32 v8, v31;
	_ =	sdelay $0x1  }
0x156: {  	v4 =	vsel vm0, v50, v43;
	v43 =	vadd.f32 v3, v0;
	v0 =	vld [tilespmem:$0x1FC70]  }
0x157: {  	v3 =	vld [tilespmem:$0x1FC80];
	_ =	sdelay $0x1  }
0x158: {  	v15 =	vld [tilespmem:$0x1FC50]  }
0x159: {  	v8 =	vld.idx.msk [tilespmem:v37+s15+$0x0], $0xffff  }
0x15a: {  	v5 =	vsel vm0, v58, v49;
	v50 =	vld [tilespmem:$0x1FC60]  }
0x15b: {  	v0 =	vsel vm0, v0, v3;
	v3 =	vcombine.low v5, v5;
	_ =	sdelay $0x1  }
0x15c: {  	[tilespmem:$0x1FA60] =	vst v3;
	v3 =	vcombine.low v4, v4  }
0x15d: {  	v31 =	vsel vm0, v10, v60  }
0x15e: {  	v33 =	vsel vm0, v15, v50;
	v4 =	vunpack.i.u.bf16.f32 v8;
	[tilespmem:$0x1FA70] =	vst v3;
	v3 =	vcombine.low v31, v31  }
0x15f: {  	v15 =	vcombine.low v0, v0;
	v0 =	vsel vm0, v53, v48;
	v53 =	vmul.f32 v4, v40;
	v4 =	vld [tilespmem:$0x1FCA0]  }
0x160: {  	[tilespmem:$0x1FA80] =	vst v3;
	v3 =	vld [tilespmem:$0x1FC90];
	_ =	sdelay $0x2  }
0x161: {  	v8 =	vunpack.i.l.bf16.f32 v8  }
0x162: {  	v51 =	vmovc v2;
	v2 =	vmov v1;
	v38 =	vor.u32 v29, v28;
	v8 =	vmul.f32 v8, v1;
	v1 =	vld [tilespmem:$0x1FCF0]  }
0x163: {  	v4 =	vsel vm0, v3, v4;
	v3 =	vld [tilespmem:$0x1FD00]  }
0x164: {  	v0 =	vcombine.low v0, v0;
	_ =	sdelay $0x1  }
0x165: {  	v5 =	vcombine.low v33, v33;
	[tilespmem:$0x1FA90] =	vst v0  }
0x166: {  	v58 =	vsel vm0, v56, v55;
	v0 =	vld.idx.msk [tilespmem:v38+s15+$0x0], $0xffff  }
0x167: {  	[tilespmem:$0x1FAA0] =	vst v5;
	v5 =	vor.u32 v5, v28;
	v60 =	vsel vm0, v1, v3;
	v3 =	vcombine.low v58, v58;
	_ =	sdelay $0x1  }
0x168: {  	[tilespmem:$0x1FAC0] =	vst v3;
	v3 =	vcombine.low v60, v60  }
0x169: {  	[tilespmem:$0x1FAB0] =	vst v15  }
0x16a: {  	[tilespmem:$0x1FAD0] =	vst v3;
	v3 =	vld [tilespmem:$0x1FCC0]  }
0x16b: {  	v61 =	vld.idx.msk [tilespmem:v5+s15+$0x0], $0xffff;
	v5 =	vunpack.i.u.bf16.f32 v0;
	v0 =	vunpack.i.l.bf16.f32 v0  }
0x16c: {  	v55 =	vadd.f32 v8, v53;
	v8 =	vmul.f32 v0, v41;
	v0 =	vld [tilespmem:$0x1FCB0];
	_ =	sdelay $0x4  }
0x16d: {  	v1 =	vld [tilespmem:$0x1FD20];
	v0 =	vsel vm0, v0, v3  }
0x16e: {  	v3 =	vcombine.low v0, v0;
	v0 =	vld [tilespmem:$0x1FD10];
	_ =	sdelay $0x1  }
0x16f: {  	v4 =	vcombine.low v4, v4;
	_ =	sdelay $0x1  }
0x170: {  	v49 =	vor.u32 v4, v28;
	[tilespmem:$0x1FAE0] =	vst v4;
	v4 =	vld [tilespmem:$0x1FE70]  }
0x171: {  	v50 =	vsel vm0, v0, v1;
	v0 =	vld [tilespmem:$0x1FCE0]  }
0x172: {  	v31 =	vor.u32 v15, v28;
	v1 =	vld [tilespmem:$0x1FCD0];
	_ =	sdelay $0x3  }
0x173: {  	v4 =	vor.u32 v4, v39  }
0x174: {  	v31 =	vld.idx.msk [tilespmem:v31+s15+$0x0], $0xffff;
	[tilespmem:$0x1FB00] =	vst v4;
	v53 =	vsel vm0, v1, v0;
	v0 =	vcombine.low v50, v50  }
0x175: {  	[tilespmem:$0x1FB10] =	vst v3  }
0x176: {  	[tilespmem:$0x1FAF0] =	vst v0;
	v0 =	vcombine.low v53, v53  }
0x177: {  	v15 =	vmov v36;
	v36 =	vld.idx.msk [tilespmem:v49+s15+$0x0], $0xffff  }
0x178: {  	[tilespmem:$0x1FB20] =	vst v0;
	v48 =	vor.u32 v0, v28;
	v0 =	vld [tilespmem:$0x1FFC0];
	_ =	sdelay $0x3  }
0x179: {  	v58 =	vor.u32 v3, v28  }
0x17a: {  	v62 =	vmov v11;
	v11 =	vmov v30;
	v30 =	vor.u32 v0, v9;
	v0 =	vld [tilespmem:$0x1FFD0];
	_ =	sdelay $0x2  }
0x17b: {  	v5 =	vmul.f32 v5, v34;
	v3 =	vld [tilespmem:$0x1FE90]  }
0x17c: {  	v63 =	vlaneseq.u32;
	v33 =	vld.idx.msk [tilespmem:v58+s15+$0x0], $0xffff  }
0x17d: {  	v47 =	vor.u32 v47, v9;
	v56 =	vadd.f32 v8, v5;
	v58 =	vor.u32 v0, v9;
	v0 =	vld [tilespmem:$0x1FE50]  }
0x17e: {  	v60 =	vunpack.i.l.bf16.f32 v61;
	v32 =	vunpack.i.u.bf16.f32 v61;
	v61 =	vunpack.i.l.bf16.f32 v31  }
0x17f: {  	v8 =	vmovc v44;
	v44 =	vor.u32 v52, v9;
	v38 =	vmul.f32 v60, v35;
	v37 =	vmul.f32 v61, v54  }
0x180: {  	v10 =	vmovc v35;
	v29 =	vor.u32 v3, v39;
	v39 =	vunpack.i.u.bf16.f32 v31;
	v1 =	vand.u32 $0x1F8, v46  }
0x181: {  	v46 =	vor.u32 v57, v9;
	v53 =	vmul.f32 v32, v8;
	v32 =	vld.idx.msk [tilespmem:v48+s15+$0x0], $0xffff;
	v48 =	vor.u32 v59, v1  }
0x182: {  	s7 =	sadd.s32 s6, s7;
	s3 =	sshll.u32 s17, $0x1;
	s9 =	simm.s32 $0x20;
	v35 =	vmovc v54;
	v57 =	vor.u32 v27, v9;
	v6 =	vmovc v1;
	v54 =	vunpack.i.l.bf16.f32 v36;
	v60 =	vor.u32 v0, v9  }
.LBB2_3:
0x183: {  	v0 =	vld [tilespmem:$0x1FA70];
	_ =	sdelay $0x1  }
0x184: {  	v49 =	vadd.f32 v56, v55;
	v38 =	vadd.f32 v38, v53  }
0x185: {  	[tilespmem:v48+s28+$0x0] =	vst.idx.msk $0xffff, v43  }
0x186: {  	v31 =	vadd.f32 v38, v49;
	v38 =	vld.idx.msk [tilespmem:v47+s15+$0x0], $0xffff  }
0x187: {  	v47 =	vor.u32 v0, v28;
	v0 =	vld [tilespmem:$0x1FAC0];
	_ =	sdelay $0x2  }
0x188: {  	v39 =	vmul.f32 v39, v16;
	_ =	sdelay $0x1  }
0x189: {  	v37 =	vadd.f32 v37, v39;
	v39 =	vor.u32 v0, v28;
	v0 =	vld [tilespmem:$0x1FA80];
	_ =	sdelay $0x3  }
0x18a: {  	v27 =	vld [tilespmem:$0x1FA30]  }
0x18b: {  	v49 =	vor.u32 v0, v28;
	v0 =	vld [tilespmem:$0x1FA60];
	_ =	sdelay $0x1  }
0x18c: {  	v36 =	vunpack.i.u.bf16.f32 v36  }
0x18d: {  	v36 =	vmul.f32 v36, v13  }
0x18e: {  	v56 =	vunpack.i.l.bf16.f32 v33;
	v55 =	vmul.f32 v54, v27;
	v54 =	vunpack.i.l.bf16.f32 v32  }
0x18f: {  	v3 =	vmovc v51;
	v53 =	vmul.f32 v56, v7;
	v56 =	vmul.f32 v54, v51;
	v51 =	vor.u32 v0, v28;
	v0 =	vld [tilespmem:$0x1FAD0];
	_ =	sdelay $0x1  }
0x190: {  	v57 =	vld.idx.msk [tilespmem:v57+s15+$0x0], $0xffff;
	v52 =	vunpack.i.u.bf16.f32 v33;
	v31 =	vadd.f32 v37, v31;
	v36 =	vadd.f32 v55, v36  }
0x191: {  	v33 =	vmul.f32 v52, v22;
	v37 =	vld.idx.msk [tilespmem:v58+s15+$0x0], $0xffff  }
0x192: {  	v55 =	vunpack.i.u.bf16.f32 v32;
	v31 =	vadd.f32 v36, v31;
	v36 =	vld.idx.msk [tilespmem:v60+s15+$0x0], $0xffff  }
0x193: {  	v33 =	vadd.f32 v53, v33;
	v32 =	vmul.f32 v55, v11;
	v58 =	vor.u32 v0, v28;
	v0 =	vld [tilespmem:$0x1FAF0];
	_ =	sdelay $0x1  }
0x194: {  	v32 =	vadd.f32 v56, v32;
	v33 =	vadd.f32 v33, v31  }
0x195: {  	v46 =	vld.idx.msk [tilespmem:v46+s15+$0x0], $0xffff  }
0x196: {  	v50 =	vld.idx.msk [tilespmem:v30+s15+$0x0], $0xffff;
	v30 =	vunpack.i.l.bf16.f32 v57;
	v60 =	vunpack.i.u.bf16.f32 v57;
	v32 =	vadd.f32 v32, v33  }
0x197: {  	v57 =	vunpack.i.u.bf16.f32 v36;
	v36 =	vunpack.i.l.bf16.f32 v36;
	v52 =	vor.u32 v0, v28;
	v0 =	vld [tilespmem:$0x1FA90]  }
0x198: {  	v44 =	vld.idx.msk [tilespmem:v44+s15+$0x0], $0xffff;
	[tilespmem:v29+s28+$0x0] =	vst.idx.msk $0xffff, v32;
	v36 =	vmul.f32 v36, v25;
	v32 =	vmul.f32 v57, v24;
	_ =	sdelay $0x1  }
0x199: {  	v32 =	vadd.f32 v36, v32;
	v36 =	vld.idx.msk [tilespmem:v49+s15+$0x0], $0xffff;
	_ =	sdelay $0x1  }
0x19a: {  	v55 =	vunpack.i.u.bf16.f32 v37;
	v37 =	vunpack.i.l.bf16.f32 v37;
	v43 =	vld.idx.msk [tilespmem:v58+s15+$0x0], $0xffff;
	v53 =	vor.u32 v0, v28  }
0x19b: {  	v30 =	vmul.f32 v30, v21;
	v37 =	vmul.f32 v37, v42;
	v33 =	vunpack.i.u.bf16.f32 v46  }
0x19c: {  	v55 =	vmul.f32 v55, v19;
	v46 =	vunpack.i.l.bf16.f32 v46;
	v33 =	vmul.f32 v33, v12;
	v52 =	vld.idx.msk [tilespmem:v52+s15+$0x0], $0xffff  }
0x19d: {  	v17 =	vmovc v19;
	v19 =	vunpack.i.u.bf16.f32 v36;
	v58 =	vmul.f32 v60, v23;
	v60 =	vunpack.i.l.bf16.f32 v44  }
0x19e: {  	v39 =	vld.idx.msk [tilespmem:v39+s15+$0x0], $0xffff;
	v19 =	vmul.f32 v19, v13;
	v44 =	vunpack.i.u.bf16.f32 v44;
	v54 =	vmul.f32 v60, v14  }
0x19f: {  	v56 =	vmul.f32 v44, v62;
	v57 =	vunpack.i.u.bf16.f32 v43;
	v43 =	vunpack.i.l.bf16.f32 v43;
	v53 =	vld.idx.msk [tilespmem:v53+s15+$0x0], $0xffff  }
0x1a0: {  	v44 =	vmul.f32 v46, v26;
	v30 =	vadd.f32 v30, v58;
	v43 =	vmul.f32 v43, v2  }
0x1a1: {  	v46 =	vmul.f32 v57, v40;
	v58 =	vunpack.i.u.bf16.f32 v52;
	v60 =	vunpack.i.l.bf16.f32 v52  }
0x1a2: {  	v1 =	vmovc v21;
	v30 =	vadd.f32 v32, v30;
	v21 =	vmul.f32 v60, v41;
	v48 =	vmul.f32 v58, v34  }
0x1a3: {  	v5 =	vmovc v11;
	v32 =	vadd.f32 v54, v56;
	v0 =	vmovc v12;
	v12 =	vadd.f32 v43, v46;
	v58 =	vunpack.i.l.bf16.f32 v39  }
0x1a4: {  	v11 =	vmovc v25;
	v49 =	vld.idx.msk [tilespmem:v51+s15+$0x0], $0xffff;
	v56 =	vmovc v23;
	v21 =	vadd.f32 v21, v48;
	v57 =	vunpack.i.l.bf16.f32 v53;
	v23 =	vunpack.i.u.bf16.f32 v53  }
0x1a5: {  	v60 =	vmovc v11;
	v11 =	vunpack.i.u.bf16.f32 v39;
	v25 =	vmul.f32 v57, v10;
	v23 =	vmul.f32 v23, v8  }
0x1a6: {  	v37 =	vadd.f32 v37, v55;
	v34 =	vmovc v24;
	v24 =	vmul.f32 v58, v35;
	v11 =	vmul.f32 v11, v16  }
0x1a7: {  	v47 =	vld.idx.msk [tilespmem:v47+s15+$0x0], $0xffff;
	v28 =	vmovc v9;
	v9 =	vunpack.i.u.bf16.f32 v38;
	v12 =	vadd.f32 v21, v12;
	v21 =	vadd.f32 v25, v23  }
0x1a8: {  	v38 =	vunpack.i.l.bf16.f32 v38;
	v2 =	vmovc v1;
	v1 =	vmovc v62;
	v62 =	vunpack.i.l.bf16.f32 v36;
	v11 =	vadd.f32 v24, v11  }
0x1a9: {  	v4 =	vmovc v22;
	v10 =	vmovc v14;
	v14 =	vunpack.i.u.bf16.f32 v49;
	v23 =	vmul.f32 v62, v27;
	v12 =	vadd.f32 v21, v12  }
0x1aa: {  	v41 =	vmovc v18;
	v18 =	vadd.f32 v32, v30;
	v14 =	vmul.f32 v14, v4;
	v25 =	vunpack.i.l.bf16.f32 v49  }
0x1ab: {  	v16 =	vmovc v0;
	v0 =	vld [tilespmem:$0x1FF40];
	v21 =	vmul.f32 v25, v7;
	v11 =	vadd.f32 v11, v12;
	v12 =	vadd.f32 v23, v19  }
0x1ac: {  	v38 =	vmul.f32 v38, v20;
	v35 =	vmovc v15;
	v15 =	vadd.f32 v37, v18;
	v24 =	vunpack.i.l.bf16.f32 v47  }
0x1ad: {  	v19 =	vunpack.i.u.bf16.f32 v47;
	v11 =	vadd.f32 v12, v11;
	v12 =	vadd.f32 v21, v14  }
0x1ae: {  	v13 =	vmovc v20;
	v18 =	vadd.f32 v44, v33;
	v20 =	vmul.f32 v24, v3;
	v14 =	vmul.f32 v19, v5  }
0x1af: {  	v11 =	vadd.f32 v12, v11  }
0x1b0: {  	v12 =	vadd.f32 v20, v14;
	v14 =	vadd.f32 v18, v15;
	v18 =	vor.u32 v0, v6;
	v0 =	vld [tilespmem:$0x1FF50]  }
0x1b1: {  	v9 =	vmul.f32 v9, v41;
	_ =	sdelay $0x1  }
0x1b2: {  	v9 =	vadd.f32 v38, v9;
	_ =	sdelay $0x1  }
0x1b3: {  	v9 =	vadd.f32 v9, v14;
	v14 =	vor.u32 v0, v28;
	v0 =	vld [tilespmem:$0x1FF90];
	_ =	sdelay $0x1  }
0x1b4: {  	v31 =	vunpack.i.u.bf16.f32 v50;
	v50 =	vunpack.i.l.bf16.f32 v50;
	v30 =	vmov v45  }
0x1b5: {  	v19 =	vmul.f32 v50, v35;
	v15 =	vmul.f32 v31, v30;
	_ =	sdelay $0x1  }
0x1b6: {  	v11 =	vadd.f32 v12, v11;
	v12 =	vadd.f32 v19, v15;
	v15 =	vor.u32 v0, v28;
	v0 =	vld [tilespmem:$0x1FB00];
	_ =	sdelay $0x7  }
0x1b7: {  	[tilespmem:v0+s28+$0x0] =	vst.idx.msk $0xffff, v11;
	v0 =	vld [tilespmem:$0x1FFA0];
	_ =	sdelay $0x4  }
0x1b8: {  	v8 =	vadd.f32 v12, v9;
	v9 =	vor.u32 v0, v28;
	v0 =	vld [tilespmem:$0x1FF70];
	_ =	sdelay $0x4  }
0x1b9: {  	[tilespmem:v18+s28+$0x0] =	vst.idx.msk $0xffff, v8;
	v8 =	vor.u32 v0, v28;
	v0 =	vld [tilespmem:$0x1FFB0];
	_ =	sdelay $0x2  }
0x1ba: {  	v11 =	vld.idx.msk [tilespmem:v14+s15+$0x0], $0xffff  }
0x1bb: {  	v12 =	vld.idx.msk [tilespmem:v15+s15+$0x0], $0xffff  }
0x1bc: {  	v14 =	vor.u32 v0, v28;
	v0 =	vld [tilespmem:$0x1FE80];
	_ =	sdelay $0x3  }
0x1bd: {  	v19 =	vunpack.i.u.bf16.f32 v11;
	v9 =	vld.idx.msk [tilespmem:v9+s15+$0x0], $0xffff  }
0x1be: {  	v11 =	vunpack.i.l.bf16.f32 v11;
	v20 =	vunpack.i.u.bf16.f32 v12;
	v15 =	vor.u32 v0, v28;
	v0 =	vld [tilespmem:$0x1F8D0]  }
0x1bf: {  	v12 =	vunpack.i.l.bf16.f32 v12;
	v11 =	vmul.f32 v11, v2;
	v19 =	vmul.f32 v19, v56  }
0x1c0: {  	v12 =	vmul.f32 v12, v60;
	v20 =	vmul.f32 v20, v34;
	v8 =	vld.idx.msk [tilespmem:v8+s15+$0x0], $0xffff  }
0x1c1: {  	v11 =	vadd.f32 v11, v19  }
0x1c2: {  	v12 =	vadd.f32 v12, v20;
	v21 =	vunpack.i.l.bf16.f32 v9;
	v9 =	vunpack.i.u.bf16.f32 v9  }
0x1c3: {  	v21 =	vmul.f32 v21, v10;
	v9 =	vmul.f32 v9, v1;
	v14 =	vld.idx.msk [tilespmem:v14+s15+$0x0], $0xffff;
	v18 =	vor.u32 v0, v28  }
0x1c4: {  	v11 =	vadd.f32 v12, v11  }
0x1c5: {  	v29 =	vmovc v42;
	v9 =	vadd.f32 v21, v9;
	v23 =	vunpack.i.l.bf16.f32 v8;
	v8 =	vunpack.i.u.bf16.f32 v8  }
0x1c6: {  	v19 =	vmul.f32 v23, v29;
	v8 =	vmul.f32 v8, v17;
	v15 =	vld.idx.msk [tilespmem:v15+s15+$0x0], $0xffff  }
0x1c7: {  	v9 =	vadd.f32 v9, v11  }
0x1c8: {  	v22 =	vmovc v26;
	v8 =	vadd.f32 v19, v8;
	v20 =	vunpack.i.l.bf16.f32 v14;
	v12 =	vunpack.i.u.bf16.f32 v14;
	v18 =	vld.idx.msk [tilespmem:v18+s15+$0x0], $0xffff  }
0x1c9: {  	v0 =	vld [tilespmem:$0x1FEA0];
	v14 =	vmul.f32 v20, v22;
	v11 =	vmul.f32 v12, v16  }
0x1ca: {  	v8 =	vadd.f32 v8, v9  }
0x1cb: {  	v9 =	vadd.f32 v14, v11;
	v20 =	vunpack.i.l.bf16.f32 v15;
	v12 =	vunpack.i.u.bf16.f32 v15  }
0x1cc: {  	v15 =	vmul.f32 v20, v13;
	v11 =	vmul.f32 v12, v41  }
0x1cd: {  	v8 =	vadd.f32 v9, v8;
	v12 =	vunpack.i.u.bf16.f32 v18  }
0x1ce: {  	v9 =	vadd.f32 v15, v11;
	v11 =	vmul.f32 v12, v30;
	v12 =	vor.u32 v0, v6;
	v0 =	vld [tilespmem:$0x1F8E0];
	_ =	sdelay $0x1  }
0x1cf: {  	v19 =	vunpack.i.l.bf16.f32 v18  }
0x1d0: {  	v14 =	vmul.f32 v19, v35;
	_ =	sdelay $0x1  }
0x1d1: {  	v8 =	vadd.f32 v9, v8;
	v9 =	vadd.f32 v14, v11;
	v11 =	vor.u32 v0, v28;
	v0 =	vld [tilespmem:$0x1F8F0];
	_ =	sdelay $0x4  }
0x1d2: {  	v14 =	vor.u32 v0, v28;
	v0 =	vld [tilespmem:$0x1F900];
	_ =	sdelay $0x4  }
0x1d3: {  	v8 =	vadd.f32 v9, v8;
	v9 =	vor.u32 v0, v28;
	v0 =	vld [tilespmem:$0x1F910];
	_ =	sdelay $0x4  }
0x1d4: {  	[tilespmem:v12+s28+$0x0] =	vst.idx.msk $0xffff, v8;
	v8 =	vor.u32 v0, v28;
	v0 =	vld [tilespmem:$0x1F920];
	_ =	sdelay $0x2  }
0x1d5: {  	v11 =	vld.idx.msk [tilespmem:v11+s15+$0x0], $0xffff  }
0x1d6: {  	v12 =	vld.idx.msk [tilespmem:v14+s15+$0x0], $0xffff  }
0x1d7: {  	v14 =	vor.u32 v0, v28;
	v0 =	vld [tilespmem:$0x1F930];
	_ =	sdelay $0x3  }
0x1d8: {  	v19 =	vunpack.i.u.bf16.f32 v11;
	v11 =	vunpack.i.l.bf16.f32 v11;
	v9 =	vld.idx.msk [tilespmem:v9+s15+$0x0], $0xffff  }
0x1d9: {  	v11 =	vmul.f32 v11, v2;
	v15 =	vor.u32 v0, v28;
	v0 =	vld [tilespmem:$0x1F940]  }
0x1da: {  	v31 =	vmovc v60;
	v19 =	vmul.f32 v19, v56;
	v20 =	vunpack.i.u.bf16.f32 v12;
	v12 =	vunpack.i.l.bf16.f32 v12  }
0x1db: {  	v12 =	vmul.f32 v12, v31;
	v20 =	vmul.f32 v20, v34;
	v8 =	vld.idx.msk [tilespmem:v8+s15+$0x0], $0xffff  }
0x1dc: {  	v11 =	vadd.f32 v11, v19  }
0x1dd: {  	v12 =	vadd.f32 v12, v20;
	v21 =	vunpack.i.l.bf16.f32 v9;
	v9 =	vunpack.i.u.bf16.f32 v9  }
0x1de: {  	v21 =	vmul.f32 v21, v10;
	v9 =	vmul.f32 v9, v1;
	v14 =	vld.idx.msk [tilespmem:v14+s15+$0x0], $0xffff;
	v18 =	vor.u32 v0, v28  }
0x1df: {  	v11 =	vadd.f32 v12, v11  }
0x1e0: {  	v9 =	vadd.f32 v21, v9;
	v23 =	vunpack.i.l.bf16.f32 v8;
	v8 =	vunpack.i.u.bf16.f32 v8  }
0x1e1: {  	v19 =	vmul.f32 v23, v29;
	v8 =	vmul.f32 v8, v17;
	v15 =	vld.idx.msk [tilespmem:v15+s15+$0x0], $0xffff  }
0x1e2: {  	v9 =	vadd.f32 v9, v11  }
0x1e3: {  	v8 =	vadd.f32 v19, v8;
	v20 =	vunpack.i.l.bf16.f32 v14;
	v12 =	vunpack.i.u.bf16.f32 v14;
	v18 =	vld.idx.msk [tilespmem:v18+s15+$0x0], $0xffff  }
0x1e4: {  	v0 =	vld [tilespmem:$0x1FEB0];
	v14 =	vmul.f32 v20, v22;
	v11 =	vmul.f32 v12, v16  }
0x1e5: {  	v8 =	vadd.f32 v8, v9  }
0x1e6: {  	v9 =	vadd.f32 v14, v11;
	v20 =	vunpack.i.l.bf16.f32 v15;
	v12 =	vunpack.i.u.bf16.f32 v15  }
0x1e7: {  	v15 =	vmul.f32 v20, v13;
	v11 =	vmul.f32 v12, v41  }
0x1e8: {  	v8 =	vadd.f32 v9, v8;
	v12 =	vunpack.i.u.bf16.f32 v18  }
0x1e9: {  	v9 =	vadd.f32 v15, v11;
	v11 =	vmul.f32 v12, v30;
	v12 =	vor.u32 v0, v6;
	v0 =	vld [tilespmem:$0x1F950];
	_ =	sdelay $0x1  }
0x1ea: {  	v19 =	vunpack.i.l.bf16.f32 v18  }
0x1eb: {  	v14 =	vmul.f32 v19, v35;
	_ =	sdelay $0x1  }
0x1ec: {  	v8 =	vadd.f32 v9, v8;
	v9 =	vadd.f32 v14, v11;
	v11 =	vor.u32 v0, v28;
	v0 =	vld [tilespmem:$0x1F960];
	_ =	sdelay $0x4  }
0x1ed: {  	v14 =	vor.u32 v0, v28;
	v0 =	vld [tilespmem:$0x1F970];
	_ =	sdelay $0x4  }
0x1ee: {  	v15 =	vor.u32 v0, v28;
	v0 =	vld [tilespmem:$0x1F980];
	_ =	sdelay $0x2  }
0x1ef: {  	v8 =	vadd.f32 v9, v8;
	_ =	sdelay $0x1  }
0x1f0: {  	[tilespmem:v12+s28+$0x0] =	vst.idx.msk $0xffff, v8;
	v12 =	vor.u32 v0, v28;
	v0 =	vld [tilespmem:$0x1F990];
	_ =	sdelay $0x4  }
0x1f1: {  	v19 =	vor.u32 v0, v28;
	v0 =	vld [tilespmem:$0x1FE70];
	_ =	sdelay $0x4  }
0x1f2: {  	v0 =	vor.u32 v0, v6  }
0x1f3: {  	[tilespmem:$0x1FB00] =	vst v0;
	v0 =	vld [tilespmem:$0x1FEE0];
	_ =	sdelay $0x4  }
0x1f4: {  	v21 =	vor.u32 v0, v6;
	v0 =	vld [tilespmem:$0x1FEC0];
	_ =	sdelay $0x4  }
0x1f5: {  	v36 =	vor.u32 v0, v6;
	v0 =	vld [tilespmem:$0x1FE90];
	_ =	sdelay $0x4  }
0x1f6: {  	v0 =	vor.u32 v0, v6  }
0x1f7: {  	[tilespmem:$0x1F8C0] =	vst v0;
	v0 =	vld [tilespmem:$0x1FFC0];
	_ =	sdelay $0x2  }
0x1f8: {  	v9 =	vor.u32 s9, v63  }
0x1f9: {  	v18 =	vand.u32 $0x1F8, v9;
	v9 =	vshll.u32 v9, $0x6  }
0x1fa: {  	v0 =	vor.u32 v0, v9  }
0x1fb: {  	[tilespmem:$0x1F8B0] =	vst v0;
	v0 =	vld [tilespmem:$0x1F9A0];
	_ =	sdelay $0x4  }
0x1fc: {  	v33 =	vmov v18;
	v18 =	vor.u32 v0, v28;
	v0 =	vld [tilespmem:$0x1F9B0];
	_ =	sdelay $0x4  }
0x1fd: {  	v20 =	vor.u32 v0, v28;
	v0 =	vld [tilespmem:$0x1FF10];
	_ =	sdelay $0x4  }
0x1fe: {  	v23 =	vor.u32 v0, v9;
	v0 =	vld [tilespmem:$0x1FF20];
	_ =	sdelay $0x4  }
0x1ff: {  	v24 =	vor.u32 v0, v9;
	v0 =	vld [tilespmem:$0x1FF30];
	_ =	sdelay $0x4  }
0x200: {  	v37 =	vor.u32 v0, v9;
	v0 =	vld [tilespmem:$0x1FEF0];
	_ =	sdelay $0x4  }
0x201: {  	v26 =	vor.u32 v0, v9;
	v0 =	vld [tilespmem:$0x1FF00];
	_ =	sdelay $0x4  }
0x202: {  	v63 =	vor.u32 v0, v9;
	v0 =	vld [tilespmem:$0x1FED0];
	_ =	sdelay $0x4  }
0x203: {  	v44 =	vor.u32 v0, v9;
	v0 =	vld [tilespmem:$0x1FAB0];
	_ =	sdelay $0x4  }
0x204: {  	v6 =	vor.u32 v0, v28;
	v0 =	vld [tilespmem:$0x1FAE0];
	_ =	sdelay $0x1  }
0x205: {  	v14 =	vld.idx.msk [tilespmem:v14+s15+$0x0], $0xffff;
	_ =	sdelay $0x2  }
0x206: {  	v32 =	vor.u32 v0, v28;
	v0 =	vld [tilespmem:$0x1FAA0];
	_ =	sdelay $0x1  }
0x207: {  	v51 =	vunpack.i.u.bf16.f32 v14;
	v14 =	vunpack.i.l.bf16.f32 v14  }
0x208: {  	v14 =	vmul.f32 v14, v31;
	v39 =	vmul.f32 v51, v34;
	_ =	sdelay $0x1  }
0x209: {  	v14 =	vadd.f32 v14, v39;
	v39 =	vor.u32 v0, v28;
	v0 =	vld [tilespmem:$0x1FA00];
	_ =	sdelay $0x4  }
0x20a: {  	v51 =	vor.u32 v0, v28;
	v0 =	vld [tilespmem:$0x1FA40];
	_ =	sdelay $0x3  }
0x20b: {  	v15 =	vld.idx.msk [tilespmem:v15+s15+$0x0], $0xffff  }
0x20c: {  	v45 =	vor.u32 v0, v28;
	v0 =	vld [tilespmem:$0x1FA50];
	_ =	sdelay $0x3  }
0x20d: {  	v11 =	vld.idx.msk [tilespmem:v11+s15+$0x0], $0xffff;
	v53 =	vunpack.i.l.bf16.f32 v15  }
0x20e: {  	v43 =	vmul.f32 v53, v10;
	v53 =	vor.u32 v0, v28;
	v0 =	vld [tilespmem:$0x1F9C0];
	_ =	sdelay $0x2  }
0x20f: {  	v12 =	vld.idx.msk [tilespmem:v12+s15+$0x0], $0xffff  }
0x210: {  	v50 =	vunpack.i.u.bf16.f32 v11;
	v11 =	vunpack.i.l.bf16.f32 v11;
	v52 =	vld.idx.msk [tilespmem:v23+s15+$0x0], $0xffff  }
0x211: {  	v11 =	vmul.f32 v11, v2;
	v38 =	vmul.f32 v50, v56;
	v23 =	vor.u32 v0, v28;
	v0 =	vld [tilespmem:$0x1F9D0]  }
0x212: {  	v61 =	vmov v59;
	v59 =	vld [tilespmem:$0x1FE40];
	s8 =	sadd.s32 $0x10, s8;
	v15 =	vunpack.i.u.bf16.f32 v15  }
0x213: {  	v46 =	vld [tilespmem:s8+$0x200];
	v11 =	vadd.f32 v11, v38;
	v15 =	vmul.f32 v15, v1  }
0x214: {  	v19 =	vld.idx.msk [tilespmem:v19+s15+$0x0], $0xffff  }
0x215: {  	v11 =	vadd.f32 v14, v11;
	v14 =	vadd.f32 v43, v15;
	v43 =	vld.idx.msk [tilespmem:v24+s15+$0x0], $0xffff  }
0x216: {  	v54 =	vunpack.i.l.bf16.f32 v12;
	v12 =	vunpack.i.u.bf16.f32 v12;
	v24 =	vor.u32 v0, v28;
	v0 =	vld [tilespmem:$0x1FA10]  }
0x217: {  	v55 =	vmul.f32 v54, v29;
	v12 =	vmul.f32 v12, v17;
	v18 =	vld.idx.msk [tilespmem:v18+s15+$0x0], $0xffff  }
0x218: {  	v47 =	vld [tilespmem:s8+$0x0];
	v11 =	vadd.f32 v14, v11  }
0x219: {  	v40 =	vmovc v56;
	v12 =	vadd.f32 v55, v12;
	v56 =	vunpack.i.l.bf16.f32 v19;
	v19 =	vunpack.i.u.bf16.f32 v19;
	v20 =	vld.idx.msk [tilespmem:v20+s15+$0x0], $0xffff  }
0x21a: {  	v48 =	vld [tilespmem:s8+$0xFFFFFE00];
	v57 =	vmul.f32 v56, v22;
	v14 =	vmul.f32 v19, v16  }
0x21b: {  	v25 =	vor.u32 v59, v9;
	v11 =	vadd.f32 v12, v11;
	v55 =	vor.u32 v0, v28;
	v0 =	vld [tilespmem:$0x1FA20]  }
0x21c: {  	v49 =	vld [tilespmem:s8+$0xFFFFFA00];
	v12 =	vadd.f32 v57, v14;
	v58 =	vunpack.i.l.bf16.f32 v18;
	v18 =	vunpack.i.u.bf16.f32 v18  }
0x21d: {  	v50 =	vld [tilespmem:s8+$0xFFFFFC00];
	v19 =	vmul.f32 v58, v13;
	v14 =	vmul.f32 v18, v41  }
0x21e: {  	v38 =	vld [tilespmem:s8+$0x600];
	v11 =	vadd.f32 v12, v11;
	v59 =	vunpack.i.l.bf16.f32 v20;
	v18 =	vunpack.i.u.bf16.f32 v20  }
0x21f: {  	v15 =	vld [tilespmem:s8+$0x400];
	v12 =	vadd.f32 v19, v14;
	v20 =	vmul.f32 v59, v35;
	v14 =	vmul.f32 v18, v30  }
0x220: {  	v56 =	vor.u32 v0, v28;
	v0 =	vld [tilespmem:$0x1F9E0]  }
0x221: {  	v11 =	vadd.f32 v12, v11;
	v59 =	vld.idx.msk [tilespmem:v25+s15+$0x0], $0xffff;
	v12 =	vadd.f32 v20, v14  }
0x222: {  	v57 =	vld.idx.msk [tilespmem:v26+s15+$0x0], $0xffff  }
0x223: {  	v11 =	vadd.f32 v12, v11;
	v54 =	vld.idx.msk [tilespmem:v63+s15+$0x0], $0xffff  }
0x224: {  	v42 =	vunpack.i.l.bf16.f32 v47;
	v44 =	vld.idx.msk [tilespmem:v44+s15+$0x0], $0xffff  }
0x225: {  	v3 =	vunpack.i.u.bf16.f32 v49;
	v5 =	vunpack.i.l.bf16.f32 v49;
	[tilespmem:v21+s28+$0x0] =	vst.idx.msk $0xffff, v11;
	v58 =	vor.u32 v0, v28;
	v0 =	vld [tilespmem:$0x1F9F0]  }
0x226: {  	v4 =	vunpack.i.l.bf16.f32 v50;
	v19 =	vunpack.i.u.bf16.f32 v46;
	v26 =	vunpack.i.l.bf16.f32 v46;
	v46 =	vld.idx.msk [tilespmem:v23+s15+$0x0], $0xffff  }
0x227: {  	v27 =	vunpack.i.l.bf16.f32 v15;
	v18 =	vunpack.i.u.bf16.f32 v15;
	v15 =	vunpack.i.l.bf16.f32 v38  }
0x228: {  	v20 =	vunpack.i.u.bf16.f32 v47;
	v62 =	vunpack.i.u.bf16.f32 v59;
	v59 =	vunpack.i.l.bf16.f32 v59;
	v47 =	vld.idx.msk [tilespmem:v24+s15+$0x0], $0xffff  }
0x229: {  	v12 =	vunpack.i.u.bf16.f32 v48;
	v59 =	vmul.f32 v59, v5;
	v62 =	vmul.f32 v62, v3  }
0x22a: {  	v49 =	vunpack.i.l.bf16.f32 v43;
	v43 =	vunpack.i.u.bf16.f32 v43;
	v60 =	vor.u32 v0, v28  }
0x22b: {  	v63 =	vunpack.i.l.bf16.f32 v44;
	v23 =	vmovc v3;
	v3 =	vunpack.i.u.bf16.f32 v46;
	v46 =	vunpack.i.l.bf16.f32 v46;
	v58 =	vld.idx.msk [tilespmem:v58+s15+$0x0], $0xffff  }
0x22c: {  	v11 =	vunpack.i.u.bf16.f32 v50;
	v63 =	vmul.f32 v63, v4;
	v46 =	vmul.f32 v46, v2  }
0x22d: {  	v25 =	vmovc v4;
	v3 =	vmul.f32 v3, v40;
	v4 =	vunpack.i.u.bf16.f32 v47;
	v47 =	vunpack.i.l.bf16.f32 v47  }
0x22e: {  	v50 =	vunpack.i.u.bf16.f32 v57;
	v55 =	vld.idx.msk [tilespmem:v55+s15+$0x0], $0xffff;
	v47 =	vmul.f32 v47, v31;
	v4 =	vmul.f32 v4, v34  }
0x22f: {  	v8 =	vmovc v61;
	v61 =	vunpack.i.u.bf16.f32 v54;
	v54 =	vunpack.i.l.bf16.f32 v54;
	v3 =	vadd.f32 v46, v3;
	v60 =	vld.idx.msk [tilespmem:v60+s15+$0x0], $0xffff  }
0x230: {  	v21 =	vmovc v5;
	v4 =	vadd.f32 v47, v4;
	v5 =	vunpack.i.l.bf16.f32 v58;
	v58 =	vunpack.i.u.bf16.f32 v58  }
0x231: {  	v57 =	vunpack.i.l.bf16.f32 v57;
	v5 =	vmul.f32 v5, v10;
	v46 =	vmul.f32 v58, v1  }
0x232: {  	v44 =	vunpack.i.u.bf16.f32 v44;
	v56 =	vld.idx.msk [tilespmem:v56+s15+$0x0], $0xffff;
	v3 =	vadd.f32 v4, v3;
	v0 =	vunpack.i.l.bf16.f32 v48  }
0x233: {  	v51 =	vld.idx.msk [tilespmem:v51+s15+$0x0], $0xffff;
	v48 =	vunpack.i.l.bf16.f32 v52;
	v57 =	vmul.f32 v57, v0;
	v4 =	vadd.f32 v5, v46  }
0x234: {  	v14 =	vmovc v0;
	v46 =	vunpack.i.u.bf16.f32 v55;
	v0 =	vunpack.i.l.bf16.f32 v60;
	v47 =	vunpack.i.u.bf16.f32 v60  }
0x235: {  	v60 =	vunpack.i.l.bf16.f32 v55;
	v0 =	vmul.f32 v0, v29;
	v5 =	vmul.f32 v47, v17  }
0x236: {  	v3 =	vadd.f32 v4, v3;
	v4 =	vmul.f32 v46, v16;
	v55 =	vadd.f32 v59, v62  }
0x237: {  	v59 =	vmovc v8;
	v8 =	vld [tilespmem:$0x1FF60];
	v47 =	vmul.f32 v60, v22;
	v60 =	vunpack.i.l.bf16.f32 v56;
	v0 =	vadd.f32 v0, v5  }
0x238: {  	v58 =	vunpack.i.l.bf16.f32 v51;
	v46 =	vmul.f32 v60, v13;
	v5 =	vunpack.i.u.bf16.f32 v56  }
0x239: {  	v0 =	vadd.f32 v0, v3;
	v3 =	vadd.f32 v47, v4;
	v4 =	vmul.f32 v5, v41  }
0x23a: {  	v60 =	vunpack.i.u.bf16.f32 v51;
	v51 =	vmovc v35;
	v35 =	vmul.f32 v58, v35;
	v5 =	vmul.f32 v44, v11  }
0x23b: {  	v37 =	vld.idx.msk [tilespmem:v37+s15+$0x0], $0xffff;
	v0 =	vadd.f32 v3, v0;
	v3 =	vadd.f32 v46, v4;
	v4 =	vmul.f32 v60, v30  }
0x23c: {  	v56 =	vmul.f32 v50, v12;
	v5 =	vadd.f32 v63, v5;
	v46 =	vor.u32 v8, v9;
	v8 =	vld [tilespmem:$0x1FF80]  }
0x23d: {  	v58 =	vmul.f32 v61, v20;
	v0 =	vadd.f32 v3, v0;
	v3 =	vadd.f32 v35, v4  }
0x23e: {  	[tilespmem:$0x1FA30] =	vst v22;
	v50 =	vmul.f32 v54, v42;
	v4 =	vadd.f32 v5, v55;
	v5 =	vadd.f32 v57, v56  }
0x23f: {  	v24 =	vmovc v11;
	v22 =	vmovc v41;
	v35 =	vunpack.i.u.bf16.f32 v52;
	v56 =	vmul.f32 v48, v26;
	v0 =	vadd.f32 v3, v0  }
0x240: {  	v41 =	vld [tilespmem:$0x1FE50];
	v11 =	vmovc v30;
	v3 =	vadd.f32 v5, v4;
	v4 =	vadd.f32 v50, v58;
	v5 =	vmul.f32 v35, v19  }
0x241: {  	v30 =	vld [tilespmem:$0x1FFF0];
	v57 =	vmul.f32 v49, v27;
	v58 =	vunpack.i.l.bf16.f32 v37;
	v47 =	vor.u32 v8, v9;
	[tilespmem:v36+s28+$0x0] =	vst.idx.msk $0xffff, v0  }
0x242: {  	v8 =	vld [tilespmem:$0x1FB10];
	v0 =	vadd.f32 v4, v3;
	v3 =	vadd.f32 v56, v5;
	v4 =	vmul.f32 v43, v18  }
0x243: {  	v60 =	vunpack.i.u.bf16.f32 v37;
	v61 =	vmul.f32 v58, v15;
	v5 =	vld.idx.msk [tilespmem:v45+s15+$0x0], $0xffff;
	v45 =	vunpack.i.u.bf16.f32 v38  }
0x244: {  	v52 =	vld [tilespmem:$0x1FE60];
	v0 =	vadd.f32 v3, v0;
	v3 =	vadd.f32 v57, v4;
	v4 =	vmul.f32 v60, v45  }
0x245: {  	v35 =	vld.idx.msk [tilespmem:v53+s15+$0x0], $0xffff  }
0x246: {  	v0 =	vadd.f32 v3, v0;
	v3 =	vadd.f32 v61, v4;
	v4 =	vld [tilespmem:$0x1FFD0]  }
0x247: {  	v53 =	vor.u32 v8, v28;
	v8 =	vld [tilespmem:$0x1FB20];
	_ =	sdelay $0x2  }
0x248: {  	v7 =	vmov v13;
	v63 =	vlaneseq.u32;
	v48 =	vor.u32 v59, v33;
	v39 =	vld.idx.msk [tilespmem:v39+s15+$0x0], $0xffff  }
0x249: {  	v62 =	vmovc v12;
	v44 =	vor.u32 v52, v9;
	v57 =	vor.u32 v30, v9;
	v60 =	vor.u32 v41, v9  }
0x24a: {  	v43 =	vadd.f32 v3, v0;
	v58 =	vor.u32 v4, v9;
	v4 =	vld.idx.msk [tilespmem:v6+s15+$0x0], $0xffff;
	v54 =	vor.u32 v8, v28  }
0x24b: {  	p1 =	sne.s32 s9, $0x1F0;
	v13 =	vmovc v16;
	v16 =	vmovc v17;
	v36 =	vld.idx.msk [tilespmem:v32+s15+$0x0], $0xffff;
	v0 =	vunpack.i.u.bf16.f32 v5;
	v3 =	vunpack.i.l.bf16.f32 v5;
	v5 =	vunpack.i.u.bf16.f32 v35  }
.Ltmp0:
0x24c: {  	v12 =	vmovc v19;
	v17 =	vmovc v41;
	v55 =	vunpack.i.l.bf16.f32 v35;
	v3 =	vmul.f32 v3, v2;
	v0 =	vmul.f32 v0, v40;
	(pc) =	sbr.rel @p1 .LBB2_3-.Ltmp0, $4  }
0x24d: {  	v19 =	vmovc v20;
	v20 =	vmovc v27;
	v30 =	vld [tilespmem:$0x1F8B0];
	v56 =	vunpack.i.l.bf16.f32 v39;
	v49 =	vmul.f32 v55, v31;
	v5 =	vmul.f32 v5, v34  }
0x24e: {  	v39 =	vunpack.i.u.bf16.f32 v39;
	v38 =	vmul.f32 v56, v10;
	v6 =	vmovc v33;
	v33 =	vld.idx.msk [tilespmem:v53+s15+$0x0], $0xffff;
	v55 =	vadd.f32 v3, v0  }
0x24f: {  	v41 =	vmovc v31;
	v56 =	vadd.f32 v49, v5;
	v53 =	vmul.f32 v39, v1;
	v61 =	vunpack.i.l.bf16.f32 v4;
	v32 =	vld.idx.msk [tilespmem:v54+s15+$0x0], $0xffff  }
0x250: {  	s9 =	sadd.s32 $0x10, s9;
	v35 =	vmovc v29;
	v8 =	vmovc v1;
	v39 =	vunpack.i.u.bf16.f32 v4;
	v54 =	vunpack.i.l.bf16.f32 v36;
	v37 =	vmul.f32 v61, v29;
	v29 =	vld [tilespmem:$0x1F8C0]  }
0x251: {  	_ =	sdelay $0x3  }
0x252: {  	[tilespmem:v48+s28+$0x0] =	vst.idx.msk $0xffff, v43  }
0x253: {  	v0 =	vld.idx.msk [tilespmem:v58+s15+$0x0], $0xffff  }
0x254: {  	v3 =	vld.idx.msk [tilespmem:v57+s15+$0x0], $0xffff  }
0x255: {  	v4 =	vld.idx.msk [tilespmem:v60+s15+$0x0], $0xffff;
	_ =	sdelay $0x1  }
0x256: {  	v5 =	vld.idx.msk [tilespmem:v44+s15+$0x0], $0xffff;
	_ =	sdelay $0x1  }
0x257: {  	v58 =	vunpack.i.u.bf16.f32 v3  }
0x258: {  	v44 =	vunpack.i.u.bf16.f32 v0;
	v3 =	vunpack.i.l.bf16.f32 v3;
	v57 =	vunpack.i.u.bf16.f32 v4  }
0x259: {  	v4 =	vunpack.i.l.bf16.f32 v4;
	v3 =	vmul.f32 v3, v21;
	v43 =	vmul.f32 v58, v23  }
0x25a: {  	v46 =	vld.idx.msk [tilespmem:v46+s15+$0x0], $0xffff;
	v49 =	vunpack.i.l.bf16.f32 v5;
	v4 =	vmul.f32 v4, v25;
	v48 =	vmul.f32 v57, v24  }
0x25b: {  	v0 =	vunpack.i.l.bf16.f32 v0;
	v5 =	vunpack.i.u.bf16.f32 v5;
	v49 =	vmul.f32 v49, v14  }
0x25c: {  	v47 =	vld.idx.msk [tilespmem:v47+s15+$0x0], $0xffff;
	v5 =	vmul.f32 v5, v62;
	v3 =	vadd.f32 v3, v43;
	v4 =	vadd.f32 v4, v48  }
0x25d: {  	v0 =	vmul.f32 v0, v42;
	v58 =	vmul.f32 v44, v19  }
0x25e: {  	v3 =	vadd.f32 v4, v3;
	v4 =	vadd.f32 v49, v5  }
0x25f: {  	v31 =	vld.idx.msk [tilespmem:v30+s15+$0x0], $0xffff;
	v48 =	vunpack.i.u.bf16.f32 v46;
	v0 =	vadd.f32 v0, v58;
	v5 =	vunpack.i.l.bf16.f32 v46  }
0x260: {  	v1 =	vld [tilespmem:$0x1FF40];
	v50 =	vmul.f32 v48, v12;
	v5 =	vmul.f32 v5, v26;
	v3 =	vadd.f32 v4, v3  }
0x261: {  	v49 =	vunpack.i.l.bf16.f32 v47  }
0x262: {  	v4 =	vunpack.i.u.bf16.f32 v47;
	v0 =	vadd.f32 v0, v3;
	v3 =	vadd.f32 v5, v50  }
0x263: {  	v46 =	vmul.f32 v49, v20;
	v4 =	vmul.f32 v4, v18  }
0x264: {  	v5 =	vunpack.i.u.bf16.f32 v31;
	v0 =	vadd.f32 v3, v0  }
0x265: {  	v3 =	vadd.f32 v46, v4;
	v4 =	vmul.f32 v5, v45;
	v5 =	vor.u32 v1, v6;
	v1 =	vld [tilespmem:$0x1FF50];
	_ =	sdelay $0x1  }
0x266: {  	v58 =	vunpack.i.l.bf16.f32 v31  }
0x267: {  	v31 =	vmul.f32 v58, v15;
	_ =	sdelay $0x1  }
0x268: {  	v0 =	vadd.f32 v3, v0;
	v3 =	vadd.f32 v31, v4;
	v4 =	vor.u32 v1, v9;
	v1 =	vld [tilespmem:$0x1FF90];
	_ =	sdelay $0x4  }
0x269: {  	v31 =	vor.u32 v1, v9;
	v1 =	vld [tilespmem:$0x1FFA0];
	_ =	sdelay $0x1  }
0x26a: {  	v0 =	vadd.f32 v3, v0;
	_ =	sdelay $0x1  }
0x26b: {  	[tilespmem:v5+s28+$0x0] =	vst.idx.msk $0xffff, v0  }
0x26c: {  	v3 =	vor.u32 v1, v9;
	v1 =	vld [tilespmem:$0x1FFB0];
	_ =	sdelay $0x1  }
0x26d: {  	v0 =	vld [tilespmem:$0x1FF70];
	_ =	sdelay $0x1  }
0x26e: {  	v5 =	vld.idx.msk [tilespmem:v31+s15+$0x0], $0xffff  }
0x26f: {  	v31 =	vor.u32 v1, v9;
	v1 =	vld [tilespmem:$0x1FE80]  }
0x270: {  	v4 =	vld.idx.msk [tilespmem:v4+s15+$0x0], $0xffff  }
0x271: {  	v0 =	vor.u32 v0, v9;
	_ =	sdelay $0x2  }
0x272: {  	v48 =	vor.u32 v1, v9;
	v1 =	vld [tilespmem:$0x1F8D0]  }
0x273: {  	v49 =	vunpack.i.u.bf16.f32 v4;
	v4 =	vunpack.i.l.bf16.f32 v4;
	v3 =	vld.idx.msk [tilespmem:v3+s15+$0x0], $0xffff  }
0x274: {  	v63 =	vmov v23;
	v4 =	vmul.f32 v4, v21;
	v0 =	vld.idx.msk [tilespmem:v0+s15+$0x0], $0xffff  }
0x275: {  	v46 =	vmul.f32 v49, v63;
	v50 =	vunpack.i.u.bf16.f32 v5;
	v5 =	vunpack.i.l.bf16.f32 v5  }
0x276: {  	v5 =	vmul.f32 v5, v25;
	v47 =	vmul.f32 v50, v24;
	v31 =	vld.idx.msk [tilespmem:v31+s15+$0x0], $0xffff  }
0x277: {  	v4 =	vadd.f32 v4, v46;
	v44 =	vor.u32 v1, v9  }
0x278: {  	v61 =	vmovc v14;
	v5 =	vadd.f32 v5, v47;
	v58 =	vunpack.i.l.bf16.f32 v3;
	v3 =	vunpack.i.u.bf16.f32 v3  }
0x279: {  	v3 =	vmul.f32 v3, v62;
	v43 =	vld.idx.msk [tilespmem:v48+s15+$0x0], $0xffff;
	v48 =	vmul.f32 v58, v61;
	v58 =	vunpack.i.l.bf16.f32 v0  }
0x27a: {  	v4 =	vadd.f32 v5, v4;
	v0 =	vunpack.i.u.bf16.f32 v0;
	v50 =	vmul.f32 v58, v42  }
0x27b: {  	v58 =	vunpack.i.l.bf16.f32 v31;
	v0 =	vmul.f32 v0, v19;
	v3 =	vadd.f32 v48, v3  }
0x27c: {  	v5 =	vunpack.i.u.bf16.f32 v31;
	v31 =	vmul.f32 v58, v26;
	v44 =	vld.idx.msk [tilespmem:v44+s15+$0x0], $0xffff  }
0x27d: {  	v1 =	vld [tilespmem:$0x1FEA0];
	v0 =	vadd.f32 v50, v0;
	v3 =	vadd.f32 v3, v4;
	v4 =	vmul.f32 v5, v12  }
0x27e: {  	v49 =	vunpack.i.l.bf16.f32 v43  }
0x27f: {  	v5 =	vunpack.i.u.bf16.f32 v43;
	v0 =	vadd.f32 v0, v3;
	v3 =	vadd.f32 v31, v4  }
0x280: {  	v50 =	vmul.f32 v49, v20;
	v4 =	vmul.f32 v5, v18  }
0x281: {  	v0 =	vadd.f32 v3, v0;
	v5 =	vunpack.i.u.bf16.f32 v44  }
0x282: {  	v3 =	vadd.f32 v50, v4;
	v4 =	vmul.f32 v5, v45;
	v5 =	vor.u32 v1, v6;
	v1 =	vld [tilespmem:$0x1F8E0];
	_ =	sdelay $0x1  }
0x283: {  	v58 =	vunpack.i.l.bf16.f32 v44  }
0x284: {  	v31 =	vmul.f32 v58, v15;
	_ =	sdelay $0x1  }
0x285: {  	v0 =	vadd.f32 v3, v0;
	v3 =	vadd.f32 v31, v4;
	v4 =	vor.u32 v1, v9;
	v1 =	vld [tilespmem:$0x1F8F0];
	_ =	sdelay $0x4  }
0x286: {  	v31 =	vor.u32 v1, v9;
	v1 =	vld [tilespmem:$0x1F900];
	_ =	sdelay $0x1  }
0x287: {  	v0 =	vadd.f32 v3, v0;
	_ =	sdelay $0x1  }
0x288: {  	[tilespmem:v5+s28+$0x0] =	vst.idx.msk $0xffff, v0  }
0x289: {  	v3 =	vor.u32 v1, v9;
	v1 =	vld [tilespmem:$0x1F920];
	_ =	sdelay $0x1  }
0x28a: {  	v0 =	vld [tilespmem:$0x1F910];
	_ =	sdelay $0x1  }
0x28b: {  	v5 =	vld.idx.msk [tilespmem:v31+s15+$0x0], $0xffff  }
0x28c: {  	v31 =	vor.u32 v1, v9;
	v1 =	vld [tilespmem:$0x1F930]  }
0x28d: {  	v4 =	vld.idx.msk [tilespmem:v4+s15+$0x0], $0xffff  }
0x28e: {  	v0 =	vor.u32 v0, v9;
	_ =	sdelay $0x2  }
0x28f: {  	v48 =	vor.u32 v1, v9;
	v1 =	vld [tilespmem:$0x1F940]  }
0x290: {  	v49 =	vunpack.i.u.bf16.f32 v4;
	v4 =	vunpack.i.l.bf16.f32 v4;
	v3 =	vld.idx.msk [tilespmem:v3+s15+$0x0], $0xffff  }
0x291: {  	v4 =	vmul.f32 v4, v21;
	v0 =	vld.idx.msk [tilespmem:v0+s15+$0x0], $0xffff  }
0x292: {  	v46 =	vmul.f32 v49, v63;
	v50 =	vunpack.i.u.bf16.f32 v5;
	v5 =	vunpack.i.l.bf16.f32 v5  }
0x293: {  	v5 =	vmul.f32 v5, v25;
	v47 =	vmul.f32 v50, v24;
	v31 =	vld.idx.msk [tilespmem:v31+s15+$0x0], $0xffff  }
0x294: {  	v4 =	vadd.f32 v4, v46;
	v44 =	vor.u32 v1, v9  }
0x295: {  	v5 =	vadd.f32 v5, v47;
	v58 =	vunpack.i.l.bf16.f32 v3;
	v3 =	vunpack.i.u.bf16.f32 v3  }
0x296: {  	v3 =	vmul.f32 v3, v62;
	v43 =	vld.idx.msk [tilespmem:v48+s15+$0x0], $0xffff;
	v48 =	vmul.f32 v58, v61;
	v58 =	vunpack.i.l.bf16.f32 v0  }
0x297: {  	v4 =	vadd.f32 v5, v4;
	v0 =	vunpack.i.u.bf16.f32 v0;
	v50 =	vmul.f32 v58, v42  }
0x298: {  	v58 =	vunpack.i.l.bf16.f32 v31;
	v0 =	vmul.f32 v0, v19;
	v3 =	vadd.f32 v48, v3  }
0x299: {  	v5 =	vunpack.i.u.bf16.f32 v31;
	v31 =	vmul.f32 v58, v26;
	v44 =	vld.idx.msk [tilespmem:v44+s15+$0x0], $0xffff  }
0x29a: {  	v1 =	vld [tilespmem:$0x1FEB0];
	v0 =	vadd.f32 v50, v0;
	v3 =	vadd.f32 v3, v4;
	v4 =	vmul.f32 v5, v12  }
0x29b: {  	v48 =	vunpack.i.l.bf16.f32 v43  }
0x29c: {  	v5 =	vunpack.i.u.bf16.f32 v43;
	v0 =	vadd.f32 v0, v3;
	v3 =	vadd.f32 v31, v4  }
0x29d: {  	v49 =	vmul.f32 v48, v20;
	v4 =	vmul.f32 v5, v18  }
0x29e: {  	v0 =	vadd.f32 v3, v0;
	v5 =	vunpack.i.u.bf16.f32 v44  }
0x29f: {  	v3 =	vadd.f32 v49, v4;
	v4 =	vmul.f32 v5, v45;
	v5 =	vor.u32 v1, v6;
	v1 =	vld [tilespmem:$0x1F950];
	_ =	sdelay $0x1  }
0x2a0: {  	v50 =	vunpack.i.l.bf16.f32 v44  }
0x2a1: {  	v31 =	vmul.f32 v50, v15;
	_ =	sdelay $0x1  }
0x2a2: {  	v0 =	vadd.f32 v3, v0;
	v3 =	vadd.f32 v31, v4;
	v4 =	vor.u32 v1, v9;
	v1 =	vld [tilespmem:$0x1F960];
	_ =	sdelay $0x4  }
0x2a3: {  	v31 =	vor.u32 v1, v9;
	v1 =	vld [tilespmem:$0x1F970];
	_ =	sdelay $0x1  }
0x2a4: {  	v0 =	vadd.f32 v3, v0;
	_ =	sdelay $0x1  }
0x2a5: {  	[tilespmem:v5+s28+$0x0] =	vst.idx.msk $0xffff, v0  }
0x2a6: {  	v3 =	vor.u32 v1, v9;
	v1 =	vld [tilespmem:$0x1F990]  }
0x2a7: {  	v0 =	vld [tilespmem:$0x1F980];
	_ =	sdelay $0x1  }
0x2a8: {  	v4 =	vld.idx.msk [tilespmem:v4+s15+$0x0], $0xffff  }
0x2a9: {  	v5 =	vld.idx.msk [tilespmem:v31+s15+$0x0], $0xffff  }
0x2aa: {  	v31 =	vor.u32 v1, v9;
	v1 =	vld [tilespmem:$0x1F9A0]  }
0x2ab: {  	v0 =	vor.u32 v0, v9;
	_ =	sdelay $0x2  }
0x2ac: {  	v44 =	vadd.f32 v56, v55;
	v3 =	vld.idx.msk [tilespmem:v3+s15+$0x0], $0xffff  }
0x2ad: {  	v55 =	vunpack.i.u.bf16.f32 v4;
	v4 =	vunpack.i.l.bf16.f32 v4;
	v58 =	vor.u32 v1, v9;
	v1 =	vld [tilespmem:$0x1F9B0]  }
0x2ae: {  	v4 =	vmul.f32 v4, v21;
	v0 =	vld.idx.msk [tilespmem:v0+s15+$0x0], $0xffff  }
0x2af: {  	v47 =	vmul.f32 v55, v63;
	v56 =	vunpack.i.u.bf16.f32 v5;
	v5 =	vunpack.i.l.bf16.f32 v5  }
0x2b0: {  	v5 =	vmul.f32 v5, v25;
	v48 =	vmul.f32 v56, v24  }
0x2b1: {  	v31 =	vld.idx.msk [tilespmem:v31+s15+$0x0], $0xffff  }
0x2b2: {  	v4 =	vadd.f32 v4, v47;
	v5 =	vadd.f32 v5, v48;
	v46 =	vor.u32 v1, v9  }
0x2b3: {  	v50 =	vunpack.i.l.bf16.f32 v0;
	v43 =	vld.idx.msk [tilespmem:v58+s15+$0x0], $0xffff;
	v58 =	vunpack.i.l.bf16.f32 v3;
	v3 =	vunpack.i.u.bf16.f32 v3  }
0x2b4: {  	v0 =	vunpack.i.u.bf16.f32 v0;
	v49 =	vmul.f32 v58, v61;
	v3 =	vmul.f32 v3, v62  }
0x2b5: {  	v55 =	vmul.f32 v50, v42;
	v0 =	vmul.f32 v0, v19  }
0x2b6: {  	v4 =	vadd.f32 v5, v4;
	v56 =	vunpack.i.l.bf16.f32 v31;
	v3 =	vadd.f32 v49, v3  }
0x2b7: {  	v0 =	vadd.f32 v55, v0;
	v5 =	vunpack.i.u.bf16.f32 v31;
	v31 =	vmul.f32 v56, v26;
	v46 =	vld.idx.msk [tilespmem:v46+s15+$0x0], $0xffff  }
0x2b8: {  	v1 =	vld [tilespmem:$0x1FEE0];
	v58 =	vunpack.i.l.bf16.f32 v43;
	v3 =	vadd.f32 v3, v4;
	v4 =	vmul.f32 v5, v12  }
0x2b9: {  	v5 =	vunpack.i.u.bf16.f32 v43;
	v50 =	vmul.f32 v58, v20  }
0x2ba: {  	v0 =	vadd.f32 v0, v3;
	v3 =	vadd.f32 v31, v4;
	v4 =	vmul.f32 v5, v18;
	_ =	sdelay $0x1  }
0x2bb: {  	v0 =	vadd.f32 v3, v0;
	v3 =	vadd.f32 v50, v4;
	v31 =	vunpack.i.u.bf16.f32 v46  }
0x2bc: {  	v4 =	vmul.f32 v31, v45;
	v31 =	vmul.f32 v39, v16;
	v39 =	vor.u32 v1, v6;
	v1 =	vld [tilespmem:$0x1F9C0];
	_ =	sdelay $0x1  }
0x2bd: {  	v55 =	vunpack.i.l.bf16.f32 v46  }
0x2be: {  	v56 =	vmul.f32 v55, v15;
	_ =	sdelay $0x1  }
0x2bf: {  	v0 =	vadd.f32 v3, v0;
	v3 =	vadd.f32 v56, v4;
	v4 =	vor.u32 v1, v9;
	v1 =	vld [tilespmem:$0x1F9D0];
	_ =	sdelay $0x4  }
0x2c0: {  	v5 =	vadd.f32 v38, v53;
	v53 =	vor.u32 v1, v9;
	v1 =	vld [tilespmem:$0x1F9E0];
	_ =	sdelay $0x3  }
0x2c1: {  	v60 =	vmov v21;
	v21 =	vld [tilespmem:$0x1FA30]  }
0x2c2: {  	v56 =	vor.u32 v1, v9;
	v1 =	vld [tilespmem:$0x1F9F0];
	_ =	sdelay $0x1  }
0x2c3: {  	v0 =	vadd.f32 v3, v0  }
0x2c4: {  	v36 =	vunpack.i.u.bf16.f32 v36  }
0x2c5: {  	v58 =	vmul.f32 v54, v21;
	v54 =	vunpack.i.l.bf16.f32 v33;
	v5 =	vadd.f32 v5, v44;
	[tilespmem:v39+s28+$0x0] =	vst.idx.msk $0xffff, v0  }
0x2c6: {  	v31 =	vadd.f32 v37, v31;
	v3 =	vmul.f32 v36, v13;
	v50 =	vor.u32 v1, v9;
	v1 =	vld [tilespmem:$0x1FA10]  }
0x2c7: {  	v49 =	vunpack.i.l.bf16.f32 v32;
	v48 =	vmul.f32 v54, v7;
	v55 =	vunpack.i.u.bf16.f32 v33;
	v4 =	vld.idx.msk [tilespmem:v4+s15+$0x0], $0xffff  }
0x2c8: {  	v3 =	vadd.f32 v58, v3;
	v0 =	vadd.f32 v31, v5;
	v5 =	vmul.f32 v55, v22;
	v58 =	vld.idx.msk [tilespmem:v53+s15+$0x0], $0xffff  }
0x2c9: {  	v44 =	vmul.f32 v49, v51;
	v31 =	vunpack.i.u.bf16.f32 v32  }
0x2ca: {  	v0 =	vadd.f32 v3, v0;
	v3 =	vadd.f32 v48, v5;
	v5 =	vmul.f32 v31, v11  }
0x2cb: {  	v36 =	vld.idx.msk [tilespmem:v56+s15+$0x0], $0xffff;
	v47 =	vor.u32 v1, v9  }
0x2cc: {  	v0 =	vadd.f32 v3, v0;
	v3 =	vadd.f32 v44, v5  }
0x2cd: {  	v49 =	vunpack.i.u.bf16.f32 v4;
	v4 =	vunpack.i.l.bf16.f32 v4;
	v53 =	vunpack.i.u.bf16.f32 v58;
	v32 =	vld.idx.msk [tilespmem:v50+s15+$0x0], $0xffff  }
0x2ce: {  	v23 =	vmovc v24;
	v38 =	vunpack.i.l.bf16.f32 v58;
	v4 =	vmul.f32 v4, v60;
	v44 =	vmul.f32 v49, v63  }
0x2cf: {  	v38 =	vmul.f32 v38, v25;
	v46 =	vmul.f32 v53, v23;
	v1 =	vld [tilespmem:$0x1FA20]  }
0x2d0: {  	v56 =	vunpack.i.l.bf16.f32 v36;
	v36 =	vunpack.i.u.bf16.f32 v36;
	v33 =	vld.idx.msk [tilespmem:v47+s15+$0x0], $0xffff  }
0x2d1: {  	v4 =	vadd.f32 v4, v44;
	v38 =	vadd.f32 v38, v46;
	v36 =	vmul.f32 v36, v62  }
0x2d2: {  	v47 =	vmul.f32 v56, v61;
	v58 =	vunpack.i.l.bf16.f32 v32;
	v32 =	vunpack.i.u.bf16.f32 v32  }
0x2d3: {  	v53 =	vmul.f32 v58, v42;
	v32 =	vmul.f32 v32, v19  }
0x2d4: {  	v4 =	vadd.f32 v38, v4;
	v31 =	vor.u32 v1, v9;
	v36 =	vadd.f32 v47, v36  }
0x2d5: {  	v14 =	vmovc v12;
	v1 =	vld [tilespmem:$0x1FA00];
	v32 =	vadd.f32 v53, v32;
	v56 =	vunpack.i.l.bf16.f32 v33;
	v33 =	vunpack.i.u.bf16.f32 v33  }
0x2d6: {  	v54 =	vld [tilespmem:$0x1FAD0];
	v4 =	vadd.f32 v36, v4;
	v58 =	vmul.f32 v56, v26;
	v33 =	vmul.f32 v33, v14  }
0x2d7: {  	v55 =	vld [tilespmem:$0x1FAF0];
	v0 =	vadd.f32 v3, v0  }
0x2d8: {  	v50 =	vld [tilespmem:$0x1FA90];
	v4 =	vadd.f32 v32, v4;
	v53 =	vadd.f32 v58, v33  }
0x2d9: {  	v31 =	vld.idx.msk [tilespmem:v31+s15+$0x0], $0xffff  }
0x2da: {  	v43 =	vor.u32 v1, v9;
	v4 =	vadd.f32 v53, v4;
	v53 =	vld [tilespmem:$0x1FAC0];
	[tilespmem:v29+s28+$0x0] =	vst.idx.msk $0xffff, v0  }
0x2db: {  	v1 =	vld [tilespmem:$0x1FA40];
	_ =	sdelay $0x3  }
0x2dc: {  	v43 =	vld.idx.msk [tilespmem:v43+s15+$0x0], $0xffff  }
0x2dd: {  	v57 =	vmovc v62;
	v62 =	vunpack.i.l.bf16.f32 v31;
	v31 =	vunpack.i.u.bf16.f32 v31;
	v30 =	vor.u32 v1, v9;
	v1 =	vld [tilespmem:$0x1FA50]  }
0x2de: {  	v48 =	vmul.f32 v62, v20;
	v31 =	vmul.f32 v31, v18  }
0x2df: {  	v0 =	vld [tilespmem:$0x1FEC0]  }
0x2e0: {  	v5 =	vor.u32 v54, v28;
	v31 =	vadd.f32 v48, v31  }
0x2e1: {  	v49 =	vunpack.i.l.bf16.f32 v43  }
0x2e2: {  	v3 =	vunpack.i.u.bf16.f32 v43;
	v4 =	vadd.f32 v31, v4;
	v31 =	vor.u32 v1, v9;
	v1 =	vld [tilespmem:$0x1FAA0]  }
0x2e3: {  	v37 =	vor.u32 v55, v28;
	v56 =	vmul.f32 v49, v15;
	v3 =	vmul.f32 v3, v45  }
0x2e4: {  	v39 =	vor.u32 v50, v28;
	v0 =	vor.u32 v0, v6  }
0x2e5: {  	v5 =	vld.idx.msk [tilespmem:v5+s15+$0x0], $0xffff;
	v3 =	vadd.f32 v56, v3;
	_ =	sdelay $0x1  }
0x2e6: {  	v3 =	vadd.f32 v3, v4;
	v36 =	vor.u32 v1, v9;
	v1 =	vld [tilespmem:$0x1FAB0]  }
0x2e7: {  	v33 =	vld.idx.msk [tilespmem:v37+s15+$0x0], $0xffff  }
0x2e8: {  	v4 =	vld.idx.msk [tilespmem:v39+s15+$0x0], $0xffff;
	[tilespmem:v0+s28+$0x0] =	vst.idx.msk $0xffff, v3  }
0x2e9: {  	v47 =	vunpack.i.u.bf16.f32 v5;
	v5 =	vunpack.i.l.bf16.f32 v5;
	v30 =	vld.idx.msk [tilespmem:v30+s15+$0x0], $0xffff  }
0x2ea: {  	v5 =	vmul.f32 v5, v2;
	v2 =	vld [tilespmem:$0x1FB10]  }
0x2eb: {  	v58 =	vor.u32 v53, v28;
	v62 =	vor.u32 v1, v9;
	v1 =	vld [tilespmem:$0x1FAE0]  }
0x2ec: {  	v48 =	vld [tilespmem:$0x1FA70]  }
0x2ed: {  	v49 =	vld [tilespmem:$0x1FA80]  }
0x2ee: {  	v46 =	vunpack.i.u.bf16.f32 v33;
	v33 =	vunpack.i.l.bf16.f32 v33;
	v56 =	vmov v15;
	v15 =	vld [tilespmem:$0x1FA60]  }
0x2ef: {  	v33 =	vmul.f32 v33, v41;
	v34 =	vmul.f32 v46, v34;
	v38 =	vor.u32 v2, v9;
	v2 =	vld [tilespmem:$0x1FB20]  }
0x2f0: {  	v32 =	vld.idx.msk [tilespmem:v58+s15+$0x0], $0xffff;
	v43 =	vunpack.i.u.bf16.f32 v30;
	v30 =	vunpack.i.l.bf16.f32 v30;
	v58 =	vor.u32 v1, v9  }
0x2f1: {  	v31 =	vld.idx.msk [tilespmem:v31+s15+$0x0], $0xffff;
	v30 =	vmul.f32 v30, v60;
	v43 =	vmul.f32 v43, v63  }
0x2f2: {  	v33 =	vadd.f32 v33, v34;
	v36 =	vld.idx.msk [tilespmem:v36+s15+$0x0], $0xffff;
	v0 =	vor.u32 v48, v28;
	v3 =	vor.u32 v49, v28  }
0x2f3: {  	v28 =	vor.u32 v15, v28;
	v30 =	vadd.f32 v30, v43;
	v1 =	vmul.f32 v47, v40  }
0x2f4: {  	v47 =	vunpack.i.l.bf16.f32 v4;
	v4 =	vunpack.i.u.bf16.f32 v4;
	v37 =	vld.idx.msk [tilespmem:v62+s15+$0x0], $0xffff;
	v41 =	vor.u32 v2, v9  }
0x2f5: {  	v40 =	vunpack.i.l.bf16.f32 v32;
	v32 =	vunpack.i.u.bf16.f32 v32;
	v29 =	vmul.f32 v47, v10;
	v39 =	vld.idx.msk [tilespmem:v58+s15+$0x0], $0xffff  }
0x2f6: {  	v4 =	vmul.f32 v4, v8;
	v58 =	vunpack.i.u.bf16.f32 v31;
	v31 =	vunpack.i.l.bf16.f32 v31  }
0x2f7: {  	v38 =	vld.idx.msk [tilespmem:v38+s15+$0x0], $0xffff;
	v31 =	vmul.f32 v31, v25;
	v44 =	vmul.f32 v58, v23;
	v58 =	vunpack.i.l.bf16.f32 v36  }
0x2f8: {  	v12 =	vmovc v22;
	v22 =	vmul.f32 v40, v35;
	v36 =	vunpack.i.u.bf16.f32 v36;
	v46 =	vmul.f32 v58, v61  }
0x2f9: {  	v41 =	vld.idx.msk [tilespmem:v41+s15+$0x0], $0xffff;
	v58 =	vunpack.i.l.bf16.f32 v37;
	v36 =	vmul.f32 v36, v57;
	v31 =	vadd.f32 v31, v44  }
0x2fa: {  	v37 =	vunpack.i.u.bf16.f32 v37;
	v43 =	vmul.f32 v58, v42;
	v44 =	vunpack.i.l.bf16.f32 v39  }
0x2fb: {  	v30 =	vadd.f32 v31, v30;
	v31 =	vadd.f32 v46, v36;
	v36 =	vmul.f32 v37, v19  }
0x2fc: {  	v58 =	vunpack.i.u.bf16.f32 v39;
	v39 =	vmul.f32 v44, v26;
	v44 =	vunpack.i.l.bf16.f32 v38  }
0x2fd: {  	v8 =	vld [tilespmem:$0x1FE90];
	v30 =	vadd.f32 v31, v30;
	v31 =	vadd.f32 v43, v36;
	v36 =	vmul.f32 v58, v14  }
0x2fe: {  	v47 =	vunpack.i.l.bf16.f32 v41;
	v58 =	vunpack.i.u.bf16.f32 v38;
	v46 =	vmul.f32 v44, v20  }
0x2ff: {  	v58 =	vmul.f32 v58, v18;
	v30 =	vadd.f32 v31, v30;
	v31 =	vadd.f32 v39, v36  }
0x300: {  	v3 =	vld.idx.msk [tilespmem:v3+s15+$0x0], $0xffff;
	v5 =	vadd.f32 v5, v1;
	v1 =	vunpack.i.u.bf16.f32 v41;
	v43 =	vmul.f32 v47, v56  }
0x301: {  	v1 =	vmul.f32 v1, v45;
	v30 =	vadd.f32 v31, v30;
	v31 =	vadd.f32 v46, v58  }
0x302: {  	v4 =	vadd.f32 v29, v4;
	v5 =	vadd.f32 v33, v5;
	v27 =	vor.u32 v8, v6  }
0x303: {  	v44 =	vor.u32 v54, v9;
	v30 =	vadd.f32 v31, v30;
	v31 =	vadd.f32 v43, v1  }
0x304: {  	v28 =	vld.idx.msk [tilespmem:v28+s15+$0x0], $0xffff;
	v16 =	vmul.f32 v32, v16;
	v29 =	vor.u32 v50, v9;
	v46 =	vor.u32 v55, v9  }
0x305: {  	v4 =	vadd.f32 v4, v5;
	v47 =	vunpack.i.l.bf16.f32 v3;
	v30 =	vadd.f32 v31, v30  }
0x306: {  	v62 =	vmovc v17;
	v5 =	vadd.f32 v22, v16;
	v3 =	vunpack.i.u.bf16.f32 v3;
	v17 =	vmul.f32 v47, v21  }
0x307: {  	v0 =	vld.idx.msk [tilespmem:v0+s15+$0x0], $0xffff;
	v3 =	vmul.f32 v3, v13;
	v31 =	vor.u32 v53, v9;
	[tilespmem:v27+s28+$0x0] =	vst.idx.msk $0xffff, v30  }
0x308: {  	v22 =	vor.u32 v49, v9;
	v4 =	vadd.f32 v5, v4;
	v16 =	vld.idx.msk [tilespmem:v44+s15+$0x0], $0xffff  }
0x309: {  	v13 =	vunpack.i.u.bf16.f32 v28;
	v3 =	vadd.f32 v17, v3;
	v27 =	vunpack.i.l.bf16.f32 v28;
	v28 =	vld.idx.msk [tilespmem:v46+s15+$0x0], $0xffff;
	_ =	sdelay $0x1  }
0x30a: {  	v5 =	vor.u32 v15, v9;
	v2 =	vmul.f32 v13, v12;
	v3 =	vadd.f32 v3, v4;
	v13 =	vld.idx.msk [tilespmem:v29+s15+$0x0], $0xffff  }
0x30b: {  	v4 =	vor.u32 v48, v9;
	v7 =	vmul.f32 v27, v7;
	v27 =	vunpack.i.l.bf16.f32 v0;
	v17 =	vld.idx.msk [tilespmem:v31+s15+$0x0], $0xffff  }
0x30c: {  	v1 =	vmul.f32 v27, v51;
	v9 =	vunpack.i.u.bf16.f32 v16;
	v16 =	vunpack.i.l.bf16.f32 v16  }
0x30d: {  	v2 =	vadd.f32 v7, v2;
	v7 =	vld.idx.msk [tilespmem:v22+s15+$0x0], $0xffff;
	v21 =	vunpack.i.l.bf16.f32 v28;
	v16 =	vmul.f32 v16, v60  }
0x30e: {  	v22 =	vunpack.i.u.bf16.f32 v28;
	v9 =	vmul.f32 v9, v63;
	v21 =	vmul.f32 v21, v25  }
0x30f: {  	v22 =	vmul.f32 v22, v23;
	v23 =	vunpack.i.l.bf16.f32 v13;
	v13 =	vunpack.i.u.bf16.f32 v13  }
0x310: {  	v24 =	vmovc v11;
	v4 =	vld.idx.msk [tilespmem:v4+s15+$0x0], $0xffff;
	v12 =	vmul.f32 v23, v61;
	v23 =	vunpack.i.l.bf16.f32 v17;
	v11 =	vmul.f32 v13, v57  }
0x311: {  	v5 =	vld.idx.msk [tilespmem:v5+s15+$0x0], $0xffff;
	v13 =	vunpack.i.u.bf16.f32 v17;
	v9 =	vadd.f32 v16, v9;
	v16 =	vadd.f32 v21, v22  }
0x312: {  	v17 =	vmul.f32 v23, v42;
	v21 =	vunpack.i.l.bf16.f32 v7;
	v7 =	vunpack.i.u.bf16.f32 v7  }
0x313: {  	v11 =	vadd.f32 v12, v11;
	v12 =	vmul.f32 v13, v19;
	v9 =	vadd.f32 v16, v9  }
0x314: {  	v0 =	vunpack.i.u.bf16.f32 v0;
	v13 =	vmul.f32 v21, v26;
	v7 =	vmul.f32 v7, v14  }
0x315: {  	v14 =	vunpack.i.l.bf16.f32 v4;
	v9 =	vadd.f32 v11, v9;
	v11 =	vadd.f32 v17, v12  }
0x316: {  	v16 =	vunpack.i.l.bf16.f32 v5;
	v5 =	vunpack.i.u.bf16.f32 v5;
	v7 =	vadd.f32 v13, v7  }
0x317: {  	v5 =	vmul.f32 v5, v18;
	v12 =	vmul.f32 v16, v20;
	v9 =	vadd.f32 v11, v9  }
0x318: {  	v0 =	vmul.f32 v0, v24;
	v4 =	vunpack.i.u.bf16.f32 v4;
	v10 =	vmul.f32 v14, v56  }
0x319: {  	v4 =	vmul.f32 v4, v45;
	v5 =	vadd.f32 v12, v5;
	v7 =	vadd.f32 v7, v9  }
0x31a: {  	v0 =	vadd.f32 v1, v0;
	v1 =	vld [tilespmem:$0x1FE70];
	v2 =	vadd.f32 v2, v3  }
0x31b: {  	v4 =	vadd.f32 v10, v4;
	v3 =	vadd.f32 v5, v7;
	_ =	sdelay $0x1  }
0x31c: {  	v0 =	vadd.f32 v0, v2;
	v2 =	vadd.f32 v4, v3;
	v3 =	vld [tilespmem:$0x1FB00];
	_ =	sdelay $0x1  }
0x31d: {  	v1 =	vor.u32 v1, v6;
	_ =	sdelay $0x4  }
0x31e: {  	s7 =	sshrl.u32 s7, $0x3;
	[tilespmem:v1+s28+$0x0] =	vst.idx.msk $0xffff, v2  }
0x31f: {  	s7 =	sadd.s32 s1, s7;
	[tilespmem:v3+s28+$0x0] =	vst.idx.msk $0xffff, v0  }
0x320: {  	[hbm4b:s7+s11] =	stream.strided.scatter [tilespmem:s28], [sflag:$0x3], $0x1000, s12, s11, $0x38;
	[tilespmem:$0x17C00] =	vst v63  }
0x321: {  	_ =	swait.ge [sflag:s29], $0xE00  }
0x322: {  	[sflag:s29] =	ssyncset.done $0x0  }
0x323: {  	[sflag:s29] =	ssyncadd.s32 $0xFFFFF200  }
0x324: {  	_ =	swait.ge [sflag:s29], $0x2000  }
0x325: {  	[sflag:s29] =	ssyncset.done $0x0  }
0x326: {  	[sflag:s29] =	ssyncadd.s32 $0xFFFFE000  }
0x327: {  	_ =	swait.ge [sflag:s29], $0x2000  }
0x328: {  	[sflag:s29] =	ssyncset.done $0x0  }
0x329: {  	[sflag:s29] =	ssyncadd.s32 $0xFFFFE000  }
0x32a: {  	s3 =	smin.u32 s3, $0x1D;
	_ =	swait.ge [sflag:s29], $0x2000  }
0x32b: {  	s3 =	sshll.u32 s3, $0x9;
	[sflag:s29] =	ssyncset.done $0x0  }
0x32c: {  	s9 =	sadd.s32 $0x400, s3;
	[sflag:s29] =	ssyncadd.s32 $0xFFFFE000  }
0x32d: {  	s8 =	sadd.s32 s6, s9;
	_ =	swait.ge [sflag:s29], $0x2000  }
0x32e: {  	s8 =	sshrl.u32 s8, $0x3;
	[sflag:s29] =	ssyncset.done $0x0  }
0x32f: {  	s8 =	sadd.s32 s5, s8;
	[sflag:s29] =	ssyncadd.s32 $0xFFFFE000  }
0x330: {  	[tilespmem:s13], [sflag:$0x1] =	stream.strided.gather [hbm4b:s8+s11], $0xE00, s12, s11, $0x38;
	[tilespmem:$0x17C00] =	vst v63  }
0x331: {  	_ = 	snop  }
0x332: {  	[tilespmem:s15], [sflag:$0x1] =	stream.indirect.gather [hbm4b:s4+s14], $0x40, s9, s14, $0xb8;
	[tilespmem:$0x17C00] =	vst v63  }
0x333: {  	s8 =	sadd.s32 $0x480, s3  }
0x334: {  	[tilespmem:s16], [sflag:$0x1] =	stream.indirect.gather [hbm4b:s4+s14], $0x40, s8, s14, $0xb8;
	[tilespmem:$0x17C00] =	vst v63  }
0x335: {  	s9 =	sadd.s32 $0x500, s3  }
0x336: {  	[tilespmem:s18], [sflag:$0x1] =	stream.indirect.gather [hbm4b:s4+s14], $0x40, s9, s14, $0xb8;
	[tilespmem:$0x17C00] =	vst v63  }
0x337: {  	s3 =	sadd.s32 $0x580, s3  }
0x338: {  	[tilespmem:s20], [sflag:$0x1] =	stream.indirect.gather [hbm4b:s4+s14], $0x40, s3, s14, $0xb8;
	[tilespmem:$0x17C00] =	vst v63  }
0x339: {  	s3 =	simm.s32 @!p0 $0x4  }
0x33a: {  	_ =	swait.ge @!p0 [sflag:s3], $0x1000  }
0x33b: {  	v24 =	vld [tilespmem:$0x1FE40]  }
0x33c: {  	v23 =	vld [tilespmem:$0x1FED0]  }
0x33d: {  	v19 =	vld [tilespmem:$0x1FEF0]  }
0x33e: {  	v20 =	vld [tilespmem:$0x1FF00]  }
0x33f: {  	v21 =	vld [tilespmem:$0x1FF10]  }
0x340: {  	[sflag:s3] =	ssyncset.done @!p0 $0x0;
	v50 =	vld [tilespmem:$0x1FF20]  }
0x341: {  	v25 =	vlaneseq.u32;
	s7 =	simm.s32 $0x0;
	s8 =	simm.s32 $0x15400;
	v51 =	vld [tilespmem:$0x1FF30];
	[sflag:s3] =	ssyncadd.s32 @!p0 $0xFFFFF000  }
0x342: {  	v0 =	vor.u32 s7, v25;
	v3 =	vld [tilespmem:s8+$0x600]  }
0x343: {  	v16 =	vshll.u32 v0, $0x6;
	v2 =	vld [tilespmem:s8+$0x400]  }
0x344: {  	v4 =	vld [tilespmem:s8+$0x200];
	v5 =	vor.u32 v24, v16  }
0x345: {  	v6 =	vld [tilespmem:s8+$0x0];
	v9 =	vor.u32 v23, v16  }
0x346: {  	v8 =	vld [tilespmem:s8+$0xFFFFFE00];
	v11 =	vor.u32 v19, v16  }
0x347: {  	v12 =	vld [tilespmem:s8+$0xFFFFFA00];
	v14 =	vor.u32 v20, v16  }
0x348: {  	v15 =	vld [tilespmem:s8+$0xFFFFFC00]  }
0x349: {  	v1 =	vand.u32 $0x1F8, v0;
	v0 =	vor.u32 v21, v16;
	v17 =	vor.u32 v50, v16;
	v5 =	vld.idx.msk [tilespmem:v5+s23+$0x0], $0xffff  }
0x34a: {  	v18 =	vor.u32 v51, v16;
	v7 =	vunpack.i.u.bf16.f32 v2;
	v10 =	vunpack.i.l.bf16.f32 v2;
	v9 =	vld.idx.msk [tilespmem:v9+s23+$0x0], $0xffff  }
0x34b: {  	v2 =	vunpack.i.l.bf16.f32 v3;
	v22 =	vunpack.i.u.bf16.f32 v6;
	v13 =	vunpack.i.u.bf16.f32 v4;
	v11 =	vld.idx.msk [tilespmem:v11+s23+$0x0], $0xffff  }
0x34c: {  	v27 =	vunpack.i.l.bf16.f32 v4;
	v28 =	vunpack.i.u.bf16.f32 v8;
	v34 =	vunpack.i.l.bf16.f32 v8;
	v4 =	vld.idx.msk [tilespmem:v14+s23+$0x0], $0xffff  }
0x34d: {  	v29 =	vunpack.i.l.bf16.f32 v6;
	v40 =	vunpack.i.u.bf16.f32 v12;
	v42 =	vunpack.i.l.bf16.f32 v12  }
0x34e: {  	v35 =	vunpack.i.u.bf16.f32 v15;
	v41 =	vunpack.i.l.bf16.f32 v15;
	v6 =	vunpack.i.l.bf16.f32 v5  }
0x34f: {  	v0 =	vld.idx.msk [tilespmem:v0+s23+$0x0], $0xffff;
	v5 =	vunpack.i.u.bf16.f32 v5;
	v8 =	vunpack.i.u.bf16.f32 v9;
	v9 =	vunpack.i.l.bf16.f32 v9  }
0x350: {  	v14 =	vunpack.i.l.bf16.f32 v11;
	v6 =	vmul.f32 v6, v42;
	v5 =	vmul.f32 v5, v40  }
0x351: {  	v15 =	vunpack.i.l.bf16.f32 v4;
	v9 =	vmul.f32 v9, v41;
	v8 =	vmul.f32 v8, v35  }
0x352: {  	v12 =	vld.idx.msk [tilespmem:v17+s23+$0x0], $0xffff;
	v11 =	vunpack.i.u.bf16.f32 v11;
	v4 =	vunpack.i.u.bf16.f32 v4;
	v14 =	vmul.f32 v14, v34  }
0x353: {  	v18 =	vld.idx.msk [tilespmem:v18+s23+$0x0], $0xffff;
	v5 =	vadd.f32 v6, v5;
	v6 =	vadd.f32 v9, v8;
	v8 =	vmul.f32 v11, v28  }
0x354: {  	v4 =	vmul.f32 v4, v22;
	v9 =	vunpack.i.l.bf16.f32 v0;
	v11 =	vmul.f32 v15, v29  }
0x355: {  	v0 =	vunpack.i.u.bf16.f32 v0;
	v5 =	vadd.f32 v6, v5;
	v6 =	vadd.f32 v14, v8  }
0x356: {  	v17 =	vunpack.i.u.bf16.f32 v3;
	v0 =	vmul.f32 v0, v13;
	v8 =	vmul.f32 v9, v27  }
0x357: {  	v9 =	vunpack.i.l.bf16.f32 v12;
	v4 =	vadd.f32 v11, v4;
	v5 =	vadd.f32 v6, v5  }
0x358: {  	v63 =	vld [tilespmem:$0x1FFF0];
	v3 =	vunpack.i.u.bf16.f32 v18;
	v9 =	vmul.f32 v9, v10;
	v6 =	vunpack.i.u.bf16.f32 v12  }
0x359: {  	v0 =	vadd.f32 v8, v0;
	v4 =	vadd.f32 v4, v5;
	v5 =	vmul.f32 v6, v7  }
0x35a: {  	v3 =	vmul.f32 v3, v17;
	v11 =	vunpack.i.l.bf16.f32 v18  }
0x35b: {  	v6 =	vmul.f32 v11, v2;
	v0 =	vadd.f32 v0, v4;
	v4 =	vadd.f32 v9, v5  }
0x35c: {  	v5 =	vor.u32 v59, v1  }
0x35d: {  	v8 =	vor.u32 v63, v16;
	v3 =	vadd.f32 v6, v3;
	v0 =	vadd.f32 v4, v0;
	_ =	sdelay $0x1  }
0x35e: {  	v56 =	vld [tilespmem:$0x1FFD0];
	v0 =	vadd.f32 v3, v0  }
0x35f: {  	v3 =	vor.u32 v62, v16  }
0x360: {  	v4 =	vor.u32 v52, v16;
	[tilespmem:v5+s30+$0x0] =	vst.idx.msk $0xffff, v0  }
0x361: {  	v0 =	vld.idx.msk [tilespmem:v8+s23+$0x0], $0xffff  }
0x362: {  	v55 =	vld [tilespmem:$0x1FF60]  }
0x363: {  	v57 =	vmov v62;
	v6 =	vor.u32 v56, v16;
	v62 =	vld [tilespmem:$0x1FF80]  }
0x364: {  	v3 =	vld.idx.msk [tilespmem:v3+s23+$0x0], $0xffff  }
0x365: {  	v4 =	vld.idx.msk [tilespmem:v4+s23+$0x0], $0xffff  }
0x366: {  	v60 =	vld [tilespmem:$0x1FFC0]  }
0x367: {  	v5 =	vor.u32 v55, v16;
	v11 =	vunpack.i.l.bf16.f32 v0  }
0x368: {  	v6 =	vld.idx.msk [tilespmem:v6+s23+$0x0], $0xffff;
	v8 =	vor.u32 v62, v16;
	v0 =	vunpack.i.u.bf16.f32 v0;
	v11 =	vmul.f32 v11, v42  }
0x369: {  	v0 =	vmul.f32 v0, v40;
	v12 =	vunpack.i.u.bf16.f32 v3;
	v3 =	vunpack.i.l.bf16.f32 v3  }
0x36a: {  	v14 =	vunpack.i.l.bf16.f32 v4;
	v3 =	vmul.f32 v3, v41;
	v12 =	vmul.f32 v12, v35  }
0x36b: {  	v9 =	vor.u32 v60, v16;
	v4 =	vunpack.i.u.bf16.f32 v4;
	v14 =	vmul.f32 v14, v34  }
0x36c: {  	v4 =	vmul.f32 v4, v28;
	v0 =	vadd.f32 v11, v0;
	v5 =	vld.idx.msk [tilespmem:v5+s23+$0x0], $0xffff;
	v3 =	vadd.f32 v3, v12  }
0x36d: {  	v15 =	vunpack.i.l.bf16.f32 v6  }
0x36e: {  	v6 =	vunpack.i.u.bf16.f32 v6;
	v8 =	vld.idx.msk [tilespmem:v8+s23+$0x0], $0xffff;
	v0 =	vadd.f32 v3, v0;
	v3 =	vadd.f32 v14, v4  }
0x36f: {  	v12 =	vmul.f32 v15, v29;
	v4 =	vmul.f32 v6, v22  }
0x370: {  	v9 =	vld.idx.msk [tilespmem:v9+s23+$0x0], $0xffff;
	v0 =	vadd.f32 v3, v0  }
0x371: {  	v3 =	vadd.f32 v12, v4;
	v11 =	vunpack.i.l.bf16.f32 v5;
	v5 =	vunpack.i.u.bf16.f32 v5  }
0x372: {  	v6 =	vmul.f32 v11, v27;
	v4 =	vmul.f32 v5, v13  }
0x373: {  	v11 =	vunpack.i.l.bf16.f32 v8;
	v5 =	vunpack.i.u.bf16.f32 v8;
	v0 =	vadd.f32 v3, v0  }
0x374: {  	v8 =	vmul.f32 v11, v10;
	v3 =	vadd.f32 v6, v4;
	v4 =	vmul.f32 v5, v7  }
0x375: {  	v11 =	vunpack.i.l.bf16.f32 v9;
	v5 =	vunpack.i.u.bf16.f32 v9  }
0x376: {  	v0 =	vadd.f32 v3, v0;
	v3 =	vadd.f32 v8, v4;
	v4 =	vmul.f32 v5, v17;
	v5 =	vld [tilespmem:$0x1FF40]  }
0x377: {  	v6 =	vmul.f32 v11, v2  }
0x378: {  	v8 =	vld [tilespmem:$0x1FF50]  }
0x379: {  	v0 =	vadd.f32 v3, v0;
	v3 =	vadd.f32 v6, v4;
	_ =	sdelay $0x1  }
0x37a: {  	v0 =	vadd.f32 v3, v0;
	v3 =	vld [tilespmem:$0x1FF90];
	v5 =	vor.u32 v5, v1  }
0x37b: {  	v4 =	vld [tilespmem:$0x1FFA0]  }
0x37c: {  	v6 =	vld [tilespmem:$0x1FF70];
	v8 =	vor.u32 v8, v16;
	_ =	sdelay $0x2  }
0x37d: {  	v3 =	vor.u32 v3, v16;
	[tilespmem:v5+s30+$0x0] =	vst.idx.msk $0xffff, v0  }
0x37e: {  	v4 =	vor.u32 v4, v16;
	v5 =	vld [tilespmem:$0x1FFB0]  }
0x37f: {  	v6 =	vor.u32 v6, v16;
	v0 =	vld.idx.msk [tilespmem:v8+s23+$0x0], $0xffff  }
0x380: {  	v8 =	vld [tilespmem:$0x1FE80]  }
0x381: {  	v9 =	vld [tilespmem:$0x1F8D0]  }
0x382: {  	v3 =	vld.idx.msk [tilespmem:v3+s23+$0x0], $0xffff  }
0x383: {  	v4 =	vld.idx.msk [tilespmem:v4+s23+$0x0], $0xffff;
	v5 =	vor.u32 v5, v16  }
0x384: {  	v6 =	vld.idx.msk [tilespmem:v6+s23+$0x0], $0xffff  }
0x385: {  	v8 =	vor.u32 v8, v16;
	v11 =	vunpack.i.l.bf16.f32 v0  }
0x386: {  	v9 =	vor.u32 v9, v16;
	v0 =	vunpack.i.u.bf16.f32 v0;
	v11 =	vmul.f32 v11, v42  }
0x387: {  	v0 =	vmul.f32 v0, v40;
	v12 =	vunpack.i.u.bf16.f32 v3;
	v3 =	vunpack.i.l.bf16.f32 v3  }
0x388: {  	v14 =	vunpack.i.l.bf16.f32 v4;
	v3 =	vmul.f32 v3, v41;
	v12 =	vmul.f32 v12, v35;
	v5 =	vld.idx.msk [tilespmem:v5+s23+$0x0], $0xffff  }
0x389: {  	v15 =	vunpack.i.l.bf16.f32 v6;
	v4 =	vunpack.i.u.bf16.f32 v4;
	v14 =	vmul.f32 v14, v34  }
0x38a: {  	v4 =	vmul.f32 v4, v28;
	v0 =	vadd.f32 v11, v0;
	v8 =	vld.idx.msk [tilespmem:v8+s23+$0x0], $0xffff;
	v3 =	vadd.f32 v3, v12  }
0x38b: {  	v6 =	vunpack.i.u.bf16.f32 v6;
	v12 =	vmul.f32 v15, v29  }
0x38c: {  	v0 =	vadd.f32 v3, v0;
	v3 =	vadd.f32 v14, v4;
	v4 =	vmul.f32 v6, v22  }
0x38d: {  	v9 =	vld.idx.msk [tilespmem:v9+s23+$0x0], $0xffff;
	v11 =	vunpack.i.l.bf16.f32 v5  }
0x38e: {  	v5 =	vunpack.i.u.bf16.f32 v5;
	v0 =	vadd.f32 v3, v0;
	v3 =	vadd.f32 v12, v4  }
0x38f: {  	v6 =	vmul.f32 v11, v27;
	v11 =	vunpack.i.l.bf16.f32 v8;
	v4 =	vmul.f32 v5, v13  }
0x390: {  	v5 =	vunpack.i.u.bf16.f32 v8;
	v8 =	vmul.f32 v11, v10  }
0x391: {  	v0 =	vadd.f32 v3, v0;
	v3 =	vadd.f32 v6, v4;
	v4 =	vmul.f32 v5, v7  }
0x392: {  	v5 =	vunpack.i.u.bf16.f32 v9  }
0x393: {  	v0 =	vadd.f32 v3, v0;
	v3 =	vadd.f32 v8, v4;
	v4 =	vmul.f32 v5, v17;
	v5 =	vld [tilespmem:$0x1F9B0]  }
0x394: {  	v11 =	vunpack.i.l.bf16.f32 v9;
	v9 =	vld [tilespmem:$0x1F950];
	_ =	sdelay $0x3  }
0x395: {  	v30 =	vor.u32 v5, v16;
	v5 =	vld [tilespmem:$0x1F980]  }
0x396: {  	v36 =	vor.u32 v9, v16;
	v9 =	vld [tilespmem:$0x1F970];
	_ =	sdelay $0x3  }
0x397: {  	v32 =	vor.u32 v5, v16;
	v5 =	vld [tilespmem:$0x1FEA0]  }
0x398: {  	v37 =	vor.u32 v9, v16;
	v9 =	vld [tilespmem:$0x1F900];
	_ =	sdelay $0x1  }
0x399: {  	v6 =	vmul.f32 v11, v2;
	_ =	sdelay $0x1  }
0x39a: {  	v0 =	vadd.f32 v3, v0;
	v3 =	vadd.f32 v6, v4;
	v6 =	vld [tilespmem:$0x1F990];
	v5 =	vor.u32 v5, v1  }
0x39b: {  	v11 =	vor.u32 v9, v16;
	v9 =	vld [tilespmem:$0x1F910];
	_ =	sdelay $0x1  }
0x39c: {  	s9 =	simm.s32 $0x10;
	v8 =	vld [tilespmem:$0x1F8F0];
	v0 =	vadd.f32 v3, v0  }
0x39d: {  	v18 =	vor.u32 s9, v25;
	v4 =	vld [tilespmem:$0x1F8E0]  }
0x39e: {  	v45 =	vshll.u32 v18, $0x6;
	v33 =	vor.u32 v6, v16;
	v6 =	vld [tilespmem:$0x1F9A0];
	[tilespmem:v5+s30+$0x0] =	vst.idx.msk $0xffff, v0  }
0x39f: {  	v38 =	vor.u32 v21, v45;
	v21 =	vor.u32 v19, v45;
	v19 =	vor.u32 v9, v16;
	v9 =	vld [tilespmem:$0x1F960];
	_ =	sdelay $0x4  }
0x3a0: {  	v39 =	vor.u32 v9, v16;
	v9 =	vld [tilespmem:$0x1F940];
	_ =	sdelay $0x1  }
0x3a1: {  	v8 =	vor.u32 v8, v16;
	_ =	sdelay $0x2  }
0x3a2: {  	v5 =	vor.u32 v23, v45;
	v23 =	vor.u32 v9, v16;
	v9 =	vld [tilespmem:$0x1FEB0]  }
0x3a3: {  	v4 =	vor.u32 v4, v16  }
0x3a4: {  	v25 =	vld.idx.msk [tilespmem:v8+s23+$0x0], $0xffff  }
0x3a5: {  	s3 =	simm.s32 $0x15410;
	v8 =	vld [tilespmem:$0x1F930]  }
0x3a6: {  	v15 =	vld [tilespmem:s3+$0x0]  }
0x3a7: {  	v43 =	vor.u32 v9, v1;
	v9 =	vld [tilespmem:$0x1F920]  }
0x3a8: {  	v4 =	vld.idx.msk [tilespmem:v4+s23+$0x0], $0xffff;
	_ =	sdelay $0x1  }
0x3a9: {  	v49 =	vld.idx.msk [tilespmem:v19+s23+$0x0], $0xffff;
	v44 =	vor.u32 v8, v16  }
0x3aa: {  	v46 =	vor.u32 v50, v45;
	v47 =	vor.u32 v51, v45;
	v48 =	vld.idx.msk [tilespmem:v11+s23+$0x0], $0xffff  }
0x3ab: {  	v14 =	vunpack.i.u.bf16.f32 v15;
	v0 =	vor.u32 v24, v45;
	v24 =	vor.u32 v9, v16  }
0x3ac: {  	v54 =	vunpack.i.u.bf16.f32 v4;
	v4 =	vunpack.i.l.bf16.f32 v4;
	v58 =	vunpack.i.u.bf16.f32 v25  }
0x3ad: {  	v12 =	vld [tilespmem:s3+$0x200];
	v25 =	vunpack.i.l.bf16.f32 v25;
	v4 =	vmul.f32 v4, v42;
	v50 =	vmul.f32 v54, v40  }
0x3ae: {  	v25 =	vmul.f32 v25, v41;
	v51 =	vmul.f32 v58, v35;
	v53 =	vunpack.i.l.bf16.f32 v49;
	v44 =	vld.idx.msk [tilespmem:v44+s23+$0x0], $0xffff  }
0x3af: {  	v58 =	vmovc v52;
	v52 =	vunpack.i.l.bf16.f32 v48;
	v48 =	vunpack.i.u.bf16.f32 v48;
	v4 =	vadd.f32 v4, v50;
	v54 =	vld.idx.msk [tilespmem:v23+s23+$0x0], $0xffff  }
0x3b0: {  	v52 =	vmul.f32 v52, v34;
	v23 =	vadd.f32 v25, v51;
	v25 =	vmul.f32 v48, v28;
	v24 =	vld.idx.msk [tilespmem:v24+s23+$0x0], $0xffff  }
0x3b1: {  	v15 =	vunpack.i.l.bf16.f32 v15;
	v48 =	vunpack.i.u.bf16.f32 v49;
	v49 =	vmul.f32 v53, v29  }
0x3b2: {  	v0 =	vld.idx.msk [tilespmem:v0+s23+$0x0], $0xffff;
	v4 =	vadd.f32 v23, v4;
	v23 =	vadd.f32 v52, v25;
	v25 =	vmul.f32 v48, v22  }
0x3b3: {  	v3 =	vor.u32 v20, v45;
	v31 =	vor.u32 v6, v16;
	v11 =	vunpack.i.u.bf16.f32 v12  }
0x3b4: {  	v51 =	vld [tilespmem:s3+$0xFFFFFA00];
	v4 =	vadd.f32 v23, v4;
	v23 =	vadd.f32 v49, v25;
	v25 =	vunpack.i.u.bf16.f32 v44  }
0x3b5: {  	v25 =	vmul.f32 v25, v7;
	v50 =	vunpack.i.l.bf16.f32 v24;
	v24 =	vunpack.i.u.bf16.f32 v24  }
0x3b6: {  	v52 =	vld [tilespmem:s3+$0xFFFFFC00];
	v49 =	vunpack.i.l.bf16.f32 v54;
	v48 =	vmul.f32 v50, v27;
	v24 =	vmul.f32 v24, v13  }
0x3b7: {  	v53 =	vunpack.i.u.bf16.f32 v54;
	v54 =	vunpack.i.l.bf16.f32 v0;
	v50 =	vunpack.i.l.bf16.f32 v44  }
0x3b8: {  	v5 =	vld.idx.msk [tilespmem:v5+s23+$0x0], $0xffff;
	v4 =	vadd.f32 v23, v4;
	v44 =	vmul.f32 v50, v10;
	v24 =	vadd.f32 v48, v24  }
0x3b9: {  	v3 =	vld.idx.msk [tilespmem:v3+s23+$0x0], $0xffff;
	v0 =	vunpack.i.u.bf16.f32 v0;
	v23 =	vunpack.i.u.bf16.f32 v51;
	v49 =	vmul.f32 v49, v2  }
0x3ba: {  	v20 =	vld [tilespmem:s3+$0xFFFFFE00];
	v48 =	vmul.f32 v53, v17;
	v44 =	vadd.f32 v44, v25;
	v4 =	vadd.f32 v24, v4  }
0x3bb: {  	v0 =	vmul.f32 v0, v23;
	v50 =	vld.idx.msk [tilespmem:v21+s23+$0x0], $0xffff;
	v21 =	vunpack.i.l.bf16.f32 v52;
	v25 =	vunpack.i.l.bf16.f32 v51  }
0x3bc: {  	v24 =	vunpack.i.u.bf16.f32 v52;
	v52 =	vadd.f32 v49, v48;
	v4 =	vadd.f32 v44, v4  }
0x3bd: {  	v53 =	vunpack.i.u.bf16.f32 v5;
	v5 =	vunpack.i.l.bf16.f32 v5;
	v48 =	vmul.f32 v54, v25  }
0x3be: {  	v6 =	vld [tilespmem:s3+$0x400];
	v54 =	vunpack.i.l.bf16.f32 v3;
	v3 =	vunpack.i.u.bf16.f32 v3;
	v4 =	vadd.f32 v52, v4  }
0x3bf: {  	v38 =	vld.idx.msk [tilespmem:v38+s23+$0x0], $0xffff;
	v19 =	vunpack.i.u.bf16.f32 v20;
	v5 =	vmul.f32 v5, v21;
	v3 =	vmul.f32 v3, v14  }
0x3c0: {  	v20 =	vunpack.i.l.bf16.f32 v20;
	v44 =	vld.idx.msk [tilespmem:v46+s23+$0x0], $0xffff;
	v46 =	vmul.f32 v53, v24;
	v49 =	vunpack.i.l.bf16.f32 v50;
	[tilespmem:v43+s30+$0x0] =	vst.idx.msk $0xffff, v4  }
0x3c1: {  	v50 =	vunpack.i.u.bf16.f32 v50;
	v0 =	vadd.f32 v48, v0;
	v52 =	vmul.f32 v54, v15;
	v36 =	vld.idx.msk [tilespmem:v36+s23+$0x0], $0xffff  }
0x3c2: {  	v49 =	vmul.f32 v49, v20;
	v4 =	vadd.f32 v5, v46;
	v5 =	vmul.f32 v50, v19;
	v39 =	vld.idx.msk [tilespmem:v39+s23+$0x0], $0xffff  }
0x3c3: {  	v12 =	vunpack.i.l.bf16.f32 v12;
	v9 =	vunpack.i.l.bf16.f32 v6;
	v3 =	vadd.f32 v52, v3;
	v37 =	vld.idx.msk [tilespmem:v37+s23+$0x0], $0xffff  }
0x3c4: {  	v50 =	vunpack.i.l.bf16.f32 v38;
	v30 =	vld.idx.msk [tilespmem:v30+s23+$0x0], $0xffff;
	v0 =	vadd.f32 v4, v0;
	v4 =	vadd.f32 v49, v5  }
0x3c5: {  	v53 =	vunpack.i.l.bf16.f32 v44;
	v5 =	vunpack.i.u.bf16.f32 v38;
	v38 =	vmul.f32 v50, v12  }
0x3c6: {  	v43 =	vmul.f32 v53, v9;
	v0 =	vadd.f32 v4, v0;
	v4 =	vmul.f32 v5, v11  }
0x3c7: {  	v33 =	vld.idx.msk [tilespmem:v33+s23+$0x0], $0xffff;
	v54 =	vunpack.i.u.bf16.f32 v36;
	v36 =	vunpack.i.l.bf16.f32 v36;
	v52 =	vunpack.i.u.bf16.f32 v39  }
0x3c8: {  	v39 =	vunpack.i.l.bf16.f32 v39;
	v53 =	vunpack.i.l.bf16.f32 v37;
	v37 =	vunpack.i.u.bf16.f32 v37  }
0x3c9: {  	v5 =	vld.idx.msk [tilespmem:v32+s23+$0x0], $0xffff;
	v50 =	vunpack.i.l.bf16.f32 v30;
	v36 =	vmul.f32 v36, v42;
	v46 =	vmul.f32 v54, v40  }
0x3ca: {  	v0 =	vadd.f32 v3, v0;
	v39 =	vmul.f32 v39, v41;
	v48 =	vmul.f32 v52, v35  }
0x3cb: {  	v3 =	vunpack.i.u.bf16.f32 v30;
	v49 =	vmul.f32 v53, v34;
	v37 =	vmul.f32 v37, v28  }
0x3cc: {  	v52 =	vunpack.i.l.bf16.f32 v33;
	v33 =	vunpack.i.u.bf16.f32 v33;
	v30 =	vmul.f32 v50, v2  }
0x3cd: {  	v31 =	vld.idx.msk [tilespmem:v31+s23+$0x0], $0xffff;
	v3 =	vmul.f32 v3, v17;
	v36 =	vadd.f32 v36, v46;
	v39 =	vadd.f32 v39, v48  }
0x3ce: {  	v54 =	vunpack.i.l.bf16.f32 v5;
	v5 =	vunpack.i.u.bf16.f32 v5;
	v37 =	vadd.f32 v49, v37  }
0x3cf: {  	v46 =	vmul.f32 v54, v29;
	v5 =	vmul.f32 v5, v22;
	v36 =	vadd.f32 v39, v36  }
0x3d0: {  	v26 =	vld [tilespmem:s3+$0x600];
	v53 =	vmul.f32 v52, v27;
	v33 =	vmul.f32 v33, v13;
	v3 =	vadd.f32 v30, v3  }
0x3d1: {  	v51 =	vld [tilespmem:$0x1FEE0];
	v5 =	vadd.f32 v46, v5;
	v36 =	vadd.f32 v37, v36  }
0x3d2: {  	v30 =	vld [tilespmem:$0x1F9C0];
	v54 =	vunpack.i.l.bf16.f32 v31;
	v31 =	vunpack.i.u.bf16.f32 v31;
	v33 =	vadd.f32 v53, v33  }
0x3d3: {  	v47 =	vld.idx.msk [tilespmem:v47+s23+$0x0], $0xffff;
	v49 =	vmul.f32 v54, v10;
	v31 =	vmul.f32 v31, v7;
	v5 =	vadd.f32 v5, v36  }
0x3d4: {  	v8 =	vunpack.i.u.bf16.f32 v6  }
0x3d5: {  	v6 =	vunpack.i.l.bf16.f32 v26;
	v52 =	vld [tilespmem:$0x1F9D0];
	v31 =	vadd.f32 v49, v31;
	v5 =	vadd.f32 v33, v5  }
0x3d6: {  	v32 =	vunpack.i.u.bf16.f32 v44;
	v4 =	vadd.f32 v38, v4;
	v33 =	vor.u32 v51, v1  }
0x3d7: {  	v32 =	vmul.f32 v32, v8;
	v30 =	vor.u32 v30, v16;
	v5 =	vadd.f32 v31, v5  }
0x3d8: {  	v26 =	vunpack.i.u.bf16.f32 v26;
	v44 =	vunpack.i.l.bf16.f32 v47;
	v0 =	vadd.f32 v4, v0  }
0x3d9: {  	v4 =	vadd.f32 v43, v32;
	v31 =	vunpack.i.u.bf16.f32 v47;
	v3 =	vadd.f32 v3, v5  }
0x3da: {  	v53 =	vmul.f32 v44, v6;
	v36 =	vor.u32 v52, v16;
	v5 =	vmul.f32 v31, v26  }
0x3db: {  	v31 =	vld [tilespmem:$0x1F9E0];
	[tilespmem:v33+s30+$0x0] =	vst.idx.msk $0xffff, v3  }
0x3dc: {  	v0 =	vadd.f32 v4, v0;
	v4 =	vadd.f32 v53, v5;
	v5 =	vld.idx.msk [tilespmem:v30+s23+$0x0], $0xffff  }
0x3dd: {  	v30 =	vld [tilespmem:$0x1F9F0];
	_ =	sdelay $0x1  }
0x3de: {  	v47 =	vld.idx.msk [tilespmem:v36+s23+$0x0], $0xffff  }
0x3df: {  	v33 =	vld [tilespmem:$0x1FA10]  }
0x3e0: {  	v46 =	vor.u32 v58, v45;
	v58 =	vld [tilespmem:$0x1FA20];
	v54 =	vor.u32 v31, v16  }
0x3e1: {  	v3 =	vor.u32 v63, v45;
	v63 =	vor.u32 v30, v16;
	v30 =	vld [tilespmem:$0x1FAE0]  }
0x3e2: {  	v39 =	vor.u32 v55, v45;
	v55 =	vld [tilespmem:$0x1FAB0]  }
0x3e3: {  	v43 =	vor.u32 v56, v45;
	v56 =	vld [tilespmem:$0x1FEC0]  }
0x3e4: {  	v0 =	vadd.f32 v4, v0;
	v4 =	vor.u32 v57, v45;
	v57 =	vld [tilespmem:$0x1FA40];
	v50 =	vor.u32 v33, v16  }
0x3e5: {  	v18 =	vand.u32 $0x1F8, v18;
	v51 =	vor.u32 v58, v16;
	v49 =	vld.idx.msk [tilespmem:v54+s23+$0x0], $0xffff  }
0x3e6: {  	v48 =	vor.u32 v59, v18;
	v32 =	vor.u32 v30, v16;
	v30 =	vld [tilespmem:$0x1FB10]  }
0x3e7: {  	v54 =	vld [tilespmem:$0x1FAA0]  }
0x3e8: {  	v61 =	vlaneseq.u32;
	v44 =	vld.idx.msk [tilespmem:v63+s23+$0x0], $0xffff  }
0x3e9: {  	v33 =	vor.u32 v55, v16;
	v63 =	vunpack.i.u.bf16.f32 v47;
	v47 =	vunpack.i.l.bf16.f32 v47;
	v50 =	vld.idx.msk [tilespmem:v50+s23+$0x0], $0xffff  }
0x3ea: {  	v38 =	vor.u32 v56, v1;
	v59 =	vunpack.i.u.bf16.f32 v5;
	v51 =	vld.idx.msk [tilespmem:v51+s23+$0x0], $0xffff;
	v52 =	vmul.f32 v47, v41  }
0x3eb: {  	v5 =	vunpack.i.l.bf16.f32 v5;
	v53 =	vmul.f32 v63, v35;
	v31 =	vor.u32 v30, v16;
	v30 =	vld [tilespmem:$0x1FB20];
	[tilespmem:v48+s30+$0x0] =	vst.idx.msk $0xffff, v0  }
0x3ec: {  	v37 =	vor.u32 v57, v16;
	v0 =	vmul.f32 v5, v42;
	v5 =	vmul.f32 v59, v40;
	v59 =	vld [tilespmem:$0x1FA00]  }
0x3ed: {  	v36 =	vor.u32 v54, v16;
	v54 =	vunpack.i.l.bf16.f32 v49;
	v49 =	vunpack.i.u.bf16.f32 v49;
	v58 =	vld.idx.msk [tilespmem:v43+s23+$0x0], $0xffff  }
0x3ee: {  	v56 =	vmul.f32 v49, v28;
	v48 =	vmul.f32 v54, v34;
	v55 =	vld [tilespmem:$0x1FA50];
	v43 =	vor.u32 v60, v45  }
0x3ef: {  	v57 =	vld.idx.msk [tilespmem:v39+s23+$0x0], $0xffff;
	v60 =	vunpack.i.l.bf16.f32 v44;
	v0 =	vadd.f32 v0, v5;
	v5 =	vadd.f32 v52, v53  }
0x3f0: {  	v63 =	vunpack.i.u.bf16.f32 v44;
	v54 =	vunpack.i.u.bf16.f32 v50;
	v3 =	vld.idx.msk [tilespmem:v3+s23+$0x0], $0xffff;
	v47 =	vmul.f32 v60, v29  }
0x3f1: {  	v52 =	vld.idx.msk [tilespmem:v46+s23+$0x0], $0xffff;
	v46 =	vmul.f32 v54, v13;
	v0 =	vadd.f32 v5, v0;
	v49 =	vor.u32 v59, v16  }
0x3f2: {  	v5 =	vadd.f32 v48, v56;
	v48 =	vmul.f32 v63, v22;
	v56 =	vunpack.i.l.bf16.f32 v51  }
0x3f3: {  	v30 =	vor.u32 v30, v16;
	v63 =	vmul.f32 v56, v10;
	v39 =	vor.u32 v55, v16  }
0x3f4: {  	v4 =	vld.idx.msk [tilespmem:v4+s23+$0x0], $0xffff;
	v44 =	vunpack.i.l.bf16.f32 v58;
	v0 =	vadd.f32 v5, v0;
	v5 =	vunpack.i.l.bf16.f32 v50  }
0x3f5: {  	v60 =	vunpack.i.l.bf16.f32 v57;
	v47 =	vadd.f32 v47, v48;
	v5 =	vmul.f32 v5, v27  }
0x3f6: {  	v59 =	vor.u32 v62, v45;
	v55 =	vunpack.i.l.bf16.f32 v3;
	v62 =	vunpack.i.u.bf16.f32 v51;
	v50 =	vld.idx.msk [tilespmem:v49+s23+$0x0], $0xffff  }
0x3f7: {  	v3 =	vunpack.i.u.bf16.f32 v3;
	v0 =	vadd.f32 v47, v0;
	v5 =	vadd.f32 v5, v46  }
0x3f8: {  	v47 =	vmul.f32 v55, v25;
	v46 =	vunpack.i.u.bf16.f32 v52;
	v49 =	vmul.f32 v62, v7  }
0x3f9: {  	v53 =	vadd.f32 v5, v0;
	v0 =	vunpack.i.u.bf16.f32 v4;
	v4 =	vunpack.i.l.bf16.f32 v4  }
0x3fa: {  	v51 =	vmul.f32 v0, v24;
	v55 =	vadd.f32 v63, v49;
	v49 =	vmul.f32 v3, v23  }
0x3fb: {  	v5 =	vunpack.i.l.bf16.f32 v50;
	v3 =	vunpack.i.u.bf16.f32 v50;
	v50 =	vmul.f32 v4, v21  }
0x3fc: {  	s7 =	simm.s32 $0x20;
	v52 =	vunpack.i.l.bf16.f32 v52;
	v48 =	vld.idx.msk [tilespmem:v59+s23+$0x0], $0xffff;
	v54 =	vmul.f32 v5, v2;
	v56 =	vmul.f32 v3, v17  }
.LBB2_5:
0x3fd: {  	v0 =	vmul.f32 v52, v20  }
0x3fe: {  	v46 =	vmul.f32 v46, v19;
	v4 =	vadd.f32 v55, v53;
	v5 =	vadd.f32 v54, v56  }
0x3ff: {  	v3 =	vld.idx.msk [tilespmem:v43+s23+$0x0], $0xffff;
	v44 =	vmul.f32 v44, v15;
	v54 =	vadd.f32 v47, v49;
	v55 =	vadd.f32 v50, v51  }
0x400: {  	v59 =	vunpack.i.u.bf16.f32 v57;
	v57 =	vld [tilespmem:$0x1FFA0];
	v56 =	vunpack.i.u.bf16.f32 v58;
	v4 =	vadd.f32 v5, v4  }
0x401: {  	v0 =	vadd.f32 v0, v46;
	v58 =	vmul.f32 v56, v14;
	v56 =	vld [tilespmem:$0x1FF50];
	v5 =	vadd.f32 v55, v54  }
0x402: {  	v62 =	vmul.f32 v60, v12;
	v55 =	vld [tilespmem:$0x1FFB0];
	v63 =	vunpack.i.l.bf16.f32 v48;
	v51 =	vunpack.i.u.bf16.f32 v48;
	[tilespmem:v38+s30+$0x0] =	vst.idx.msk $0xffff, v4  }
0x403: {  	v0 =	vadd.f32 v0, v5;
	v4 =	vadd.f32 v44, v58;
	v5 =	vmul.f32 v59, v11;
	v37 =	vld.idx.msk [tilespmem:v37+s23+$0x0], $0xffff  }
0x404: {  	v52 =	vmul.f32 v63, v9;
	v53 =	vunpack.i.l.bf16.f32 v3;
	v3 =	vunpack.i.u.bf16.f32 v3;
	v39 =	vld.idx.msk [tilespmem:v39+s23+$0x0], $0xffff  }
0x405: {  	v36 =	vld.idx.msk [tilespmem:v36+s23+$0x0], $0xffff;
	v0 =	vadd.f32 v4, v0;
	v4 =	vadd.f32 v62, v5;
	v5 =	vmul.f32 v51, v8  }
0x406: {  	v54 =	vmul.f32 v53, v6;
	v3 =	vmul.f32 v3, v26;
	v32 =	vld.idx.msk [tilespmem:v32+s23+$0x0], $0xffff  }
0x407: {  	v43 =	vor.u32 v57, v45;
	v31 =	vld.idx.msk [tilespmem:v31+s23+$0x0], $0xffff;
	v0 =	vadd.f32 v4, v0;
	v4 =	vadd.f32 v52, v5  }
0x408: {  	v44 =	vor.u32 v55, v45;
	v3 =	vadd.f32 v54, v3;
	v5 =	vld.idx.msk [tilespmem:v33+s23+$0x0], $0xffff;
	v33 =	vor.u32 v56, v45  }
0x409: {  	v30 =	vld.idx.msk [tilespmem:v30+s23+$0x0], $0xffff;
	v0 =	vadd.f32 v4, v0;
	v59 =	vunpack.i.u.bf16.f32 v37;
	v37 =	vunpack.i.l.bf16.f32 v37  }
0x40a: {  	v60 =	vunpack.i.u.bf16.f32 v39;
	v39 =	vunpack.i.l.bf16.f32 v39;
	v62 =	vunpack.i.l.bf16.f32 v36  }
0x40b: {  	v36 =	vunpack.i.u.bf16.f32 v36;
	v53 =	vunpack.i.l.bf16.f32 v32;
	v37 =	vmul.f32 v37, v42  }
0x40c: {  	v32 =	vunpack.i.u.bf16.f32 v32;
	v38 =	vmul.f32 v59, v40;
	v39 =	vmul.f32 v39, v41  }
0x40d: {  	v55 =	vunpack.i.l.bf16.f32 v31;
	v47 =	vmul.f32 v60, v35;
	v48 =	vmul.f32 v62, v34  }
0x40e: {  	v57 =	vunpack.i.l.bf16.f32 v30;
	v36 =	vmul.f32 v36, v28;
	v54 =	vmul.f32 v53, v27  }
0x40f: {  	v32 =	vmul.f32 v32, v13;
	v37 =	vadd.f32 v37, v38;
	v51 =	vadd.f32 v39, v47  }
0x410: {  	v63 =	vunpack.i.l.bf16.f32 v5;
	v5 =	vunpack.i.u.bf16.f32 v5;
	v36 =	vadd.f32 v48, v36  }
0x411: {  	v52 =	vmul.f32 v63, v29;
	v5 =	vmul.f32 v5, v22;
	v37 =	vadd.f32 v51, v37  }
0x412: {  	v0 =	vadd.f32 v3, v0;
	v3 =	vunpack.i.u.bf16.f32 v30;
	v30 =	vmul.f32 v57, v2  }
0x413: {  	v3 =	vmul.f32 v3, v17;
	v5 =	vadd.f32 v52, v5;
	v36 =	vadd.f32 v36, v37  }
0x414: {  	v4 =	vld [tilespmem:$0x1FF40];
	v31 =	vunpack.i.u.bf16.f32 v31;
	v56 =	vmul.f32 v55, v10;
	v32 =	vadd.f32 v54, v32  }
0x415: {  	v31 =	vmul.f32 v31, v7;
	v3 =	vadd.f32 v30, v3;
	v30 =	vld [tilespmem:$0x1FAD0];
	v5 =	vadd.f32 v5, v36;
	_ =	sdelay $0x1  }
0x416: {  	v31 =	vadd.f32 v56, v31;
	v5 =	vadd.f32 v32, v5;
	_ =	sdelay $0x1  }
0x417: {  	v5 =	vadd.f32 v31, v5  }
0x418: {  	v4 =	vor.u32 v4, v18;
	v31 =	vor.u32 v30, v16;
	v30 =	vor.u32 s7, v61  }
0x419: {  	v60 =	vand.u32 $0x1F8, v30;
	v3 =	vadd.f32 v3, v5;
	v5 =	vshll.u32 v30, $0x6;
	v30 =	vld [tilespmem:$0x1FA90];
	_ =	sdelay $0x2  }
0x41a: {  	v58 =	vld [tilespmem:$0x1FF70]  }
0x41b: {  	[tilespmem:v4+s30+$0x0] =	vst.idx.msk $0xffff, v0;
	v4 =	vld [tilespmem:$0x1FE90]  }
0x41c: {  	v62 =	vor.u32 v30, v16;
	v30 =	vld [tilespmem:$0x1FE70];
	_ =	sdelay $0x1  }
0x41d: {  	v0 =	vld [tilespmem:$0x1FF90]  }
0x41e: {  	v53 =	vld.idx.msk [tilespmem:v44+s23+$0x0], $0xffff  }
0x41f: {  	v46 =	vor.u32 v58, v45;
	v44 =	vld.idx.msk [tilespmem:v43+s23+$0x0], $0xffff  }
0x420: {  	v4 =	vor.u32 v4, v1;
	v43 =	vor.u32 v30, v1;
	v1 =	vmov v18;
	v18 =	vld [tilespmem:$0x1F9B0];
	_ =	sdelay $0x1  }
0x421: {  	v0 =	vor.u32 v0, v45  }
0x422: {  	v58 =	vld [tilespmem:$0x1FAF0]  }
0x423: {  	v55 =	vld.idx.msk [tilespmem:v46+s23+$0x0], $0xffff  }
0x424: {  	v30 =	vor.u32 v18, v45;
	v18 =	vld [tilespmem:$0x1FA80]  }
0x425: {  	v61 =	vld.idx.msk [tilespmem:v33+s23+$0x0], $0xffff  }
0x426: {  	v0 =	vld.idx.msk [tilespmem:v0+s23+$0x0], $0xffff  }
0x427: {  	[tilespmem:v4+s30+$0x0] =	vst.idx.msk $0xffff, v3;
	v3 =	vld [tilespmem:$0x1FAC0]  }
0x428: {  	v4 =	vld [tilespmem:$0x1FA70]  }
0x429: {  	v49 =	vor.u32 v18, v16;
	v18 =	vld [tilespmem:$0x1FA60];
	_ =	sdelay $0x3  }
0x42a: {  	v59 =	vor.u32 v58, v16  }
0x42b: {  	v3 =	vor.u32 v3, v16;
	v4 =	vor.u32 v4, v16;
	v50 =	vor.u32 v18, v16;
	v16 =	vld [tilespmem:$0x1F980];
	_ =	sdelay $0x4  }
0x42c: {  	v33 =	vor.u32 v16, v45;
	v16 =	vld [tilespmem:$0x1F990];
	_ =	sdelay $0x4  }
0x42d: {  	v32 =	vor.u32 v16, v45;
	v16 =	vld [tilespmem:$0x1F9A0];
	_ =	sdelay $0x3  }
0x42e: {  	v48 =	vld.idx.msk [tilespmem:v31+s23+$0x0], $0xffff  }
0x42f: {  	v31 =	vor.u32 v16, v45;
	v16 =	vld [tilespmem:$0x1F8D0];
	_ =	sdelay $0x4  }
0x430: {  	v52 =	vor.u32 v16, v45;
	v16 =	vld [tilespmem:$0x1F950];
	_ =	sdelay $0x4  }
0x431: {  	v37 =	vor.u32 v16, v45;
	v16 =	vld [tilespmem:$0x1F970];
	_ =	sdelay $0x4  }
0x432: {  	v36 =	vor.u32 v16, v45;
	v16 =	vld [tilespmem:$0x1FF00];
	_ =	sdelay $0x4  }
0x433: {  	v39 =	vor.u32 v16, v5;
	v16 =	vld [tilespmem:$0x1FF10];
	_ =	sdelay $0x4  }
0x434: {  	v54 =	vor.u32 v16, v5;
	v16 =	vld [tilespmem:$0x1FE80];
	_ =	sdelay $0x2  }
0x435: {  	v51 =	vld.idx.msk [tilespmem:v59+s23+$0x0], $0xffff  }
0x436: {  	v47 =	vld.idx.msk [tilespmem:v62+s23+$0x0], $0xffff  }
0x437: {  	v56 =	vor.u32 v16, v45;
	v16 =	vld [tilespmem:$0x1FEF0];
	_ =	sdelay $0x2  }
0x438: {  	v57 =	vunpack.i.l.bf16.f32 v55;
	v58 =	vunpack.i.l.bf16.f32 v53;
	v46 =	vunpack.i.l.bf16.f32 v61  }
0x439: {  	v46 =	vmul.f32 v46, v25;
	v62 =	vunpack.i.u.bf16.f32 v51;
	v63 =	vunpack.i.l.bf16.f32 v51;
	v3 =	vld.idx.msk [tilespmem:v3+s23+$0x0], $0xffff  }
0x43a: {  	v51 =	vmul.f32 v62, v35;
	v62 =	vunpack.i.l.bf16.f32 v47;
	v38 =	vor.u32 v16, v5  }
0x43b: {  	v49 =	vld.idx.msk [tilespmem:v49+s23+$0x0], $0xffff;
	v16 =	vmovc v45;
	v45 =	vmovc v5;
	v5 =	vunpack.i.u.bf16.f32 v61;
	v61 =	vunpack.i.u.bf16.f32 v48;
	v48 =	vunpack.i.l.bf16.f32 v48  }
0x43c: {  	v35 =	vmovc v24;
	v24 =	vunpack.i.u.bf16.f32 v47;
	v18 =	vmovc v60;
	v60 =	vunpack.i.u.bf16.f32 v0;
	v48 =	vmul.f32 v48, v42  }
0x43d: {  	v0 =	vunpack.i.l.bf16.f32 v0;
	v50 =	vld.idx.msk [tilespmem:v50+s23+$0x0], $0xffff;
	v61 =	vmul.f32 v61, v40;
	v40 =	vmovc v23;
	v23 =	vmul.f32 v63, v41  }
0x43e: {  	v4 =	vld.idx.msk [tilespmem:v4+s23+$0x0], $0xffff;
	v42 =	vmovc v25;
	v25 =	vmul.f32 v62, v34;
	v63 =	vunpack.i.l.bf16.f32 v3;
	v34 =	vmovc v20;
	v3 =	vunpack.i.u.bf16.f32 v3  }
0x43f: {  	v41 =	vmovc v21;
	v20 =	vadd.f32 v48, v61;
	v21 =	vadd.f32 v23, v51;
	v23 =	vmul.f32 v24, v28  }
0x440: {  	v3 =	vmul.f32 v3, v22;
	v22 =	vmovc v14;
	v14 =	vunpack.i.u.bf16.f32 v49;
	v5 =	vmul.f32 v5, v40;
	v28 =	vmovc v19  }
0x441: {  	v19 =	vmul.f32 v63, v29;
	v29 =	vmovc v15;
	v15 =	vadd.f32 v21, v20;
	v20 =	vadd.f32 v25, v23  }
0x442: {  	v24 =	vunpack.i.l.bf16.f32 v49;
	v14 =	vmul.f32 v14, v13;
	v13 =	vmovc v11;
	v11 =	vunpack.i.u.bf16.f32 v50  }
0x443: {  	v21 =	vmul.f32 v24, v27;
	v27 =	vmovc v12;
	v3 =	vadd.f32 v19, v3;
	v12 =	vadd.f32 v20, v15  }
0x444: {  	v11 =	vmul.f32 v11, v7;
	v23 =	vunpack.i.l.bf16.f32 v50;
	v19 =	vunpack.i.l.bf16.f32 v4  }
0x445: {  	v15 =	vmul.f32 v23, v10;
	v10 =	vmovc v9;
	v9 =	vadd.f32 v21, v14;
	v3 =	vadd.f32 v3, v12  }
0x446: {  	v0 =	vmul.f32 v0, v41;
	v7 =	vmovc v8;
	v4 =	vunpack.i.u.bf16.f32 v4;
	v8 =	vmul.f32 v19, v2  }
0x447: {  	v4 =	vmul.f32 v4, v17;
	v3 =	vadd.f32 v9, v3;
	v9 =	vadd.f32 v15, v11  }
0x448: {  	v59 =	vunpack.i.u.bf16.f32 v44;
	v5 =	vadd.f32 v46, v5;
	v2 =	vmovc v6;
	v6 =	vld.idx.msk [tilespmem:v56+s23+$0x0], $0xffff;
	v11 =	vmul.f32 v60, v35  }
0x449: {  	v4 =	vadd.f32 v8, v4;
	v12 =	vunpack.i.l.bf16.f32 v44;
	v3 =	vadd.f32 v9, v3  }
0x44a: {  	v8 =	vmul.f32 v59, v28;
	v12 =	vmul.f32 v12, v34;
	v0 =	vadd.f32 v0, v11  }
0x44b: {  	v9 =	vunpack.i.u.bf16.f32 v55;
	v11 =	vmul.f32 v57, v29;
	v3 =	vadd.f32 v4, v3  }
0x44c: {  	s3 =	sadd.s32 $0x10, s3;
	v0 =	vadd.f32 v0, v5;
	v4 =	vadd.f32 v12, v8;
	v5 =	vmul.f32 v9, v22  }
0x44d: {  	v17 =	vmovc v26;
	v26 =	vld [tilespmem:s3+$0x600];
	v8 =	vunpack.i.u.bf16.f32 v53;
	v9 =	vmul.f32 v58, v27;
	v12 =	vunpack.i.l.bf16.f32 v6  }
0x44e: {  	v14 =	vld.idx.msk [tilespmem:v52+s23+$0x0], $0xffff;
	v0 =	vadd.f32 v4, v0;
	v4 =	vadd.f32 v11, v5;
	v5 =	vmul.f32 v8, v13  }
0x44f: {  	v6 =	vunpack.i.u.bf16.f32 v6;
	[tilespmem:v43+s30+$0x0] =	vst.idx.msk $0xffff, v3;
	v8 =	vmul.f32 v12, v10;
	v12 =	vld [tilespmem:$0x1F960]  }
0x450: {  	v0 =	vadd.f32 v4, v0;
	v4 =	vadd.f32 v9, v5;
	v5 =	vmul.f32 v6, v7;
	v6 =	vld [tilespmem:$0x1FE40]  }
0x451: {  	v3 =	vld [tilespmem:s3+$0x400]  }
0x452: {  	v15 =	vld [tilespmem:s3+$0x200]  }
0x453: {  	v21 =	vld [tilespmem:s3+$0x0]  }
0x454: {  	v20 =	vld [tilespmem:s3+$0xFFFFFE00]  }
0x455: {  	v11 =	vunpack.i.l.bf16.f32 v14;
	v24 =	vld [tilespmem:s3+$0xFFFFFA00];
	v6 =	vor.u32 v6, v45  }
0x456: {  	v11 =	vmul.f32 v11, v2;
	v44 =	vld [tilespmem:s3+$0xFFFFFC00];
	v9 =	vunpack.i.u.bf16.f32 v14  }
0x457: {  	v0 =	vadd.f32 v4, v0;
	v4 =	vadd.f32 v8, v5;
	v5 =	vmul.f32 v9, v17;
	v8 =	vld [tilespmem:$0x1FED0]  }
0x458: {  	v9 =	vld [tilespmem:$0x1FEA0]  }
0x459: {  	v0 =	vadd.f32 v4, v0;
	v4 =	vadd.f32 v11, v5;
	v11 =	vld [tilespmem:$0x1F8F0]  }
0x45a: {  	v61 =	vld.idx.msk [tilespmem:v6+s23+$0x0], $0xffff  }
0x45b: {  	v6 =	vld [tilespmem:$0x1FF60]  }
0x45c: {  	v5 =	vld [tilespmem:$0x1F8E0]  }
0x45d: {  	v48 =	vld.idx.msk [tilespmem:v38+s23+$0x0], $0xffff  }
0x45e: {  	v19 =	vor.u32 v11, v16;
	v11 =	vld [tilespmem:$0x1F940]  }
0x45f: {  	v0 =	vadd.f32 v4, v0;
	v4 =	vld [tilespmem:$0x1F920];
	v8 =	vor.u32 v8, v45  }
0x460: {  	v9 =	vor.u32 v9, v1;
	v38 =	vor.u32 v6, v45;
	v6 =	vld [tilespmem:$0x1F900]  }
0x461: {  	v43 =	vld.idx.msk [tilespmem:v54+s23+$0x0], $0xffff;
	v5 =	vor.u32 v5, v16  }
0x462: {  	v46 =	vld.idx.msk [tilespmem:v39+s23+$0x0], $0xffff  }
0x463: {  	v47 =	vor.u32 v11, v16;
	v11 =	vld [tilespmem:$0x1FEB0]  }
0x464: {  	v60 =	vld.idx.msk [tilespmem:v8+s23+$0x0], $0xffff  }
0x465: {  	v4 =	vor.u32 v4, v16;
	[tilespmem:v9+s30+$0x0] =	vst.idx.msk $0xffff, v0;
	v62 =	vor.u32 v6, v16;
	v6 =	vld [tilespmem:$0x1F910]  }
0x466: {  	v53 =	vor.u32 v12, v16;
	v14 =	vunpack.i.u.bf16.f32 v21;
	v12 =	vunpack.i.l.bf16.f32 v15;
	v0 =	vld.idx.msk [tilespmem:v5+s23+$0x0], $0xffff  }
0x467: {  	v23 =	vunpack.i.u.bf16.f32 v24;
	v8 =	vunpack.i.u.bf16.f32 v3;
	v9 =	vunpack.i.l.bf16.f32 v3;
	v3 =	vld.idx.msk [tilespmem:v19+s23+$0x0], $0xffff  }
0x468: {  	v25 =	vunpack.i.l.bf16.f32 v24;
	v24 =	vunpack.i.u.bf16.f32 v44;
	v39 =	vor.u32 v11, v1;
	v11 =	vld [tilespmem:$0x1F930]  }
0x469: {  	v58 =	vunpack.i.u.bf16.f32 v48;
	v48 =	vunpack.i.l.bf16.f32 v48;
	v19 =	vunpack.i.u.bf16.f32 v20  }
0x46a: {  	v57 =	vunpack.i.u.bf16.f32 v61;
	v50 =	vunpack.i.l.bf16.f32 v61;
	v4 =	vld.idx.msk [tilespmem:v4+s23+$0x0], $0xffff;
	v63 =	vor.u32 v6, v16  }
0x46b: {  	v59 =	vunpack.i.u.bf16.f32 v60;
	v54 =	vunpack.i.l.bf16.f32 v60;
	v60 =	vunpack.i.u.bf16.f32 v0;
	v6 =	vld [tilespmem:$0x1FF20]  }
0x46c: {  	v0 =	vunpack.i.l.bf16.f32 v0;
	v61 =	vunpack.i.u.bf16.f32 v3;
	v3 =	vunpack.i.l.bf16.f32 v3;
	v5 =	vld.idx.msk [tilespmem:v62+s23+$0x0], $0xffff  }
0x46d: {  	v0 =	vmul.f32 v0, v42;
	v60 =	vmul.f32 v60, v40;
	v49 =	vor.u32 v11, v16  }
0x46e: {  	v20 =	vunpack.i.l.bf16.f32 v20;
	v3 =	vmul.f32 v3, v41;
	v61 =	vmul.f32 v61, v35  }
0x46f: {  	v51 =	vunpack.i.l.bf16.f32 v43;
	v48 =	vmul.f32 v48, v20;
	v50 =	vmul.f32 v50, v25;
	v52 =	vld.idx.msk [tilespmem:v63+s23+$0x0], $0xffff  }
0x470: {  	v0 =	vadd.f32 v0, v60;
	v3 =	vadd.f32 v3, v61;
	v61 =	vunpack.i.l.bf16.f32 v4  }
0x471: {  	v55 =	vor.u32 v6, v45;
	v6 =	vld [tilespmem:$0x1FF30];
	v62 =	vunpack.i.l.bf16.f32 v5;
	v5 =	vunpack.i.u.bf16.f32 v5  }
0x472: {  	v4 =	vunpack.i.u.bf16.f32 v4;
	v49 =	vld.idx.msk [tilespmem:v49+s23+$0x0], $0xffff;
	v62 =	vmul.f32 v62, v34;
	v5 =	vmul.f32 v5, v28  }
0x473: {  	v47 =	vld.idx.msk [tilespmem:v47+s23+$0x0], $0xffff;
	v4 =	vmul.f32 v4, v13;
	v11 =	vunpack.i.u.bf16.f32 v15;
	v0 =	vadd.f32 v3, v0  }
0x474: {  	v3 =	vadd.f32 v62, v5;
	v63 =	vunpack.i.l.bf16.f32 v52;
	v52 =	vunpack.i.u.bf16.f32 v52  }
0x475: {  	v15 =	vunpack.i.l.bf16.f32 v21;
	v60 =	vmul.f32 v63, v29;
	v5 =	vmul.f32 v52, v22  }
0x476: {  	v21 =	vunpack.i.l.bf16.f32 v44;
	v56 =	vor.u32 v6, v45;
	v0 =	vadd.f32 v3, v0  }
0x477: {  	v52 =	vmul.f32 v61, v27;
	v61 =	vunpack.i.l.bf16.f32 v49;
	v3 =	vadd.f32 v60, v5  }
0x478: {  	v5 =	vunpack.i.u.bf16.f32 v49;
	v49 =	vmul.f32 v61, v10;
	v60 =	vunpack.i.l.bf16.f32 v47  }
0x479: {  	v0 =	vadd.f32 v3, v0;
	v3 =	vadd.f32 v52, v4;
	v4 =	vmul.f32 v5, v7  }
0x47a: {  	v62 =	vmul.f32 v54, v21;
	v47 =	vunpack.i.u.bf16.f32 v47;
	v61 =	vmul.f32 v60, v2  }
0x47b: {  	v0 =	vadd.f32 v3, v0;
	v3 =	vadd.f32 v49, v4;
	v4 =	vmul.f32 v47, v17  }
0x47c: {  	v43 =	vunpack.i.u.bf16.f32 v43;
	v55 =	vld.idx.msk [tilespmem:v55+s23+$0x0], $0xffff;
	v63 =	vmul.f32 v59, v24;
	v5 =	vmul.f32 v57, v23  }
0x47d: {  	v44 =	vunpack.i.l.bf16.f32 v46;
	v0 =	vadd.f32 v3, v0;
	v3 =	vadd.f32 v61, v4  }
0x47e: {  	v54 =	vld.idx.msk [tilespmem:v56+s23+$0x0], $0xffff;
	v57 =	vmul.f32 v58, v19;
	v4 =	vadd.f32 v50, v5;
	v5 =	vadd.f32 v62, v63  }
0x47f: {  	v46 =	vunpack.i.u.bf16.f32 v46;
	v44 =	vmul.f32 v44, v15;
	v0 =	vadd.f32 v3, v0  }
0x480: {  	v50 =	vld [tilespmem:$0x1FFD0];
	v3 =	vadd.f32 v5, v4;
	v4 =	vadd.f32 v48, v57;
	v5 =	vmul.f32 v46, v14  }
0x481: {  	v6 =	vunpack.i.l.bf16.f32 v26;
	v58 =	vmul.f32 v51, v12;
	v59 =	vunpack.i.l.bf16.f32 v55;
	v48 =	vld [tilespmem:$0x1FFF0];
	[tilespmem:v39+s30+$0x0] =	vst.idx.msk $0xffff, v0  }
0x482: {  	v0 =	vadd.f32 v4, v3;
	v3 =	vadd.f32 v44, v5;
	v4 =	vmul.f32 v43, v11;
	v5 =	vld.idx.msk [tilespmem:v37+s23+$0x0], $0xffff  }
0x483: {  	v60 =	vunpack.i.u.bf16.f32 v55;
	v61 =	vmul.f32 v59, v9;
	v62 =	vunpack.i.l.bf16.f32 v54;
	v63 =	vld.idx.msk [tilespmem:v53+s23+$0x0], $0xffff  }
0x484: {  	v36 =	vld.idx.msk [tilespmem:v36+s23+$0x0], $0xffff;
	v0 =	vadd.f32 v3, v0;
	v3 =	vadd.f32 v58, v4;
	v4 =	vmul.f32 v60, v8  }
0x485: {  	v26 =	vunpack.i.u.bf16.f32 v26;
	v47 =	vunpack.i.u.bf16.f32 v54;
	v43 =	vmul.f32 v62, v6;
	v33 =	vld.idx.msk [tilespmem:v33+s23+$0x0], $0xffff  }
0x486: {  	v32 =	vld.idx.msk [tilespmem:v32+s23+$0x0], $0xffff;
	v0 =	vadd.f32 v3, v0;
	v3 =	vadd.f32 v61, v4;
	v4 =	vmul.f32 v47, v26  }
0x487: {  	v46 =	vor.u32 v50, v45  }
0x488: {  	v31 =	vld.idx.msk [tilespmem:v31+s23+$0x0], $0xffff;
	v37 =	vor.u32 v48, v45;
	v0 =	vadd.f32 v3, v0;
	v3 =	vadd.f32 v43, v4  }
0x489: {  	v51 =	vunpack.i.u.bf16.f32 v5;
	v5 =	vunpack.i.l.bf16.f32 v5;
	v52 =	vunpack.i.u.bf16.f32 v63  }
0x48a: {  	v30 =	vld.idx.msk [tilespmem:v30+s23+$0x0], $0xffff;
	v44 =	vunpack.i.l.bf16.f32 v63;
	v53 =	vunpack.i.l.bf16.f32 v36;
	v36 =	vunpack.i.u.bf16.f32 v36  }
0x48b: {  	v54 =	vunpack.i.l.bf16.f32 v33;
	v33 =	vunpack.i.u.bf16.f32 v33;
	v57 =	vunpack.i.l.bf16.f32 v32  }
0x48c: {  	v4 =	vld [tilespmem:$0x1FFE0];
	v32 =	vunpack.i.u.bf16.f32 v32;
	v5 =	vmul.f32 v5, v42;
	v43 =	vmul.f32 v51, v40  }
0x48d: {  	v49 =	vld [tilespmem:$0x1FE60];
	v59 =	vunpack.i.l.bf16.f32 v31;
	v44 =	vmul.f32 v44, v41;
	v47 =	vmul.f32 v52, v35  }
0x48e: {  	v50 =	vld [tilespmem:$0x1FA10];
	v31 =	vunpack.i.u.bf16.f32 v31;
	v48 =	vmul.f32 v53, v34;
	v36 =	vmul.f32 v36, v28  }
0x48f: {  	v61 =	vunpack.i.l.bf16.f32 v30;
	v56 =	vmul.f32 v54, v29;
	v33 =	vmul.f32 v33, v22;
	v51 =	vld [tilespmem:$0x1FAA0]  }
0x490: {  	v58 =	vmul.f32 v57, v27;
	v53 =	vld [tilespmem:$0x1FAB0];
	v5 =	vadd.f32 v5, v43;
	v55 =	vadd.f32 v44, v47  }
0x491: {  	v32 =	vmul.f32 v32, v13;
	v60 =	vmul.f32 v59, v10;
	v54 =	vld [tilespmem:$0x1FEC0];
	v4 =	vor.u32 v4, v18  }
0x492: {  	v31 =	vmul.f32 v31, v7;
	v59 =	vld [tilespmem:$0x1FFC0];
	v36 =	vadd.f32 v48, v36;
	v5 =	vadd.f32 v55, v5  }
0x493: {  	v0 =	vadd.f32 v3, v0;
	v3 =	vunpack.i.u.bf16.f32 v30;
	v30 =	vmul.f32 v61, v2;
	v61 =	vld [tilespmem:$0x1FA00]  }
0x494: {  	v33 =	vadd.f32 v56, v33;
	v56 =	vld [tilespmem:$0x1FA50];
	v5 =	vadd.f32 v36, v5  }
0x495: {  	v32 =	vadd.f32 v58, v32;
	v31 =	vadd.f32 v60, v31;
	v60 =	vld [tilespmem:$0x1FA20]  }
0x496: {  	v3 =	vmul.f32 v3, v17;
	v5 =	vadd.f32 v33, v5;
	[tilespmem:v4+s30+$0x0] =	vst.idx.msk $0xffff, v0;
	v0 =	vld [tilespmem:$0x1FE50]  }
0x497: {  	v4 =	vld [tilespmem:$0x1FEE0]  }
0x498: {  	v39 =	vor.u32 v49, v45;
	v3 =	vadd.f32 v30, v3;
	v30 =	vld [tilespmem:$0x1F9C0];
	v5 =	vadd.f32 v32, v5  }
0x499: {  	v55 =	vld [tilespmem:$0x1FA40]  }
0x49a: {  	v5 =	vadd.f32 v31, v5;
	v31 =	vld [tilespmem:$0x1F9D0]  }
0x49b: {  	v57 =	vld.idx.msk [tilespmem:v38+s23+$0x0], $0xffff;
	v0 =	vor.u32 v0, v45  }
0x49c: {  	v58 =	vld.idx.msk [tilespmem:v46+s23+$0x0], $0xffff;
	v4 =	vor.u32 v4, v1  }
0x49d: {  	v30 =	vor.u32 v30, v16;
	v52 =	vld.idx.msk [tilespmem:v39+s23+$0x0], $0xffff  }
0x49e: {  	v3 =	vadd.f32 v3, v5;
	v5 =	vld.idx.msk [tilespmem:v37+s23+$0x0], $0xffff  }
0x49f: {  	v62 =	vor.u32 v31, v16;
	v31 =	vld [tilespmem:$0x1F9E0]  }
0x4a0: {  	v0 =	vld.idx.msk [tilespmem:v0+s23+$0x0], $0xffff  }
0x4a1: {  	v36 =	vor.u32 v51, v16;
	v51 =	vor.u32 v60, v16;
	[tilespmem:v4+s30+$0x0] =	vst.idx.msk $0xffff, v3;
	v3 =	vld [tilespmem:$0x1F9F0]  }
0x4a2: {  	v4 =	vld.idx.msk [tilespmem:v30+s23+$0x0], $0xffff  }
0x4a3: {  	v49 =	vor.u32 v50, v16;
	v30 =	vld [tilespmem:$0x1FAE0]  }
0x4a4: {  	v43 =	vor.u32 v59, v45;
	v33 =	vor.u32 v53, v16;
	v63 =	vor.u32 v31, v16  }
0x4a5: {  	v53 =	vor.u32 v61, v16;
	v38 =	vor.u32 v54, v1;
	v39 =	vor.u32 v56, v16;
	v48 =	vld.idx.msk [tilespmem:v62+s23+$0x0], $0xffff  }
0x4a6: {  	v37 =	vor.u32 v55, v16;
	v44 =	vunpack.i.l.bf16.f32 v58;
	v51 =	vld.idx.msk [tilespmem:v51+s23+$0x0], $0xffff;
	v3 =	vor.u32 v3, v16  }
0x4a7: {  	v60 =	vunpack.i.l.bf16.f32 v57;
	v46 =	vunpack.i.u.bf16.f32 v52;
	v52 =	vunpack.i.l.bf16.f32 v52;
	v62 =	vld [tilespmem:$0x1FF80]  }
0x4a8: {  	v54 =	vunpack.i.u.bf16.f32 v5;
	v5 =	vunpack.i.l.bf16.f32 v5;
	v32 =	vor.u32 v30, v16;
	v30 =	vld [tilespmem:$0x1FB10]  }
0x4a9: {  	v47 =	vmul.f32 v5, v25;
	v5 =	vunpack.i.u.bf16.f32 v0;
	v0 =	vunpack.i.l.bf16.f32 v0;
	v50 =	vld.idx.msk [tilespmem:v63+s23+$0x0], $0xffff  }
0x4aa: {  	v49 =	vld.idx.msk [tilespmem:v49+s23+$0x0], $0xffff;
	v63 =	vunpack.i.u.bf16.f32 v4;
	v4 =	vunpack.i.l.bf16.f32 v4;
	v61 =	vunpack.i.u.bf16.f32 v48  }
0x4ab: {  	v48 =	vunpack.i.l.bf16.f32 v48;
	v4 =	vmul.f32 v4, v42;
	v56 =	vmul.f32 v63, v40;
	v3 =	vld.idx.msk [tilespmem:v3+s23+$0x0], $0xffff  }
0x4ac: {  	v55 =	vor.u32 v62, v45;
	v48 =	vmul.f32 v48, v41;
	v59 =	vmul.f32 v61, v35  }
0x4ad: {  	v63 =	vunpack.i.u.bf16.f32 v51;
	v31 =	vor.u32 v30, v16;
	v30 =	vld [tilespmem:$0x1FB20];
	v4 =	vadd.f32 v4, v56  }
0x4ae: {  	v48 =	vadd.f32 v48, v59;
	v61 =	vunpack.i.l.bf16.f32 v50;
	v50 =	vunpack.i.u.bf16.f32 v50  }
0x4af: {  	v53 =	vld.idx.msk [tilespmem:v53+s23+$0x0], $0xffff;
	v59 =	vunpack.i.l.bf16.f32 v49;
	v61 =	vmul.f32 v61, v34;
	v50 =	vmul.f32 v50, v28  }
0x4b0: {  	v4 =	vadd.f32 v48, v4;
	v62 =	vunpack.i.l.bf16.f32 v3;
	v3 =	vunpack.i.u.bf16.f32 v3  }
0x4b1: {  	v56 =	vmul.f32 v62, v29;
	v48 =	vadd.f32 v61, v50;
	v3 =	vmul.f32 v3, v22  }
0x4b2: {  	v49 =	vunpack.i.u.bf16.f32 v49;
	v30 =	vor.u32 v30, v16;
	v50 =	vmul.f32 v59, v27  }
0x4b3: {  	p0 =	sne.s32 s7, $0x1F0;
	v59 =	vunpack.i.l.bf16.f32 v51;
	v4 =	vadd.f32 v48, v4;
	v3 =	vadd.f32 v56, v3  }
.Ltmp1:
0x4b4: {  	v62 =	vmul.f32 v49, v13;
	v49 =	vmul.f32 v54, v23;
	v56 =	vunpack.i.l.bf16.f32 v53;
	(pc) =	sbr.rel @p0 .LBB2_5-.Ltmp1, $4  }
0x4b5: {  	v51 =	vmul.f32 v59, v10;
	v54 =	vmul.f32 v56, v2;
	v3 =	vadd.f32 v3, v4  }
0x4b6: {  	v4 =	vadd.f32 v50, v62;
	v62 =	vmul.f32 v63, v7;
	v63 =	vunpack.i.u.bf16.f32 v53  }
0x4b7: {  	v61 =	vlaneseq.u32;
	v50 =	vmul.f32 v0, v21;
	v56 =	vmul.f32 v63, v17  }
0x4b8: {  	s7 =	sadd.s32 $0x10, s7;
	v48 =	vld.idx.msk [tilespmem:v55+s23+$0x0], $0xffff;
	v53 =	vadd.f32 v4, v3;
	v55 =	vadd.f32 v51, v62;
	v51 =	vmul.f32 v5, v24  }
0x4b9: {  	_ = 	snop  }
0x4ba: {  	v0 =	vadd.f32 v47, v49;
	v4 =	vmul.f32 v52, v20;
	v5 =	vmul.f32 v46, v19  }
0x4bb: {  	v59 =	vunpack.i.u.bf16.f32 v57;
	v61 =	vmul.f32 v60, v12;
	v3 =	vadd.f32 v50, v51  }
0x4bc: {  	v51 =	vunpack.i.u.bf16.f32 v58;
	v4 =	vadd.f32 v4, v5;
	v5 =	vmul.f32 v59, v11  }
0x4bd: {  	v52 =	vmul.f32 v44, v15;
	v58 =	vld.idx.msk [tilespmem:v43+s23+$0x0], $0xffff;
	v0 =	vadd.f32 v3, v0;
	v3 =	vmul.f32 v51, v14  }
0x4be: {  	v62 =	vadd.f32 v61, v5;
	v63 =	vunpack.i.l.bf16.f32 v48  }
0x4bf: {  	v46 =	vunpack.i.u.bf16.f32 v48;
	v61 =	vld [tilespmem:$0x1FF40];
	v0 =	vadd.f32 v4, v0;
	v3 =	vadd.f32 v52, v3  }
0x4c0: {  	v5 =	vmul.f32 v63, v9;
	v43 =	vmul.f32 v46, v8  }
0x4c1: {  	v0 =	vadd.f32 v3, v0  }
0x4c2: {  	v47 =	vunpack.i.l.bf16.f32 v58;
	v4 =	vunpack.i.u.bf16.f32 v58;
	v5 =	vadd.f32 v5, v43  }
0x4c3: {  	v3 =	vmul.f32 v47, v6;
	v4 =	vmul.f32 v4, v26;
	v0 =	vadd.f32 v62, v0;
	v62 =	vld [tilespmem:$0x1FF50]  }
0x4c4: {  	v48 =	vor.u32 v61, v18  }
0x4c5: {  	v3 =	vadd.f32 v3, v4;
	v0 =	vadd.f32 v5, v0;
	_ =	sdelay $0x1  }
0x4c6: {  	v63 =	vld [tilespmem:$0x1FF90];
	v0 =	vadd.f32 v3, v0  }
0x4c7: {  	v49 =	vor.u32 v62, v45  }
0x4c8: {  	[tilespmem:v48+s30+$0x0] =	vst.idx.msk $0xffff, v0  }
0x4c9: {  	v58 =	vld [tilespmem:$0x1FFA0]  }
0x4ca: {  	v60 =	vld [tilespmem:$0x1FF70]  }
0x4cb: {  	v50 =	vor.u32 v63, v45  }
0x4cc: {  	v0 =	vld.idx.msk [tilespmem:v49+s23+$0x0], $0xffff;
	_ =	sdelay $0x1  }
0x4cd: {  	v51 =	vor.u32 v58, v45  }
0x4ce: {  	v52 =	vor.u32 v60, v45  }
0x4cf: {  	v3 =	vld.idx.msk [tilespmem:v50+s23+$0x0], $0xffff  }
0x4d0: {  	v48 =	vld [tilespmem:$0x1FE80];
	v57 =	vunpack.i.l.bf16.f32 v0  }
0x4d1: {  	v43 =	vmul.f32 v57, v25;
	v57 =	vld [tilespmem:$0x1FFB0]  }
0x4d2: {  	v4 =	vld.idx.msk [tilespmem:v51+s23+$0x0], $0xffff  }
0x4d3: {  	v5 =	vld.idx.msk [tilespmem:v52+s23+$0x0], $0xffff  }
0x4d4: {  	v52 =	vld [tilespmem:$0x1F8D0]  }
0x4d5: {  	v49 =	vunpack.i.u.bf16.f32 v3;
	v3 =	vunpack.i.l.bf16.f32 v3;
	v50 =	vor.u32 v48, v45  }
0x4d6: {  	v3 =	vmul.f32 v3, v21;
	v46 =	vmul.f32 v49, v24;
	v59 =	vor.u32 v57, v45  }
0x4d7: {  	v0 =	vunpack.i.u.bf16.f32 v0  }
0x4d8: {  	v3 =	vadd.f32 v3, v46;
	v0 =	vmul.f32 v0, v23  }
0x4d9: {  	v51 =	vunpack.i.u.bf16.f32 v4;
	v4 =	vunpack.i.l.bf16.f32 v4;
	v47 =	vor.u32 v52, v45  }
0x4da: {  	v0 =	vadd.f32 v43, v0;
	v43 =	vld.idx.msk [tilespmem:v50+s23+$0x0], $0xffff;
	v4 =	vmul.f32 v4, v20;
	v46 =	vmul.f32 v51, v19  }
0x4db: {  	v44 =	vld.idx.msk [tilespmem:v59+s23+$0x0], $0xffff  }
0x4dc: {  	v59 =	vadd.f32 v4, v46;
	v46 =	vunpack.i.l.bf16.f32 v5;
	v5 =	vunpack.i.u.bf16.f32 v5  }
0x4dd: {  	v0 =	vadd.f32 v3, v0;
	v4 =	vmul.f32 v46, v15;
	v5 =	vmul.f32 v5, v14  }
0x4de: {  	v50 =	vld.idx.msk [tilespmem:v47+s23+$0x0], $0xffff  }
0x4df: {  	v0 =	vadd.f32 v59, v0;
	v59 =	vunpack.i.l.bf16.f32 v43;
	v49 =	vadd.f32 v4, v5  }
0x4e0: {  	v43 =	vunpack.i.u.bf16.f32 v43;
	v51 =	vunpack.i.l.bf16.f32 v44;
	v44 =	vunpack.i.u.bf16.f32 v44  }
0x4e1: {  	v0 =	vadd.f32 v49, v0;
	v49 =	vld [tilespmem:$0x1FEA0];
	v5 =	vmul.f32 v51, v12;
	v44 =	vmul.f32 v44, v11  }
0x4e2: {  	v43 =	vmul.f32 v43, v8  }
0x4e3: {  	v46 =	vunpack.i.l.bf16.f32 v50;
	v52 =	vadd.f32 v5, v44;
	v5 =	vmul.f32 v59, v9  }
0x4e4: {  	v4 =	vunpack.i.u.bf16.f32 v50;
	v3 =	vmul.f32 v46, v6  }
0x4e5: {  	v4 =	vmul.f32 v4, v26;
	v0 =	vadd.f32 v52, v0;
	v5 =	vadd.f32 v5, v43  }
0x4e6: {  	v47 =	vor.u32 v49, v18  }
0x4e7: {  	v50 =	vld [tilespmem:$0x1F8E0];
	v3 =	vadd.f32 v3, v4;
	v0 =	vadd.f32 v5, v0;
	_ =	sdelay $0x1  }
0x4e8: {  	v51 =	vld [tilespmem:$0x1F8F0];
	v0 =	vadd.f32 v3, v0;
	_ =	sdelay $0x1  }
0x4e9: {  	[tilespmem:v47+s30+$0x0] =	vst.idx.msk $0xffff, v0  }
0x4ea: {  	v4 =	vor.u32 v50, v45;
	v0 =	vld [tilespmem:$0x1F900]  }
0x4eb: {  	v52 =	vld [tilespmem:$0x1F910]  }
0x4ec: {  	v3 =	vor.u32 v51, v45;
	_ =	sdelay $0x1  }
0x4ed: {  	v50 =	vld [tilespmem:$0x1F920]  }
0x4ee: {  	v4 =	vld.idx.msk [tilespmem:v4+s23+$0x0], $0xffff;
	v0 =	vor.u32 v0, v45  }
0x4ef: {  	v5 =	vor.u32 v52, v45  }
0x4f0: {  	v3 =	vld.idx.msk [tilespmem:v3+s23+$0x0], $0xffff  }
0x4f1: {  	v52 =	vld [tilespmem:$0x1F930]  }
0x4f2: {  	v44 =	vor.u32 v50, v45;
	v50 =	vld [tilespmem:$0x1F940]  }
0x4f3: {  	v59 =	vunpack.i.l.bf16.f32 v4;
	v0 =	vld.idx.msk [tilespmem:v0+s23+$0x0], $0xffff  }
0x4f4: {  	v4 =	vunpack.i.u.bf16.f32 v4;
	v43 =	vmul.f32 v59, v25;
	v5 =	vld.idx.msk [tilespmem:v5+s23+$0x0], $0xffff  }
0x4f5: {  	v4 =	vmul.f32 v4, v23;
	v51 =	vunpack.i.u.bf16.f32 v3;
	v3 =	vunpack.i.l.bf16.f32 v3  }
0x4f6: {  	v3 =	vmul.f32 v3, v21;
	v46 =	vmul.f32 v51, v24  }
0x4f7: {  	v4 =	vadd.f32 v43, v4;
	v44 =	vld.idx.msk [tilespmem:v44+s23+$0x0], $0xffff  }
0x4f8: {  	v43 =	vor.u32 v52, v45;
	v3 =	vadd.f32 v3, v46;
	v47 =	vor.u32 v50, v45  }
0x4f9: {  	v59 =	vunpack.i.l.bf16.f32 v0;
	v0 =	vunpack.i.u.bf16.f32 v0;
	v51 =	vunpack.i.l.bf16.f32 v5  }
0x4fa: {  	v5 =	vunpack.i.u.bf16.f32 v5;
	v46 =	vmul.f32 v59, v20;
	v0 =	vmul.f32 v0, v19  }
0x4fb: {  	v3 =	vadd.f32 v3, v4;
	v4 =	vmul.f32 v51, v15;
	v5 =	vmul.f32 v5, v14  }
0x4fc: {  	v59 =	vunpack.i.l.bf16.f32 v44;
	v44 =	vunpack.i.u.bf16.f32 v44;
	v0 =	vadd.f32 v46, v0  }
0x4fd: {  	v44 =	vmul.f32 v44, v11  }
0x4fe: {  	v43 =	vld.idx.msk [tilespmem:v43+s23+$0x0], $0xffff;
	v52 =	vadd.f32 v4, v5;
	v5 =	vmul.f32 v59, v12;
	v0 =	vadd.f32 v0, v3;
	_ =	sdelay $0x1  }
0x4ff: {  	v4 =	vld.idx.msk [tilespmem:v47+s23+$0x0], $0xffff;
	v50 =	vadd.f32 v5, v44;
	v0 =	vadd.f32 v52, v0;
	_ =	sdelay $0x1  }
0x500: {  	v0 =	vadd.f32 v50, v0;
	v50 =	vld [tilespmem:$0x1FEB0]  }
0x501: {  	v51 =	vunpack.i.l.bf16.f32 v43;
	v43 =	vunpack.i.u.bf16.f32 v43  }
0x502: {  	v44 =	vld [tilespmem:$0x1F950];
	v5 =	vmul.f32 v51, v9;
	v43 =	vmul.f32 v43, v8  }
0x503: {  	v52 =	vunpack.i.l.bf16.f32 v4;
	v4 =	vunpack.i.u.bf16.f32 v4  }
0x504: {  	v5 =	vadd.f32 v5, v43;
	v3 =	vmul.f32 v52, v6;
	v4 =	vmul.f32 v4, v26  }
0x505: {  	v46 =	vld [tilespmem:$0x1F960];
	v59 =	vor.u32 v50, v18  }
0x506: {  	v0 =	vadd.f32 v5, v0;
	v3 =	vadd.f32 v3, v4  }
0x507: {  	v4 =	vor.u32 v44, v45  }
0x508: {  	v0 =	vadd.f32 v3, v0;
	_ =	sdelay $0x1  }
0x509: {  	v3 =	vor.u32 v46, v45;
	[tilespmem:v59+s30+$0x0] =	vst.idx.msk $0xffff, v0  }
0x50a: {  	v0 =	vld [tilespmem:$0x1F970]  }
0x50b: {  	v4 =	vld.idx.msk [tilespmem:v4+s23+$0x0], $0xffff  }
0x50c: {  	v47 =	vld [tilespmem:$0x1F980];
	_ =	sdelay $0x1  }
0x50d: {  	v3 =	vld.idx.msk [tilespmem:v3+s23+$0x0], $0xffff  }
0x50e: {  	v52 =	vld [tilespmem:$0x1F990]  }
0x50f: {  	v0 =	vor.u32 v0, v45  }
0x510: {  	v5 =	vor.u32 v47, v45;
	v51 =	vunpack.i.l.bf16.f32 v4  }
0x511: {  	v43 =	vmul.f32 v51, v25;
	v51 =	vld [tilespmem:$0x1F9A0]  }
0x512: {  	v59 =	vunpack.i.u.bf16.f32 v3  }
0x513: {  	v44 =	vor.u32 v52, v45;
	v4 =	vunpack.i.u.bf16.f32 v4;
	v46 =	vmul.f32 v59, v24;
	v59 =	vld [tilespmem:$0x1F9B0]  }
0x514: {  	v4 =	vmul.f32 v4, v23;
	v0 =	vld.idx.msk [tilespmem:v0+s23+$0x0], $0xffff  }
0x515: {  	v5 =	vld.idx.msk [tilespmem:v5+s23+$0x0], $0xffff  }
0x516: {  	v3 =	vunpack.i.l.bf16.f32 v3;
	v4 =	vadd.f32 v43, v4;
	v43 =	vor.u32 v51, v45  }
0x517: {  	v3 =	vmul.f32 v3, v21  }
0x518: {  	v44 =	vld.idx.msk [tilespmem:v44+s23+$0x0], $0xffff  }
0x519: {  	v3 =	vadd.f32 v3, v46;
	v47 =	vor.u32 v59, v45  }
0x51a: {  	v52 =	vunpack.i.l.bf16.f32 v0;
	v0 =	vunpack.i.u.bf16.f32 v0;
	v51 =	vunpack.i.l.bf16.f32 v5  }
0x51b: {  	v5 =	vunpack.i.u.bf16.f32 v5;
	v46 =	vmul.f32 v52, v20;
	v0 =	vmul.f32 v0, v19;
	v43 =	vld.idx.msk [tilespmem:v43+s23+$0x0], $0xffff  }
0x51c: {  	v3 =	vadd.f32 v3, v4;
	v4 =	vmul.f32 v51, v15;
	v5 =	vmul.f32 v5, v14  }
0x51d: {  	v59 =	vunpack.i.l.bf16.f32 v44  }
0x51e: {  	v44 =	vunpack.i.u.bf16.f32 v44;
	v0 =	vadd.f32 v46, v0;
	v52 =	vadd.f32 v4, v5;
	v4 =	vld.idx.msk [tilespmem:v47+s23+$0x0], $0xffff  }
0x51f: {  	v44 =	vmul.f32 v44, v11;
	v5 =	vmul.f32 v59, v12  }
0x520: {  	v0 =	vadd.f32 v0, v3;
	v51 =	vunpack.i.l.bf16.f32 v43;
	v43 =	vunpack.i.u.bf16.f32 v43  }
0x521: {  	v47 =	vadd.f32 v5, v44;
	v5 =	vmul.f32 v51, v9;
	v43 =	vmul.f32 v43, v8  }
0x522: {  	v0 =	vadd.f32 v52, v0  }
0x523: {  	v52 =	vunpack.i.l.bf16.f32 v4;
	v5 =	vadd.f32 v5, v43;
	v43 =	vadd.f32 v55, v53;
	v53 =	vld [tilespmem:$0x1FEE0]  }
0x524: {  	v3 =	vmul.f32 v52, v6;
	v52 =	vld [tilespmem:$0x1F9C0];
	_ =	sdelay $0x1  }
0x525: {  	v59 =	vadd.f32 v54, v56;
	v4 =	vunpack.i.u.bf16.f32 v4  }
0x526: {  	v0 =	vadd.f32 v47, v0;
	v4 =	vmul.f32 v4, v26  }
0x527: {  	v54 =	vadd.f32 v59, v43;
	v51 =	vor.u32 v53, v18  }
0x528: {  	v0 =	vadd.f32 v5, v0;
	v3 =	vadd.f32 v3, v4;
	v4 =	vor.u32 v52, v45  }
0x529: {  	[tilespmem:v38+s30+$0x0] =	vst.idx.msk $0xffff, v54  }
0x52a: {  	v0 =	vadd.f32 v3, v0;
	v55 =	vld [tilespmem:$0x1F9D0];
	_ =	sdelay $0x1  }
0x52b: {  	v5 =	vld.idx.msk [tilespmem:v37+s23+$0x0], $0xffff;
	[tilespmem:v51+s30+$0x0] =	vst.idx.msk $0xffff, v0  }
0x52c: {  	v0 =	vld.idx.msk [tilespmem:v4+s23+$0x0], $0xffff  }
0x52d: {  	v4 =	vld.idx.msk [tilespmem:v39+s23+$0x0], $0xffff  }
0x52e: {  	v3 =	vor.u32 v55, v45;
	v56 =	vld [tilespmem:$0x1F9E0]  }
0x52f: {  	v51 =	vld [tilespmem:$0x1F9F0]  }
0x530: {  	v46 =	vld [tilespmem:$0x1FA10];
	_ =	sdelay $0x1  }
0x531: {  	v59 =	vunpack.i.u.bf16.f32 v5;
	v5 =	vunpack.i.l.bf16.f32 v5  }
0x532: {  	v5 =	vmul.f32 v5, v42;
	v3 =	vld.idx.msk [tilespmem:v3+s23+$0x0], $0xffff;
	v37 =	vor.u32 v56, v45  }
0x533: {  	v38 =	vmul.f32 v59, v40;
	v39 =	vor.u32 v51, v45;
	v52 =	vunpack.i.u.bf16.f32 v0;
	v56 =	vld [tilespmem:$0x1FA20]  }
0x534: {  	v0 =	vunpack.i.l.bf16.f32 v0;
	v54 =	vunpack.i.u.bf16.f32 v4;
	v46 =	vor.u32 v46, v45  }
0x535: {  	v4 =	vunpack.i.l.bf16.f32 v4;
	v0 =	vmul.f32 v0, v25;
	v43 =	vmul.f32 v52, v23;
	v52 =	vld.idx.msk [tilespmem:v36+s23+$0x0], $0xffff  }
0x536: {  	v4 =	vmul.f32 v4, v41;
	v44 =	vmul.f32 v54, v35;
	v54 =	vld [tilespmem:$0x1FA00]  }
0x537: {  	v0 =	vadd.f32 v0, v43;
	v55 =	vunpack.i.u.bf16.f32 v3;
	v3 =	vunpack.i.l.bf16.f32 v3;
	v37 =	vld.idx.msk [tilespmem:v37+s23+$0x0], $0xffff  }
0x538: {  	v39 =	vld.idx.msk [tilespmem:v39+s23+$0x0], $0xffff;
	v3 =	vmul.f32 v3, v21;
	v43 =	vmul.f32 v55, v24;
	v47 =	vor.u32 v56, v45  }
0x539: {  	v5 =	vadd.f32 v5, v38;
	v4 =	vadd.f32 v4, v44;
	v51 =	vld.idx.msk [tilespmem:v46+s23+$0x0], $0xffff  }
0x53a: {  	v3 =	vadd.f32 v3, v43  }
0x53b: {  	v4 =	vadd.f32 v4, v5;
	v36 =	vor.u32 v54, v45  }
0x53c: {  	v0 =	vadd.f32 v3, v0;
	v59 =	vunpack.i.l.bf16.f32 v37;
	v37 =	vunpack.i.u.bf16.f32 v37  }
0x53d: {  	v3 =	vunpack.i.u.bf16.f32 v52;
	v56 =	vld.idx.msk [tilespmem:v47+s23+$0x0], $0xffff;
	v43 =	vmul.f32 v59, v20;
	v37 =	vmul.f32 v37, v19  }
0x53e: {  	v55 =	vunpack.i.l.bf16.f32 v39;
	v39 =	vunpack.i.u.bf16.f32 v39;
	v46 =	vunpack.i.u.bf16.f32 v51  }
0x53f: {  	v5 =	vld.idx.msk [tilespmem:v33+s23+$0x0], $0xffff;
	v39 =	vmul.f32 v39, v14;
	v37 =	vadd.f32 v43, v37;
	v43 =	vmul.f32 v55, v15  }
0x540: {  	v3 =	vmul.f32 v3, v28;
	v59 =	vunpack.i.l.bf16.f32 v51;
	v51 =	vunpack.i.l.bf16.f32 v52;
	v36 =	vld.idx.msk [tilespmem:v36+s23+$0x0], $0xffff  }
0x541: {  	v33 =	vmul.f32 v59, v12;
	v0 =	vadd.f32 v37, v0;
	v47 =	vadd.f32 v43, v39  }
0x542: {  	v44 =	vld [tilespmem:$0x1FEC0];
	v37 =	vmul.f32 v46, v11;
	v52 =	vunpack.i.l.bf16.f32 v56;
	v54 =	vunpack.i.u.bf16.f32 v56  }
0x543: {  	v38 =	vmul.f32 v52, v9;
	v43 =	vmul.f32 v54, v8  }
0x544: {  	v32 =	vld.idx.msk [tilespmem:v32+s23+$0x0], $0xffff;
	v55 =	vunpack.i.l.bf16.f32 v5;
	v0 =	vadd.f32 v47, v0;
	v33 =	vadd.f32 v33, v37  }
0x545: {  	v31 =	vld.idx.msk [tilespmem:v31+s23+$0x0], $0xffff;
	v47 =	vunpack.i.l.bf16.f32 v36;
	v36 =	vunpack.i.u.bf16.f32 v36;
	v59 =	vadd.f32 v38, v43  }
0x546: {  	v52 =	vld [tilespmem:$0x1FA40];
	v38 =	vmul.f32 v47, v6;
	v36 =	vmul.f32 v36, v26;
	v0 =	vadd.f32 v33, v0  }
0x547: {  	v39 =	vmul.f32 v51, v34;
	v56 =	vmul.f32 v55, v29;
	v51 =	vor.u32 v44, v18;
	v55 =	vld.idx.msk [tilespmem:v30+s23+$0x0], $0xffff  }
0x548: {  	v5 =	vunpack.i.u.bf16.f32 v5;
	v30 =	vld [tilespmem:$0x1FA50];
	v36 =	vadd.f32 v38, v36;
	v0 =	vadd.f32 v59, v0  }
0x549: {  	v5 =	vmul.f32 v5, v22  }
0x54a: {  	v3 =	vadd.f32 v39, v3;
	v0 =	vadd.f32 v36, v0  }
0x54b: {  	v54 =	vadd.f32 v56, v5;
	v37 =	vor.u32 v52, v45  }
0x54c: {  	v56 =	vunpack.i.l.bf16.f32 v32;
	v32 =	vunpack.i.u.bf16.f32 v32;
	v3 =	vadd.f32 v3, v4;
	[tilespmem:v51+s30+$0x0] =	vst.idx.msk $0xffff, v0  }
0x54d: {  	v46 =	vunpack.i.u.bf16.f32 v31;
	v32 =	vmul.f32 v32, v13;
	v30 =	vor.u32 v30, v45;
	v47 =	vld [tilespmem:$0x1FAA0]  }
0x54e: {  	v43 =	vunpack.i.l.bf16.f32 v31;
	v33 =	vmul.f32 v56, v27;
	v59 =	vadd.f32 v54, v3;
	v54 =	vld [tilespmem:$0x1FAB0]  }
0x54f: {  	v4 =	vmul.f32 v46, v7;
	v3 =	vmul.f32 v43, v10;
	v56 =	vld [tilespmem:$0x1FAE0]  }
0x550: {  	v5 =	vunpack.i.u.bf16.f32 v55;
	v31 =	vadd.f32 v33, v32;
	v51 =	vld.idx.msk [tilespmem:v37+s23+$0x0], $0xffff  }
0x551: {  	v52 =	vunpack.i.l.bf16.f32 v55;
	v55 =	vmul.f32 v5, v17;
	v3 =	vadd.f32 v3, v4;
	v43 =	vld [tilespmem:$0x1FE90]  }
0x552: {  	v0 =	vadd.f32 v31, v59;
	v31 =	vmul.f32 v52, v2;
	v30 =	vld.idx.msk [tilespmem:v30+s23+$0x0], $0xffff;
	v32 =	vor.u32 v47, v45  }
0x553: {  	v37 =	vor.u32 v54, v45  }
0x554: {  	v46 =	vld [tilespmem:$0x1FB10];
	v0 =	vadd.f32 v3, v0;
	v59 =	vadd.f32 v31, v55;
	v5 =	vor.u32 v56, v45  }
0x555: {  	v52 =	vld [tilespmem:$0x1FAD0]  }
0x556: {  	v39 =	vld [tilespmem:$0x1FB20];
	v0 =	vadd.f32 v59, v0;
	v36 =	vor.u32 v43, v1  }
0x557: {  	v33 =	vunpack.i.l.bf16.f32 v51;
	v55 =	vunpack.i.u.bf16.f32 v30;
	v30 =	vunpack.i.l.bf16.f32 v30;
	v31 =	vld.idx.msk [tilespmem:v32+s23+$0x0], $0xffff  }
0x558: {  	v54 =	vunpack.i.u.bf16.f32 v51;
	v33 =	vmul.f32 v33, v25;
	v56 =	vmul.f32 v30, v21;
	v47 =	vld.idx.msk [tilespmem:v37+s23+$0x0], $0xffff  }
0x559: {  	v4 =	vor.u32 v46, v45;
	v30 =	vmul.f32 v55, v24;
	v37 =	vmul.f32 v54, v23;
	v3 =	vld.idx.msk [tilespmem:v5+s23+$0x0], $0xffff  }
0x55a: {  	v38 =	vor.u32 v52, v16  }
0x55b: {  	v5 =	vadd.f32 v56, v30;
	[tilespmem:v36+s30+$0x0] =	vst.idx.msk $0xffff, v0;
	v33 =	vadd.f32 v33, v37  }
0x55c: {  	v39 =	vor.u32 v39, v45;
	v54 =	vld [tilespmem:$0x1FAF0];
	v59 =	vunpack.i.l.bf16.f32 v31;
	v31 =	vunpack.i.u.bf16.f32 v31  }
0x55d: {  	v5 =	vadd.f32 v5, v33;
	v30 =	vmul.f32 v59, v20;
	v31 =	vmul.f32 v31, v19  }
0x55e: {  	v4 =	vld.idx.msk [tilespmem:v4+s23+$0x0], $0xffff;
	v46 =	vunpack.i.l.bf16.f32 v47;
	v32 =	vunpack.i.u.bf16.f32 v47;
	v51 =	vunpack.i.l.bf16.f32 v3  }
0x55f: {  	v36 =	vld.idx.msk [tilespmem:v38+s23+$0x0], $0xffff;
	v47 =	vmul.f32 v46, v15;
	v30 =	vadd.f32 v30, v31;
	v31 =	vmul.f32 v32, v14  }
0x560: {  	v0 =	vmul.f32 v51, v12;
	v51 =	vld [tilespmem:$0x1FAC0]  }
0x561: {  	v59 =	vor.u32 v54, v16;
	v5 =	vadd.f32 v30, v5;
	v30 =	vadd.f32 v47, v31;
	v47 =	vld [tilespmem:$0x1FA90]  }
0x562: {  	v3 =	vunpack.i.u.bf16.f32 v3  }
0x563: {  	v3 =	vmul.f32 v3, v11;
	v46 =	vld [tilespmem:$0x1FA80]  }
0x564: {  	v37 =	vld.idx.msk [tilespmem:v39+s23+$0x0], $0xffff;
	v55 =	vunpack.i.l.bf16.f32 v4;
	v4 =	vunpack.i.u.bf16.f32 v4  }
0x565: {  	v4 =	vmul.f32 v4, v8;
	v0 =	vadd.f32 v0, v3;
	v5 =	vadd.f32 v30, v5  }
0x566: {  	v56 =	vor.u32 v51, v16;
	v32 =	vld.idx.msk [tilespmem:v59+s23+$0x0], $0xffff;
	v59 =	vunpack.i.u.bf16.f32 v36;
	v31 =	vor.u32 v47, v16  }
0x567: {  	v30 =	vmul.f32 v55, v9;
	v0 =	vadd.f32 v0, v5;
	v5 =	vmul.f32 v59, v40;
	v40 =	vld [tilespmem:$0x1FA60]  }
0x568: {  	v33 =	vor.u32 v46, v16  }
0x569: {  	v4 =	vadd.f32 v30, v4;
	v30 =	vunpack.i.l.bf16.f32 v37;
	v37 =	vunpack.i.u.bf16.f32 v37  }
0x56a: {  	v36 =	vunpack.i.l.bf16.f32 v36;
	v30 =	vmul.f32 v30, v6;
	v37 =	vmul.f32 v37, v26  }
0x56b: {  	v38 =	vor.u32 v43, v18;
	v36 =	vmul.f32 v36, v42;
	v31 =	vld.idx.msk [tilespmem:v31+s23+$0x0], $0xffff  }
0x56c: {  	v0 =	vadd.f32 v4, v0;
	v3 =	vld.idx.msk [tilespmem:v56+s23+$0x0], $0xffff;
	v30 =	vadd.f32 v30, v37;
	v55 =	vor.u32 v40, v16  }
0x56d: {  	v59 =	vor.u32 v52, v45;
	v56 =	vunpack.i.u.bf16.f32 v32;
	v32 =	vunpack.i.l.bf16.f32 v32  }
0x56e: {  	v32 =	vmul.f32 v32, v41;
	v42 =	vmul.f32 v56, v35;
	v0 =	vadd.f32 v30, v0;
	v30 =	vld.idx.msk [tilespmem:v33+s23+$0x0], $0xffff  }
0x56f: {  	v43 =	vor.u32 v54, v45;
	v5 =	vadd.f32 v36, v5  }
0x570: {  	v52 =	vadd.f32 v32, v42;
	[tilespmem:v38+s30+$0x0] =	vst.idx.msk $0xffff, v0;
	v54 =	vunpack.i.l.bf16.f32 v31;
	v31 =	vunpack.i.u.bf16.f32 v31  }
0x571: {  	v4 =	vld.idx.msk [tilespmem:v55+s23+$0x0], $0xffff;
	v32 =	vmul.f32 v54, v34;
	v28 =	vmul.f32 v31, v28;
	v31 =	vunpack.i.l.bf16.f32 v3  }
0x572: {  	v0 =	vadd.f32 v52, v5;
	v55 =	vor.u32 v47, v45;
	v29 =	vmul.f32 v31, v29;
	v31 =	vld.idx.msk [tilespmem:v59+s23+$0x0], $0xffff  }
0x573: {  	v56 =	vunpack.i.l.bf16.f32 v30;
	v3 =	vunpack.i.u.bf16.f32 v3;
	v28 =	vadd.f32 v32, v28  }
0x574: {  	v3 =	vmul.f32 v3, v22;
	v22 =	vmul.f32 v56, v27;
	v27 =	vld.idx.msk [tilespmem:v43+s23+$0x0], $0xffff  }
0x575: {  	v0 =	vadd.f32 v28, v0;
	v28 =	vor.u32 v51, v45  }
0x576: {  	v30 =	vunpack.i.u.bf16.f32 v30;
	v3 =	vadd.f32 v29, v3;
	v29 =	vunpack.i.l.bf16.f32 v4  }
0x577: {  	v36 =	vmul.f32 v30, v13;
	v5 =	vld.idx.msk [tilespmem:v55+s23+$0x0], $0xffff;
	v10 =	vmul.f32 v29, v10;
	v29 =	vunpack.i.l.bf16.f32 v31  }
0x578: {  	v30 =	vunpack.i.u.bf16.f32 v31;
	v25 =	vmul.f32 v29, v25;
	v29 =	vor.u32 v46, v45  }
0x579: {  	v23 =	vmul.f32 v30, v23;
	v30 =	vunpack.i.u.bf16.f32 v27;
	v27 =	vunpack.i.l.bf16.f32 v27  }
0x57a: {  	v37 =	vmul.f32 v27, v21;
	v21 =	vmul.f32 v30, v24;
	v24 =	vld.idx.msk [tilespmem:v28+s23+$0x0], $0xffff  }
0x57b: {  	v59 =	vld [tilespmem:$0x1FA70];
	v0 =	vadd.f32 v3, v0;
	v28 =	vor.u32 v40, v45  }
0x57c: {  	v3 =	vadd.f32 v37, v21;
	v21 =	vunpack.i.l.bf16.f32 v5;
	v5 =	vunpack.i.u.bf16.f32 v5  }
0x57d: {  	v20 =	vmul.f32 v21, v20;
	v5 =	vmul.f32 v5, v19;
	v19 =	vld.idx.msk [tilespmem:v29+s23+$0x0], $0xffff;
	_ =	sdelay $0x1  }
0x57e: {  	v5 =	vadd.f32 v20, v5;
	v20 =	vunpack.i.u.bf16.f32 v24  }
0x57f: {  	v16 =	vor.u32 v59, v16;
	v39 =	vmul.f32 v20, v14;
	v20 =	vld.idx.msk [tilespmem:v28+s23+$0x0], $0xffff  }
0x580: {  	v27 =	vor.u32 v59, v45  }
0x581: {  	v42 =	vunpack.i.l.bf16.f32 v19;
	v43 =	vunpack.i.u.bf16.f32 v19  }
0x582: {  	v4 =	vunpack.i.u.bf16.f32 v4;
	v45 =	vmul.f32 v42, v12;
	v11 =	vmul.f32 v43, v11  }
0x583: {  	v4 =	vmul.f32 v4, v7;
	v23 =	vadd.f32 v25, v23  }
0x584: {  	v16 =	vld.idx.msk [tilespmem:v16+s23+$0x0], $0xffff;
	v47 =	vadd.f32 v45, v11;
	v11 =	vunpack.i.l.bf16.f32 v20;
	v51 =	vunpack.i.u.bf16.f32 v20  }
0x585: {  	v41 =	vld.idx.msk [tilespmem:v27+s23+$0x0], $0xffff;
	v38 =	vunpack.i.l.bf16.f32 v24;
	v9 =	vmul.f32 v11, v9;
	v8 =	vmul.f32 v51, v8  }
0x586: {  	v13 =	vadd.f32 v22, v36;
	v3 =	vadd.f32 v3, v23;
	v7 =	vmul.f32 v38, v15  }
0x587: {  	v4 =	vadd.f32 v10, v4;
	v54 =	vadd.f32 v9, v8;
	v8 =	vld [tilespmem:$0x1FE70]  }
0x588: {  	v3 =	vadd.f32 v5, v3;
	v7 =	vadd.f32 v7, v39  }
0x589: {  	v0 =	vadd.f32 v13, v0;
	v15 =	vunpack.i.l.bf16.f32 v16;
	v46 =	vunpack.i.u.bf16.f32 v16  }
0x58a: {  	v40 =	vmul.f32 v15, v2;
	v5 =	vunpack.i.u.bf16.f32 v41;
	v3 =	vadd.f32 v7, v3  }
0x58b: {  	v10 =	vmul.f32 v46, v17;
	v5 =	vmul.f32 v5, v26;
	v11 =	vunpack.i.l.bf16.f32 v41  }
0x58c: {  	v52 =	vmul.f32 v11, v6;
	v3 =	vadd.f32 v47, v3;
	v55 =	vor.u32 v8, v1  }
0x58d: {  	v0 =	vadd.f32 v4, v0;
	v2 =	vadd.f32 v40, v10;
	v56 =	vor.u32 v8, v18  }
0x58e: {  	v5 =	vadd.f32 v52, v5;
	v3 =	vadd.f32 v54, v3  }
0x58f: {  	v0 =	vadd.f32 v2, v0  }
0x590: {  	v59 =	vadd.f32 v5, v3  }
0x591: {  	[tilespmem:v55+s30+$0x0] =	vst.idx.msk $0xffff, v0  }
0x592: {  	[tilespmem:v56+s30+$0x0] =	vst.idx.msk $0xffff, v59  }
0x593: {  	v59 =	vld [tilespmem:$0x1FFE0]  }
0x594: {  	v27 =	vld [tilespmem:$0x1FFF0]  }
0x595: {  	v17 =	vld [tilespmem:$0x1FE50]  }
0x596: {  	v52 =	vld [tilespmem:$0x1FE60]  }
0x597: {  	v9 =	vld [tilespmem:$0x1FFD0]  }
0x598: {  	v29 =	vld [tilespmem:$0x1FF60]  }
0x599: {  	v47 =	vld [tilespmem:$0x1FF80]  }
0x59a: {  	s17 =	sadd.s32 $0x1, s17;
	v11 =	vld [tilespmem:$0x1FFC0]  }
0x59b: {  	p0 =	sne.s32 s17, $0x10;
	v26 =	vld [tilespmem:$0x1FED0]  }
.Ltmp2:
0x59c: {  	v31 =	vld [tilespmem:$0x1FEF0];
	(pc) =	sbr.rel @p0 .LBB2_2-.Ltmp2, $4  }
0x59d: {  	v32 =	vld [tilespmem:$0x1FF00]  }
0x59e: {  	v33 =	vld [tilespmem:$0x1FF10]  }
0x59f: {  	s3 =	sadd.s32 s1, s19;
	v21 =	vmovc v50;
	v23 =	vmov v53;
	v24 =	vmov v44;
	v19 =	vmov v48;
	v36 =	vld [tilespmem:$0x1FF20]  }
0x5a0: {  	v42 =	vmovc v61;
	v20 =	vmovc v49;
	v45 =	vmov v62;
	v55 =	vmov v58;
	v58 =	vmov v60;
	[hbm4b:s3+s11] =	stream.strided.scatter [tilespmem:s30], [sflag:$0x4], $0x1000, s12, s11, $0x38;
	v62 =	vld [tilespmem:$0x1FF30]  }
0x5a1: {  	_ =	swait.ge [sflag:s21], $0xE00  }
0x5a2: {  	[sflag:s21] =	ssyncset.done $0x0  }
0x5a3: {  	[sflag:s21] =	ssyncadd.s32 $0xFFFFF200  }
0x5a4: {  	_ =	swait.ge [sflag:s21], $0x2000  }
0x5a5: {  	[sflag:s21] =	ssyncset.done $0x0  }
0x5a6: {  	[sflag:s21] =	ssyncadd.s32 $0xFFFFE000  }
0x5a7: {  	_ =	swait.ge [sflag:s21], $0x2000  }
0x5a8: {  	[sflag:s21] =	ssyncset.done $0x0  }
0x5a9: {  	[sflag:s21] =	ssyncadd.s32 $0xFFFFE000  }
0x5aa: {  	_ =	swait.ge [sflag:s21], $0x2000  }
0x5ab: {  	[sflag:s21] =	ssyncset.done $0x0  }
0x5ac: {  	[sflag:s21] =	ssyncadd.s32 $0xFFFFE000  }
0x5ad: {  	_ =	swait.ge [sflag:s21], $0x2000  }
0x5ae: {  	[sflag:s21] =	ssyncset.done $0x0  }
0x5af: {  	[sflag:s21] =	ssyncadd.s32 $0xFFFFE000  }
0x5b0: {  	_ =	swait.ge [sflag:s31], $0x1000  }
0x5b1: {  	[sflag:s31] =	ssyncset.done $0x0  }
0x5b2: {  	[sflag:s31] =	ssyncadd.s32 $0xFFFFF000  }
0x5b3: {  	_ =	swait.ge [sflag:s0], $0x1000  }
0x5b4: {  	s2 =	sadd.s32 $0x1, s2;
	s3 =	rddreg [dreg:$0x5]  }
0x5b5: {  	p0 =	sne.s32 s2, s3  }
.Ltmp3:
0x5b6: {  	_ = 	snop;
	(pc) =	sbr.rel @p0 .LBB2_1-.Ltmp3, $3  }
0x5b7: {  	_ =	sdelay $0x1  }
0x5b8: {  	[sflag:s0] =	ssyncset.done $0x0  }
0x5b9: {  	[sflag:s0] =	ssyncadd.s32 $0xFFFFF000  }
0x5ba: {  	_ =	sfence.sel $0x180000  }
0x5bb: {  	[bflag:$0x0] =	sbarrier.arrive $0xFFFF  }
0x5bc: {  	_ =	strace $0x90000047  }
0x5bd: {  	s0 =	stileid.u32;
	[bflag:$0x2] =	sbarrier.arrive $0xFFFF  }
0x5be: {  	p0 =	sne.s32 s0, $0x0;
	s0 =	rddreg [dreg:$0x2]  }
0x5bf: {  	s0 =	sadd.s32 @!p0 $0x100000, s0  }
0x5c0: {  	[sflag:s0] =	ssyncadd.tile.s32 @!p0 $0x1;
	_ =	shalt  }
.Lfunc_end2:
_tile_overlayer_lowered:
.L_overlay_start_2:
0x5c1: {  	(tag) =	ssettag $0x2  }
0x5c2: {  	s0 =	rddreg [dreg:$0x0];
	s2 =	stileid.u32  }
0x5c3: {  	s1 =	rddreg [dreg:$0x1];
	p0 =	sne.s32 s2, $0x0  }
0x5c4: {  	s3 =	rddreg [dreg:$0x2];
	[bflag:$0x3] =	sbarrier.arrive $0xFFFF;
	s2 =	simm.s32 @!p0 $0x1C05  }
0x5c5: {  	[timem:s3], [sflag:s2] =	dma.local @!p0 [hbm:s0], s1  }
0x5c6: {  	s0 =	simm.s32 @!p0 $0x5  }
0x5c7: {  	_ =	swait.ge @!p0 [sflag:s0], s1  }
0x5c8: {  	s1 =	ssub.s32 @!p0 $0x0, s1;
	[sflag:s0] =	ssyncset.done @!p0 $0x0  }
0x5c9: {  	[sflag:s0] =	ssyncadd.s32 @!p0 s1  }
0x5ca: {  	[bflag:$0x3] =	sbarrier.arrive $0xFFFF  }
0x5cb: {  	_ =	shalt  }

</sc_bundles>
